<compile_context>
chip_gen: v7x
topology: tpu7x:2x2x1
jax: 0.10.2.dev20260603
libtpu: 0.0.44.dev20260713+nightly
codegen_flags: <defaults>
</compile_context>

<pallas_src>
import jax
import jax.numpy as jnp
from jax import lax
from jax.experimental import pallas as pl
from jax.experimental.pallas import tpu as pltpu
from jax.experimental.pallas import tpu_sc as plsc

B = 16384
S = 200
V = 100000
C = 16

NC = 2
NS = 16
NW = NC * NS
BPW = B // NW
GROUP = 16
TOK = GROUP * S
IDXW = 128
NGATH = TOK // IDXW
NROWS = B * S // IDXW
RPW = NROWS // NW
STG = NGATH + 7
NGROUP = BPW // GROUP
NACC = 8


def _sc_body(idx_hbm, emb_hbm, out_hbm, idx_v, rows_v, acc_v, gsem0, gsem1):
    wid = lax.axis_index("s") * NC + lax.axis_index("c")
    row0 = wid * RPW

    def stage_and_fire(buf, g, sem):
        lead = lax.rem(g, 8)
        base = row0 + g * NGATH - lead
        pltpu.sync_copy(idx_hbm.at[pl.ds(base, STG)], idx_v.at[buf])
        for c in range(NGATH):
            pltpu.async_copy(
                emb_hbm.at[idx_v.at[buf, lead + c]],
                rows_v.at[buf, pl.ds(c * IDXW, IDXW)],
                sem,
            )

    def drain(buf, sem):
        pltpu.make_async_copy(emb_hbm.at[pl.ds(0, TOK)], rows_v.at[buf],
                              sem).wait()

    def accumulate(buf, g):
        def sample_body(i, _):
            base = i * S
            a = [jnp.zeros((2, 16), jnp.bfloat16) for _ in range(NACC)]
            for j in range(S // 2):
                a[j % NACC] = a[j % NACC] + rows_v[buf,
                                                   pl.ds(base + 2 * j, 2), :]
            a = [a[0] + a[1], a[2] + a[3], a[4] + a[5], a[6] + a[7]]
            acc_v[pl.ds(2 * i, 2), :] = (a[0] + a[1]) + (a[2] + a[3])
            return 0

        lax.fori_loop(0, GROUP, sample_body, 0)
        pltpu.sync_copy(
            acc_v,
            out_hbm.at[pl.ds(2 * (wid * BPW + g * GROUP), 2 * GROUP)])

    stage_and_fire(0, 0, gsem0)

    def pair_body(gg, _):
        g0 = 2 * gg
        stage_and_fire(1, g0 + 1, gsem1)
        drain(0, gsem0)
        accumulate(0, g0)

        @pl.when(gg != NGROUP // 2 - 1)
        def _():
            stage_and_fire(0, g0 + 2, gsem0)

        drain(1, gsem1)
        accumulate(1, g0 + 1)
        return 0

    lax.fori_loop(0, NGROUP // 2, pair_body, 0)


_sc_pool = pl.kernel(
    _sc_body,
    out_type=jax.ShapeDtypeStruct((2 * B, C), jnp.bfloat16),
    mesh=plsc.VectorSubcoreMesh(
        core_axis_name="c", subcore_axis_name="s", num_cores=NC,
        num_subcores=NS),
    scratch_types=[
        pltpu.VMEM((2, STG, IDXW), jnp.int32),
        pltpu.VMEM((2, TOK, C), jnp.bfloat16),
        pltpu.VMEM((2 * GROUP, C), jnp.bfloat16),
        pltpu.SemaphoreType.DMA,
        pltpu.SemaphoreType.DMA,
    ],
    compiler_params=pltpu.CompilerParams(use_tc_tiling_on_sc=False,
                                         needs_layout_passes=False),
)


def _tc_body(x_ref, b_ref, o_ref):
    x = x_ref[...].astype(jnp.float32)
    x3 = x.reshape(_TCBLK, 2, C)
    logits = x3[:, 0, :] + x3[:, 1, :] + b_ref[0:1, :]
    m = jnp.max(logits, axis=-1, keepdims=True)
    e = jnp.exp(logits - m)
    lse = jnp.log(jnp.sum(e, axis=-1, keepdims=True))
    o_ref[...] = (logits - m) - lse


_TCBLK = 2048
_tc_finish = pl.pallas_call(
    _tc_body,
    out_shape=jax.ShapeDtypeStruct((B, C), jnp.float32),
    grid=(B // _TCBLK,),
    in_specs=[pl.BlockSpec((2 * _TCBLK, C), lambda i: (i, 0)),
              pl.BlockSpec((8, C), lambda i: (0, 0))],
    out_specs=pl.BlockSpec((_TCBLK, C), lambda i: (i, 0)),
)


def kernel(text, emb, bias):
    part = _sc_pool(text.reshape(NROWS, IDXW), emb.astype(jnp.bfloat16))
    return _tc_finish(part, jnp.broadcast_to(bias.reshape(1, C), (8, C)))

# --- scband reference (transcript-rebuilt; emitter-appended) ---
"""Pipeline reference for scband-lr-26680336843464 (READ-ONLY COPY).

The authoritative reference and input builder live on the scoring server;
editing this copy changes nothing except your own understanding.
"""

import jax, jax.numpy as jnp
import numpy as np

VOCAB = 100000
NUM_CLASSES = 16
PADDING_IDX = 0
BATCH = 16384
SEQLEN = 200


def setup_inputs(seed: int = 0) -> dict:
    key = jax.random.key(seed)
    k1, k2 = jax.random.split(key)
    text = jax.random.randint(k1, (BATCH, SEQLEN), 0, VOCAB, dtype=jnp.int32)
    emb = jax.random.normal(k2, (VOCAB, NUM_CLASSES), dtype=jnp.float32) * 0.02
    # padding_idx row is zero (as in nn.Embedding(padding_idx=...))
    emb = emb.at[PADDING_IDX].set(0.0)
    bias = jnp.zeros((NUM_CLASSES,), dtype=jnp.float32)
    return {"text": text, "emb": emb, "bias": bias}


def reference(text, emb, bias):
    # lut(text): gather [B, S, C]; sum over seqlen; add bias; log_softmax over classes
    gathered = jnp.take(emb, text, axis=0)          # [B, S, C]
    logits = gathered.sum(axis=1) + bias            # [B, C]
    return jax.nn.log_softmax(logits, axis=-1)

if __name__ == "__main__":
    import jax
    _d = setup_inputs()
    print(jax.jit(kernel)(*tuple(_d.values())))

</pallas_src>

<mosaic_0001>
#map = affine_map<(d0, d1) -> (0, 0)>
module attributes {stable_mosaic.version = 14 : i64} {
  func.func @_sc_body(%arg0: i32, %arg1: i32, %arg2: memref<25600x128xi32, #tpu.memory_space<hbm>>, %arg3: memref<100000x16xbf16, #tpu.memory_space<hbm>>, %arg4: memref<32768x16xbf16, #tpu.memory_space<hbm>>, %arg5: memref<2x32x128xi32, #tpu.memory_space<vmem>>, %arg6: memref<2x3200x16xbf16, #tpu.memory_space<vmem>>, %arg7: memref<32x16xbf16, #tpu.memory_space<vmem>>, %arg8: memref<!tpu.dma_semaphore, #tpu.memory_space<semaphore_mem>>, %arg9: memref<!tpu.dma_semaphore, #tpu.memory_space<semaphore_mem>>) attributes {dimension_semantics = [#tpu.dimension_semantics<core_parallel>, #tpu.dimension_semantics<subcore_parallel>], iteration_bounds = array<i64: 2, 16>, scalar_prefetch = 0 : i64, scratch_operands = 5 : i64, tpu.core_type = #tpu.core_type<sc_vector_subcore>, window_params = [{transform_indices = #map}, {transform_indices = #map}, {transform_indices = #map}]} {
    %mul3A = arith.constant 2 : i32
    %mul3A_0 = arith.muli %arg1, %mul3A : i32
    %add3A = arith.addi %mul3A_0, %arg0 : i32
    %mul3A_1 = arith.constant 800 : i32
    %mul3A_2 = arith.muli %add3A, %mul3A_1 : i32
    %rem3A = arith.constant 0 : i32
    %rem3A_3 = arith.constant 8 : i32
    %rem3A_4 = arith.remsi %rem3A, %rem3A_3 : i32
    %add3A_5 = arith.constant 0 : i32
    %add3A_6 = arith.addi %mul3A_2, %add3A_5 : i32
    %sub3A = arith.subi %add3A_6, %rem3A_4 : i32
    %run_scoped3A = arith.constant 0 : i32
    "tpu.region"() ({
      %run_scoped3A_362 = tpu.sem_alloc : memref<!tpu.dma_semaphore, #tpu.memory_space<semaphore_mem>>
      %dma_start3A_363 = arith.constant 0 : i32
      %dma_start3A_364 = arith.constant 0 : i32
      %dma_start3A_365 = tpu.memref_slice %arg5[%run_scoped3A, %dma_start3A_363, %dma_start3A_364] : memref<2x32x128xi32, #tpu.memory_space<vmem>> -> memref<1x32x128xi32, #tpu.memory_space<vmem>>
      %dma_start3A_366 = tpu.memref_squeeze %dma_start3A_365 : memref<1x32x128xi32, #tpu.memory_space<vmem>> -> memref<32x128xi32, #tpu.memory_space<vmem>>
      %dma_start3A_367 = arith.constant 0 : i32
      %dma_start3A_368 = tpu.memref_slice %arg2[%sub3A, %dma_start3A_367] : memref<25600x128xi32, #tpu.memory_space<hbm>> -> memref<32x128xi32, #tpu.memory_space<hbm>>
      %dma_start3A_369 = arith.constant 0 : i32
      %dma_start3A_370 = arith.constant 0 : i32
      %dma_start3A_371 = tpu.memref_slice %arg5[%run_scoped3A, %dma_start3A_369, %dma_start3A_370] : memref<2x32x128xi32, #tpu.memory_space<vmem>> -> memref<1x32x128xi32, #tpu.memory_space<vmem>>
      %dma_start3A_372 = tpu.memref_squeeze %dma_start3A_371 : memref<1x32x128xi32, #tpu.memory_space<vmem>> -> memref<32x128xi32, #tpu.memory_space<vmem>>
      %dma_start3A_373 = arith.constant 0 : i32
      %dma_start3A_374 = tpu.memref_slice %arg2[%sub3A, %dma_start3A_373] : memref<25600x128xi32, #tpu.memory_space<hbm>> -> memref<32x128xi32, #tpu.memory_space<hbm>>
      tpu.enqueue_dma source(%dma_start3A_374 : memref<32x128xi32, #tpu.memory_space<hbm>>) target(%dma_start3A_372 : memref<32x128xi32, #tpu.memory_space<vmem>>) target_semaphore(%run_scoped3A_362 : memref<!tpu.dma_semaphore, #tpu.memory_space<semaphore_mem>>)
      %dma_wait3A = arith.constant 0 : i32
      %dma_wait3A_375 = arith.constant 0 : i32
      %dma_wait3A_376 = tpu.memref_slice %arg5[%run_scoped3A, %dma_wait3A, %dma_wait3A_375] : memref<2x32x128xi32, #tpu.memory_space<vmem>> -> memref<1x32x128xi32, #tpu.memory_space<vmem>>
      %dma_wait3A_377 = tpu.memref_squeeze %dma_wait3A_376 : memref<1x32x128xi32, #tpu.memory_space<vmem>> -> memref<32x128xi32, #tpu.memory_space<vmem>>
      %dma_wait3A_378 = arith.constant 0 : i32
      %dma_wait3A_379 = tpu.memref_slice %arg2[%sub3A, %dma_wait3A_378] : memref<25600x128xi32, #tpu.memory_space<hbm>> -> memref<32x128xi32, #tpu.memory_space<hbm>>
      %dma_wait3A_380 = arith.constant 0 : i32
      %dma_wait3A_381 = arith.constant 0 : i32
      %dma_wait3A_382 = tpu.memref_slice %arg5[%run_scoped3A, %dma_wait3A_380, %dma_wait3A_381] : memref<2x32x128xi32, #tpu.memory_space<vmem>> -> memref<1x32x128xi32, #tpu.memory_space<vmem>>
      %dma_wait3A_383 = tpu.memref_squeeze %dma_wait3A_382 : memref<1x32x128xi32, #tpu.memory_space<vmem>> -> memref<32x128xi32, #tpu.memory_space<vmem>>
      %dma_wait3A_384 = arith.constant 0 : i32
      %dma_wait3A_385 = tpu.memref_slice %arg2[%sub3A, %dma_wait3A_384] : memref<25600x128xi32, #tpu.memory_space<hbm>> -> memref<32x128xi32, #tpu.memory_space<hbm>>
      tpu.wait_dma2 semaphore(%run_scoped3A_362 : memref<!tpu.dma_semaphore, #tpu.memory_space<semaphore_mem>>) src(%dma_wait3A_385 : memref<32x128xi32, #tpu.memory_space<hbm>>) dst(%dma_wait3A_383 : memref<32x128xi32, #tpu.memory_space<vmem>>)
      tpu.yield
    }) : () -> ()
    %add3A_7 = arith.constant 0 : i32
    %add3A_8 = arith.addi %rem3A_4, %add3A_7 : i32
    %dma_start3A = arith.constant 0 : i32
    %dma_start3A_9 = arith.constant 0 : i32
    %dma_start3A_10 = arith.constant 0 : i32
    %dma_start3A_11 = arith.constant 0 : i32
    %dma_start3A_12 = tpu.memref_slice %arg6[%dma_start3A_9, %dma_start3A_10, %dma_start3A_11] : memref<2x3200x16xbf16, #tpu.memory_space<vmem>> -> memref<1x128x16xbf16, #tpu.memory_space<vmem>>
    %dma_start3A_13 = tpu.memref_squeeze %dma_start3A_12 : memref<1x128x16xbf16, #tpu.memory_space<vmem>> -> memref<128x16xbf16, #tpu.memory_space<vmem>>
    %dma_start3A_14 = arith.constant 0 : i32
    %dma_start3A_15 = tpu.memref_slice %arg5[%dma_start3A, %add3A_8, %dma_start3A_14] : memref<2x32x128xi32, #tpu.memory_space<vmem>> -> memref<1x1x128xi32, #tpu.memory_space<vmem>>
    %dma_start3A_16 = tpu.memref_squeeze %dma_start3A_15 : memref<1x1x128xi32, #tpu.memory_space<vmem>> -> memref<128xi32, #tpu.memory_space<vmem>>
    %dma_start3A_17 = arith.constant 0 : i32
    %dma_start3A_18 = arith.constant 0 : i32
    %dma_start3A_19 = tpu.memref_slice %arg3[%dma_start3A_17, %dma_start3A_18] : memref<100000x16xbf16, #tpu.memory_space<hbm>> -> memref<100000x16xbf16, #tpu.memory_space<hbm>>
    tpu.enqueue_indirect_dma source(%dma_start3A_19 : memref<100000x16xbf16, #tpu.memory_space<hbm>>) target(%dma_start3A_13 : memref<128x16xbf16, #tpu.memory_space<vmem>>) offsets(%dma_start3A_16 : memref<128xi32, #tpu.memory_space<vmem>>) semaphore(%arg8 : memref<!tpu.dma_semaphore, #tpu.memory_space<semaphore_mem>>)
    %add3A_20 = arith.constant 1 : i32
    %add3A_21 = arith.addi %rem3A_4, %add3A_20 : i32
    %dma_start3A_22 = arith.constant 0 : i32
    %dma_start3A_23 = arith.constant 0 : i32
    %dma_start3A_24 = arith.constant 128 : i32
    %dma_start3A_25 = arith.constant 0 : i32
    %dma_start3A_26 = tpu.memref_slice %arg6[%dma_start3A_23, %dma_start3A_24, %dma_start3A_25] : memref<2x3200x16xbf16, #tpu.memory_space<vmem>> -> memref<1x128x16xbf16, #tpu.memory_space<vmem>>
    %dma_start3A_27 = tpu.memref_squeeze %dma_start3A_26 : memref<1x128x16xbf16, #tpu.memory_space<vmem>> -> memref<128x16xbf16, #tpu.memory_space<vmem>>
    %dma_start3A_28 = arith.constant 0 : i32
    %dma_start3A_29 = tpu.memref_slice %arg5[%dma_start3A_22, %add3A_21, %dma_start3A_28] : memref<2x32x128xi32, #tpu.memory_space<vmem>> -> memref<1x1x128xi32, #tpu.memory_space<vmem>>
    %dma_start3A_30 = tpu.memref_squeeze %dma_start3A_29 : memref<1x1x128xi32, #tpu.memory_space<vmem>> -> memref<128xi32, #tpu.memory_space<vmem>>
    %dma_start3A_31 = arith.constant 0 : i32
    %dma_start3A_32 = arith.constant 0 : i32
    %dma_start3A_33 = tpu.memref_slice %arg3[%dma_start3A_31, %dma_start3A_32] : memref<100000x16xbf16, #tpu.memory_space<hbm>> -> memref<100000x16xbf16, #tpu.memory_space<hbm>>
    tpu.enqueue_indirect_dma source(%dma_start3A_33 : memref<100000x16xbf16, #tpu.memory_space<hbm>>) target(%dma_start3A_27 : memref<128x16xbf16, #tpu.memory_space<vmem>>) offsets(%dma_start3A_30 : memref<128xi32, #tpu.memory_space<vmem>>) semaphore(%arg8 : memref<!tpu.dma_semaphore, #tpu.memory_space<semaphore_mem>>)
    %add3A_34 = arith.constant 2 : i32
    %add3A_35 = arith.addi %rem3A_4, %add3A_34 : i32
    %dma_start3A_36 = arith.constant 0 : i32
    %dma_start3A_37 = arith.constant 0 : i32
    %dma_start3A_38 = arith.constant 256 : i32
    %dma_start3A_39 = arith.constant 0 : i32
    %dma_start3A_40 = tpu.memref_slice %arg6[%dma_start3A_37, %dma_start3A_38, %dma_start3A_39] : memref<2x3200x16xbf16, #tpu.memory_space<vmem>> -> memref<1x128x16xbf16, #tpu.memory_space<vmem>>
    %dma_start3A_41 = tpu.memref_squeeze %dma_start3A_40 : memref<1x128x16xbf16, #tpu.memory_space<vmem>> -> memref<128x16xbf16, #tpu.memory_space<vmem>>
    %dma_start3A_42 = arith.constant 0 : i32
    %dma_start3A_43 = tpu.memref_slice %arg5[%dma_start3A_36, %add3A_35, %dma_start3A_42] : memref<2x32x128xi32, #tpu.memory_space<vmem>> -> memref<1x1x128xi32, #tpu.memory_space<vmem>>
    %dma_start3A_44 = tpu.memref_squeeze %dma_start3A_43 : memref<1x1x128xi32, #tpu.memory_space<vmem>> -> memref<128xi32, #tpu.memory_space<vmem>>
    %dma_start3A_45 = arith.constant 0 : i32
    %dma_start3A_46 = arith.constant 0 : i32
    %dma_start3A_47 = tpu.memref_slice %arg3[%dma_start3A_45, %dma_start3A_46] : memref<100000x16xbf16, #tpu.memory_space<hbm>> -> memref<100000x16xbf16, #tpu.memory_space<hbm>>
    tpu.enqueue_indirect_dma source(%dma_start3A_47 : memref<100000x16xbf16, #tpu.memory_space<hbm>>) target(%dma_start3A_41 : memref<128x16xbf16, #tpu.memory_space<vmem>>) offsets(%dma_start3A_44 : memref<128xi32, #tpu.memory_space<vmem>>) semaphore(%arg8 : memref<!tpu.dma_semaphore, #tpu.memory_space<semaphore_mem>>)
    %add3A_48 = arith.constant 3 : i32
    %add3A_49 = arith.addi %rem3A_4, %add3A_48 : i32
    %dma_start3A_50 = arith.constant 0 : i32
    %dma_start3A_51 = arith.constant 0 : i32
    %dma_start3A_52 = arith.constant 384 : i32
    %dma_start3A_53 = arith.constant 0 : i32
    %dma_start3A_54 = tpu.memref_slice %arg6[%dma_start3A_51, %dma_start3A_52, %dma_start3A_53] : memref<2x3200x16xbf16, #tpu.memory_space<vmem>> -> memref<1x128x16xbf16, #tpu.memory_space<vmem>>
    %dma_start3A_55 = tpu.memref_squeeze %dma_start3A_54 : memref<1x128x16xbf16, #tpu.memory_space<vmem>> -> memref<128x16xbf16, #tpu.memory_space<vmem>>
    %dma_start3A_56 = arith.constant 0 : i32
    %dma_start3A_57 = tpu.memref_slice %arg5[%dma_start3A_50, %add3A_49, %dma_start3A_56] : memref<2x32x128xi32, #tpu.memory_space<vmem>> -> memref<1x1x128xi32, #tpu.memory_space<vmem>>
    %dma_start3A_58 = tpu.memref_squeeze %dma_start3A_57 : memref<1x1x128xi32, #tpu.memory_space<vmem>> -> memref<128xi32, #tpu.memory_space<vmem>>
    %dma_start3A_59 = arith.constant 0 : i32
    %dma_start3A_60 = arith.constant 0 : i32
    %dma_start3A_61 = tpu.memref_slice %arg3[%dma_start3A_59, %dma_start3A_60] : memref<100000x16xbf16, #tpu.memory_space<hbm>> -> memref<100000x16xbf16, #tpu.memory_space<hbm>>
    tpu.enqueue_indirect_dma source(%dma_start3A_61 : memref<100000x16xbf16, #tpu.memory_space<hbm>>) target(%dma_start3A_55 : memref<128x16xbf16, #tpu.memory_space<vmem>>) offsets(%dma_start3A_58 : memref<128xi32, #tpu.memory_space<vmem>>) semaphore(%arg8 : memref<!tpu.dma_semaphore, #tpu.memory_space<semaphore_mem>>)
    %add3A_62 = arith.constant 4 : i32
    %add3A_63 = arith.addi %rem3A_4, %add3A_62 : i32
    %dma_start3A_64 = arith.constant 0 : i32
    %dma_start3A_65 = arith.constant 0 : i32
    %dma_start3A_66 = arith.constant 512 : i32
    %dma_start3A_67 = arith.constant 0 : i32
    %dma_start3A_68 = tpu.memref_slice %arg6[%dma_start3A_65, %dma_start3A_66, %dma_start3A_67] : memref<2x3200x16xbf16, #tpu.memory_space<vmem>> -> memref<1x128x16xbf16, #tpu.memory_space<vmem>>
    %dma_start3A_69 = tpu.memref_squeeze %dma_start3A_68 : memref<1x128x16xbf16, #tpu.memory_space<vmem>> -> memref<128x16xbf16, #tpu.memory_space<vmem>>
    %dma_start3A_70 = arith.constant 0 : i32
    %dma_start3A_71 = tpu.memref_slice %arg5[%dma_start3A_64, %add3A_63, %dma_start3A_70] : memref<2x32x128xi32, #tpu.memory_space<vmem>> -> memref<1x1x128xi32, #tpu.memory_space<vmem>>
    %dma_start3A_72 = tpu.memref_squeeze %dma_start3A_71 : memref<1x1x128xi32, #tpu.memory_space<vmem>> -> memref<128xi32, #tpu.memory_space<vmem>>
    %dma_start3A_73 = arith.constant 0 : i32
    %dma_start3A_74 = arith.constant 0 : i32
    %dma_start3A_75 = tpu.memref_slice %arg3[%dma_start3A_73, %dma_start3A_74] : memref<100000x16xbf16, #tpu.memory_space<hbm>> -> memref<100000x16xbf16, #tpu.memory_space<hbm>>
    tpu.enqueue_indirect_dma source(%dma_start3A_75 : memref<100000x16xbf16, #tpu.memory_space<hbm>>) target(%dma_start3A_69 : memref<128x16xbf16, #tpu.memory_space<vmem>>) offsets(%dma_start3A_72 : memref<128xi32, #tpu.memory_space<vmem>>) semaphore(%arg8 : memref<!tpu.dma_semaphore, #tpu.memory_space<semaphore_mem>>)
    %add3A_76 = arith.constant 5 : i32
    %add3A_77 = arith.addi %rem3A_4, %add3A_76 : i32
    %dma_start3A_78 = arith.constant 0 : i32
    %dma_start3A_79 = arith.constant 0 : i32
    %dma_start3A_80 = arith.constant 640 : i32
    %dma_start3A_81 = arith.constant 0 : i32
    %dma_start3A_82 = tpu.memref_slice %arg6[%dma_start3A_79, %dma_start3A_80, %dma_start3A_81] : memref<2x3200x16xbf16, #tpu.memory_space<vmem>> -> memref<1x128x16xbf16, #tpu.memory_space<vmem>>
    %dma_start3A_83 = tpu.memref_squeeze %dma_start3A_82 : memref<1x128x16xbf16, #tpu.memory_space<vmem>> -> memref<128x16xbf16, #tpu.memory_space<vmem>>
    %dma_start3A_84 = arith.constant 0 : i32
    %dma_start3A_85 = tpu.memref_slice %arg5[%dma_start3A_78, %add3A_77, %dma_start3A_84] : memref<2x32x128xi32, #tpu.memory_space<vmem>> -> memref<1x1x128xi32, #tpu.memory_space<vmem>>
    %dma_start3A_86 = tpu.memref_squeeze %dma_start3A_85 : memref<1x1x128xi32, #tpu.memory_space<vmem>> -> memref<128xi32, #tpu.memory_space<vmem>>
    %dma_start3A_87 = arith.constant 0 : i32
    %dma_start3A_88 = arith.constant 0 : i32
    %dma_start3A_89 = tpu.memref_slice %arg3[%dma_start3A_87, %dma_start3A_88] : memref<100000x16xbf16, #tpu.memory_space<hbm>> -> memref<100000x16xbf16, #tpu.memory_space<hbm>>
    tpu.enqueue_indirect_dma source(%dma_start3A_89 : memref<100000x16xbf16, #tpu.memory_space<hbm>>) target(%dma_start3A_83 : memref<128x16xbf16, #tpu.memory_space<vmem>>) offsets(%dma_start3A_86 : memref<128xi32, #tpu.memory_space<vmem>>) semaphore(%arg8 : memref<!tpu.dma_semaphore, #tpu.memory_space<semaphore_mem>>)
    %add3A_90 = arith.constant 6 : i32
    %add3A_91 = arith.addi %rem3A_4, %add3A_90 : i32
    %dma_start3A_92 = arith.constant 0 : i32
    %dma_start3A_93 = arith.constant 0 : i32
    %dma_start3A_94 = arith.constant 768 : i32
    %dma_start3A_95 = arith.constant 0 : i32
    %dma_start3A_96 = tpu.memref_slice %arg6[%dma_start3A_93, %dma_start3A_94, %dma_start3A_95] : memref<2x3200x16xbf16, #tpu.memory_space<vmem>> -> memref<1x128x16xbf16, #tpu.memory_space<vmem>>
    %dma_start3A_97 = tpu.memref_squeeze %dma_start3A_96 : memref<1x128x16xbf16, #tpu.memory_space<vmem>> -> memref<128x16xbf16, #tpu.memory_space<vmem>>
    %dma_start3A_98 = arith.constant 0 : i32
    %dma_start3A_99 = tpu.memref_slice %arg5[%dma_start3A_92, %add3A_91, %dma_start3A_98] : memref<2x32x128xi32, #tpu.memory_space<vmem>> -> memref<1x1x128xi32, #tpu.memory_space<vmem>>
    %dma_start3A_100 = tpu.memref_squeeze %dma_start3A_99 : memref<1x1x128xi32, #tpu.memory_space<vmem>> -> memref<128xi32, #tpu.memory_space<vmem>>
    %dma_start3A_101 = arith.constant 0 : i32
    %dma_start3A_102 = arith.constant 0 : i32
    %dma_start3A_103 = tpu.memref_slice %arg3[%dma_start3A_101, %dma_start3A_102] : memref<100000x16xbf16, #tpu.memory_space<hbm>> -> memref<100000x16xbf16, #tpu.memory_space<hbm>>
    tpu.enqueue_indirect_dma source(%dma_start3A_103 : memref<100000x16xbf16, #tpu.memory_space<hbm>>) target(%dma_start3A_97 : memref<128x16xbf16, #tpu.memory_space<vmem>>) offsets(%dma_start3A_100 : memref<128xi32, #tpu.memory_space<vmem>>) semaphore(%arg8 : memref<!tpu.dma_semaphore, #tpu.memory_space<semaphore_mem>>)
    %add3A_104 = arith.constant 7 : i32
    %add3A_105 = arith.addi %rem3A_4, %add3A_104 : i32
    %dma_start3A_106 = arith.constant 0 : i32
    %dma_start3A_107 = arith.constant 0 : i32
    %dma_start3A_108 = arith.constant 896 : i32
    %dma_start3A_109 = arith.constant 0 : i32
    %dma_start3A_110 = tpu.memref_slice %arg6[%dma_start3A_107, %dma_start3A_108, %dma_start3A_109] : memref<2x3200x16xbf16, #tpu.memory_space<vmem>> -> memref<1x128x16xbf16, #tpu.memory_space<vmem>>
    %dma_start3A_111 = tpu.memref_squeeze %dma_start3A_110 : memref<1x128x16xbf16, #tpu.memory_space<vmem>> -> memref<128x16xbf16, #tpu.memory_space<vmem>>
    %dma_start3A_112 = arith.constant 0 : i32
    %dma_start3A_113 = tpu.memref_slice %arg5[%dma_start3A_106, %add3A_105, %dma_start3A_112] : memref<2x32x128xi32, #tpu.memory_space<vmem>> -> memref<1x1x128xi32, #tpu.memory_space<vmem>>
    %dma_start3A_114 = tpu.memref_squeeze %dma_start3A_113 : memref<1x1x128xi32, #tpu.memory_space<vmem>> -> memref<128xi32, #tpu.memory_space<vmem>>
    %dma_start3A_115 = arith.constant 0 : i32
    %dma_start3A_116 = arith.constant 0 : i32
    %dma_start3A_117 = tpu.memref_slice %arg3[%dma_start3A_115, %dma_start3A_116] : memref<100000x16xbf16, #tpu.memory_space<hbm>> -> memref<100000x16xbf16, #tpu.memory_space<hbm>>
    tpu.enqueue_indirect_dma source(%dma_start3A_117 : memref<100000x16xbf16, #tpu.memory_space<hbm>>) target(%dma_start3A_111 : memref<128x16xbf16, #tpu.memory_space<vmem>>) offsets(%dma_start3A_114 : memref<128xi32, #tpu.memory_space<vmem>>) semaphore(%arg8 : memref<!tpu.dma_semaphore, #tpu.memory_space<semaphore_mem>>)
    %add3A_118 = arith.constant 8 : i32
    %add3A_119 = arith.addi %rem3A_4, %add3A_118 : i32
    %dma_start3A_120 = arith.constant 0 : i32
    %dma_start3A_121 = arith.constant 0 : i32
    %dma_start3A_122 = arith.constant 1024 : i32
    %dma_start3A_123 = arith.constant 0 : i32
    %dma_start3A_124 = tpu.memref_slice %arg6[%dma_start3A_121, %dma_start3A_122, %dma_start3A_123] : memref<2x3200x16xbf16, #tpu.memory_space<vmem>> -> memref<1x128x16xbf16, #tpu.memory_space<vmem>>
    %dma_start3A_125 = tpu.memref_squeeze %dma_start3A_124 : memref<1x128x16xbf16, #tpu.memory_space<vmem>> -> memref<128x16xbf16, #tpu.memory_space<vmem>>
    %dma_start3A_126 = arith.constant 0 : i32
    %dma_start3A_127 = tpu.memref_slice %arg5[%dma_start3A_120, %add3A_119, %dma_start3A_126] : memref<2x32x128xi32, #tpu.memory_space<vmem>> -> memref<1x1x128xi32, #tpu.memory_space<vmem>>
    %dma_start3A_128 = tpu.memref_squeeze %dma_start3A_127 : memref<1x1x128xi32, #tpu.memory_space<vmem>> -> memref<128xi32, #tpu.memory_space<vmem>>
    %dma_start3A_129 = arith.constant 0 : i32
    %dma_start3A_130 = arith.constant 0 : i32
    %dma_start3A_131 = tpu.memref_slice %arg3[%dma_start3A_129, %dma_start3A_130] : memref<100000x16xbf16, #tpu.memory_space<hbm>> -> memref<100000x16xbf16, #tpu.memory_space<hbm>>
    tpu.enqueue_indirect_dma source(%dma_start3A_131 : memref<100000x16xbf16, #tpu.memory_space<hbm>>) target(%dma_start3A_125 : memref<128x16xbf16, #tpu.memory_space<vmem>>) offsets(%dma_start3A_128 : memref<128xi32, #tpu.memory_space<vmem>>) semaphore(%arg8 : memref<!tpu.dma_semaphore, #tpu.memory_space<semaphore_mem>>)
    %add3A_132 = arith.constant 9 : i32
    %add3A_133 = arith.addi %rem3A_4, %add3A_132 : i32
    %dma_start3A_134 = arith.constant 0 : i32
    %dma_start3A_135 = arith.constant 0 : i32
    %dma_start3A_136 = arith.constant 1152 : i32
    %dma_start3A_137 = arith.constant 0 : i32
    %dma_start3A_138 = tpu.memref_slice %arg6[%dma_start3A_135, %dma_start3A_136, %dma_start3A_137] : memref<2x3200x16xbf16, #tpu.memory_space<vmem>> -> memref<1x128x16xbf16, #tpu.memory_space<vmem>>
    %dma_start3A_139 = tpu.memref_squeeze %dma_start3A_138 : memref<1x128x16xbf16, #tpu.memory_space<vmem>> -> memref<128x16xbf16, #tpu.memory_space<vmem>>
    %dma_start3A_140 = arith.constant 0 : i32
    %dma_start3A_141 = tpu.memref_slice %arg5[%dma_start3A_134, %add3A_133, %dma_start3A_140] : memref<2x32x128xi32, #tpu.memory_space<vmem>> -> memref<1x1x128xi32, #tpu.memory_space<vmem>>
    %dma_start3A_142 = tpu.memref_squeeze %dma_start3A_141 : memref<1x1x128xi32, #tpu.memory_space<vmem>> -> memref<128xi32, #tpu.memory_space<vmem>>
    %dma_start3A_143 = arith.constant 0 : i32
    %dma_start3A_144 = arith.constant 0 : i32
    %dma_start3A_145 = tpu.memref_slice %arg3[%dma_start3A_143, %dma_start3A_144] : memref<100000x16xbf16, #tpu.memory_space<hbm>> -> memref<100000x16xbf16, #tpu.memory_space<hbm>>
    tpu.enqueue_indirect_dma source(%dma_start3A_145 : memref<100000x16xbf16, #tpu.memory_space<hbm>>) target(%dma_start3A_139 : memref<128x16xbf16, #tpu.memory_space<vmem>>) offsets(%dma_start3A_142 : memref<128xi32, #tpu.memory_space<vmem>>) semaphore(%arg8 : memref<!tpu.dma_semaphore, #tpu.memory_space<semaphore_mem>>)
    %add3A_146 = arith.constant 10 : i32
    %add3A_147 = arith.addi %rem3A_4, %add3A_146 : i32
    %dma_start3A_148 = arith.constant 0 : i32
    %dma_start3A_149 = arith.constant 0 : i32
    %dma_start3A_150 = arith.constant 1280 : i32
    %dma_start3A_151 = arith.constant 0 : i32
    %dma_start3A_152 = tpu.memref_slice %arg6[%dma_start3A_149, %dma_start3A_150, %dma_start3A_151] : memref<2x3200x16xbf16, #tpu.memory_space<vmem>> -> memref<1x128x16xbf16, #tpu.memory_space<vmem>>
    %dma_start3A_153 = tpu.memref_squeeze %dma_start3A_152 : memref<1x128x16xbf16, #tpu.memory_space<vmem>> -> memref<128x16xbf16, #tpu.memory_space<vmem>>
    %dma_start3A_154 = arith.constant 0 : i32
    %dma_start3A_155 = tpu.memref_slice %arg5[%dma_start3A_148, %add3A_147, %dma_start3A_154] : memref<2x32x128xi32, #tpu.memory_space<vmem>> -> memref<1x1x128xi32, #tpu.memory_space<vmem>>
    %dma_start3A_156 = tpu.memref_squeeze %dma_start3A_155 : memref<1x1x128xi32, #tpu.memory_space<vmem>> -> memref<128xi32, #tpu.memory_space<vmem>>
    %dma_start3A_157 = arith.constant 0 : i32
    %dma_start3A_158 = arith.constant 0 : i32
    %dma_start3A_159 = tpu.memref_slice %arg3[%dma_start3A_157, %dma_start3A_158] : memref<100000x16xbf16, #tpu.memory_space<hbm>> -> memref<100000x16xbf16, #tpu.memory_space<hbm>>
    tpu.enqueue_indirect_dma source(%dma_start3A_159 : memref<100000x16xbf16, #tpu.memory_space<hbm>>) target(%dma_start3A_153 : memref<128x16xbf16, #tpu.memory_space<vmem>>) offsets(%dma_start3A_156 : memref<128xi32, #tpu.memory_space<vmem>>) semaphore(%arg8 : memref<!tpu.dma_semaphore, #tpu.memory_space<semaphore_mem>>)
    %add3A_160 = arith.constant 11 : i32
    %add3A_161 = arith.addi %rem3A_4, %add3A_160 : i32
    %dma_start3A_162 = arith.constant 0 : i32
    %dma_start3A_163 = arith.constant 0 : i32
    %dma_start3A_164 = arith.constant 1408 : i32
    %dma_start3A_165 = arith.constant 0 : i32
    %dma_start3A_166 = tpu.memref_slice %arg6[%dma_start3A_163, %dma_start3A_164, %dma_start3A_165] : memref<2x3200x16xbf16, #tpu.memory_space<vmem>> -> memref<1x128x16xbf16, #tpu.memory_space<vmem>>
    %dma_start3A_167 = tpu.memref_squeeze %dma_start3A_166 : memref<1x128x16xbf16, #tpu.memory_space<vmem>> -> memref<128x16xbf16, #tpu.memory_space<vmem>>
    %dma_start3A_168 = arith.constant 0 : i32
    %dma_start3A_169 = tpu.memref_slice %arg5[%dma_start3A_162, %add3A_161, %dma_start3A_168] : memref<2x32x128xi32, #tpu.memory_space<vmem>> -> memref<1x1x128xi32, #tpu.memory_space<vmem>>
    %dma_start3A_170 = tpu.memref_squeeze %dma_start3A_169 : memref<1x1x128xi32, #tpu.memory_space<vmem>> -> memref<128xi32, #tpu.memory_space<vmem>>
    %dma_start3A_171 = arith.constant 0 : i32
    %dma_start3A_172 = arith.constant 0 : i32
    %dma_start3A_173 = tpu.memref_slice %arg3[%dma_start3A_171, %dma_start3A_172] : memref<100000x16xbf16, #tpu.memory_space<hbm>> -> memref<100000x16xbf16, #tpu.memory_space<hbm>>
    tpu.enqueue_indirect_dma source(%dma_start3A_173 : memref<100000x16xbf16, #tpu.memory_space<hbm>>) target(%dma_start3A_167 : memref<128x16xbf16, #tpu.memory_space<vmem>>) offsets(%dma_start3A_170 : memref<128xi32, #tpu.memory_space<vmem>>) semaphore(%arg8 : memref<!tpu.dma_semaphore, #tpu.memory_space<semaphore_mem>>)
    %add3A_174 = arith.constant 12 : i32
    %add3A_175 = arith.addi %rem3A_4, %add3A_174 : i32
    %dma_start3A_176 = arith.constant 0 : i32
    %dma_start3A_177 = arith.constant 0 : i32
    %dma_start3A_178 = arith.constant 1536 : i32
    %dma_start3A_179 = arith.constant 0 : i32
    %dma_start3A_180 = tpu.memref_slice %arg6[%dma_start3A_177, %dma_start3A_178, %dma_start3A_179] : memref<2x3200x16xbf16, #tpu.memory_space<vmem>> -> memref<1x128x16xbf16, #tpu.memory_space<vmem>>
    %dma_start3A_181 = tpu.memref_squeeze %dma_start3A_180 : memref<1x128x16xbf16, #tpu.memory_space<vmem>> -> memref<128x16xbf16, #tpu.memory_space<vmem>>
    %dma_start3A_182 = arith.constant 0 : i32
    %dma_start3A_183 = tpu.memref_slice %arg5[%dma_start3A_176, %add3A_175, %dma_start3A_182] : memref<2x32x128xi32, #tpu.memory_space<vmem>> -> memref<1x1x128xi32, #tpu.memory_space<vmem>>
    %dma_start3A_184 = tpu.memref_squeeze %dma_start3A_183 : memref<1x1x128xi32, #tpu.memory_space<vmem>> -> memref<128xi32, #tpu.memory_space<vmem>>
    %dma_start3A_185 = arith.constant 0 : i32
    %dma_start3A_186 = arith.constant 0 : i32
    %dma_start3A_187 = tpu.memref_slice %arg3[%dma_start3A_185, %dma_start3A_186] : memref<100000x16xbf16, #tpu.memory_space<hbm>> -> memref<100000x16xbf16, #tpu.memory_space<hbm>>
    tpu.enqueue_indirect_dma source(%dma_start3A_187 : memref<100000x16xbf16, #tpu.memory_space<hbm>>) target(%dma_start3A_181 : memref<128x16xbf16, #tpu.memory_space<vmem>>) offsets(%dma_start3A_184 : memref<128xi32, #tpu.memory_space<vmem>>) semaphore(%arg8 : memref<!tpu.dma_semaphore, #tpu.memory_space<semaphore_mem>>)
    %add3A_188 = arith.constant 13 : i32
    %add3A_189 = arith.addi %rem3A_4, %add3A_188 : i32
    %dma_start3A_190 = arith.constant 0 : i32
    %dma_start3A_191 = arith.constant 0 : i32
    %dma_start3A_192 = arith.constant 1664 : i32
    %dma_start3A_193 = arith.constant 0 : i32
    %dma_start3A_194 = tpu.memref_slice %arg6[%dma_start3A_191, %dma_start3A_192, %dma_start3A_193] : memref<2x3200x16xbf16, #tpu.memory_space<vmem>> -> memref<1x128x16xbf16, #tpu.memory_space<vmem>>
    %dma_start3A_195 = tpu.memref_squeeze %dma_start3A_194 : memref<1x128x16xbf16, #tpu.memory_space<vmem>> -> memref<128x16xbf16, #tpu.memory_space<vmem>>
    %dma_start3A_196 = arith.constant 0 : i32
    %dma_start3A_197 = tpu.memref_slice %arg5[%dma_start3A_190, %add3A_189, %dma_start3A_196] : memref<2x32x128xi32, #tpu.memory_space<vmem>> -> memref<1x1x128xi32, #tpu.memory_space<vmem>>
    %dma_start3A_198 = tpu.memref_squeeze %dma_start3A_197 : memref<1x1x128xi32, #tpu.memory_space<vmem>> -> memref<128xi32, #tpu.memory_space<vmem>>
    %dma_start3A_199 = arith.constant 0 : i32
    %dma_start3A_200 = arith.constant 0 : i32
    %dma_start3A_201 = tpu.memref_slice %arg3[%dma_start3A_199, %dma_start3A_200] : memref<100000x16xbf16, #tpu.memory_space<hbm>> -> memref<100000x16xbf16, #tpu.memory_space<hbm>>
    tpu.enqueue_indirect_dma source(%dma_start3A_201 : memref<100000x16xbf16, #tpu.memory_space<hbm>>) target(%dma_start3A_195 : memref<128x16xbf16, #tpu.memory_space<vmem>>) offsets(%dma_start3A_198 : memref<128xi32, #tpu.memory_space<vmem>>) semaphore(%arg8 : memref<!tpu.dma_semaphore, #tpu.memory_space<semaphore_mem>>)
    %add3A_202 = arith.constant 14 : i32
    %add3A_203 = arith.addi %rem3A_4, %add3A_202 : i32
    %dma_start3A_204 = arith.constant 0 : i32
    %dma_start3A_205 = arith.constant 0 : i32
    %dma_start3A_206 = arith.constant 1792 : i32
    %dma_start3A_207 = arith.constant 0 : i32
    %dma_start3A_208 = tpu.memref_slice %arg6[%dma_start3A_205, %dma_start3A_206, %dma_start3A_207] : memref<2x3200x16xbf16, #tpu.memory_space<vmem>> -> memref<1x128x16xbf16, #tpu.memory_space<vmem>>
    %dma_start3A_209 = tpu.memref_squeeze %dma_start3A_208 : memref<1x128x16xbf16, #tpu.memory_space<vmem>> -> memref<128x16xbf16, #tpu.memory_space<vmem>>
    %dma_start3A_210 = arith.constant 0 : i32
    %dma_start3A_211 = tpu.memref_slice %arg5[%dma_start3A_204, %add3A_203, %dma_start3A_210] : memref<2x32x128xi32, #tpu.memory_space<vmem>> -> memref<1x1x128xi32, #tpu.memory_space<vmem>>
    %dma_start3A_212 = tpu.memref_squeeze %dma_start3A_211 : memref<1x1x128xi32, #tpu.memory_space<vmem>> -> memref<128xi32, #tpu.memory_space<vmem>>
    %dma_start3A_213 = arith.constant 0 : i32
    %dma_start3A_214 = arith.constant 0 : i32
    %dma_start3A_215 = tpu.memref_slice %arg3[%dma_start3A_213, %dma_start3A_214] : memref<100000x16xbf16, #tpu.memory_space<hbm>> -> memref<100000x16xbf16, #tpu.memory_space<hbm>>
    tpu.enqueue_indirect_dma source(%dma_start3A_215 : memref<100000x16xbf16, #tpu.memory_space<hbm>>) target(%dma_start3A_209 : memref<128x16xbf16, #tpu.memory_space<vmem>>) offsets(%dma_start3A_212 : memref<128xi32, #tpu.memory_space<vmem>>) semaphore(%arg8 : memref<!tpu.dma_semaphore, #tpu.memory_space<semaphore_mem>>)
    %add3A_216 = arith.constant 15 : i32
    %add3A_217 = arith.addi %rem3A_4, %add3A_216 : i32
    %dma_start3A_218 = arith.constant 0 : i32
    %dma_start3A_219 = arith.constant 0 : i32
    %dma_start3A_220 = arith.constant 1920 : i32
    %dma_start3A_221 = arith.constant 0 : i32
    %dma_start3A_222 = tpu.memref_slice %arg6[%dma_start3A_219, %dma_start3A_220, %dma_start3A_221] : memref<2x3200x16xbf16, #tpu.memory_space<vmem>> -> memref<1x128x16xbf16, #tpu.memory_space<vmem>>
    %dma_start3A_223 = tpu.memref_squeeze %dma_start3A_222 : memref<1x128x16xbf16, #tpu.memory_space<vmem>> -> memref<128x16xbf16, #tpu.memory_space<vmem>>
    %dma_start3A_224 = arith.constant 0 : i32
    %dma_start3A_225 = tpu.memref_slice %arg5[%dma_start3A_218, %add3A_217, %dma_start3A_224] : memref<2x32x128xi32, #tpu.memory_space<vmem>> -> memref<1x1x128xi32, #tpu.memory_space<vmem>>
    %dma_start3A_226 = tpu.memref_squeeze %dma_start3A_225 : memref<1x1x128xi32, #tpu.memory_space<vmem>> -> memref<128xi32, #tpu.memory_space<vmem>>
    %dma_start3A_227 = arith.constant 0 : i32
    %dma_start3A_228 = arith.constant 0 : i32
    %dma_start3A_229 = tpu.memref_slice %arg3[%dma_start3A_227, %dma_start3A_228] : memref<100000x16xbf16, #tpu.memory_space<hbm>> -> memref<100000x16xbf16, #tpu.memory_space<hbm>>
    tpu.enqueue_indirect_dma source(%dma_start3A_229 : memref<100000x16xbf16, #tpu.memory_space<hbm>>) target(%dma_start3A_223 : memref<128x16xbf16, #tpu.memory_space<vmem>>) offsets(%dma_start3A_226 : memref<128xi32, #tpu.memory_space<vmem>>) semaphore(%arg8 : memref<!tpu.dma_semaphore, #tpu.memory_space<semaphore_mem>>)
    %add3A_230 = arith.constant 16 : i32
    %add3A_231 = arith.addi %rem3A_4, %add3A_230 : i32
    %dma_start3A_232 = arith.constant 0 : i32
    %dma_start3A_233 = arith.constant 0 : i32
    %dma_start3A_234 = arith.constant 2048 : i32
    %dma_start3A_235 = arith.constant 0 : i32
    %dma_start3A_236 = tpu.memref_slice %arg6[%dma_start3A_233, %dma_start3A_234, %dma_start3A_235] : memref<2x3200x16xbf16, #tpu.memory_space<vmem>> -> memref<1x128x16xbf16, #tpu.memory_space<vmem>>
    %dma_start3A_237 = tpu.memref_squeeze %dma_start3A_236 : memref<1x128x16xbf16, #tpu.memory_space<vmem>> -> memref<128x16xbf16, #tpu.memory_space<vmem>>
    %dma_start3A_238 = arith.constant 0 : i32
    %dma_start3A_239 = tpu.memref_slice %arg5[%dma_start3A_232, %add3A_231, %dma_start3A_238] : memref<2x32x128xi32, #tpu.memory_space<vmem>> -> memref<1x1x128xi32, #tpu.memory_space<vmem>>
    %dma_start3A_240 = tpu.memref_squeeze %dma_start3A_239 : memref<1x1x128xi32, #tpu.memory_space<vmem>> -> memref<128xi32, #tpu.memory_space<vmem>>
    %dma_start3A_241 = arith.constant 0 : i32
    %dma_start3A_242 = arith.constant 0 : i32
    %dma_start3A_243 = tpu.memref_slice %arg3[%dma_start3A_241, %dma_start3A_242] : memref<100000x16xbf16, #tpu.memory_space<hbm>> -> memref<100000x16xbf16, #tpu.memory_space<hbm>>
    tpu.enqueue_indirect_dma source(%dma_start3A_243 : memref<100000x16xbf16, #tpu.memory_space<hbm>>) target(%dma_start3A_237 : memref<128x16xbf16, #tpu.memory_space<vmem>>) offsets(%dma_start3A_240 : memref<128xi32, #tpu.memory_space<vmem>>) semaphore(%arg8 : memref<!tpu.dma_semaphore, #tpu.memory_space<semaphore_mem>>)
    %add3A_244 = arith.constant 17 : i32
    %add3A_245 = arith.addi %rem3A_4, %add3A_244 : i32
    %dma_start3A_246 = arith.constant 0 : i32
    %dma_start3A_247 = arith.constant 0 : i32
    %dma_start3A_248 = arith.constant 2176 : i32
    %dma_start3A_249 = arith.constant 0 : i32
    %dma_start3A_250 = tpu.memref_slice %arg6[%dma_start3A_247, %dma_start3A_248, %dma_start3A_249] : memref<2x3200x16xbf16, #tpu.memory_space<vmem>> -> memref<1x128x16xbf16, #tpu.memory_space<vmem>>
    %dma_start3A_251 = tpu.memref_squeeze %dma_start3A_250 : memref<1x128x16xbf16, #tpu.memory_space<vmem>> -> memref<128x16xbf16, #tpu.memory_space<vmem>>
    %dma_start3A_252 = arith.constant 0 : i32
    %dma_start3A_253 = tpu.memref_slice %arg5[%dma_start3A_246, %add3A_245, %dma_start3A_252] : memref<2x32x128xi32, #tpu.memory_space<vmem>> -> memref<1x1x128xi32, #tpu.memory_space<vmem>>
    %dma_start3A_254 = tpu.memref_squeeze %dma_start3A_253 : memref<1x1x128xi32, #tpu.memory_space<vmem>> -> memref<128xi32, #tpu.memory_space<vmem>>
    %dma_start3A_255 = arith.constant 0 : i32
    %dma_start3A_256 = arith.constant 0 : i32
    %dma_start3A_257 = tpu.memref_slice %arg3[%dma_start3A_255, %dma_start3A_256] : memref<100000x16xbf16, #tpu.memory_space<hbm>> -> memref<100000x16xbf16, #tpu.memory_space<hbm>>
    tpu.enqueue_indirect_dma source(%dma_start3A_257 : memref<100000x16xbf16, #tpu.memory_space<hbm>>) target(%dma_start3A_251 : memref<128x16xbf16, #tpu.memory_space<vmem>>) offsets(%dma_start3A_254 : memref<128xi32, #tpu.memory_space<vmem>>) semaphore(%arg8 : memref<!tpu.dma_semaphore, #tpu.memory_space<semaphore_mem>>)
    %add3A_258 = arith.constant 18 : i32
    %add3A_259 = arith.addi %rem3A_4, %add3A_258 : i32
    %dma_start3A_260 = arith.constant 0 : i32
    %dma_start3A_261 = arith.constant 0 : i32
    %dma_start3A_262 = arith.constant 2304 : i32
    %dma_start3A_263 = arith.constant 0 : i32
    %dma_start3A_264 = tpu.memref_slice %arg6[%dma_start3A_261, %dma_start3A_262, %dma_start3A_263] : memref<2x3200x16xbf16, #tpu.memory_space<vmem>> -> memref<1x128x16xbf16, #tpu.memory_space<vmem>>
    %dma_start3A_265 = tpu.memref_squeeze %dma_start3A_264 : memref<1x128x16xbf16, #tpu.memory_space<vmem>> -> memref<128x16xbf16, #tpu.memory_space<vmem>>
    %dma_start3A_266 = arith.constant 0 : i32
    %dma_start3A_267 = tpu.memref_slice %arg5[%dma_start3A_260, %add3A_259, %dma_start3A_266] : memref<2x32x128xi32, #tpu.memory_space<vmem>> -> memref<1x1x128xi32, #tpu.memory_space<vmem>>
    %dma_start3A_268 = tpu.memref_squeeze %dma_start3A_267 : memref<1x1x128xi32, #tpu.memory_space<vmem>> -> memref<128xi32, #tpu.memory_space<vmem>>
    %dma_start3A_269 = arith.constant 0 : i32
    %dma_start3A_270 = arith.constant 0 : i32
    %dma_start3A_271 = tpu.memref_slice %arg3[%dma_start3A_269, %dma_start3A_270] : memref<100000x16xbf16, #tpu.memory_space<hbm>> -> memref<100000x16xbf16, #tpu.memory_space<hbm>>
    tpu.enqueue_indirect_dma source(%dma_start3A_271 : memref<100000x16xbf16, #tpu.memory_space<hbm>>) target(%dma_start3A_265 : memref<128x16xbf16, #tpu.memory_space<vmem>>) offsets(%dma_start3A_268 : memref<128xi32, #tpu.memory_space<vmem>>) semaphore(%arg8 : memref<!tpu.dma_semaphore, #tpu.memory_space<semaphore_mem>>)
    %add3A_272 = arith.constant 19 : i32
    %add3A_273 = arith.addi %rem3A_4, %add3A_272 : i32
    %dma_start3A_274 = arith.constant 0 : i32
    %dma_start3A_275 = arith.constant 0 : i32
    %dma_start3A_276 = arith.constant 2432 : i32
    %dma_start3A_277 = arith.constant 0 : i32
    %dma_start3A_278 = tpu.memref_slice %arg6[%dma_start3A_275, %dma_start3A_276, %dma_start3A_277] : memref<2x3200x16xbf16, #tpu.memory_space<vmem>> -> memref<1x128x16xbf16, #tpu.memory_space<vmem>>
    %dma_start3A_279 = tpu.memref_squeeze %dma_start3A_278 : memref<1x128x16xbf16, #tpu.memory_space<vmem>> -> memref<128x16xbf16, #tpu.memory_space<vmem>>
    %dma_start3A_280 = arith.constant 0 : i32
    %dma_start3A_281 = tpu.memref_slice %arg5[%dma_start3A_274, %add3A_273, %dma_start3A_280] : memref<2x32x128xi32, #tpu.memory_space<vmem>> -> memref<1x1x128xi32, #tpu.memory_space<vmem>>
    %dma_start3A_282 = tpu.memref_squeeze %dma_start3A_281 : memref<1x1x128xi32, #tpu.memory_space<vmem>> -> memref<128xi32, #tpu.memory_space<vmem>>
    %dma_start3A_283 = arith.constant 0 : i32
    %dma_start3A_284 = arith.constant 0 : i32
    %dma_start3A_285 = tpu.memref_slice %arg3[%dma_start3A_283, %dma_start3A_284] : memref<100000x16xbf16, #tpu.memory_space<hbm>> -> memref<100000x16xbf16, #tpu.memory_space<hbm>>
    tpu.enqueue_indirect_dma source(%dma_start3A_285 : memref<100000x16xbf16, #tpu.memory_space<hbm>>) target(%dma_start3A_279 : memref<128x16xbf16, #tpu.memory_space<vmem>>) offsets(%dma_start3A_282 : memref<128xi32, #tpu.memory_space<vmem>>) semaphore(%arg8 : memref<!tpu.dma_semaphore, #tpu.memory_space<semaphore_mem>>)
    %add3A_286 = arith.constant 20 : i32
    %add3A_287 = arith.addi %rem3A_4, %add3A_286 : i32
    %dma_start3A_288 = arith.constant 0 : i32
    %dma_start3A_289 = arith.constant 0 : i32
    %dma_start3A_290 = arith.constant 2560 : i32
    %dma_start3A_291 = arith.constant 0 : i32
    %dma_start3A_292 = tpu.memref_slice %arg6[%dma_start3A_289, %dma_start3A_290, %dma_start3A_291] : memref<2x3200x16xbf16, #tpu.memory_space<vmem>> -> memref<1x128x16xbf16, #tpu.memory_space<vmem>>
    %dma_start3A_293 = tpu.memref_squeeze %dma_start3A_292 : memref<1x128x16xbf16, #tpu.memory_space<vmem>> -> memref<128x16xbf16, #tpu.memory_space<vmem>>
    %dma_start3A_294 = arith.constant 0 : i32
    %dma_start3A_295 = tpu.memref_slice %arg5[%dma_start3A_288, %add3A_287, %dma_start3A_294] : memref<2x32x128xi32, #tpu.memory_space<vmem>> -> memref<1x1x128xi32, #tpu.memory_space<vmem>>
    %dma_start3A_296 = tpu.memref_squeeze %dma_start3A_295 : memref<1x1x128xi32, #tpu.memory_space<vmem>> -> memref<128xi32, #tpu.memory_space<vmem>>
    %dma_start3A_297 = arith.constant 0 : i32
    %dma_start3A_298 = arith.constant 0 : i32
    %dma_start3A_299 = tpu.memref_slice %arg3[%dma_start3A_297, %dma_start3A_298] : memref<100000x16xbf16, #tpu.memory_space<hbm>> -> memref<100000x16xbf16, #tpu.memory_space<hbm>>
    tpu.enqueue_indirect_dma source(%dma_start3A_299 : memref<100000x16xbf16, #tpu.memory_space<hbm>>) target(%dma_start3A_293 : memref<128x16xbf16, #tpu.memory_space<vmem>>) offsets(%dma_start3A_296 : memref<128xi32, #tpu.memory_space<vmem>>) semaphore(%arg8 : memref<!tpu.dma_semaphore, #tpu.memory_space<semaphore_mem>>)
    %add3A_300 = arith.constant 21 : i32
    %add3A_301 = arith.addi %rem3A_4, %add3A_300 : i32
    %dma_start3A_302 = arith.constant 0 : i32
    %dma_start3A_303 = arith.constant 0 : i32
    %dma_start3A_304 = arith.constant 2688 : i32
    %dma_start3A_305 = arith.constant 0 : i32
    %dma_start3A_306 = tpu.memref_slice %arg6[%dma_start3A_303, %dma_start3A_304, %dma_start3A_305] : memref<2x3200x16xbf16, #tpu.memory_space<vmem>> -> memref<1x128x16xbf16, #tpu.memory_space<vmem>>
    %dma_start3A_307 = tpu.memref_squeeze %dma_start3A_306 : memref<1x128x16xbf16, #tpu.memory_space<vmem>> -> memref<128x16xbf16, #tpu.memory_space<vmem>>
    %dma_start3A_308 = arith.constant 0 : i32
    %dma_start3A_309 = tpu.memref_slice %arg5[%dma_start3A_302, %add3A_301, %dma_start3A_308] : memref<2x32x128xi32, #tpu.memory_space<vmem>> -> memref<1x1x128xi32, #tpu.memory_space<vmem>>
    %dma_start3A_310 = tpu.memref_squeeze %dma_start3A_309 : memref<1x1x128xi32, #tpu.memory_space<vmem>> -> memref<128xi32, #tpu.memory_space<vmem>>
    %dma_start3A_311 = arith.constant 0 : i32
    %dma_start3A_312 = arith.constant 0 : i32
    %dma_start3A_313 = tpu.memref_slice %arg3[%dma_start3A_311, %dma_start3A_312] : memref<100000x16xbf16, #tpu.memory_space<hbm>> -> memref<100000x16xbf16, #tpu.memory_space<hbm>>
    tpu.enqueue_indirect_dma source(%dma_start3A_313 : memref<100000x16xbf16, #tpu.memory_space<hbm>>) target(%dma_start3A_307 : memref<128x16xbf16, #tpu.memory_space<vmem>>) offsets(%dma_start3A_310 : memref<128xi32, #tpu.memory_space<vmem>>) semaphore(%arg8 : memref<!tpu.dma_semaphore, #tpu.memory_space<semaphore_mem>>)
    %add3A_314 = arith.constant 22 : i32
    %add3A_315 = arith.addi %rem3A_4, %add3A_314 : i32
    %dma_start3A_316 = arith.constant 0 : i32
    %dma_start3A_317 = arith.constant 0 : i32
    %dma_start3A_318 = arith.constant 2816 : i32
    %dma_start3A_319 = arith.constant 0 : i32
    %dma_start3A_320 = tpu.memref_slice %arg6[%dma_start3A_317, %dma_start3A_318, %dma_start3A_319] : memref<2x3200x16xbf16, #tpu.memory_space<vmem>> -> memref<1x128x16xbf16, #tpu.memory_space<vmem>>
    %dma_start3A_321 = tpu.memref_squeeze %dma_start3A_320 : memref<1x128x16xbf16, #tpu.memory_space<vmem>> -> memref<128x16xbf16, #tpu.memory_space<vmem>>
    %dma_start3A_322 = arith.constant 0 : i32
    %dma_start3A_323 = tpu.memref_slice %arg5[%dma_start3A_316, %add3A_315, %dma_start3A_322] : memref<2x32x128xi32, #tpu.memory_space<vmem>> -> memref<1x1x128xi32, #tpu.memory_space<vmem>>
    %dma_start3A_324 = tpu.memref_squeeze %dma_start3A_323 : memref<1x1x128xi32, #tpu.memory_space<vmem>> -> memref<128xi32, #tpu.memory_space<vmem>>
    %dma_start3A_325 = arith.constant 0 : i32
    %dma_start3A_326 = arith.constant 0 : i32
    %dma_start3A_327 = tpu.memref_slice %arg3[%dma_start3A_325, %dma_start3A_326] : memref<100000x16xbf16, #tpu.memory_space<hbm>> -> memref<100000x16xbf16, #tpu.memory_space<hbm>>
    tpu.enqueue_indirect_dma source(%dma_start3A_327 : memref<100000x16xbf16, #tpu.memory_space<hbm>>) target(%dma_start3A_321 : memref<128x16xbf16, #tpu.memory_space<vmem>>) offsets(%dma_start3A_324 : memref<128xi32, #tpu.memory_space<vmem>>) semaphore(%arg8 : memref<!tpu.dma_semaphore, #tpu.memory_space<semaphore_mem>>)
    %add3A_328 = arith.constant 23 : i32
    %add3A_329 = arith.addi %rem3A_4, %add3A_328 : i32
    %dma_start3A_330 = arith.constant 0 : i32
    %dma_start3A_331 = arith.constant 0 : i32
    %dma_start3A_332 = arith.constant 2944 : i32
    %dma_start3A_333 = arith.constant 0 : i32
    %dma_start3A_334 = tpu.memref_slice %arg6[%dma_start3A_331, %dma_start3A_332, %dma_start3A_333] : memref<2x3200x16xbf16, #tpu.memory_space<vmem>> -> memref<1x128x16xbf16, #tpu.memory_space<vmem>>
    %dma_start3A_335 = tpu.memref_squeeze %dma_start3A_334 : memref<1x128x16xbf16, #tpu.memory_space<vmem>> -> memref<128x16xbf16, #tpu.memory_space<vmem>>
    %dma_start3A_336 = arith.constant 0 : i32
    %dma_start3A_337 = tpu.memref_slice %arg5[%dma_start3A_330, %add3A_329, %dma_start3A_336] : memref<2x32x128xi32, #tpu.memory_space<vmem>> -> memref<1x1x128xi32, #tpu.memory_space<vmem>>
    %dma_start3A_338 = tpu.memref_squeeze %dma_start3A_337 : memref<1x1x128xi32, #tpu.memory_space<vmem>> -> memref<128xi32, #tpu.memory_space<vmem>>
    %dma_start3A_339 = arith.constant 0 : i32
    %dma_start3A_340 = arith.constant 0 : i32
    %dma_start3A_341 = tpu.memref_slice %arg3[%dma_start3A_339, %dma_start3A_340] : memref<100000x16xbf16, #tpu.memory_space<hbm>> -> memref<100000x16xbf16, #tpu.memory_space<hbm>>
    tpu.enqueue_indirect_dma source(%dma_start3A_341 : memref<100000x16xbf16, #tpu.memory_space<hbm>>) target(%dma_start3A_335 : memref<128x16xbf16, #tpu.memory_space<vmem>>) offsets(%dma_start3A_338 : memref<128xi32, #tpu.memory_space<vmem>>) semaphore(%arg8 : memref<!tpu.dma_semaphore, #tpu.memory_space<semaphore_mem>>)
    %add3A_342 = arith.constant 24 : i32
    %add3A_343 = arith.addi %rem3A_4, %add3A_342 : i32
    %dma_start3A_344 = arith.constant 0 : i32
    %dma_start3A_345 = arith.constant 0 : i32
    %dma_start3A_346 = arith.constant 3072 : i32
    %dma_start3A_347 = arith.constant 0 : i32
    %dma_start3A_348 = tpu.memref_slice %arg6[%dma_start3A_345, %dma_start3A_346, %dma_start3A_347] : memref<2x3200x16xbf16, #tpu.memory_space<vmem>> -> memref<1x128x16xbf16, #tpu.memory_space<vmem>>
    %dma_start3A_349 = tpu.memref_squeeze %dma_start3A_348 : memref<1x128x16xbf16, #tpu.memory_space<vmem>> -> memref<128x16xbf16, #tpu.memory_space<vmem>>
    %dma_start3A_350 = arith.constant 0 : i32
    %dma_start3A_351 = tpu.memref_slice %arg5[%dma_start3A_344, %add3A_343, %dma_start3A_350] : memref<2x32x128xi32, #tpu.memory_space<vmem>> -> memref<1x1x128xi32, #tpu.memory_space<vmem>>
    %dma_start3A_352 = tpu.memref_squeeze %dma_start3A_351 : memref<1x1x128xi32, #tpu.memory_space<vmem>> -> memref<128xi32, #tpu.memory_space<vmem>>
    %dma_start3A_353 = arith.constant 0 : i32
    %dma_start3A_354 = arith.constant 0 : i32
    %dma_start3A_355 = tpu.memref_slice %arg3[%dma_start3A_353, %dma_start3A_354] : memref<100000x16xbf16, #tpu.memory_space<hbm>> -> memref<100000x16xbf16, #tpu.memory_space<hbm>>
    tpu.enqueue_indirect_dma source(%dma_start3A_355 : memref<100000x16xbf16, #tpu.memory_space<hbm>>) target(%dma_start3A_349 : memref<128x16xbf16, #tpu.memory_space<vmem>>) offsets(%dma_start3A_352 : memref<128xi32, #tpu.memory_space<vmem>>) semaphore(%arg8 : memref<!tpu.dma_semaphore, #tpu.memory_space<semaphore_mem>>)
    %scan3A = arith.constant 0 : i32
    %scan3A_356 = arith.constant 0 : i32
    %scan3A_357 = arith.constant 16 : i32
    %scan3A_358 = arith.addi %scan3A_356, %scan3A_357 : i32
    %scan3A_359 = arith.constant 1 : i32
    %scan3A_360 = scf.for %scan3A_362 = %scan3A_356 to %scan3A_358 step %scan3A_359 iter_args(%scan3A_363 = %scan3A) -> (i32)  : i32 {
      %mul3A_364 = arith.constant 2 : i32
      %mul3A_365 = arith.muli %mul3A_364, %scan3A_362 : i32
      %add3A_366 = arith.constant 1 : i32
      %add3A_367 = arith.addi %mul3A_365, %add3A_366 : i32
      %rem3A_368 = arith.constant 8 : i32
      %rem3A_369 = arith.remsi %add3A_367, %rem3A_368 : i32
      %mul3A_370 = arith.constant 25 : i32
      %mul3A_371 = arith.muli %add3A_367, %mul3A_370 : i32
      %add3A_372 = arith.addi %mul3A_2, %mul3A_371 : i32
      %sub3A_373 = arith.subi %add3A_372, %rem3A_369 : i32
      %run_scoped3A_374 = arith.constant 1 : i32
      "tpu.region"() ({
        %run_scoped3A_787 = tpu.sem_alloc : memref<!tpu.dma_semaphore, #tpu.memory_space<semaphore_mem>>
        %dma_start3A_788 = arith.constant 0 : i32
        %dma_start3A_789 = arith.constant 0 : i32
        %dma_start3A_790 = tpu.memref_slice %arg5[%run_scoped3A_374, %dma_start3A_788, %dma_start3A_789] : memref<2x32x128xi32, #tpu.memory_space<vmem>> -> memref<1x32x128xi32, #tpu.memory_space<vmem>>
        %dma_start3A_791 = tpu.memref_squeeze %dma_start3A_790 : memref<1x32x128xi32, #tpu.memory_space<vmem>> -> memref<32x128xi32, #tpu.memory_space<vmem>>
        %dma_start3A_792 = arith.constant 0 : i32
        %dma_start3A_793 = tpu.memref_slice %arg2[%sub3A_373, %dma_start3A_792] : memref<25600x128xi32, #tpu.memory_space<hbm>> -> memref<32x128xi32, #tpu.memory_space<hbm>>
        %dma_start3A_794 = arith.constant 0 : i32
        %dma_start3A_795 = arith.constant 0 : i32
        %dma_start3A_796 = tpu.memref_slice %arg5[%run_scoped3A_374, %dma_start3A_794, %dma_start3A_795] : memref<2x32x128xi32, #tpu.memory_space<vmem>> -> memref<1x32x128xi32, #tpu.memory_space<vmem>>
        %dma_start3A_797 = tpu.memref_squeeze %dma_start3A_796 : memref<1x32x128xi32, #tpu.memory_space<vmem>> -> memref<32x128xi32, #tpu.memory_space<vmem>>
        %dma_start3A_798 = arith.constant 0 : i32
        %dma_start3A_799 = tpu.memref_slice %arg2[%sub3A_373, %dma_start3A_798] : memref<25600x128xi32, #tpu.memory_space<hbm>> -> memref<32x128xi32, #tpu.memory_space<hbm>>
        tpu.enqueue_dma source(%dma_start3A_799 : memref<32x128xi32, #tpu.memory_space<hbm>>) target(%dma_start3A_797 : memref<32x128xi32, #tpu.memory_space<vmem>>) target_semaphore(%run_scoped3A_787 : memref<!tpu.dma_semaphore, #tpu.memory_space<semaphore_mem>>)
        %dma_wait3A_800 = arith.constant 0 : i32
        %dma_wait3A_801 = arith.constant 0 : i32
        %dma_wait3A_802 = tpu.memref_slice %arg5[%run_scoped3A_374, %dma_wait3A_800, %dma_wait3A_801] : memref<2x32x128xi32, #tpu.memory_space<vmem>> -> memref<1x32x128xi32, #tpu.memory_space<vmem>>
        %dma_wait3A_803 = tpu.memref_squeeze %dma_wait3A_802 : memref<1x32x128xi32, #tpu.memory_space<vmem>> -> memref<32x128xi32, #tpu.memory_space<vmem>>
        %dma_wait3A_804 = arith.constant 0 : i32
        %dma_wait3A_805 = tpu.memref_slice %arg2[%sub3A_373, %dma_wait3A_804] : memref<25600x128xi32, #tpu.memory_space<hbm>> -> memref<32x128xi32, #tpu.memory_space<hbm>>
        %dma_wait3A_806 = arith.constant 0 : i32
        %dma_wait3A_807 = arith.constant 0 : i32
        %dma_wait3A_808 = tpu.memref_slice %arg5[%run_scoped3A_374, %dma_wait3A_806, %dma_wait3A_807] : memref<2x32x128xi32, #tpu.memory_space<vmem>> -> memref<1x32x128xi32, #tpu.memory_space<vmem>>
        %dma_wait3A_809 = tpu.memref_squeeze %dma_wait3A_808 : memref<1x32x128xi32, #tpu.memory_space<vmem>> -> memref<32x128xi32, #tpu.memory_space<vmem>>
        %dma_wait3A_810 = arith.constant 0 : i32
        %dma_wait3A_811 = tpu.memref_slice %arg2[%sub3A_373, %dma_wait3A_810] : memref<25600x128xi32, #tpu.memory_space<hbm>> -> memref<32x128xi32, #tpu.memory_space<hbm>>
        tpu.wait_dma2 semaphore(%run_scoped3A_787 : memref<!tpu.dma_semaphore, #tpu.memory_space<semaphore_mem>>) src(%dma_wait3A_811 : memref<32x128xi32, #tpu.memory_space<hbm>>) dst(%dma_wait3A_809 : memref<32x128xi32, #tpu.memory_space<vmem>>)
        tpu.yield
      }) : () -> ()
      %add3A_375 = arith.constant 0 : i32
      %add3A_376 = arith.addi %rem3A_369, %add3A_375 : i32
      %dma_start3A_377 = arith.constant 1 : i32
      %dma_start3A_378 = arith.constant 1 : i32
      %dma_start3A_379 = arith.constant 0 : i32
      %dma_start3A_380 = arith.constant 0 : i32
      %dma_start3A_381 = tpu.memref_slice %arg6[%dma_start3A_378, %dma_start3A_379, %dma_start3A_380] : memref<2x3200x16xbf16, #tpu.memory_space<vmem>> -> memref<1x128x16xbf16, #tpu.memory_space<vmem>>
      %dma_start3A_382 = tpu.memref_squeeze %dma_start3A_381 : memref<1x128x16xbf16, #tpu.memory_space<vmem>> -> memref<128x16xbf16, #tpu.memory_space<vmem>>
      %dma_start3A_383 = arith.constant 0 : i32
      %dma_start3A_384 = tpu.memref_slice %arg5[%dma_start3A_377, %add3A_376, %dma_start3A_383] : memref<2x32x128xi32, #tpu.memory_space<vmem>> -> memref<1x1x128xi32, #tpu.memory_space<vmem>>
      %dma_start3A_385 = tpu.memref_squeeze %dma_start3A_384 : memref<1x1x128xi32, #tpu.memory_space<vmem>> -> memref<128xi32, #tpu.memory_space<vmem>>
      %dma_start3A_386 = arith.constant 0 : i32
      %dma_start3A_387 = arith.constant 0 : i32
      %dma_start3A_388 = tpu.memref_slice %arg3[%dma_start3A_386, %dma_start3A_387] : memref<100000x16xbf16, #tpu.memory_space<hbm>> -> memref<100000x16xbf16, #tpu.memory_space<hbm>>
      tpu.enqueue_indirect_dma source(%dma_start3A_388 : memref<100000x16xbf16, #tpu.memory_space<hbm>>) target(%dma_start3A_382 : memref<128x16xbf16, #tpu.memory_space<vmem>>) offsets(%dma_start3A_385 : memref<128xi32, #tpu.memory_space<vmem>>) semaphore(%arg9 : memref<!tpu.dma_semaphore, #tpu.memory_space<semaphore_mem>>)
      %add3A_389 = arith.constant 1 : i32
      %add3A_390 = arith.addi %rem3A_369, %add3A_389 : i32
      %dma_start3A_391 = arith.constant 1 : i32
      %dma_start3A_392 = arith.constant 1 : i32
      %dma_start3A_393 = arith.constant 128 : i32
      %dma_start3A_394 = arith.constant 0 : i32
      %dma_start3A_395 = tpu.memref_slice %arg6[%dma_start3A_392, %dma_start3A_393, %dma_start3A_394] : memref<2x3200x16xbf16, #tpu.memory_space<vmem>> -> memref<1x128x16xbf16, #tpu.memory_space<vmem>>
      %dma_start3A_396 = tpu.memref_squeeze %dma_start3A_395 : memref<1x128x16xbf16, #tpu.memory_space<vmem>> -> memref<128x16xbf16, #tpu.memory_space<vmem>>
      %dma_start3A_397 = arith.constant 0 : i32
      %dma_start3A_398 = tpu.memref_slice %arg5[%dma_start3A_391, %add3A_390, %dma_start3A_397] : memref<2x32x128xi32, #tpu.memory_space<vmem>> -> memref<1x1x128xi32, #tpu.memory_space<vmem>>
      %dma_start3A_399 = tpu.memref_squeeze %dma_start3A_398 : memref<1x1x128xi32, #tpu.memory_space<vmem>> -> memref<128xi32, #tpu.memory_space<vmem>>
      %dma_start3A_400 = arith.constant 0 : i32
      %dma_start3A_401 = arith.constant 0 : i32
      %dma_start3A_402 = tpu.memref_slice %arg3[%dma_start3A_400, %dma_start3A_401] : memref<100000x16xbf16, #tpu.memory_space<hbm>> -> memref<100000x16xbf16, #tpu.memory_space<hbm>>
      tpu.enqueue_indirect_dma source(%dma_start3A_402 : memref<100000x16xbf16, #tpu.memory_space<hbm>>) target(%dma_start3A_396 : memref<128x16xbf16, #tpu.memory_space<vmem>>) offsets(%dma_start3A_399 : memref<128xi32, #tpu.memory_space<vmem>>) semaphore(%arg9 : memref<!tpu.dma_semaphore, #tpu.memory_space<semaphore_mem>>)
      %add3A_403 = arith.constant 2 : i32
      %add3A_404 = arith.addi %rem3A_369, %add3A_403 : i32
      %dma_start3A_405 = arith.constant 1 : i32
      %dma_start3A_406 = arith.constant 1 : i32
      %dma_start3A_407 = arith.constant 256 : i32
      %dma_start3A_408 = arith.constant 0 : i32
      %dma_start3A_409 = tpu.memref_slice %arg6[%dma_start3A_406, %dma_start3A_407, %dma_start3A_408] : memref<2x3200x16xbf16, #tpu.memory_space<vmem>> -> memref<1x128x16xbf16, #tpu.memory_space<vmem>>
      %dma_start3A_410 = tpu.memref_squeeze %dma_start3A_409 : memref<1x128x16xbf16, #tpu.memory_space<vmem>> -> memref<128x16xbf16, #tpu.memory_space<vmem>>
      %dma_start3A_411 = arith.constant 0 : i32
      %dma_start3A_412 = tpu.memref_slice %arg5[%dma_start3A_405, %add3A_404, %dma_start3A_411] : memref<2x32x128xi32, #tpu.memory_space<vmem>> -> memref<1x1x128xi32, #tpu.memory_space<vmem>>
      %dma_start3A_413 = tpu.memref_squeeze %dma_start3A_412 : memref<1x1x128xi32, #tpu.memory_space<vmem>> -> memref<128xi32, #tpu.memory_space<vmem>>
      %dma_start3A_414 = arith.constant 0 : i32
      %dma_start3A_415 = arith.constant 0 : i32
      %dma_start3A_416 = tpu.memref_slice %arg3[%dma_start3A_414, %dma_start3A_415] : memref<100000x16xbf16, #tpu.memory_space<hbm>> -> memref<100000x16xbf16, #tpu.memory_space<hbm>>
      tpu.enqueue_indirect_dma source(%dma_start3A_416 : memref<100000x16xbf16, #tpu.memory_space<hbm>>) target(%dma_start3A_410 : memref<128x16xbf16, #tpu.memory_space<vmem>>) offsets(%dma_start3A_413 : memref<128xi32, #tpu.memory_space<vmem>>) semaphore(%arg9 : memref<!tpu.dma_semaphore, #tpu.memory_space<semaphore_mem>>)
      %add3A_417 = arith.constant 3 : i32
      %add3A_418 = arith.addi %rem3A_369, %add3A_417 : i32
      %dma_start3A_419 = arith.constant 1 : i32
      %dma_start3A_420 = arith.constant 1 : i32
      %dma_start3A_421 = arith.constant 384 : i32
      %dma_start3A_422 = arith.constant 0 : i32
      %dma_start3A_423 = tpu.memref_slice %arg6[%dma_start3A_420, %dma_start3A_421, %dma_start3A_422] : memref<2x3200x16xbf16, #tpu.memory_space<vmem>> -> memref<1x128x16xbf16, #tpu.memory_space<vmem>>
      %dma_start3A_424 = tpu.memref_squeeze %dma_start3A_423 : memref<1x128x16xbf16, #tpu.memory_space<vmem>> -> memref<128x16xbf16, #tpu.memory_space<vmem>>
      %dma_start3A_425 = arith.constant 0 : i32
      %dma_start3A_426 = tpu.memref_slice %arg5[%dma_start3A_419, %add3A_418, %dma_start3A_425] : memref<2x32x128xi32, #tpu.memory_space<vmem>> -> memref<1x1x128xi32, #tpu.memory_space<vmem>>
      %dma_start3A_427 = tpu.memref_squeeze %dma_start3A_426 : memref<1x1x128xi32, #tpu.memory_space<vmem>> -> memref<128xi32, #tpu.memory_space<vmem>>
      %dma_start3A_428 = arith.constant 0 : i32
      %dma_start3A_429 = arith.constant 0 : i32
      %dma_start3A_430 = tpu.memref_slice %arg3[%dma_start3A_428, %dma_start3A_429] : memref<100000x16xbf16, #tpu.memory_space<hbm>> -> memref<100000x16xbf16, #tpu.memory_space<hbm>>
      tpu.enqueue_indirect_dma source(%dma_start3A_430 : memref<100000x16xbf16, #tpu.memory_space<hbm>>) target(%dma_start3A_424 : memref<128x16xbf16, #tpu.memory_space<vmem>>) offsets(%dma_start3A_427 : memref<128xi32, #tpu.memory_space<vmem>>) semaphore(%arg9 : memref<!tpu.dma_semaphore, #tpu.memory_space<semaphore_mem>>)
      %add3A_431 = arith.constant 4 : i32
      %add3A_432 = arith.addi %rem3A_369, %add3A_431 : i32
      %dma_start3A_433 = arith.constant 1 : i32
      %dma_start3A_434 = arith.constant 1 : i32
      %dma_start3A_435 = arith.constant 512 : i32
      %dma_start3A_436 = arith.constant 0 : i32
      %dma_start3A_437 = tpu.memref_slice %arg6[%dma_start3A_434, %dma_start3A_435, %dma_start3A_436] : memref<2x3200x16xbf16, #tpu.memory_space<vmem>> -> memref<1x128x16xbf16, #tpu.memory_space<vmem>>
      %dma_start3A_438 = tpu.memref_squeeze %dma_start3A_437 : memref<1x128x16xbf16, #tpu.memory_space<vmem>> -> memref<128x16xbf16, #tpu.memory_space<vmem>>
      %dma_start3A_439 = arith.constant 0 : i32
      %dma_start3A_440 = tpu.memref_slice %arg5[%dma_start3A_433, %add3A_432, %dma_start3A_439] : memref<2x32x128xi32, #tpu.memory_space<vmem>> -> memref<1x1x128xi32, #tpu.memory_space<vmem>>
      %dma_start3A_441 = tpu.memref_squeeze %dma_start3A_440 : memref<1x1x128xi32, #tpu.memory_space<vmem>> -> memref<128xi32, #tpu.memory_space<vmem>>
      %dma_start3A_442 = arith.constant 0 : i32
      %dma_start3A_443 = arith.constant 0 : i32
      %dma_start3A_444 = tpu.memref_slice %arg3[%dma_start3A_442, %dma_start3A_443] : memref<100000x16xbf16, #tpu.memory_space<hbm>> -> memref<100000x16xbf16, #tpu.memory_space<hbm>>
      tpu.enqueue_indirect_dma source(%dma_start3A_444 : memref<100000x16xbf16, #tpu.memory_space<hbm>>) target(%dma_start3A_438 : memref<128x16xbf16, #tpu.memory_space<vmem>>) offsets(%dma_start3A_441 : memref<128xi32, #tpu.memory_space<vmem>>) semaphore(%arg9 : memref<!tpu.dma_semaphore, #tpu.memory_space<semaphore_mem>>)
      %add3A_445 = arith.constant 5 : i32
      %add3A_446 = arith.addi %rem3A_369, %add3A_445 : i32
      %dma_start3A_447 = arith.constant 1 : i32
      %dma_start3A_448 = arith.constant 1 : i32
      %dma_start3A_449 = arith.constant 640 : i32
      %dma_start3A_450 = arith.constant 0 : i32
      %dma_start3A_451 = tpu.memref_slice %arg6[%dma_start3A_448, %dma_start3A_449, %dma_start3A_450] : memref<2x3200x16xbf16, #tpu.memory_space<vmem>> -> memref<1x128x16xbf16, #tpu.memory_space<vmem>>
      %dma_start3A_452 = tpu.memref_squeeze %dma_start3A_451 : memref<1x128x16xbf16, #tpu.memory_space<vmem>> -> memref<128x16xbf16, #tpu.memory_space<vmem>>
      %dma_start3A_453 = arith.constant 0 : i32
      %dma_start3A_454 = tpu.memref_slice %arg5[%dma_start3A_447, %add3A_446, %dma_start3A_453] : memref<2x32x128xi32, #tpu.memory_space<vmem>> -> memref<1x1x128xi32, #tpu.memory_space<vmem>>
      %dma_start3A_455 = tpu.memref_squeeze %dma_start3A_454 : memref<1x1x128xi32, #tpu.memory_space<vmem>> -> memref<128xi32, #tpu.memory_space<vmem>>
      %dma_start3A_456 = arith.constant 0 : i32
      %dma_start3A_457 = arith.constant 0 : i32
      %dma_start3A_458 = tpu.memref_slice %arg3[%dma_start3A_456, %dma_start3A_457] : memref<100000x16xbf16, #tpu.memory_space<hbm>> -> memref<100000x16xbf16, #tpu.memory_space<hbm>>
      tpu.enqueue_indirect_dma source(%dma_start3A_458 : memref<100000x16xbf16, #tpu.memory_space<hbm>>) target(%dma_start3A_452 : memref<128x16xbf16, #tpu.memory_space<vmem>>) offsets(%dma_start3A_455 : memref<128xi32, #tpu.memory_space<vmem>>) semaphore(%arg9 : memref<!tpu.dma_semaphore, #tpu.memory_space<semaphore_mem>>)
      %add3A_459 = arith.constant 6 : i32
      %add3A_460 = arith.addi %rem3A_369, %add3A_459 : i32
      %dma_start3A_461 = arith.constant 1 : i32
      %dma_start3A_462 = arith.constant 1 : i32
      %dma_start3A_463 = arith.constant 768 : i32
      %dma_start3A_464 = arith.constant 0 : i32
      %dma_start3A_465 = tpu.memref_slice %arg6[%dma_start3A_462, %dma_start3A_463, %dma_start3A_464] : memref<2x3200x16xbf16, #tpu.memory_space<vmem>> -> memref<1x128x16xbf16, #tpu.memory_space<vmem>>
      %dma_start3A_466 = tpu.memref_squeeze %dma_start3A_465 : memref<1x128x16xbf16, #tpu.memory_space<vmem>> -> memref<128x16xbf16, #tpu.memory_space<vmem>>
      %dma_start3A_467 = arith.constant 0 : i32
      %dma_start3A_468 = tpu.memref_slice %arg5[%dma_start3A_461, %add3A_460, %dma_start3A_467] : memref<2x32x128xi32, #tpu.memory_space<vmem>> -> memref<1x1x128xi32, #tpu.memory_space<vmem>>
      %dma_start3A_469 = tpu.memref_squeeze %dma_start3A_468 : memref<1x1x128xi32, #tpu.memory_space<vmem>> -> memref<128xi32, #tpu.memory_space<vmem>>
      %dma_start3A_470 = arith.constant 0 : i32
      %dma_start3A_471 = arith.constant 0 : i32
      %dma_start3A_472 = tpu.memref_slice %arg3[%dma_start3A_470, %dma_start3A_471] : memref<100000x16xbf16, #tpu.memory_space<hbm>> -> memref<100000x16xbf16, #tpu.memory_space<hbm>>
      tpu.enqueue_indirect_dma source(%dma_start3A_472 : memref<100000x16xbf16, #tpu.memory_space<hbm>>) target(%dma_start3A_466 : memref<128x16xbf16, #tpu.memory_space<vmem>>) offsets(%dma_start3A_469 : memref<128xi32, #tpu.memory_space<vmem>>) semaphore(%arg9 : memref<!tpu.dma_semaphore, #tpu.memory_space<semaphore_mem>>)
      %add3A_473 = arith.constant 7 : i32
      %add3A_474 = arith.addi %rem3A_369, %add3A_473 : i32
      %dma_start3A_475 = arith.constant 1 : i32
      %dma_start3A_476 = arith.constant 1 : i32
      %dma_start3A_477 = arith.constant 896 : i32
      %dma_start3A_478 = arith.constant 0 : i32
      %dma_start3A_479 = tpu.memref_slice %arg6[%dma_start3A_476, %dma_start3A_477, %dma_start3A_478] : memref<2x3200x16xbf16, #tpu.memory_space<vmem>> -> memref<1x128x16xbf16, #tpu.memory_space<vmem>>
      %dma_start3A_480 = tpu.memref_squeeze %dma_start3A_479 : memref<1x128x16xbf16, #tpu.memory_space<vmem>> -> memref<128x16xbf16, #tpu.memory_space<vmem>>
      %dma_start3A_481 = arith.constant 0 : i32
      %dma_start3A_482 = tpu.memref_slice %arg5[%dma_start3A_475, %add3A_474, %dma_start3A_481] : memref<2x32x128xi32, #tpu.memory_space<vmem>> -> memref<1x1x128xi32, #tpu.memory_space<vmem>>
      %dma_start3A_483 = tpu.memref_squeeze %dma_start3A_482 : memref<1x1x128xi32, #tpu.memory_space<vmem>> -> memref<128xi32, #tpu.memory_space<vmem>>
      %dma_start3A_484 = arith.constant 0 : i32
      %dma_start3A_485 = arith.constant 0 : i32
      %dma_start3A_486 = tpu.memref_slice %arg3[%dma_start3A_484, %dma_start3A_485] : memref<100000x16xbf16, #tpu.memory_space<hbm>> -> memref<100000x16xbf16, #tpu.memory_space<hbm>>
      tpu.enqueue_indirect_dma source(%dma_start3A_486 : memref<100000x16xbf16, #tpu.memory_space<hbm>>) target(%dma_start3A_480 : memref<128x16xbf16, #tpu.memory_space<vmem>>) offsets(%dma_start3A_483 : memref<128xi32, #tpu.memory_space<vmem>>) semaphore(%arg9 : memref<!tpu.dma_semaphore, #tpu.memory_space<semaphore_mem>>)
      %add3A_487 = arith.constant 8 : i32
      %add3A_488 = arith.addi %rem3A_369, %add3A_487 : i32
      %dma_start3A_489 = arith.constant 1 : i32
      %dma_start3A_490 = arith.constant 1 : i32
      %dma_start3A_491 = arith.constant 1024 : i32
      %dma_start3A_492 = arith.constant 0 : i32
      %dma_start3A_493 = tpu.memref_slice %arg6[%dma_start3A_490, %dma_start3A_491, %dma_start3A_492] : memref<2x3200x16xbf16, #tpu.memory_space<vmem>> -> memref<1x128x16xbf16, #tpu.memory_space<vmem>>
      %dma_start3A_494 = tpu.memref_squeeze %dma_start3A_493 : memref<1x128x16xbf16, #tpu.memory_space<vmem>> -> memref<128x16xbf16, #tpu.memory_space<vmem>>
      %dma_start3A_495 = arith.constant 0 : i32
      %dma_start3A_496 = tpu.memref_slice %arg5[%dma_start3A_489, %add3A_488, %dma_start3A_495] : memref<2x32x128xi32, #tpu.memory_space<vmem>> -> memref<1x1x128xi32, #tpu.memory_space<vmem>>
      %dma_start3A_497 = tpu.memref_squeeze %dma_start3A_496 : memref<1x1x128xi32, #tpu.memory_space<vmem>> -> memref<128xi32, #tpu.memory_space<vmem>>
      %dma_start3A_498 = arith.constant 0 : i32
      %dma_start3A_499 = arith.constant 0 : i32
      %dma_start3A_500 = tpu.memref_slice %arg3[%dma_start3A_498, %dma_start3A_499] : memref<100000x16xbf16, #tpu.memory_space<hbm>> -> memref<100000x16xbf16, #tpu.memory_space<hbm>>
      tpu.enqueue_indirect_dma source(%dma_start3A_500 : memref<100000x16xbf16, #tpu.memory_space<hbm>>) target(%dma_start3A_494 : memref<128x16xbf16, #tpu.memory_space<vmem>>) offsets(%dma_start3A_497 : memref<128xi32, #tpu.memory_space<vmem>>) semaphore(%arg9 : memref<!tpu.dma_semaphore, #tpu.memory_space<semaphore_mem>>)
      %add3A_501 = arith.constant 9 : i32
      %add3A_502 = arith.addi %rem3A_369, %add3A_501 : i32
      %dma_start3A_503 = arith.constant 1 : i32
      %dma_start3A_504 = arith.constant 1 : i32
      %dma_start3A_505 = arith.constant 1152 : i32
      %dma_start3A_506 = arith.constant 0 : i32
      %dma_start3A_507 = tpu.memref_slice %arg6[%dma_start3A_504, %dma_start3A_505, %dma_start3A_506] : memref<2x3200x16xbf16, #tpu.memory_space<vmem>> -> memref<1x128x16xbf16, #tpu.memory_space<vmem>>
      %dma_start3A_508 = tpu.memref_squeeze %dma_start3A_507 : memref<1x128x16xbf16, #tpu.memory_space<vmem>> -> memref<128x16xbf16, #tpu.memory_space<vmem>>
      %dma_start3A_509 = arith.constant 0 : i32
      %dma_start3A_510 = tpu.memref_slice %arg5[%dma_start3A_503, %add3A_502, %dma_start3A_509] : memref<2x32x128xi32, #tpu.memory_space<vmem>> -> memref<1x1x128xi32, #tpu.memory_space<vmem>>
      %dma_start3A_511 = tpu.memref_squeeze %dma_start3A_510 : memref<1x1x128xi32, #tpu.memory_space<vmem>> -> memref<128xi32, #tpu.memory_space<vmem>>
      %dma_start3A_512 = arith.constant 0 : i32
      %dma_start3A_513 = arith.constant 0 : i32
      %dma_start3A_514 = tpu.memref_slice %arg3[%dma_start3A_512, %dma_start3A_513] : memref<100000x16xbf16, #tpu.memory_space<hbm>> -> memref<100000x16xbf16, #tpu.memory_space<hbm>>
      tpu.enqueue_indirect_dma source(%dma_start3A_514 : memref<100000x16xbf16, #tpu.memory_space<hbm>>) target(%dma_start3A_508 : memref<128x16xbf16, #tpu.memory_space<vmem>>) offsets(%dma_start3A_511 : memref<128xi32, #tpu.memory_space<vmem>>) semaphore(%arg9 : memref<!tpu.dma_semaphore, #tpu.memory_space<semaphore_mem>>)
      %add3A_515 = arith.constant 10 : i32
      %add3A_516 = arith.addi %rem3A_369, %add3A_515 : i32
      %dma_start3A_517 = arith.constant 1 : i32
      %dma_start3A_518 = arith.constant 1 : i32
      %dma_start3A_519 = arith.constant 1280 : i32
      %dma_start3A_520 = arith.constant 0 : i32
      %dma_start3A_521 = tpu.memref_slice %arg6[%dma_start3A_518, %dma_start3A_519, %dma_start3A_520] : memref<2x3200x16xbf16, #tpu.memory_space<vmem>> -> memref<1x128x16xbf16, #tpu.memory_space<vmem>>
      %dma_start3A_522 = tpu.memref_squeeze %dma_start3A_521 : memref<1x128x16xbf16, #tpu.memory_space<vmem>> -> memref<128x16xbf16, #tpu.memory_space<vmem>>
      %dma_start3A_523 = arith.constant 0 : i32
      %dma_start3A_524 = tpu.memref_slice %arg5[%dma_start3A_517, %add3A_516, %dma_start3A_523] : memref<2x32x128xi32, #tpu.memory_space<vmem>> -> memref<1x1x128xi32, #tpu.memory_space<vmem>>
      %dma_start3A_525 = tpu.memref_squeeze %dma_start3A_524 : memref<1x1x128xi32, #tpu.memory_space<vmem>> -> memref<128xi32, #tpu.memory_space<vmem>>
      %dma_start3A_526 = arith.constant 0 : i32
      %dma_start3A_527 = arith.constant 0 : i32
      %dma_start3A_528 = tpu.memref_slice %arg3[%dma_start3A_526, %dma_start3A_527] : memref<100000x16xbf16, #tpu.memory_space<hbm>> -> memref<100000x16xbf16, #tpu.memory_space<hbm>>
      tpu.enqueue_indirect_dma source(%dma_start3A_528 : memref<100000x16xbf16, #tpu.memory_space<hbm>>) target(%dma_start3A_522 : memref<128x16xbf16, #tpu.memory_space<vmem>>) offsets(%dma_start3A_525 : memref<128xi32, #tpu.memory_space<vmem>>) semaphore(%arg9 : memref<!tpu.dma_semaphore, #tpu.memory_space<semaphore_mem>>)
      %add3A_529 = arith.constant 11 : i32
      %add3A_530 = arith.addi %rem3A_369, %add3A_529 : i32
      %dma_start3A_531 = arith.constant 1 : i32
      %dma_start3A_532 = arith.constant 1 : i32
      %dma_start3A_533 = arith.constant 1408 : i32
      %dma_start3A_534 = arith.constant 0 : i32
      %dma_start3A_535 = tpu.memref_slice %arg6[%dma_start3A_532, %dma_start3A_533, %dma_start3A_534] : memref<2x3200x16xbf16, #tpu.memory_space<vmem>> -> memref<1x128x16xbf16, #tpu.memory_space<vmem>>
      %dma_start3A_536 = tpu.memref_squeeze %dma_start3A_535 : memref<1x128x16xbf16, #tpu.memory_space<vmem>> -> memref<128x16xbf16, #tpu.memory_space<vmem>>
      %dma_start3A_537 = arith.constant 0 : i32
      %dma_start3A_538 = tpu.memref_slice %arg5[%dma_start3A_531, %add3A_530, %dma_start3A_537] : memref<2x32x128xi32, #tpu.memory_space<vmem>> -> memref<1x1x128xi32, #tpu.memory_space<vmem>>
      %dma_start3A_539 = tpu.memref_squeeze %dma_start3A_538 : memref<1x1x128xi32, #tpu.memory_space<vmem>> -> memref<128xi32, #tpu.memory_space<vmem>>
      %dma_start3A_540 = arith.constant 0 : i32
      %dma_start3A_541 = arith.constant 0 : i32
      %dma_start3A_542 = tpu.memref_slice %arg3[%dma_start3A_540, %dma_start3A_541] : memref<100000x16xbf16, #tpu.memory_space<hbm>> -> memref<100000x16xbf16, #tpu.memory_space<hbm>>
      tpu.enqueue_indirect_dma source(%dma_start3A_542 : memref<100000x16xbf16, #tpu.memory_space<hbm>>) target(%dma_start3A_536 : memref<128x16xbf16, #tpu.memory_space<vmem>>) offsets(%dma_start3A_539 : memref<128xi32, #tpu.memory_space<vmem>>) semaphore(%arg9 : memref<!tpu.dma_semaphore, #tpu.memory_space<semaphore_mem>>)
      %add3A_543 = arith.constant 12 : i32
      %add3A_544 = arith.addi %rem3A_369, %add3A_543 : i32
      %dma_start3A_545 = arith.constant 1 : i32
      %dma_start3A_546 = arith.constant 1 : i32
      %dma_start3A_547 = arith.constant 1536 : i32
      %dma_start3A_548 = arith.constant 0 : i32
      %dma_start3A_549 = tpu.memref_slice %arg6[%dma_start3A_546, %dma_start3A_547, %dma_start3A_548] : memref<2x3200x16xbf16, #tpu.memory_space<vmem>> -> memref<1x128x16xbf16, #tpu.memory_space<vmem>>
      %dma_start3A_550 = tpu.memref_squeeze %dma_start3A_549 : memref<1x128x16xbf16, #tpu.memory_space<vmem>> -> memref<128x16xbf16, #tpu.memory_space<vmem>>
      %dma_start3A_551 = arith.constant 0 : i32
      %dma_start3A_552 = tpu.memref_slice %arg5[%dma_start3A_545, %add3A_544, %dma_start3A_551] : memref<2x32x128xi32, #tpu.memory_space<vmem>> -> memref<1x1x128xi32, #tpu.memory_space<vmem>>
      %dma_start3A_553 = tpu.memref_squeeze %dma_start3A_552 : memref<1x1x128xi32, #tpu.memory_space<vmem>> -> memref<128xi32, #tpu.memory_space<vmem>>
      %dma_start3A_554 = arith.constant 0 : i32
      %dma_start3A_555 = arith.constant 0 : i32
      %dma_start3A_556 = tpu.memref_slice %arg3[%dma_start3A_554, %dma_start3A_555] : memref<100000x16xbf16, #tpu.memory_space<hbm>> -> memref<100000x16xbf16, #tpu.memory_space<hbm>>
      tpu.enqueue_indirect_dma source(%dma_start3A_556 : memref<100000x16xbf16, #tpu.memory_space<hbm>>) target(%dma_start3A_550 : memref<128x16xbf16, #tpu.memory_space<vmem>>) offsets(%dma_start3A_553 : memref<128xi32, #tpu.memory_space<vmem>>) semaphore(%arg9 : memref<!tpu.dma_semaphore, #tpu.memory_space<semaphore_mem>>)
      %add3A_557 = arith.constant 13 : i32
      %add3A_558 = arith.addi %rem3A_369, %add3A_557 : i32
      %dma_start3A_559 = arith.constant 1 : i32
      %dma_start3A_560 = arith.constant 1 : i32
      %dma_start3A_561 = arith.constant 1664 : i32
      %dma_start3A_562 = arith.constant 0 : i32
      %dma_start3A_563 = tpu.memref_slice %arg6[%dma_start3A_560, %dma_start3A_561, %dma_start3A_562] : memref<2x3200x16xbf16, #tpu.memory_space<vmem>> -> memref<1x128x16xbf16, #tpu.memory_space<vmem>>
      %dma_start3A_564 = tpu.memref_squeeze %dma_start3A_563 : memref<1x128x16xbf16, #tpu.memory_space<vmem>> -> memref<128x16xbf16, #tpu.memory_space<vmem>>
      %dma_start3A_565 = arith.constant 0 : i32
      %dma_start3A_566 = tpu.memref_slice %arg5[%dma_start3A_559, %add3A_558, %dma_start3A_565] : memref<2x32x128xi32, #tpu.memory_space<vmem>> -> memref<1x1x128xi32, #tpu.memory_space<vmem>>
      %dma_start3A_567 = tpu.memref_squeeze %dma_start3A_566 : memref<1x1x128xi32, #tpu.memory_space<vmem>> -> memref<128xi32, #tpu.memory_space<vmem>>
      %dma_start3A_568 = arith.constant 0 : i32
      %dma_start3A_569 = arith.constant 0 : i32
      %dma_start3A_570 = tpu.memref_slice %arg3[%dma_start3A_568, %dma_start3A_569] : memref<100000x16xbf16, #tpu.memory_space<hbm>> -> memref<100000x16xbf16, #tpu.memory_space<hbm>>
      tpu.enqueue_indirect_dma source(%dma_start3A_570 : memref<100000x16xbf16, #tpu.memory_space<hbm>>) target(%dma_start3A_564 : memref<128x16xbf16, #tpu.memory_space<vmem>>) offsets(%dma_start3A_567 : memref<128xi32, #tpu.memory_space<vmem>>) semaphore(%arg9 : memref<!tpu.dma_semaphore, #tpu.memory_space<semaphore_mem>>)
      %add3A_571 = arith.constant 14 : i32
      %add3A_572 = arith.addi %rem3A_369, %add3A_571 : i32
      %dma_start3A_573 = arith.constant 1 : i32
      %dma_start3A_574 = arith.constant 1 : i32
      %dma_start3A_575 = arith.constant 1792 : i32
      %dma_start3A_576 = arith.constant 0 : i32
      %dma_start3A_577 = tpu.memref_slice %arg6[%dma_start3A_574, %dma_start3A_575, %dma_start3A_576] : memref<2x3200x16xbf16, #tpu.memory_space<vmem>> -> memref<1x128x16xbf16, #tpu.memory_space<vmem>>
      %dma_start3A_578 = tpu.memref_squeeze %dma_start3A_577 : memref<1x128x16xbf16, #tpu.memory_space<vmem>> -> memref<128x16xbf16, #tpu.memory_space<vmem>>
      %dma_start3A_579 = arith.constant 0 : i32
      %dma_start3A_580 = tpu.memref_slice %arg5[%dma_start3A_573, %add3A_572, %dma_start3A_579] : memref<2x32x128xi32, #tpu.memory_space<vmem>> -> memref<1x1x128xi32, #tpu.memory_space<vmem>>
      %dma_start3A_581 = tpu.memref_squeeze %dma_start3A_580 : memref<1x1x128xi32, #tpu.memory_space<vmem>> -> memref<128xi32, #tpu.memory_space<vmem>>
      %dma_start3A_582 = arith.constant 0 : i32
      %dma_start3A_583 = arith.constant 0 : i32
      %dma_start3A_584 = tpu.memref_slice %arg3[%dma_start3A_582, %dma_start3A_583] : memref<100000x16xbf16, #tpu.memory_space<hbm>> -> memref<100000x16xbf16, #tpu.memory_space<hbm>>
      tpu.enqueue_indirect_dma source(%dma_start3A_584 : memref<100000x16xbf16, #tpu.memory_space<hbm>>) target(%dma_start3A_578 : memref<128x16xbf16, #tpu.memory_space<vmem>>) offsets(%dma_start3A_581 : memref<128xi32, #tpu.memory_space<vmem>>) semaphore(%arg9 : memref<!tpu.dma_semaphore, #tpu.memory_space<semaphore_mem>>)
      %add3A_585 = arith.constant 15 : i32
      %add3A_586 = arith.addi %rem3A_369, %add3A_585 : i32
      %dma_start3A_587 = arith.constant 1 : i32
      %dma_start3A_588 = arith.constant 1 : i32
      %dma_start3A_589 = arith.constant 1920 : i32
      %dma_start3A_590 = arith.constant 0 : i32
      %dma_start3A_591 = tpu.memref_slice %arg6[%dma_start3A_588, %dma_start3A_589, %dma_start3A_590] : memref<2x3200x16xbf16, #tpu.memory_space<vmem>> -> memref<1x128x16xbf16, #tpu.memory_space<vmem>>
      %dma_start3A_592 = tpu.memref_squeeze %dma_start3A_591 : memref<1x128x16xbf16, #tpu.memory_space<vmem>> -> memref<128x16xbf16, #tpu.memory_space<vmem>>
      %dma_start3A_593 = arith.constant 0 : i32
      %dma_start3A_594 = tpu.memref_slice %arg5[%dma_start3A_587, %add3A_586, %dma_start3A_593] : memref<2x32x128xi32, #tpu.memory_space<vmem>> -> memref<1x1x128xi32, #tpu.memory_space<vmem>>
      %dma_start3A_595 = tpu.memref_squeeze %dma_start3A_594 : memref<1x1x128xi32, #tpu.memory_space<vmem>> -> memref<128xi32, #tpu.memory_space<vmem>>
      %dma_start3A_596 = arith.constant 0 : i32
      %dma_start3A_597 = arith.constant 0 : i32
      %dma_start3A_598 = tpu.memref_slice %arg3[%dma_start3A_596, %dma_start3A_597] : memref<100000x16xbf16, #tpu.memory_space<hbm>> -> memref<100000x16xbf16, #tpu.memory_space<hbm>>
      tpu.enqueue_indirect_dma source(%dma_start3A_598 : memref<100000x16xbf16, #tpu.memory_space<hbm>>) target(%dma_start3A_592 : memref<128x16xbf16, #tpu.memory_space<vmem>>) offsets(%dma_start3A_595 : memref<128xi32, #tpu.memory_space<vmem>>) semaphore(%arg9 : memref<!tpu.dma_semaphore, #tpu.memory_space<semaphore_mem>>)
      %add3A_599 = arith.constant 16 : i32
      %add3A_600 = arith.addi %rem3A_369, %add3A_599 : i32
      %dma_start3A_601 = arith.constant 1 : i32
      %dma_start3A_602 = arith.constant 1 : i32
      %dma_start3A_603 = arith.constant 2048 : i32
      %dma_start3A_604 = arith.constant 0 : i32
      %dma_start3A_605 = tpu.memref_slice %arg6[%dma_start3A_602, %dma_start3A_603, %dma_start3A_604] : memref<2x3200x16xbf16, #tpu.memory_space<vmem>> -> memref<1x128x16xbf16, #tpu.memory_space<vmem>>
      %dma_start3A_606 = tpu.memref_squeeze %dma_start3A_605 : memref<1x128x16xbf16, #tpu.memory_space<vmem>> -> memref<128x16xbf16, #tpu.memory_space<vmem>>
      %dma_start3A_607 = arith.constant 0 : i32
      %dma_start3A_608 = tpu.memref_slice %arg5[%dma_start3A_601, %add3A_600, %dma_start3A_607] : memref<2x32x128xi32, #tpu.memory_space<vmem>> -> memref<1x1x128xi32, #tpu.memory_space<vmem>>
      %dma_start3A_609 = tpu.memref_squeeze %dma_start3A_608 : memref<1x1x128xi32, #tpu.memory_space<vmem>> -> memref<128xi32, #tpu.memory_space<vmem>>
      %dma_start3A_610 = arith.constant 0 : i32
      %dma_start3A_611 = arith.constant 0 : i32
      %dma_start3A_612 = tpu.memref_slice %arg3[%dma_start3A_610, %dma_start3A_611] : memref<100000x16xbf16, #tpu.memory_space<hbm>> -> memref<100000x16xbf16, #tpu.memory_space<hbm>>
      tpu.enqueue_indirect_dma source(%dma_start3A_612 : memref<100000x16xbf16, #tpu.memory_space<hbm>>) target(%dma_start3A_606 : memref<128x16xbf16, #tpu.memory_space<vmem>>) offsets(%dma_start3A_609 : memref<128xi32, #tpu.memory_space<vmem>>) semaphore(%arg9 : memref<!tpu.dma_semaphore, #tpu.memory_space<semaphore_mem>>)
      %add3A_613 = arith.constant 17 : i32
      %add3A_614 = arith.addi %rem3A_369, %add3A_613 : i32
      %dma_start3A_615 = arith.constant 1 : i32
      %dma_start3A_616 = arith.constant 1 : i32
      %dma_start3A_617 = arith.constant 2176 : i32
      %dma_start3A_618 = arith.constant 0 : i32
      %dma_start3A_619 = tpu.memref_slice %arg6[%dma_start3A_616, %dma_start3A_617, %dma_start3A_618] : memref<2x3200x16xbf16, #tpu.memory_space<vmem>> -> memref<1x128x16xbf16, #tpu.memory_space<vmem>>
      %dma_start3A_620 = tpu.memref_squeeze %dma_start3A_619 : memref<1x128x16xbf16, #tpu.memory_space<vmem>> -> memref<128x16xbf16, #tpu.memory_space<vmem>>
      %dma_start3A_621 = arith.constant 0 : i32
      %dma_start3A_622 = tpu.memref_slice %arg5[%dma_start3A_615, %add3A_614, %dma_start3A_621] : memref<2x32x128xi32, #tpu.memory_space<vmem>> -> memref<1x1x128xi32, #tpu.memory_space<vmem>>
      %dma_start3A_623 = tpu.memref_squeeze %dma_start3A_622 : memref<1x1x128xi32, #tpu.memory_space<vmem>> -> memref<128xi32, #tpu.memory_space<vmem>>
      %dma_start3A_624 = arith.constant 0 : i32
      %dma_start3A_625 = arith.constant 0 : i32
      %dma_start3A_626 = tpu.memref_slice %arg3[%dma_start3A_624, %dma_start3A_625] : memref<100000x16xbf16, #tpu.memory_space<hbm>> -> memref<100000x16xbf16, #tpu.memory_space<hbm>>
      tpu.enqueue_indirect_dma source(%dma_start3A_626 : memref<100000x16xbf16, #tpu.memory_space<hbm>>) target(%dma_start3A_620 : memref<128x16xbf16, #tpu.memory_space<vmem>>) offsets(%dma_start3A_623 : memref<128xi32, #tpu.memory_space<vmem>>) semaphore(%arg9 : memref<!tpu.dma_semaphore, #tpu.memory_space<semaphore_mem>>)
      %add3A_627 = arith.constant 18 : i32
      %add3A_628 = arith.addi %rem3A_369, %add3A_627 : i32
      %dma_start3A_629 = arith.constant 1 : i32
      %dma_start3A_630 = arith.constant 1 : i32
      %dma_start3A_631 = arith.constant 2304 : i32
      %dma_start3A_632 = arith.constant 0 : i32
      %dma_start3A_633 = tpu.memref_slice %arg6[%dma_start3A_630, %dma_start3A_631, %dma_start3A_632] : memref<2x3200x16xbf16, #tpu.memory_space<vmem>> -> memref<1x128x16xbf16, #tpu.memory_space<vmem>>
      %dma_start3A_634 = tpu.memref_squeeze %dma_start3A_633 : memref<1x128x16xbf16, #tpu.memory_space<vmem>> -> memref<128x16xbf16, #tpu.memory_space<vmem>>
      %dma_start3A_635 = arith.constant 0 : i32
      %dma_start3A_636 = tpu.memref_slice %arg5[%dma_start3A_629, %add3A_628, %dma_start3A_635] : memref<2x32x128xi32, #tpu.memory_space<vmem>> -> memref<1x1x128xi32, #tpu.memory_space<vmem>>
      %dma_start3A_637 = tpu.memref_squeeze %dma_start3A_636 : memref<1x1x128xi32, #tpu.memory_space<vmem>> -> memref<128xi32, #tpu.memory_space<vmem>>
      %dma_start3A_638 = arith.constant 0 : i32
      %dma_start3A_639 = arith.constant 0 : i32
      %dma_start3A_640 = tpu.memref_slice %arg3[%dma_start3A_638, %dma_start3A_639] : memref<100000x16xbf16, #tpu.memory_space<hbm>> -> memref<100000x16xbf16, #tpu.memory_space<hbm>>
      tpu.enqueue_indirect_dma source(%dma_start3A_640 : memref<100000x16xbf16, #tpu.memory_space<hbm>>) target(%dma_start3A_634 : memref<128x16xbf16, #tpu.memory_space<vmem>>) offsets(%dma_start3A_637 : memref<128xi32, #tpu.memory_space<vmem>>) semaphore(%arg9 : memref<!tpu.dma_semaphore, #tpu.memory_space<semaphore_mem>>)
      %add3A_641 = arith.constant 19 : i32
      %add3A_642 = arith.addi %rem3A_369, %add3A_641 : i32
      %dma_start3A_643 = arith.constant 1 : i32
      %dma_start3A_644 = arith.constant 1 : i32
      %dma_start3A_645 = arith.constant 2432 : i32
      %dma_start3A_646 = arith.constant 0 : i32
      %dma_start3A_647 = tpu.memref_slice %arg6[%dma_start3A_644, %dma_start3A_645, %dma_start3A_646] : memref<2x3200x16xbf16, #tpu.memory_space<vmem>> -> memref<1x128x16xbf16, #tpu.memory_space<vmem>>
      %dma_start3A_648 = tpu.memref_squeeze %dma_start3A_647 : memref<1x128x16xbf16, #tpu.memory_space<vmem>> -> memref<128x16xbf16, #tpu.memory_space<vmem>>
      %dma_start3A_649 = arith.constant 0 : i32
      %dma_start3A_650 = tpu.memref_slice %arg5[%dma_start3A_643, %add3A_642, %dma_start3A_649] : memref<2x32x128xi32, #tpu.memory_space<vmem>> -> memref<1x1x128xi32, #tpu.memory_space<vmem>>
      %dma_start3A_651 = tpu.memref_squeeze %dma_start3A_650 : memref<1x1x128xi32, #tpu.memory_space<vmem>> -> memref<128xi32, #tpu.memory_space<vmem>>
      %dma_start3A_652 = arith.constant 0 : i32
      %dma_start3A_653 = arith.constant 0 : i32
      %dma_start3A_654 = tpu.memref_slice %arg3[%dma_start3A_652, %dma_start3A_653] : memref<100000x16xbf16, #tpu.memory_space<hbm>> -> memref<100000x16xbf16, #tpu.memory_space<hbm>>
      tpu.enqueue_indirect_dma source(%dma_start3A_654 : memref<100000x16xbf16, #tpu.memory_space<hbm>>) target(%dma_start3A_648 : memref<128x16xbf16, #tpu.memory_space<vmem>>) offsets(%dma_start3A_651 : memref<128xi32, #tpu.memory_space<vmem>>) semaphore(%arg9 : memref<!tpu.dma_semaphore, #tpu.memory_space<semaphore_mem>>)
      %add3A_655 = arith.constant 20 : i32
      %add3A_656 = arith.addi %rem3A_369, %add3A_655 : i32
      %dma_start3A_657 = arith.constant 1 : i32
      %dma_start3A_658 = arith.constant 1 : i32
      %dma_start3A_659 = arith.constant 2560 : i32
      %dma_start3A_660 = arith.constant 0 : i32
      %dma_start3A_661 = tpu.memref_slice %arg6[%dma_start3A_658, %dma_start3A_659, %dma_start3A_660] : memref<2x3200x16xbf16, #tpu.memory_space<vmem>> -> memref<1x128x16xbf16, #tpu.memory_space<vmem>>
      %dma_start3A_662 = tpu.memref_squeeze %dma_start3A_661 : memref<1x128x16xbf16, #tpu.memory_space<vmem>> -> memref<128x16xbf16, #tpu.memory_space<vmem>>
      %dma_start3A_663 = arith.constant 0 : i32
      %dma_start3A_664 = tpu.memref_slice %arg5[%dma_start3A_657, %add3A_656, %dma_start3A_663] : memref<2x32x128xi32, #tpu.memory_space<vmem>> -> memref<1x1x128xi32, #tpu.memory_space<vmem>>
      %dma_start3A_665 = tpu.memref_squeeze %dma_start3A_664 : memref<1x1x128xi32, #tpu.memory_space<vmem>> -> memref<128xi32, #tpu.memory_space<vmem>>
      %dma_start3A_666 = arith.constant 0 : i32
      %dma_start3A_667 = arith.constant 0 : i32
      %dma_start3A_668 = tpu.memref_slice %arg3[%dma_start3A_666, %dma_start3A_667] : memref<100000x16xbf16, #tpu.memory_space<hbm>> -> memref<100000x16xbf16, #tpu.memory_space<hbm>>
      tpu.enqueue_indirect_dma source(%dma_start3A_668 : memref<100000x16xbf16, #tpu.memory_space<hbm>>) target(%dma_start3A_662 : memref<128x16xbf16, #tpu.memory_space<vmem>>) offsets(%dma_start3A_665 : memref<128xi32, #tpu.memory_space<vmem>>) semaphore(%arg9 : memref<!tpu.dma_semaphore, #tpu.memory_space<semaphore_mem>>)
      %add3A_669 = arith.constant 21 : i32
      %add3A_670 = arith.addi %rem3A_369, %add3A_669 : i32
      %dma_start3A_671 = arith.constant 1 : i32
      %dma_start3A_672 = arith.constant 1 : i32
      %dma_start3A_673 = arith.constant 2688 : i32
      %dma_start3A_674 = arith.constant 0 : i32
      %dma_start3A_675 = tpu.memref_slice %arg6[%dma_start3A_672, %dma_start3A_673, %dma_start3A_674] : memref<2x3200x16xbf16, #tpu.memory_space<vmem>> -> memref<1x128x16xbf16, #tpu.memory_space<vmem>>
      %dma_start3A_676 = tpu.memref_squeeze %dma_start3A_675 : memref<1x128x16xbf16, #tpu.memory_space<vmem>> -> memref<128x16xbf16, #tpu.memory_space<vmem>>
      %dma_start3A_677 = arith.constant 0 : i32
      %dma_start3A_678 = tpu.memref_slice %arg5[%dma_start3A_671, %add3A_670, %dma_start3A_677] : memref<2x32x128xi32, #tpu.memory_space<vmem>> -> memref<1x1x128xi32, #tpu.memory_space<vmem>>
      %dma_start3A_679 = tpu.memref_squeeze %dma_start3A_678 : memref<1x1x128xi32, #tpu.memory_space<vmem>> -> memref<128xi32, #tpu.memory_space<vmem>>
      %dma_start3A_680 = arith.constant 0 : i32
      %dma_start3A_681 = arith.constant 0 : i32
      %dma_start3A_682 = tpu.memref_slice %arg3[%dma_start3A_680, %dma_start3A_681] : memref<100000x16xbf16, #tpu.memory_space<hbm>> -> memref<100000x16xbf16, #tpu.memory_space<hbm>>
      tpu.enqueue_indirect_dma source(%dma_start3A_682 : memref<100000x16xbf16, #tpu.memory_space<hbm>>) target(%dma_start3A_676 : memref<128x16xbf16, #tpu.memory_space<vmem>>) offsets(%dma_start3A_679 : memref<128xi32, #tpu.memory_space<vmem>>) semaphore(%arg9 : memref<!tpu.dma_semaphore, #tpu.memory_space<semaphore_mem>>)
      %add3A_683 = arith.constant 22 : i32
      %add3A_684 = arith.addi %rem3A_369, %add3A_683 : i32
      %dma_start3A_685 = arith.constant 1 : i32
      %dma_start3A_686 = arith.constant 1 : i32
      %dma_start3A_687 = arith.constant 2816 : i32
      %dma_start3A_688 = arith.constant 0 : i32
      %dma_start3A_689 = tpu.memref_slice %arg6[%dma_start3A_686, %dma_start3A_687, %dma_start3A_688] : memref<2x3200x16xbf16, #tpu.memory_space<vmem>> -> memref<1x128x16xbf16, #tpu.memory_space<vmem>>
      %dma_start3A_690 = tpu.memref_squeeze %dma_start3A_689 : memref<1x128x16xbf16, #tpu.memory_space<vmem>> -> memref<128x16xbf16, #tpu.memory_space<vmem>>
      %dma_start3A_691 = arith.constant 0 : i32
      %dma_start3A_692 = tpu.memref_slice %arg5[%dma_start3A_685, %add3A_684, %dma_start3A_691] : memref<2x32x128xi32, #tpu.memory_space<vmem>> -> memref<1x1x128xi32, #tpu.memory_space<vmem>>
      %dma_start3A_693 = tpu.memref_squeeze %dma_start3A_692 : memref<1x1x128xi32, #tpu.memory_space<vmem>> -> memref<128xi32, #tpu.memory_space<vmem>>
      %dma_start3A_694 = arith.constant 0 : i32
      %dma_start3A_695 = arith.constant 0 : i32
      %dma_start3A_696 = tpu.memref_slice %arg3[%dma_start3A_694, %dma_start3A_695] : memref<100000x16xbf16, #tpu.memory_space<hbm>> -> memref<100000x16xbf16, #tpu.memory_space<hbm>>
      tpu.enqueue_indirect_dma source(%dma_start3A_696 : memref<100000x16xbf16, #tpu.memory_space<hbm>>) target(%dma_start3A_690 : memref<128x16xbf16, #tpu.memory_space<vmem>>) offsets(%dma_start3A_693 : memref<128xi32, #tpu.memory_space<vmem>>) semaphore(%arg9 : memref<!tpu.dma_semaphore, #tpu.memory_space<semaphore_mem>>)
      %add3A_697 = arith.constant 23 : i32
      %add3A_698 = arith.addi %rem3A_369, %add3A_697 : i32
      %dma_start3A_699 = arith.constant 1 : i32
      %dma_start3A_700 = arith.constant 1 : i32
      %dma_start3A_701 = arith.constant 2944 : i32
      %dma_start3A_702 = arith.constant 0 : i32
      %dma_start3A_703 = tpu.memref_slice %arg6[%dma_start3A_700, %dma_start3A_701, %dma_start3A_702] : memref<2x3200x16xbf16, #tpu.memory_space<vmem>> -> memref<1x128x16xbf16, #tpu.memory_space<vmem>>
      %dma_start3A_704 = tpu.memref_squeeze %dma_start3A_703 : memref<1x128x16xbf16, #tpu.memory_space<vmem>> -> memref<128x16xbf16, #tpu.memory_space<vmem>>
      %dma_start3A_705 = arith.constant 0 : i32
      %dma_start3A_706 = tpu.memref_slice %arg5[%dma_start3A_699, %add3A_698, %dma_start3A_705] : memref<2x32x128xi32, #tpu.memory_space<vmem>> -> memref<1x1x128xi32, #tpu.memory_space<vmem>>
      %dma_start3A_707 = tpu.memref_squeeze %dma_start3A_706 : memref<1x1x128xi32, #tpu.memory_space<vmem>> -> memref<128xi32, #tpu.memory_space<vmem>>
      %dma_start3A_708 = arith.constant 0 : i32
      %dma_start3A_709 = arith.constant 0 : i32
      %dma_start3A_710 = tpu.memref_slice %arg3[%dma_start3A_708, %dma_start3A_709] : memref<100000x16xbf16, #tpu.memory_space<hbm>> -> memref<100000x16xbf16, #tpu.memory_space<hbm>>
      tpu.enqueue_indirect_dma source(%dma_start3A_710 : memref<100000x16xbf16, #tpu.memory_space<hbm>>) target(%dma_start3A_704 : memref<128x16xbf16, #tpu.memory_space<vmem>>) offsets(%dma_start3A_707 : memref<128xi32, #tpu.memory_space<vmem>>) semaphore(%arg9 : memref<!tpu.dma_semaphore, #tpu.memory_space<semaphore_mem>>)
      %add3A_711 = arith.constant 24 : i32
      %add3A_712 = arith.addi %rem3A_369, %add3A_711 : i32
      %dma_start3A_713 = arith.constant 1 : i32
      %dma_start3A_714 = arith.constant 1 : i32
      %dma_start3A_715 = arith.constant 3072 : i32
      %dma_start3A_716 = arith.constant 0 : i32
      %dma_start3A_717 = tpu.memref_slice %arg6[%dma_start3A_714, %dma_start3A_715, %dma_start3A_716] : memref<2x3200x16xbf16, #tpu.memory_space<vmem>> -> memref<1x128x16xbf16, #tpu.memory_space<vmem>>
      %dma_start3A_718 = tpu.memref_squeeze %dma_start3A_717 : memref<1x128x16xbf16, #tpu.memory_space<vmem>> -> memref<128x16xbf16, #tpu.memory_space<vmem>>
      %dma_start3A_719 = arith.constant 0 : i32
      %dma_start3A_720 = tpu.memref_slice %arg5[%dma_start3A_713, %add3A_712, %dma_start3A_719] : memref<2x32x128xi32, #tpu.memory_space<vmem>> -> memref<1x1x128xi32, #tpu.memory_space<vmem>>
      %dma_start3A_721 = tpu.memref_squeeze %dma_start3A_720 : memref<1x1x128xi32, #tpu.memory_space<vmem>> -> memref<128xi32, #tpu.memory_space<vmem>>
      %dma_start3A_722 = arith.constant 0 : i32
      %dma_start3A_723 = arith.constant 0 : i32
      %dma_start3A_724 = tpu.memref_slice %arg3[%dma_start3A_722, %dma_start3A_723] : memref<100000x16xbf16, #tpu.memory_space<hbm>> -> memref<100000x16xbf16, #tpu.memory_space<hbm>>
      tpu.enqueue_indirect_dma source(%dma_start3A_724 : memref<100000x16xbf16, #tpu.memory_space<hbm>>) target(%dma_start3A_718 : memref<128x16xbf16, #tpu.memory_space<vmem>>) offsets(%dma_start3A_721 : memref<128xi32, #tpu.memory_space<vmem>>) semaphore(%arg9 : memref<!tpu.dma_semaphore, #tpu.memory_space<semaphore_mem>>)
      %dma_wait3A = arith.constant 0 : i32
      %dma_wait3A_725 = arith.constant 0 : i32
      %dma_wait3A_726 = arith.constant 0 : i32
      %dma_wait3A_727 = tpu.memref_slice %arg6[%dma_wait3A, %dma_wait3A_725, %dma_wait3A_726] : memref<2x3200x16xbf16, #tpu.memory_space<vmem>> -> memref<1x3200x16xbf16, #tpu.memory_space<vmem>>
      %dma_wait3A_728 = tpu.memref_squeeze %dma_wait3A_727 : memref<1x3200x16xbf16, #tpu.memory_space<vmem>> -> memref<3200x16xbf16, #tpu.memory_space<vmem>>
      %dma_wait3A_729 = arith.constant 0 : i32
      %dma_wait3A_730 = arith.constant 0 : i32
      %dma_wait3A_731 = tpu.memref_slice %arg3[%dma_wait3A_729, %dma_wait3A_730] : memref<100000x16xbf16, #tpu.memory_space<hbm>> -> memref<3200x16xbf16, #tpu.memory_space<hbm>>
      %dma_wait3A_732 = arith.constant 0 : i32
      %dma_wait3A_733 = arith.constant 0 : i32
      %dma_wait3A_734 = tpu.memref_slice %arg6[%dma_wait3A, %dma_wait3A_732, %dma_wait3A_733] : memref<2x3200x16xbf16, #tpu.memory_space<vmem>> -> memref<1x3200x16xbf16, #tpu.memory_space<vmem>>
      %dma_wait3A_735 = tpu.memref_squeeze %dma_wait3A_734 : memref<1x3200x16xbf16, #tpu.memory_space<vmem>> -> memref<3200x16xbf16, #tpu.memory_space<vmem>>
      %dma_wait3A_736 = arith.constant 0 : i32
      %dma_wait3A_737 = arith.constant 0 : i32
      %dma_wait3A_738 = tpu.memref_slice %arg3[%dma_wait3A_736, %dma_wait3A_737] : memref<100000x16xbf16, #tpu.memory_space<hbm>> -> memref<3200x16xbf16, #tpu.memory_space<hbm>>
      tpu.wait_dma2 semaphore(%arg8 : memref<!tpu.dma_semaphore, #tpu.memory_space<semaphore_mem>>) src(%dma_wait3A_738 : memref<3200x16xbf16, #tpu.memory_space<hbm>>) dst(%dma_wait3A_735 : memref<3200x16xbf16, #tpu.memory_space<vmem>>)
      %scan3A_739 = arith.constant 0 : i32
      %scan3A_740 = arith.constant 0 : i32
      %scan3A_741 = arith.constant 16 : i32
      %scan3A_742 = arith.addi %scan3A_740, %scan3A_741 : i32
      %scan3A_743 = arith.constant 1 : i32
      %scan3A_744 = scf.for %scan3A_787 = %scan3A_740 to %scan3A_742 step %scan3A_743 iter_args(%scan3A_788 = %scan3A_739) -> (i32)  : i32 {
        %mul3A_789 = arith.constant 200 : i32
        %mul3A_790 = arith.muli %scan3A_787, %mul3A_789 : i32
        %broadcast_in_dim3A = arith.constant 0.000000e+00 : bf16
        %broadcast_in_dim3A_791 = vector.broadcast %broadcast_in_dim3A : bf16 to vector<2x16xbf16>
        %broadcast_in_dim3A_792 = arith.constant 0.000000e+00 : bf16
        %broadcast_in_dim3A_793 = vector.broadcast %broadcast_in_dim3A_792 : bf16 to vector<2x16xbf16>
        %broadcast_in_dim3A_794 = arith.constant 0.000000e+00 : bf16
        %broadcast_in_dim3A_795 = vector.broadcast %broadcast_in_dim3A_794 : bf16 to vector<2x16xbf16>
        %broadcast_in_dim3A_796 = arith.constant 0.000000e+00 : bf16
        %broadcast_in_dim3A_797 = vector.broadcast %broadcast_in_dim3A_796 : bf16 to vector<2x16xbf16>
        %broadcast_in_dim3A_798 = arith.constant 0.000000e+00 : bf16
        %broadcast_in_dim3A_799 = vector.broadcast %broadcast_in_dim3A_798 : bf16 to vector<2x16xbf16>
        %broadcast_in_dim3A_800 = arith.constant 0.000000e+00 : bf16
        %broadcast_in_dim3A_801 = vector.broadcast %broadcast_in_dim3A_800 : bf16 to vector<2x16xbf16>
        %broadcast_in_dim3A_802 = arith.constant 0.000000e+00 : bf16
        %broadcast_in_dim3A_803 = vector.broadcast %broadcast_in_dim3A_802 : bf16 to vector<2x16xbf16>
        %broadcast_in_dim3A_804 = arith.constant 0.000000e+00 : bf16
        %broadcast_in_dim3A_805 = vector.broadcast %broadcast_in_dim3A_804 : bf16 to vector<2x16xbf16>
        %add3A_806 = arith.constant 0 : i32
        %add3A_807 = arith.addi %mul3A_790, %add3A_806 : i32
        %get3A = arith.constant 0 : i32
        %get3A_808 = arith.index_cast %get3A : i32 to index
        %get3A_809 = arith.index_cast %add3A_807 : i32 to index
        %get3A_810 = arith.constant 0 : index
        %get3A_811 = tpu.vector_load %arg6[%get3A_808, %get3A_809, %get3A_810] {strides = array<i32>} : memref<2x3200x16xbf16, #tpu.memory_space<vmem>>, vector<2x16xbf16>,
        %add3A_812 = arith.addf %broadcast_in_dim3A_791, %get3A_811 : vector<2x16xbf16>
        %add3A_813 = arith.constant 2 : i32
        %add3A_814 = arith.addi %mul3A_790, %add3A_813 : i32
        %get3A_815 = arith.constant 0 : i32
        %get3A_816 = arith.index_cast %get3A_815 : i32 to index
        %get3A_817 = arith.index_cast %add3A_814 : i32 to index
        %get3A_818 = arith.constant 0 : index
        %get3A_819 = tpu.vector_load %arg6[%get3A_816, %get3A_817, %get3A_818] {strides = array<i32>} : memref<2x3200x16xbf16, #tpu.memory_space<vmem>>, vector<2x16xbf16>,
        %add3A_820 = arith.addf %broadcast_in_dim3A_793, %get3A_819 : vector<2x16xbf16>
        %add3A_821 = arith.constant 4 : i32
        %add3A_822 = arith.addi %mul3A_790, %add3A_821 : i32
        %get3A_823 = arith.constant 0 : i32
        %get3A_824 = arith.index_cast %get3A_823 : i32 to index
        %get3A_825 = arith.index_cast %add3A_822 : i32 to index
        %get3A_826 = arith.constant 0 : index
        %get3A_827 = tpu.vector_load %arg6[%get3A_824, %get3A_825, %get3A_826] {strides = array<i32>} : memref<2x3200x16xbf16, #tpu.memory_space<vmem>>, vector<2x16xbf16>,
        %add3A_828 = arith.addf %broadcast_in_dim3A_795, %get3A_827 : vector<2x16xbf16>
        %add3A_829 = arith.constant 6 : i32
        %add3A_830 = arith.addi %mul3A_790, %add3A_829 : i32
        %get3A_831 = arith.constant 0 : i32
        %get3A_832 = arith.index_cast %get3A_831 : i32 to index
        %get3A_833 = arith.index_cast %add3A_830 : i32 to index
        %get3A_834 = arith.constant 0 : index
        %get3A_835 = tpu.vector_load %arg6[%get3A_832, %get3A_833, %get3A_834] {strides = array<i32>} : memref<2x3200x16xbf16, #tpu.memory_space<vmem>>, vector<2x16xbf16>,
        %add3A_836 = arith.addf %broadcast_in_dim3A_797, %get3A_835 : vector<2x16xbf16>
        %add3A_837 = arith.constant 8 : i32
        %add3A_838 = arith.addi %mul3A_790, %add3A_837 : i32
        %get3A_839 = arith.constant 0 : i32
        %get3A_840 = arith.index_cast %get3A_839 : i32 to index
        %get3A_841 = arith.index_cast %add3A_838 : i32 to index
        %get3A_842 = arith.constant 0 : index
        %get3A_843 = tpu.vector_load %arg6[%get3A_840, %get3A_841, %get3A_842] {strides = array<i32>} : memref<2x3200x16xbf16, #tpu.memory_space<vmem>>, vector<2x16xbf16>,
        %add3A_844 = arith.addf %broadcast_in_dim3A_799, %get3A_843 : vector<2x16xbf16>
        %add3A_845 = arith.constant 10 : i32
        %add3A_846 = arith.addi %mul3A_790, %add3A_845 : i32
        %get3A_847 = arith.constant 0 : i32
        %get3A_848 = arith.index_cast %get3A_847 : i32 to index
        %get3A_849 = arith.index_cast %add3A_846 : i32 to index
        %get3A_850 = arith.constant 0 : index
        %get3A_851 = tpu.vector_load %arg6[%get3A_848, %get3A_849, %get3A_850] {strides = array<i32>} : memref<2x3200x16xbf16, #tpu.memory_space<vmem>>, vector<2x16xbf16>,
        %add3A_852 = arith.addf %broadcast_in_dim3A_801, %get3A_851 : vector<2x16xbf16>
        %add3A_853 = arith.constant 12 : i32
        %add3A_854 = arith.addi %mul3A_790, %add3A_853 : i32
        %get3A_855 = arith.constant 0 : i32
        %get3A_856 = arith.index_cast %get3A_855 : i32 to index
        %get3A_857 = arith.index_cast %add3A_854 : i32 to index
        %get3A_858 = arith.constant 0 : index
        %get3A_859 = tpu.vector_load %arg6[%get3A_856, %get3A_857, %get3A_858] {strides = array<i32>} : memref<2x3200x16xbf16, #tpu.memory_space<vmem>>, vector<2x16xbf16>,
        %add3A_860 = arith.addf %broadcast_in_dim3A_803, %get3A_859 : vector<2x16xbf16>
        %add3A_861 = arith.constant 14 : i32
        %add3A_862 = arith.addi %mul3A_790, %add3A_861 : i32
        %get3A_863 = arith.constant 0 : i32
        %get3A_864 = arith.index_cast %get3A_863 : i32 to index
        %get3A_865 = arith.index_cast %add3A_862 : i32 to index
        %get3A_866 = arith.constant 0 : index
        %get3A_867 = tpu.vector_load %arg6[%get3A_864, %get3A_865, %get3A_866] {strides = array<i32>} : memref<2x3200x16xbf16, #tpu.memory_space<vmem>>, vector<2x16xbf16>,
        %add3A_868 = arith.addf %broadcast_in_dim3A_805, %get3A_867 : vector<2x16xbf16>
        %add3A_869 = arith.constant 16 : i32
        %add3A_870 = arith.addi %mul3A_790, %add3A_869 : i32
        %get3A_871 = arith.constant 0 : i32
        %get3A_872 = arith.index_cast %get3A_871 : i32 to index
        %get3A_873 = arith.index_cast %add3A_870 : i32 to index
        %get3A_874 = arith.constant 0 : index
        %get3A_875 = tpu.vector_load %arg6[%get3A_872, %get3A_873, %get3A_874] {strides = array<i32>} : memref<2x3200x16xbf16, #tpu.memory_space<vmem>>, vector<2x16xbf16>,
        %add3A_876 = arith.addf %add3A_812, %get3A_875 : vector<2x16xbf16>
        %add3A_877 = arith.constant 18 : i32
        %add3A_878 = arith.addi %mul3A_790, %add3A_877 : i32
        %get3A_879 = arith.constant 0 : i32
        %get3A_880 = arith.index_cast %get3A_879 : i32 to index
        %get3A_881 = arith.index_cast %add3A_878 : i32 to index
        %get3A_882 = arith.constant 0 : index
        %get3A_883 = tpu.vector_load %arg6[%get3A_880, %get3A_881, %get3A_882] {strides = array<i32>} : memref<2x3200x16xbf16, #tpu.memory_space<vmem>>, vector<2x16xbf16>,
        %add3A_884 = arith.addf %add3A_820, %get3A_883 : vector<2x16xbf16>
        %add3A_885 = arith.constant 20 : i32
        %add3A_886 = arith.addi %mul3A_790, %add3A_885 : i32
        %get3A_887 = arith.constant 0 : i32
        %get3A_888 = arith.index_cast %get3A_887 : i32 to index
        %get3A_889 = arith.index_cast %add3A_886 : i32 to index
        %get3A_890 = arith.constant 0 : index
        %get3A_891 = tpu.vector_load %arg6[%get3A_888, %get3A_889, %get3A_890] {strides = array<i32>} : memref<2x3200x16xbf16, #tpu.memory_space<vmem>>, vector<2x16xbf16>,
        %add3A_892 = arith.addf %add3A_828, %get3A_891 : vector<2x16xbf16>
        %add3A_893 = arith.constant 22 : i32
        %add3A_894 = arith.addi %mul3A_790, %add3A_893 : i32
        %get3A_895 = arith.constant 0 : i32
        %get3A_896 = arith.index_cast %get3A_895 : i32 to index
        %get3A_897 = arith.index_cast %add3A_894 : i32 to index
        %get3A_898 = arith.constant 0 : index
        %get3A_899 = tpu.vector_load %arg6[%get3A_896, %get3A_897, %get3A_898] {strides = array<i32>} : memref<2x3200x16xbf16, #tpu.memory_space<vmem>>, vector<2x16xbf16>,
        %add3A_900 = arith.addf %add3A_836, %get3A_899 : vector<2x16xbf16>
        %add3A_901 = arith.constant 24 : i32
        %add3A_902 = arith.addi %mul3A_790, %add3A_901 : i32
        %get3A_903 = arith.constant 0 : i32
        %get3A_904 = arith.index_cast %get3A_903 : i32 to index
        %get3A_905 = arith.index_cast %add3A_902 : i32 to index
        %get3A_906 = arith.constant 0 : index
        %get3A_907 = tpu.vector_load %arg6[%get3A_904, %get3A_905, %get3A_906] {strides = array<i32>} : memref<2x3200x16xbf16, #tpu.memory_space<vmem>>, vector<2x16xbf16>,
        %add3A_908 = arith.addf %add3A_844, %get3A_907 : vector<2x16xbf16>
        %add3A_909 = arith.constant 26 : i32
        %add3A_910 = arith.addi %mul3A_790, %add3A_909 : i32
        %get3A_911 = arith.constant 0 : i32
        %get3A_912 = arith.index_cast %get3A_911 : i32 to index
        %get3A_913 = arith.index_cast %add3A_910 : i32 to index
        %get3A_914 = arith.constant 0 : index
        %get3A_915 = tpu.vector_load %arg6[%get3A_912, %get3A_913, %get3A_914] {strides = array<i32>} : memref<2x3200x16xbf16, #tpu.memory_space<vmem>>, vector<2x16xbf16>,
        %add3A_916 = arith.addf %add3A_852, %get3A_915 : vector<2x16xbf16>
        %add3A_917 = arith.constant 28 : i32
        %add3A_918 = arith.addi %mul3A_790, %add3A_917 : i32
        %get3A_919 = arith.constant 0 : i32
        %get3A_920 = arith.index_cast %get3A_919 : i32 to index
        %get3A_921 = arith.index_cast %add3A_918 : i32 to index
        %get3A_922 = arith.constant 0 : index
        %get3A_923 = tpu.vector_load %arg6[%get3A_920, %get3A_921, %get3A_922] {strides = array<i32>} : memref<2x3200x16xbf16, #tpu.memory_space<vmem>>, vector<2x16xbf16>,
        %add3A_924 = arith.addf %add3A_860, %get3A_923 : vector<2x16xbf16>
        %add3A_925 = arith.constant 30 : i32
        %add3A_926 = arith.addi %mul3A_790, %add3A_925 : i32
        %get3A_927 = arith.constant 0 : i32
        %get3A_928 = arith.index_cast %get3A_927 : i32 to index
        %get3A_929 = arith.index_cast %add3A_926 : i32 to index
        %get3A_930 = arith.constant 0 : index
        %get3A_931 = tpu.vector_load %arg6[%get3A_928, %get3A_929, %get3A_930] {strides = array<i32>} : memref<2x3200x16xbf16, #tpu.memory_space<vmem>>, vector<2x16xbf16>,
        %add3A_932 = arith.addf %add3A_868, %get3A_931 : vector<2x16xbf16>
        %add3A_933 = arith.constant 32 : i32
        %add3A_934 = arith.addi %mul3A_790, %add3A_933 : i32
        %get3A_935 = arith.constant 0 : i32
        %get3A_936 = arith.index_cast %get3A_935 : i32 to index
        %get3A_937 = arith.index_cast %add3A_934 : i32 to index
        %get3A_938 = arith.constant 0 : index
        %get3A_939 = tpu.vector_load %arg6[%get3A_936, %get3A_937, %get3A_938] {strides = array<i32>} : memref<2x3200x16xbf16, #tpu.memory_space<vmem>>, vector<2x16xbf16>,
        %add3A_940 = arith.addf %add3A_876, %get3A_939 : vector<2x16xbf16>
        %add3A_941 = arith.constant 34 : i32
        %add3A_942 = arith.addi %mul3A_790, %add3A_941 : i32
        %get3A_943 = arith.constant 0 : i32
        %get3A_944 = arith.index_cast %get3A_943 : i32 to index
        %get3A_945 = arith.index_cast %add3A_942 : i32 to index
        %get3A_946 = arith.constant 0 : index
        %get3A_947 = tpu.vector_load %arg6[%get3A_944, %get3A_945, %get3A_946] {strides = array<i32>} : memref<2x3200x16xbf16, #tpu.memory_space<vmem>>, vector<2x16xbf16>,
        %add3A_948 = arith.addf %add3A_884, %get3A_947 : vector<2x16xbf16>
        %add3A_949 = arith.constant 36 : i32
        %add3A_950 = arith.addi %mul3A_790, %add3A_949 : i32
        %get3A_951 = arith.constant 0 : i32
        %get3A_952 = arith.index_cast %get3A_951 : i32 to index
        %get3A_953 = arith.index_cast %add3A_950 : i32 to index
        %get3A_954 = arith.constant 0 : index
        %get3A_955 = tpu.vector_load %arg6[%get3A_952, %get3A_953, %get3A_954] {strides = array<i32>} : memref<2x3200x16xbf16, #tpu.memory_space<vmem>>, vector<2x16xbf16>,
        %add3A_956 = arith.addf %add3A_892, %get3A_955 : vector<2x16xbf16>
        %add3A_957 = arith.constant 38 : i32
        %add3A_958 = arith.addi %mul3A_790, %add3A_957 : i32
        %get3A_959 = arith.constant 0 : i32
        %get3A_960 = arith.index_cast %get3A_959 : i32 to index
        %get3A_961 = arith.index_cast %add3A_958 : i32 to index
        %get3A_962 = arith.constant 0 : index
        %get3A_963 = tpu.vector_load %arg6[%get3A_960, %get3A_961, %get3A_962] {strides = array<i32>} : memref<2x3200x16xbf16, #tpu.memory_space<vmem>>, vector<2x16xbf16>,
        %add3A_964 = arith.addf %add3A_900, %get3A_963 : vector<2x16xbf16>
        %add3A_965 = arith.constant 40 : i32
        %add3A_966 = arith.addi %mul3A_790, %add3A_965 : i32
        %get3A_967 = arith.constant 0 : i32
        %get3A_968 = arith.index_cast %get3A_967 : i32 to index
        %get3A_969 = arith.index_cast %add3A_966 : i32 to index
        %get3A_970 = arith.constant 0 : index
        %get3A_971 = tpu.vector_load %arg6[%get3A_968, %get3A_969, %get3A_970] {strides = array<i32>} : memref<2x3200x16xbf16, #tpu.memory_space<vmem>>, vector<2x16xbf16>,
        %add3A_972 = arith.addf %add3A_908, %get3A_971 : vector<2x16xbf16>
        %add3A_973 = arith.constant 42 : i32
        %add3A_974 = arith.addi %mul3A_790, %add3A_973 : i32
        %get3A_975 = arith.constant 0 : i32
        %get3A_976 = arith.index_cast %get3A_975 : i32 to index
        %get3A_977 = arith.index_cast %add3A_974 : i32 to index
        %get3A_978 = arith.constant 0 : index
        %get3A_979 = tpu.vector_load %arg6[%get3A_976, %get3A_977, %get3A_978] {strides = array<i32>} : memref<2x3200x16xbf16, #tpu.memory_space<vmem>>, vector<2x16xbf16>,
        %add3A_980 = arith.addf %add3A_916, %get3A_979 : vector<2x16xbf16>
        %add3A_981 = arith.constant 44 : i32
        %add3A_982 = arith.addi %mul3A_790, %add3A_981 : i32
        %get3A_983 = arith.constant 0 : i32
        %get3A_984 = arith.index_cast %get3A_983 : i32 to index
        %get3A_985 = arith.index_cast %add3A_982 : i32 to index
        %get3A_986 = arith.constant 0 : index
        %get3A_987 = tpu.vector_load %arg6[%get3A_984, %get3A_985, %get3A_986] {strides = array<i32>} : memref<2x3200x16xbf16, #tpu.memory_space<vmem>>, vector<2x16xbf16>,
        %add3A_988 = arith.addf %add3A_924, %get3A_987 : vector<2x16xbf16>
        %add3A_989 = arith.constant 46 : i32
        %add3A_990 = arith.addi %mul3A_790, %add3A_989 : i32
        %get3A_991 = arith.constant 0 : i32
        %get3A_992 = arith.index_cast %get3A_991 : i32 to index
        %get3A_993 = arith.index_cast %add3A_990 : i32 to index
        %get3A_994 = arith.constant 0 : index
        %get3A_995 = tpu.vector_load %arg6[%get3A_992, %get3A_993, %get3A_994] {strides = array<i32>} : memref<2x3200x16xbf16, #tpu.memory_space<vmem>>, vector<2x16xbf16>,
        %add3A_996 = arith.addf %add3A_932, %get3A_995 : vector<2x16xbf16>
        %add3A_997 = arith.constant 48 : i32
        %add3A_998 = arith.addi %mul3A_790, %add3A_997 : i32
        %get3A_999 = arith.constant 0 : i32
        %get3A_1000 = arith.index_cast %get3A_999 : i32 to index
        %get3A_1001 = arith.index_cast %add3A_998 : i32 to index
        %get3A_1002 = arith.constant 0 : index
        %get3A_1003 = tpu.vector_load %arg6[%get3A_1000, %get3A_1001, %get3A_1002] {strides = array<i32>} : memref<2x3200x16xbf16, #tpu.memory_space<vmem>>, vector<2x16xbf16>,
        %add3A_1004 = arith.addf %add3A_940, %get3A_1003 : vector<2x16xbf16>
        %add3A_1005 = arith.constant 50 : i32
        %add3A_1006 = arith.addi %mul3A_790, %add3A_1005 : i32
        %get3A_1007 = arith.constant 0 : i32
        %get3A_1008 = arith.index_cast %get3A_1007 : i32 to index
        %get3A_1009 = arith.index_cast %add3A_1006 : i32 to index
        %get3A_1010 = arith.constant 0 : index
        %get3A_1011 = tpu.vector_load %arg6[%get3A_1008, %get3A_1009, %get3A_1010] {strides = array<i32>} : memref<2x3200x16xbf16, #tpu.memory_space<vmem>>, vector<2x16xbf16>,
        %add3A_1012 = arith.addf %add3A_948, %get3A_1011 : vector<2x16xbf16>
        %add3A_1013 = arith.constant 52 : i32
        %add3A_1014 = arith.addi %mul3A_790, %add3A_1013 : i32
        %get3A_1015 = arith.constant 0 : i32
        %get3A_1016 = arith.index_cast %get3A_1015 : i32 to index
        %get3A_1017 = arith.index_cast %add3A_1014 : i32 to index
        %get3A_1018 = arith.constant 0 : index
        %get3A_1019 = tpu.vector_load %arg6[%get3A_1016, %get3A_1017, %get3A_1018] {strides = array<i32>} : memref<2x3200x16xbf16, #tpu.memory_space<vmem>>, vector<2x16xbf16>,
        %add3A_1020 = arith.addf %add3A_956, %get3A_1019 : vector<2x16xbf16>
        %add3A_1021 = arith.constant 54 : i32
        %add3A_1022 = arith.addi %mul3A_790, %add3A_1021 : i32
        %get3A_1023 = arith.constant 0 : i32
        %get3A_1024 = arith.index_cast %get3A_1023 : i32 to index
        %get3A_1025 = arith.index_cast %add3A_1022 : i32 to index
        %get3A_1026 = arith.constant 0 : index
        %get3A_1027 = tpu.vector_load %arg6[%get3A_1024, %get3A_1025, %get3A_1026] {strides = array<i32>} : memref<2x3200x16xbf16, #tpu.memory_space<vmem>>, vector<2x16xbf16>,
        %add3A_1028 = arith.addf %add3A_964, %get3A_1027 : vector<2x16xbf16>
        %add3A_1029 = arith.constant 56 : i32
        %add3A_1030 = arith.addi %mul3A_790, %add3A_1029 : i32
        %get3A_1031 = arith.constant 0 : i32
        %get3A_1032 = arith.index_cast %get3A_1031 : i32 to index
        %get3A_1033 = arith.index_cast %add3A_1030 : i32 to index
        %get3A_1034 = arith.constant 0 : index
        %get3A_1035 = tpu.vector_load %arg6[%get3A_1032, %get3A_1033, %get3A_1034] {strides = array<i32>} : memref<2x3200x16xbf16, #tpu.memory_space<vmem>>, vector<2x16xbf16>,
        %add3A_1036 = arith.addf %add3A_972, %get3A_1035 : vector<2x16xbf16>
        %add3A_1037 = arith.constant 58 : i32
        %add3A_1038 = arith.addi %mul3A_790, %add3A_1037 : i32
        %get3A_1039 = arith.constant 0 : i32
        %get3A_1040 = arith.index_cast %get3A_1039 : i32 to index
        %get3A_1041 = arith.index_cast %add3A_1038 : i32 to index
        %get3A_1042 = arith.constant 0 : index
        %get3A_1043 = tpu.vector_load %arg6[%get3A_1040, %get3A_1041, %get3A_1042] {strides = array<i32>} : memref<2x3200x16xbf16, #tpu.memory_space<vmem>>, vector<2x16xbf16>,
        %add3A_1044 = arith.addf %add3A_980, %get3A_1043 : vector<2x16xbf16>
        %add3A_1045 = arith.constant 60 : i32
        %add3A_1046 = arith.addi %mul3A_790, %add3A_1045 : i32
        %get3A_1047 = arith.constant 0 : i32
        %get3A_1048 = arith.index_cast %get3A_1047 : i32 to index
        %get3A_1049 = arith.index_cast %add3A_1046 : i32 to index
        %get3A_1050 = arith.constant 0 : index
        %get3A_1051 = tpu.vector_load %arg6[%get3A_1048, %get3A_1049, %get3A_1050] {strides = array<i32>} : memref<2x3200x16xbf16, #tpu.memory_space<vmem>>, vector<2x16xbf16>,
        %add3A_1052 = arith.addf %add3A_988, %get3A_1051 : vector<2x16xbf16>
        %add3A_1053 = arith.constant 62 : i32
        %add3A_1054 = arith.addi %mul3A_790, %add3A_1053 : i32
        %get3A_1055 = arith.constant 0 : i32
        %get3A_1056 = arith.index_cast %get3A_1055 : i32 to index
        %get3A_1057 = arith.index_cast %add3A_1054 : i32 to index
        %get3A_1058 = arith.constant 0 : index
        %get3A_1059 = tpu.vector_load %arg6[%get3A_1056, %get3A_1057, %get3A_1058] {strides = array<i32>} : memref<2x3200x16xbf16, #tpu.memory_space<vmem>>, vector<2x16xbf16>,
        %add3A_1060 = arith.addf %add3A_996, %get3A_1059 : vector<2x16xbf16>
        %add3A_1061 = arith.constant 64 : i32
        %add3A_1062 = arith.addi %mul3A_790, %add3A_1061 : i32
        %get3A_1063 = arith.constant 0 : i32
        %get3A_1064 = arith.index_cast %get3A_1063 : i32 to index
        %get3A_1065 = arith.index_cast %add3A_1062 : i32 to index
        %get3A_1066 = arith.constant 0 : index
        %get3A_1067 = tpu.vector_load %arg6[%get3A_1064, %get3A_1065, %get3A_1066] {strides = array<i32>} : memref<2x3200x16xbf16, #tpu.memory_space<vmem>>, vector<2x16xbf16>,
        %add3A_1068 = arith.addf %add3A_1004, %get3A_1067 : vector<2x16xbf16>
        %add3A_1069 = arith.constant 66 : i32
        %add3A_1070 = arith.addi %mul3A_790, %add3A_1069 : i32
        %get3A_1071 = arith.constant 0 : i32
        %get3A_1072 = arith.index_cast %get3A_1071 : i32 to index
        %get3A_1073 = arith.index_cast %add3A_1070 : i32 to index
        %get3A_1074 = arith.constant 0 : index
        %get3A_1075 = tpu.vector_load %arg6[%get3A_1072, %get3A_1073, %get3A_1074] {strides = array<i32>} : memref<2x3200x16xbf16, #tpu.memory_space<vmem>>, vector<2x16xbf16>,
        %add3A_1076 = arith.addf %add3A_1012, %get3A_1075 : vector<2x16xbf16>
        %add3A_1077 = arith.constant 68 : i32
        %add3A_1078 = arith.addi %mul3A_790, %add3A_1077 : i32
        %get3A_1079 = arith.constant 0 : i32
        %get3A_1080 = arith.index_cast %get3A_1079 : i32 to index
        %get3A_1081 = arith.index_cast %add3A_1078 : i32 to index
        %get3A_1082 = arith.constant 0 : index
        %get3A_1083 = tpu.vector_load %arg6[%get3A_1080, %get3A_1081, %get3A_1082] {strides = array<i32>} : memref<2x3200x16xbf16, #tpu.memory_space<vmem>>, vector<2x16xbf16>,
        %add3A_1084 = arith.addf %add3A_1020, %get3A_1083 : vector<2x16xbf16>
        %add3A_1085 = arith.constant 70 : i32
        %add3A_1086 = arith.addi %mul3A_790, %add3A_1085 : i32
        %get3A_1087 = arith.constant 0 : i32
        %get3A_1088 = arith.index_cast %get3A_1087 : i32 to index
        %get3A_1089 = arith.index_cast %add3A_1086 : i32 to index
        %get3A_1090 = arith.constant 0 : index
        %get3A_1091 = tpu.vector_load %arg6[%get3A_1088, %get3A_1089, %get3A_1090] {strides = array<i32>} : memref<2x3200x16xbf16, #tpu.memory_space<vmem>>, vector<2x16xbf16>,
        %add3A_1092 = arith.addf %add3A_1028, %get3A_1091 : vector<2x16xbf16>
        %add3A_1093 = arith.constant 72 : i32
        %add3A_1094 = arith.addi %mul3A_790, %add3A_1093 : i32
        %get3A_1095 = arith.constant 0 : i32
        %get3A_1096 = arith.index_cast %get3A_1095 : i32 to index
        %get3A_1097 = arith.index_cast %add3A_1094 : i32 to index
        %get3A_1098 = arith.constant 0 : index
        %get3A_1099 = tpu.vector_load %arg6[%get3A_1096, %get3A_1097, %get3A_1098] {strides = array<i32>} : memref<2x3200x16xbf16, #tpu.memory_space<vmem>>, vector<2x16xbf16>,
        %add3A_1100 = arith.addf %add3A_1036, %get3A_1099 : vector<2x16xbf16>
        %add3A_1101 = arith.constant 74 : i32
        %add3A_1102 = arith.addi %mul3A_790, %add3A_1101 : i32
        %get3A_1103 = arith.constant 0 : i32
        %get3A_1104 = arith.index_cast %get3A_1103 : i32 to index
        %get3A_1105 = arith.index_cast %add3A_1102 : i32 to index
        %get3A_1106 = arith.constant 0 : index
        %get3A_1107 = tpu.vector_load %arg6[%get3A_1104, %get3A_1105, %get3A_1106] {strides = array<i32>} : memref<2x3200x16xbf16, #tpu.memory_space<vmem>>, vector<2x16xbf16>,
        %add3A_1108 = arith.addf %add3A_1044, %get3A_1107 : vector<2x16xbf16>
        %add3A_1109 = arith.constant 76 : i32
        %add3A_1110 = arith.addi %mul3A_790, %add3A_1109 : i32
        %get3A_1111 = arith.constant 0 : i32
        %get3A_1112 = arith.index_cast %get3A_1111 : i32 to index
        %get3A_1113 = arith.index_cast %add3A_1110 : i32 to index
        %get3A_1114 = arith.constant 0 : index
        %get3A_1115 = tpu.vector_load %arg6[%get3A_1112, %get3A_1113, %get3A_1114] {strides = array<i32>} : memref<2x3200x16xbf16, #tpu.memory_space<vmem>>, vector<2x16xbf16>,
        %add3A_1116 = arith.addf %add3A_1052, %get3A_1115 : vector<2x16xbf16>
        %add3A_1117 = arith.constant 78 : i32
        %add3A_1118 = arith.addi %mul3A_790, %add3A_1117 : i32
        %get3A_1119 = arith.constant 0 : i32
        %get3A_1120 = arith.index_cast %get3A_1119 : i32 to index
        %get3A_1121 = arith.index_cast %add3A_1118 : i32 to index
        %get3A_1122 = arith.constant 0 : index
        %get3A_1123 = tpu.vector_load %arg6[%get3A_1120, %get3A_1121, %get3A_1122] {strides = array<i32>} : memref<2x3200x16xbf16, #tpu.memory_space<vmem>>, vector<2x16xbf16>,
        %add3A_1124 = arith.addf %add3A_1060, %get3A_1123 : vector<2x16xbf16>
        %add3A_1125 = arith.constant 80 : i32
        %add3A_1126 = arith.addi %mul3A_790, %add3A_1125 : i32
        %get3A_1127 = arith.constant 0 : i32
        %get3A_1128 = arith.index_cast %get3A_1127 : i32 to index
        %get3A_1129 = arith.index_cast %add3A_1126 : i32 to index
        %get3A_1130 = arith.constant 0 : index
        %get3A_1131 = tpu.vector_load %arg6[%get3A_1128, %get3A_1129, %get3A_1130] {strides = array<i32>} : memref<2x3200x16xbf16, #tpu.memory_space<vmem>>, vector<2x16xbf16>,
        %add3A_1132 = arith.addf %add3A_1068, %get3A_1131 : vector<2x16xbf16>
        %add3A_1133 = arith.constant 82 : i32
        %add3A_1134 = arith.addi %mul3A_790, %add3A_1133 : i32
        %get3A_1135 = arith.constant 0 : i32
        %get3A_1136 = arith.index_cast %get3A_1135 : i32 to index
        %get3A_1137 = arith.index_cast %add3A_1134 : i32 to index
        %get3A_1138 = arith.constant 0 : index
        %get3A_1139 = tpu.vector_load %arg6[%get3A_1136, %get3A_1137, %get3A_1138] {strides = array<i32>} : memref<2x3200x16xbf16, #tpu.memory_space<vmem>>, vector<2x16xbf16>,
        %add3A_1140 = arith.addf %add3A_1076, %get3A_1139 : vector<2x16xbf16>
        %add3A_1141 = arith.constant 84 : i32
        %add3A_1142 = arith.addi %mul3A_790, %add3A_1141 : i32
        %get3A_1143 = arith.constant 0 : i32
        %get3A_1144 = arith.index_cast %get3A_1143 : i32 to index
        %get3A_1145 = arith.index_cast %add3A_1142 : i32 to index
        %get3A_1146 = arith.constant 0 : index
        %get3A_1147 = tpu.vector_load %arg6[%get3A_1144, %get3A_1145, %get3A_1146] {strides = array<i32>} : memref<2x3200x16xbf16, #tpu.memory_space<vmem>>, vector<2x16xbf16>,
        %add3A_1148 = arith.addf %add3A_1084, %get3A_1147 : vector<2x16xbf16>
        %add3A_1149 = arith.constant 86 : i32
        %add3A_1150 = arith.addi %mul3A_790, %add3A_1149 : i32
        %get3A_1151 = arith.constant 0 : i32
        %get3A_1152 = arith.index_cast %get3A_1151 : i32 to index
        %get3A_1153 = arith.index_cast %add3A_1150 : i32 to index
        %get3A_1154 = arith.constant 0 : index
        %get3A_1155 = tpu.vector_load %arg6[%get3A_1152, %get3A_1153, %get3A_1154] {strides = array<i32>} : memref<2x3200x16xbf16, #tpu.memory_space<vmem>>, vector<2x16xbf16>,
        %add3A_1156 = arith.addf %add3A_1092, %get3A_1155 : vector<2x16xbf16>
        %add3A_1157 = arith.constant 88 : i32
        %add3A_1158 = arith.addi %mul3A_790, %add3A_1157 : i32
        %get3A_1159 = arith.constant 0 : i32
        %get3A_1160 = arith.index_cast %get3A_1159 : i32 to index
        %get3A_1161 = arith.index_cast %add3A_1158 : i32 to index
        %get3A_1162 = arith.constant 0 : index
        %get3A_1163 = tpu.vector_load %arg6[%get3A_1160, %get3A_1161, %get3A_1162] {strides = array<i32>} : memref<2x3200x16xbf16, #tpu.memory_space<vmem>>, vector<2x16xbf16>,
        %add3A_1164 = arith.addf %add3A_1100, %get3A_1163 : vector<2x16xbf16>
        %add3A_1165 = arith.constant 90 : i32
        %add3A_1166 = arith.addi %mul3A_790, %add3A_1165 : i32
        %get3A_1167 = arith.constant 0 : i32
        %get3A_1168 = arith.index_cast %get3A_1167 : i32 to index
        %get3A_1169 = arith.index_cast %add3A_1166 : i32 to index
        %get3A_1170 = arith.constant 0 : index
        %get3A_1171 = tpu.vector_load %arg6[%get3A_1168, %get3A_1169, %get3A_1170] {strides = array<i32>} : memref<2x3200x16xbf16, #tpu.memory_space<vmem>>, vector<2x16xbf16>,
        %add3A_1172 = arith.addf %add3A_1108, %get3A_1171 : vector<2x16xbf16>
        %add3A_1173 = arith.constant 92 : i32
        %add3A_1174 = arith.addi %mul3A_790, %add3A_1173 : i32
        %get3A_1175 = arith.constant 0 : i32
        %get3A_1176 = arith.index_cast %get3A_1175 : i32 to index
        %get3A_1177 = arith.index_cast %add3A_1174 : i32 to index
        %get3A_1178 = arith.constant 0 : index
        %get3A_1179 = tpu.vector_load %arg6[%get3A_1176, %get3A_1177, %get3A_1178] {strides = array<i32>} : memref<2x3200x16xbf16, #tpu.memory_space<vmem>>, vector<2x16xbf16>,
        %add3A_1180 = arith.addf %add3A_1116, %get3A_1179 : vector<2x16xbf16>
        %add3A_1181 = arith.constant 94 : i32
        %add3A_1182 = arith.addi %mul3A_790, %add3A_1181 : i32
        %get3A_1183 = arith.constant 0 : i32
        %get3A_1184 = arith.index_cast %get3A_1183 : i32 to index
        %get3A_1185 = arith.index_cast %add3A_1182 : i32 to index
        %get3A_1186 = arith.constant 0 : index
        %get3A_1187 = tpu.vector_load %arg6[%get3A_1184, %get3A_1185, %get3A_1186] {strides = array<i32>} : memref<2x3200x16xbf16, #tpu.memory_space<vmem>>, vector<2x16xbf16>,
        %add3A_1188 = arith.addf %add3A_1124, %get3A_1187 : vector<2x16xbf16>
        %add3A_1189 = arith.constant 96 : i32
        %add3A_1190 = arith.addi %mul3A_790, %add3A_1189 : i32
        %get3A_1191 = arith.constant 0 : i32
        %get3A_1192 = arith.index_cast %get3A_1191 : i32 to index
        %get3A_1193 = arith.index_cast %add3A_1190 : i32 to index
        %get3A_1194 = arith.constant 0 : index
        %get3A_1195 = tpu.vector_load %arg6[%get3A_1192, %get3A_1193, %get3A_1194] {strides = array<i32>} : memref<2x3200x16xbf16, #tpu.memory_space<vmem>>, vector<2x16xbf16>,
        %add3A_1196 = arith.addf %add3A_1132, %get3A_1195 : vector<2x16xbf16>
        %add3A_1197 = arith.constant 98 : i32
        %add3A_1198 = arith.addi %mul3A_790, %add3A_1197 : i32
        %get3A_1199 = arith.constant 0 : i32
        %get3A_1200 = arith.index_cast %get3A_1199 : i32 to index
        %get3A_1201 = arith.index_cast %add3A_1198 : i32 to index
        %get3A_1202 = arith.constant 0 : index
        %get3A_1203 = tpu.vector_load %arg6[%get3A_1200, %get3A_1201, %get3A_1202] {strides = array<i32>} : memref<2x3200x16xbf16, #tpu.memory_space<vmem>>, vector<2x16xbf16>,
        %add3A_1204 = arith.addf %add3A_1140, %get3A_1203 : vector<2x16xbf16>
        %add3A_1205 = arith.constant 100 : i32
        %add3A_1206 = arith.addi %mul3A_790, %add3A_1205 : i32
        %get3A_1207 = arith.constant 0 : i32
        %get3A_1208 = arith.index_cast %get3A_1207 : i32 to index
        %get3A_1209 = arith.index_cast %add3A_1206 : i32 to index
        %get3A_1210 = arith.constant 0 : index
        %get3A_1211 = tpu.vector_load %arg6[%get3A_1208, %get3A_1209, %get3A_1210] {strides = array<i32>} : memref<2x3200x16xbf16, #tpu.memory_space<vmem>>, vector<2x16xbf16>,
        %add3A_1212 = arith.addf %add3A_1148, %get3A_1211 : vector<2x16xbf16>
        %add3A_1213 = arith.constant 102 : i32
        %add3A_1214 = arith.addi %mul3A_790, %add3A_1213 : i32
        %get3A_1215 = arith.constant 0 : i32
        %get3A_1216 = arith.index_cast %get3A_1215 : i32 to index
        %get3A_1217 = arith.index_cast %add3A_1214 : i32 to index
        %get3A_1218 = arith.constant 0 : index
        %get3A_1219 = tpu.vector_load %arg6[%get3A_1216, %get3A_1217, %get3A_1218] {strides = array<i32>} : memref<2x3200x16xbf16, #tpu.memory_space<vmem>>, vector<2x16xbf16>,
        %add3A_1220 = arith.addf %add3A_1156, %get3A_1219 : vector<2x16xbf16>
        %add3A_1221 = arith.constant 104 : i32
        %add3A_1222 = arith.addi %mul3A_790, %add3A_1221 : i32
        %get3A_1223 = arith.constant 0 : i32
        %get3A_1224 = arith.index_cast %get3A_1223 : i32 to index
        %get3A_1225 = arith.index_cast %add3A_1222 : i32 to index
        %get3A_1226 = arith.constant 0 : index
        %get3A_1227 = tpu.vector_load %arg6[%get3A_1224, %get3A_1225, %get3A_1226] {strides = array<i32>} : memref<2x3200x16xbf16, #tpu.memory_space<vmem>>, vector<2x16xbf16>,
        %add3A_1228 = arith.addf %add3A_1164, %get3A_1227 : vector<2x16xbf16>
        %add3A_1229 = arith.constant 106 : i32
        %add3A_1230 = arith.addi %mul3A_790, %add3A_1229 : i32
        %get3A_1231 = arith.constant 0 : i32
        %get3A_1232 = arith.index_cast %get3A_1231 : i32 to index
        %get3A_1233 = arith.index_cast %add3A_1230 : i32 to index
        %get3A_1234 = arith.constant 0 : index
        %get3A_1235 = tpu.vector_load %arg6[%get3A_1232, %get3A_1233, %get3A_1234] {strides = array<i32>} : memref<2x3200x16xbf16, #tpu.memory_space<vmem>>, vector<2x16xbf16>,
        %add3A_1236 = arith.addf %add3A_1172, %get3A_1235 : vector<2x16xbf16>
        %add3A_1237 = arith.constant 108 : i32
        %add3A_1238 = arith.addi %mul3A_790, %add3A_1237 : i32
        %get3A_1239 = arith.constant 0 : i32
        %get3A_1240 = arith.index_cast %get3A_1239 : i32 to index
        %get3A_1241 = arith.index_cast %add3A_1238 : i32 to index
        %get3A_1242 = arith.constant 0 : index
        %get3A_1243 = tpu.vector_load %arg6[%get3A_1240, %get3A_1241, %get3A_1242] {strides = array<i32>} : memref<2x3200x16xbf16, #tpu.memory_space<vmem>>, vector<2x16xbf16>,
        %add3A_1244 = arith.addf %add3A_1180, %get3A_1243 : vector<2x16xbf16>
        %add3A_1245 = arith.constant 110 : i32
        %add3A_1246 = arith.addi %mul3A_790, %add3A_1245 : i32
        %get3A_1247 = arith.constant 0 : i32
        %get3A_1248 = arith.index_cast %get3A_1247 : i32 to index
        %get3A_1249 = arith.index_cast %add3A_1246 : i32 to index
        %get3A_1250 = arith.constant 0 : index
        %get3A_1251 = tpu.vector_load %arg6[%get3A_1248, %get3A_1249, %get3A_1250] {strides = array<i32>} : memref<2x3200x16xbf16, #tpu.memory_space<vmem>>, vector<2x16xbf16>,
        %add3A_1252 = arith.addf %add3A_1188, %get3A_1251 : vector<2x16xbf16>
        %add3A_1253 = arith.constant 112 : i32
        %add3A_1254 = arith.addi %mul3A_790, %add3A_1253 : i32
        %get3A_1255 = arith.constant 0 : i32
        %get3A_1256 = arith.index_cast %get3A_1255 : i32 to index
        %get3A_1257 = arith.index_cast %add3A_1254 : i32 to index
        %get3A_1258 = arith.constant 0 : index
        %get3A_1259 = tpu.vector_load %arg6[%get3A_1256, %get3A_1257, %get3A_1258] {strides = array<i32>} : memref<2x3200x16xbf16, #tpu.memory_space<vmem>>, vector<2x16xbf16>,
        %add3A_1260 = arith.addf %add3A_1196, %get3A_1259 : vector<2x16xbf16>
        %add3A_1261 = arith.constant 114 : i32
        %add3A_1262 = arith.addi %mul3A_790, %add3A_1261 : i32
        %get3A_1263 = arith.constant 0 : i32
        %get3A_1264 = arith.index_cast %get3A_1263 : i32 to index
        %get3A_1265 = arith.index_cast %add3A_1262 : i32 to index
        %get3A_1266 = arith.constant 0 : index
        %get3A_1267 = tpu.vector_load %arg6[%get3A_1264, %get3A_1265, %get3A_1266] {strides = array<i32>} : memref<2x3200x16xbf16, #tpu.memory_space<vmem>>, vector<2x16xbf16>,
        %add3A_1268 = arith.addf %add3A_1204, %get3A_1267 : vector<2x16xbf16>
        %add3A_1269 = arith.constant 116 : i32
        %add3A_1270 = arith.addi %mul3A_790, %add3A_1269 : i32
        %get3A_1271 = arith.constant 0 : i32
        %get3A_1272 = arith.index_cast %get3A_1271 : i32 to index
        %get3A_1273 = arith.index_cast %add3A_1270 : i32 to index
        %get3A_1274 = arith.constant 0 : index
        %get3A_1275 = tpu.vector_load %arg6[%get3A_1272, %get3A_1273, %get3A_1274] {strides = array<i32>} : memref<2x3200x16xbf16, #tpu.memory_space<vmem>>, vector<2x16xbf16>,
        %add3A_1276 = arith.addf %add3A_1212, %get3A_1275 : vector<2x16xbf16>
        %add3A_1277 = arith.constant 118 : i32
        %add3A_1278 = arith.addi %mul3A_790, %add3A_1277 : i32
        %get3A_1279 = arith.constant 0 : i32
        %get3A_1280 = arith.index_cast %get3A_1279 : i32 to index
        %get3A_1281 = arith.index_cast %add3A_1278 : i32 to index
        %get3A_1282 = arith.constant 0 : index
        %get3A_1283 = tpu.vector_load %arg6[%get3A_1280, %get3A_1281, %get3A_1282] {strides = array<i32>} : memref<2x3200x16xbf16, #tpu.memory_space<vmem>>, vector<2x16xbf16>,
        %add3A_1284 = arith.addf %add3A_1220, %get3A_1283 : vector<2x16xbf16>
        %add3A_1285 = arith.constant 120 : i32
        %add3A_1286 = arith.addi %mul3A_790, %add3A_1285 : i32
        %get3A_1287 = arith.constant 0 : i32
        %get3A_1288 = arith.index_cast %get3A_1287 : i32 to index
        %get3A_1289 = arith.index_cast %add3A_1286 : i32 to index
        %get3A_1290 = arith.constant 0 : index
        %get3A_1291 = tpu.vector_load %arg6[%get3A_1288, %get3A_1289, %get3A_1290] {strides = array<i32>} : memref<2x3200x16xbf16, #tpu.memory_space<vmem>>, vector<2x16xbf16>,
        %add3A_1292 = arith.addf %add3A_1228, %get3A_1291 : vector<2x16xbf16>
        %add3A_1293 = arith.constant 122 : i32
        %add3A_1294 = arith.addi %mul3A_790, %add3A_1293 : i32
        %get3A_1295 = arith.constant 0 : i32
        %get3A_1296 = arith.index_cast %get3A_1295 : i32 to index
        %get3A_1297 = arith.index_cast %add3A_1294 : i32 to index
        %get3A_1298 = arith.constant 0 : index
        %get3A_1299 = tpu.vector_load %arg6[%get3A_1296, %get3A_1297, %get3A_1298] {strides = array<i32>} : memref<2x3200x16xbf16, #tpu.memory_space<vmem>>, vector<2x16xbf16>,
        %add3A_1300 = arith.addf %add3A_1236, %get3A_1299 : vector<2x16xbf16>
        %add3A_1301 = arith.constant 124 : i32
        %add3A_1302 = arith.addi %mul3A_790, %add3A_1301 : i32
        %get3A_1303 = arith.constant 0 : i32
        %get3A_1304 = arith.index_cast %get3A_1303 : i32 to index
        %get3A_1305 = arith.index_cast %add3A_1302 : i32 to index
        %get3A_1306 = arith.constant 0 : index
        %get3A_1307 = tpu.vector_load %arg6[%get3A_1304, %get3A_1305, %get3A_1306] {strides = array<i32>} : memref<2x3200x16xbf16, #tpu.memory_space<vmem>>, vector<2x16xbf16>,
        %add3A_1308 = arith.addf %add3A_1244, %get3A_1307 : vector<2x16xbf16>
        %add3A_1309 = arith.constant 126 : i32
        %add3A_1310 = arith.addi %mul3A_790, %add3A_1309 : i32
        %get3A_1311 = arith.constant 0 : i32
        %get3A_1312 = arith.index_cast %get3A_1311 : i32 to index
        %get3A_1313 = arith.index_cast %add3A_1310 : i32 to index
        %get3A_1314 = arith.constant 0 : index
        %get3A_1315 = tpu.vector_load %arg6[%get3A_1312, %get3A_1313, %get3A_1314] {strides = array<i32>} : memref<2x3200x16xbf16, #tpu.memory_space<vmem>>, vector<2x16xbf16>,
        %add3A_1316 = arith.addf %add3A_1252, %get3A_1315 : vector<2x16xbf16>
        %add3A_1317 = arith.constant 128 : i32
        %add3A_1318 = arith.addi %mul3A_790, %add3A_1317 : i32
        %get3A_1319 = arith.constant 0 : i32
        %get3A_1320 = arith.index_cast %get3A_1319 : i32 to index
        %get3A_1321 = arith.index_cast %add3A_1318 : i32 to index
        %get3A_1322 = arith.constant 0 : index
        %get3A_1323 = tpu.vector_load %arg6[%get3A_1320, %get3A_1321, %get3A_1322] {strides = array<i32>} : memref<2x3200x16xbf16, #tpu.memory_space<vmem>>, vector<2x16xbf16>,
        %add3A_1324 = arith.addf %add3A_1260, %get3A_1323 : vector<2x16xbf16>
        %add3A_1325 = arith.constant 130 : i32
        %add3A_1326 = arith.addi %mul3A_790, %add3A_1325 : i32
        %get3A_1327 = arith.constant 0 : i32
        %get3A_1328 = arith.index_cast %get3A_1327 : i32 to index
        %get3A_1329 = arith.index_cast %add3A_1326 : i32 to index
        %get3A_1330 = arith.constant 0 : index
        %get3A_1331 = tpu.vector_load %arg6[%get3A_1328, %get3A_1329, %get3A_1330] {strides = array<i32>} : memref<2x3200x16xbf16, #tpu.memory_space<vmem>>, vector<2x16xbf16>,
        %add3A_1332 = arith.addf %add3A_1268, %get3A_1331 : vector<2x16xbf16>
        %add3A_1333 = arith.constant 132 : i32
        %add3A_1334 = arith.addi %mul3A_790, %add3A_1333 : i32
        %get3A_1335 = arith.constant 0 : i32
        %get3A_1336 = arith.index_cast %get3A_1335 : i32 to index
        %get3A_1337 = arith.index_cast %add3A_1334 : i32 to index
        %get3A_1338 = arith.constant 0 : index
        %get3A_1339 = tpu.vector_load %arg6[%get3A_1336, %get3A_1337, %get3A_1338] {strides = array<i32>} : memref<2x3200x16xbf16, #tpu.memory_space<vmem>>, vector<2x16xbf16>,
        %add3A_1340 = arith.addf %add3A_1276, %get3A_1339 : vector<2x16xbf16>
        %add3A_1341 = arith.constant 134 : i32
        %add3A_1342 = arith.addi %mul3A_790, %add3A_1341 : i32
        %get3A_1343 = arith.constant 0 : i32
        %get3A_1344 = arith.index_cast %get3A_1343 : i32 to index
        %get3A_1345 = arith.index_cast %add3A_1342 : i32 to index
        %get3A_1346 = arith.constant 0 : index
        %get3A_1347 = tpu.vector_load %arg6[%get3A_1344, %get3A_1345, %get3A_1346] {strides = array<i32>} : memref<2x3200x16xbf16, #tpu.memory_space<vmem>>, vector<2x16xbf16>,
        %add3A_1348 = arith.addf %add3A_1284, %get3A_1347 : vector<2x16xbf16>
        %add3A_1349 = arith.constant 136 : i32
        %add3A_1350 = arith.addi %mul3A_790, %add3A_1349 : i32
        %get3A_1351 = arith.constant 0 : i32
        %get3A_1352 = arith.index_cast %get3A_1351 : i32 to index
        %get3A_1353 = arith.index_cast %add3A_1350 : i32 to index
        %get3A_1354 = arith.constant 0 : index
        %get3A_1355 = tpu.vector_load %arg6[%get3A_1352, %get3A_1353, %get3A_1354] {strides = array<i32>} : memref<2x3200x16xbf16, #tpu.memory_space<vmem>>, vector<2x16xbf16>,
        %add3A_1356 = arith.addf %add3A_1292, %get3A_1355 : vector<2x16xbf16>
        %add3A_1357 = arith.constant 138 : i32
        %add3A_1358 = arith.addi %mul3A_790, %add3A_1357 : i32
        %get3A_1359 = arith.constant 0 : i32
        %get3A_1360 = arith.index_cast %get3A_1359 : i32 to index
        %get3A_1361 = arith.index_cast %add3A_1358 : i32 to index
        %get3A_1362 = arith.constant 0 : index
        %get3A_1363 = tpu.vector_load %arg6[%get3A_1360, %get3A_1361, %get3A_1362] {strides = array<i32>} : memref<2x3200x16xbf16, #tpu.memory_space<vmem>>, vector<2x16xbf16>,
        %add3A_1364 = arith.addf %add3A_1300, %get3A_1363 : vector<2x16xbf16>
        %add3A_1365 = arith.constant 140 : i32
        %add3A_1366 = arith.addi %mul3A_790, %add3A_1365 : i32
        %get3A_1367 = arith.constant 0 : i32
        %get3A_1368 = arith.index_cast %get3A_1367 : i32 to index
        %get3A_1369 = arith.index_cast %add3A_1366 : i32 to index
        %get3A_1370 = arith.constant 0 : index
        %get3A_1371 = tpu.vector_load %arg6[%get3A_1368, %get3A_1369, %get3A_1370] {strides = array<i32>} : memref<2x3200x16xbf16, #tpu.memory_space<vmem>>, vector<2x16xbf16>,
        %add3A_1372 = arith.addf %add3A_1308, %get3A_1371 : vector<2x16xbf16>
        %add3A_1373 = arith.constant 142 : i32
        %add3A_1374 = arith.addi %mul3A_790, %add3A_1373 : i32
        %get3A_1375 = arith.constant 0 : i32
        %get3A_1376 = arith.index_cast %get3A_1375 : i32 to index
        %get3A_1377 = arith.index_cast %add3A_1374 : i32 to index
        %get3A_1378 = arith.constant 0 : index
        %get3A_1379 = tpu.vector_load %arg6[%get3A_1376, %get3A_1377, %get3A_1378] {strides = array<i32>} : memref<2x3200x16xbf16, #tpu.memory_space<vmem>>, vector<2x16xbf16>,
        %add3A_1380 = arith.addf %add3A_1316, %get3A_1379 : vector<2x16xbf16>
        %add3A_1381 = arith.constant 144 : i32
        %add3A_1382 = arith.addi %mul3A_790, %add3A_1381 : i32
        %get3A_1383 = arith.constant 0 : i32
        %get3A_1384 = arith.index_cast %get3A_1383 : i32 to index
        %get3A_1385 = arith.index_cast %add3A_1382 : i32 to index
        %get3A_1386 = arith.constant 0 : index
        %get3A_1387 = tpu.vector_load %arg6[%get3A_1384, %get3A_1385, %get3A_1386] {strides = array<i32>} : memref<2x3200x16xbf16, #tpu.memory_space<vmem>>, vector<2x16xbf16>,
        %add3A_1388 = arith.addf %add3A_1324, %get3A_1387 : vector<2x16xbf16>
        %add3A_1389 = arith.constant 146 : i32
        %add3A_1390 = arith.addi %mul3A_790, %add3A_1389 : i32
        %get3A_1391 = arith.constant 0 : i32
        %get3A_1392 = arith.index_cast %get3A_1391 : i32 to index
        %get3A_1393 = arith.index_cast %add3A_1390 : i32 to index
        %get3A_1394 = arith.constant 0 : index
        %get3A_1395 = tpu.vector_load %arg6[%get3A_1392, %get3A_1393, %get3A_1394] {strides = array<i32>} : memref<2x3200x16xbf16, #tpu.memory_space<vmem>>, vector<2x16xbf16>,
        %add3A_1396 = arith.addf %add3A_1332, %get3A_1395 : vector<2x16xbf16>
        %add3A_1397 = arith.constant 148 : i32
        %add3A_1398 = arith.addi %mul3A_790, %add3A_1397 : i32
        %get3A_1399 = arith.constant 0 : i32
        %get3A_1400 = arith.index_cast %get3A_1399 : i32 to index
        %get3A_1401 = arith.index_cast %add3A_1398 : i32 to index
        %get3A_1402 = arith.constant 0 : index
        %get3A_1403 = tpu.vector_load %arg6[%get3A_1400, %get3A_1401, %get3A_1402] {strides = array<i32>} : memref<2x3200x16xbf16, #tpu.memory_space<vmem>>, vector<2x16xbf16>,
        %add3A_1404 = arith.addf %add3A_1340, %get3A_1403 : vector<2x16xbf16>
        %add3A_1405 = arith.constant 150 : i32
        %add3A_1406 = arith.addi %mul3A_790, %add3A_1405 : i32
        %get3A_1407 = arith.constant 0 : i32
        %get3A_1408 = arith.index_cast %get3A_1407 : i32 to index
        %get3A_1409 = arith.index_cast %add3A_1406 : i32 to index
        %get3A_1410 = arith.constant 0 : index
        %get3A_1411 = tpu.vector_load %arg6[%get3A_1408, %get3A_1409, %get3A_1410] {strides = array<i32>} : memref<2x3200x16xbf16, #tpu.memory_space<vmem>>, vector<2x16xbf16>,
        %add3A_1412 = arith.addf %add3A_1348, %get3A_1411 : vector<2x16xbf16>
        %add3A_1413 = arith.constant 152 : i32
        %add3A_1414 = arith.addi %mul3A_790, %add3A_1413 : i32
        %get3A_1415 = arith.constant 0 : i32
        %get3A_1416 = arith.index_cast %get3A_1415 : i32 to index
        %get3A_1417 = arith.index_cast %add3A_1414 : i32 to index
        %get3A_1418 = arith.constant 0 : index
        %get3A_1419 = tpu.vector_load %arg6[%get3A_1416, %get3A_1417, %get3A_1418] {strides = array<i32>} : memref<2x3200x16xbf16, #tpu.memory_space<vmem>>, vector<2x16xbf16>,
        %add3A_1420 = arith.addf %add3A_1356, %get3A_1419 : vector<2x16xbf16>
        %add3A_1421 = arith.constant 154 : i32
        %add3A_1422 = arith.addi %mul3A_790, %add3A_1421 : i32
        %get3A_1423 = arith.constant 0 : i32
        %get3A_1424 = arith.index_cast %get3A_1423 : i32 to index
        %get3A_1425 = arith.index_cast %add3A_1422 : i32 to index
        %get3A_1426 = arith.constant 0 : index
        %get3A_1427 = tpu.vector_load %arg6[%get3A_1424, %get3A_1425, %get3A_1426] {strides = array<i32>} : memref<2x3200x16xbf16, #tpu.memory_space<vmem>>, vector<2x16xbf16>,
        %add3A_1428 = arith.addf %add3A_1364, %get3A_1427 : vector<2x16xbf16>
        %add3A_1429 = arith.constant 156 : i32
        %add3A_1430 = arith.addi %mul3A_790, %add3A_1429 : i32
        %get3A_1431 = arith.constant 0 : i32
        %get3A_1432 = arith.index_cast %get3A_1431 : i32 to index
        %get3A_1433 = arith.index_cast %add3A_1430 : i32 to index
        %get3A_1434 = arith.constant 0 : index
        %get3A_1435 = tpu.vector_load %arg6[%get3A_1432, %get3A_1433, %get3A_1434] {strides = array<i32>} : memref<2x3200x16xbf16, #tpu.memory_space<vmem>>, vector<2x16xbf16>,
        %add3A_1436 = arith.addf %add3A_1372, %get3A_1435 : vector<2x16xbf16>
        %add3A_1437 = arith.constant 158 : i32
        %add3A_1438 = arith.addi %mul3A_790, %add3A_1437 : i32
        %get3A_1439 = arith.constant 0 : i32
        %get3A_1440 = arith.index_cast %get3A_1439 : i32 to index
        %get3A_1441 = arith.index_cast %add3A_1438 : i32 to index
        %get3A_1442 = arith.constant 0 : index
        %get3A_1443 = tpu.vector_load %arg6[%get3A_1440, %get3A_1441, %get3A_1442] {strides = array<i32>} : memref<2x3200x16xbf16, #tpu.memory_space<vmem>>, vector<2x16xbf16>,
        %add3A_1444 = arith.addf %add3A_1380, %get3A_1443 : vector<2x16xbf16>
        %add3A_1445 = arith.constant 160 : i32
        %add3A_1446 = arith.addi %mul3A_790, %add3A_1445 : i32
        %get3A_1447 = arith.constant 0 : i32
        %get3A_1448 = arith.index_cast %get3A_1447 : i32 to index
        %get3A_1449 = arith.index_cast %add3A_1446 : i32 to index
        %get3A_1450 = arith.constant 0 : index
        %get3A_1451 = tpu.vector_load %arg6[%get3A_1448, %get3A_1449, %get3A_1450] {strides = array<i32>} : memref<2x3200x16xbf16, #tpu.memory_space<vmem>>, vector<2x16xbf16>,
        %add3A_1452 = arith.addf %add3A_1388, %get3A_1451 : vector<2x16xbf16>
        %add3A_1453 = arith.constant 162 : i32
        %add3A_1454 = arith.addi %mul3A_790, %add3A_1453 : i32
        %get3A_1455 = arith.constant 0 : i32
        %get3A_1456 = arith.index_cast %get3A_1455 : i32 to index
        %get3A_1457 = arith.index_cast %add3A_1454 : i32 to index
        %get3A_1458 = arith.constant 0 : index
        %get3A_1459 = tpu.vector_load %arg6[%get3A_1456, %get3A_1457, %get3A_1458] {strides = array<i32>} : memref<2x3200x16xbf16, #tpu.memory_space<vmem>>, vector<2x16xbf16>,
        %add3A_1460 = arith.addf %add3A_1396, %get3A_1459 : vector<2x16xbf16>
        %add3A_1461 = arith.constant 164 : i32
        %add3A_1462 = arith.addi %mul3A_790, %add3A_1461 : i32
        %get3A_1463 = arith.constant 0 : i32
        %get3A_1464 = arith.index_cast %get3A_1463 : i32 to index
        %get3A_1465 = arith.index_cast %add3A_1462 : i32 to index
        %get3A_1466 = arith.constant 0 : index
        %get3A_1467 = tpu.vector_load %arg6[%get3A_1464, %get3A_1465, %get3A_1466] {strides = array<i32>} : memref<2x3200x16xbf16, #tpu.memory_space<vmem>>, vector<2x16xbf16>,
        %add3A_1468 = arith.addf %add3A_1404, %get3A_1467 : vector<2x16xbf16>
        %add3A_1469 = arith.constant 166 : i32
        %add3A_1470 = arith.addi %mul3A_790, %add3A_1469 : i32
        %get3A_1471 = arith.constant 0 : i32
        %get3A_1472 = arith.index_cast %get3A_1471 : i32 to index
        %get3A_1473 = arith.index_cast %add3A_1470 : i32 to index
        %get3A_1474 = arith.constant 0 : index
        %get3A_1475 = tpu.vector_load %arg6[%get3A_1472, %get3A_1473, %get3A_1474] {strides = array<i32>} : memref<2x3200x16xbf16, #tpu.memory_space<vmem>>, vector<2x16xbf16>,
        %add3A_1476 = arith.addf %add3A_1412, %get3A_1475 : vector<2x16xbf16>
        %add3A_1477 = arith.constant 168 : i32
        %add3A_1478 = arith.addi %mul3A_790, %add3A_1477 : i32
        %get3A_1479 = arith.constant 0 : i32
        %get3A_1480 = arith.index_cast %get3A_1479 : i32 to index
        %get3A_1481 = arith.index_cast %add3A_1478 : i32 to index
        %get3A_1482 = arith.constant 0 : index
        %get3A_1483 = tpu.vector_load %arg6[%get3A_1480, %get3A_1481, %get3A_1482] {strides = array<i32>} : memref<2x3200x16xbf16, #tpu.memory_space<vmem>>, vector<2x16xbf16>,
        %add3A_1484 = arith.addf %add3A_1420, %get3A_1483 : vector<2x16xbf16>
        %add3A_1485 = arith.constant 170 : i32
        %add3A_1486 = arith.addi %mul3A_790, %add3A_1485 : i32
        %get3A_1487 = arith.constant 0 : i32
        %get3A_1488 = arith.index_cast %get3A_1487 : i32 to index
        %get3A_1489 = arith.index_cast %add3A_1486 : i32 to index
        %get3A_1490 = arith.constant 0 : index
        %get3A_1491 = tpu.vector_load %arg6[%get3A_1488, %get3A_1489, %get3A_1490] {strides = array<i32>} : memref<2x3200x16xbf16, #tpu.memory_space<vmem>>, vector<2x16xbf16>,
        %add3A_1492 = arith.addf %add3A_1428, %get3A_1491 : vector<2x16xbf16>
        %add3A_1493 = arith.constant 172 : i32
        %add3A_1494 = arith.addi %mul3A_790, %add3A_1493 : i32
        %get3A_1495 = arith.constant 0 : i32
        %get3A_1496 = arith.index_cast %get3A_1495 : i32 to index
        %get3A_1497 = arith.index_cast %add3A_1494 : i32 to index
        %get3A_1498 = arith.constant 0 : index
        %get3A_1499 = tpu.vector_load %arg6[%get3A_1496, %get3A_1497, %get3A_1498] {strides = array<i32>} : memref<2x3200x16xbf16, #tpu.memory_space<vmem>>, vector<2x16xbf16>,
        %add3A_1500 = arith.addf %add3A_1436, %get3A_1499 : vector<2x16xbf16>
        %add3A_1501 = arith.constant 174 : i32
        %add3A_1502 = arith.addi %mul3A_790, %add3A_1501 : i32
        %get3A_1503 = arith.constant 0 : i32
        %get3A_1504 = arith.index_cast %get3A_1503 : i32 to index
        %get3A_1505 = arith.index_cast %add3A_1502 : i32 to index
        %get3A_1506 = arith.constant 0 : index
        %get3A_1507 = tpu.vector_load %arg6[%get3A_1504, %get3A_1505, %get3A_1506] {strides = array<i32>} : memref<2x3200x16xbf16, #tpu.memory_space<vmem>>, vector<2x16xbf16>,
        %add3A_1508 = arith.addf %add3A_1444, %get3A_1507 : vector<2x16xbf16>
        %add3A_1509 = arith.constant 176 : i32
        %add3A_1510 = arith.addi %mul3A_790, %add3A_1509 : i32
        %get3A_1511 = arith.constant 0 : i32
        %get3A_1512 = arith.index_cast %get3A_1511 : i32 to index
        %get3A_1513 = arith.index_cast %add3A_1510 : i32 to index
        %get3A_1514 = arith.constant 0 : index
        %get3A_1515 = tpu.vector_load %arg6[%get3A_1512, %get3A_1513, %get3A_1514] {strides = array<i32>} : memref<2x3200x16xbf16, #tpu.memory_space<vmem>>, vector<2x16xbf16>,
        %add3A_1516 = arith.addf %add3A_1452, %get3A_1515 : vector<2x16xbf16>
        %add3A_1517 = arith.constant 178 : i32
        %add3A_1518 = arith.addi %mul3A_790, %add3A_1517 : i32
        %get3A_1519 = arith.constant 0 : i32
        %get3A_1520 = arith.index_cast %get3A_1519 : i32 to index
        %get3A_1521 = arith.index_cast %add3A_1518 : i32 to index
        %get3A_1522 = arith.constant 0 : index
        %get3A_1523 = tpu.vector_load %arg6[%get3A_1520, %get3A_1521, %get3A_1522] {strides = array<i32>} : memref<2x3200x16xbf16, #tpu.memory_space<vmem>>, vector<2x16xbf16>,
        %add3A_1524 = arith.addf %add3A_1460, %get3A_1523 : vector<2x16xbf16>
        %add3A_1525 = arith.constant 180 : i32
        %add3A_1526 = arith.addi %mul3A_790, %add3A_1525 : i32
        %get3A_1527 = arith.constant 0 : i32
        %get3A_1528 = arith.index_cast %get3A_1527 : i32 to index
        %get3A_1529 = arith.index_cast %add3A_1526 : i32 to index
        %get3A_1530 = arith.constant 0 : index
        %get3A_1531 = tpu.vector_load %arg6[%get3A_1528, %get3A_1529, %get3A_1530] {strides = array<i32>} : memref<2x3200x16xbf16, #tpu.memory_space<vmem>>, vector<2x16xbf16>,
        %add3A_1532 = arith.addf %add3A_1468, %get3A_1531 : vector<2x16xbf16>
        %add3A_1533 = arith.constant 182 : i32
        %add3A_1534 = arith.addi %mul3A_790, %add3A_1533 : i32
        %get3A_1535 = arith.constant 0 : i32
        %get3A_1536 = arith.index_cast %get3A_1535 : i32 to index
        %get3A_1537 = arith.index_cast %add3A_1534 : i32 to index
        %get3A_1538 = arith.constant 0 : index
        %get3A_1539 = tpu.vector_load %arg6[%get3A_1536, %get3A_1537, %get3A_1538] {strides = array<i32>} : memref<2x3200x16xbf16, #tpu.memory_space<vmem>>, vector<2x16xbf16>,
        %add3A_1540 = arith.addf %add3A_1476, %get3A_1539 : vector<2x16xbf16>
        %add3A_1541 = arith.constant 184 : i32
        %add3A_1542 = arith.addi %mul3A_790, %add3A_1541 : i32
        %get3A_1543 = arith.constant 0 : i32
        %get3A_1544 = arith.index_cast %get3A_1543 : i32 to index
        %get3A_1545 = arith.index_cast %add3A_1542 : i32 to index
        %get3A_1546 = arith.constant 0 : index
        %get3A_1547 = tpu.vector_load %arg6[%get3A_1544, %get3A_1545, %get3A_1546] {strides = array<i32>} : memref<2x3200x16xbf16, #tpu.memory_space<vmem>>, vector<2x16xbf16>,
        %add3A_1548 = arith.addf %add3A_1484, %get3A_1547 : vector<2x16xbf16>
        %add3A_1549 = arith.constant 186 : i32
        %add3A_1550 = arith.addi %mul3A_790, %add3A_1549 : i32
        %get3A_1551 = arith.constant 0 : i32
        %get3A_1552 = arith.index_cast %get3A_1551 : i32 to index
        %get3A_1553 = arith.index_cast %add3A_1550 : i32 to index
        %get3A_1554 = arith.constant 0 : index
        %get3A_1555 = tpu.vector_load %arg6[%get3A_1552, %get3A_1553, %get3A_1554] {strides = array<i32>} : memref<2x3200x16xbf16, #tpu.memory_space<vmem>>, vector<2x16xbf16>,
        %add3A_1556 = arith.addf %add3A_1492, %get3A_1555 : vector<2x16xbf16>
        %add3A_1557 = arith.constant 188 : i32
        %add3A_1558 = arith.addi %mul3A_790, %add3A_1557 : i32
        %get3A_1559 = arith.constant 0 : i32
        %get3A_1560 = arith.index_cast %get3A_1559 : i32 to index
        %get3A_1561 = arith.index_cast %add3A_1558 : i32 to index
        %get3A_1562 = arith.constant 0 : index
        %get3A_1563 = tpu.vector_load %arg6[%get3A_1560, %get3A_1561, %get3A_1562] {strides = array<i32>} : memref<2x3200x16xbf16, #tpu.memory_space<vmem>>, vector<2x16xbf16>,
        %add3A_1564 = arith.addf %add3A_1500, %get3A_1563 : vector<2x16xbf16>
        %add3A_1565 = arith.constant 190 : i32
        %add3A_1566 = arith.addi %mul3A_790, %add3A_1565 : i32
        %get3A_1567 = arith.constant 0 : i32
        %get3A_1568 = arith.index_cast %get3A_1567 : i32 to index
        %get3A_1569 = arith.index_cast %add3A_1566 : i32 to index
        %get3A_1570 = arith.constant 0 : index
        %get3A_1571 = tpu.vector_load %arg6[%get3A_1568, %get3A_1569, %get3A_1570] {strides = array<i32>} : memref<2x3200x16xbf16, #tpu.memory_space<vmem>>, vector<2x16xbf16>,
        %add3A_1572 = arith.addf %add3A_1508, %get3A_1571 : vector<2x16xbf16>
        %add3A_1573 = arith.constant 192 : i32
        %add3A_1574 = arith.addi %mul3A_790, %add3A_1573 : i32
        %get3A_1575 = arith.constant 0 : i32
        %get3A_1576 = arith.index_cast %get3A_1575 : i32 to index
        %get3A_1577 = arith.index_cast %add3A_1574 : i32 to index
        %get3A_1578 = arith.constant 0 : index
        %get3A_1579 = tpu.vector_load %arg6[%get3A_1576, %get3A_1577, %get3A_1578] {strides = array<i32>} : memref<2x3200x16xbf16, #tpu.memory_space<vmem>>, vector<2x16xbf16>,
        %add3A_1580 = arith.addf %add3A_1516, %get3A_1579 : vector<2x16xbf16>
        %add3A_1581 = arith.constant 194 : i32
        %add3A_1582 = arith.addi %mul3A_790, %add3A_1581 : i32
        %get3A_1583 = arith.constant 0 : i32
        %get3A_1584 = arith.index_cast %get3A_1583 : i32 to index
        %get3A_1585 = arith.index_cast %add3A_1582 : i32 to index
        %get3A_1586 = arith.constant 0 : index
        %get3A_1587 = tpu.vector_load %arg6[%get3A_1584, %get3A_1585, %get3A_1586] {strides = array<i32>} : memref<2x3200x16xbf16, #tpu.memory_space<vmem>>, vector<2x16xbf16>,
        %add3A_1588 = arith.addf %add3A_1524, %get3A_1587 : vector<2x16xbf16>
        %add3A_1589 = arith.constant 196 : i32
        %add3A_1590 = arith.addi %mul3A_790, %add3A_1589 : i32
        %get3A_1591 = arith.constant 0 : i32
        %get3A_1592 = arith.index_cast %get3A_1591 : i32 to index
        %get3A_1593 = arith.index_cast %add3A_1590 : i32 to index
        %get3A_1594 = arith.constant 0 : index
        %get3A_1595 = tpu.vector_load %arg6[%get3A_1592, %get3A_1593, %get3A_1594] {strides = array<i32>} : memref<2x3200x16xbf16, #tpu.memory_space<vmem>>, vector<2x16xbf16>,
        %add3A_1596 = arith.addf %add3A_1532, %get3A_1595 : vector<2x16xbf16>
        %add3A_1597 = arith.constant 198 : i32
        %add3A_1598 = arith.addi %mul3A_790, %add3A_1597 : i32
        %get3A_1599 = arith.constant 0 : i32
        %get3A_1600 = arith.index_cast %get3A_1599 : i32 to index
        %get3A_1601 = arith.index_cast %add3A_1598 : i32 to index
        %get3A_1602 = arith.constant 0 : index
        %get3A_1603 = tpu.vector_load %arg6[%get3A_1600, %get3A_1601, %get3A_1602] {strides = array<i32>} : memref<2x3200x16xbf16, #tpu.memory_space<vmem>>, vector<2x16xbf16>,
        %add3A_1604 = arith.addf %add3A_1540, %get3A_1603 : vector<2x16xbf16>
        %add3A_1605 = arith.addf %add3A_1580, %add3A_1588 : vector<2x16xbf16>
        %add3A_1606 = arith.addf %add3A_1596, %add3A_1604 : vector<2x16xbf16>
        %add3A_1607 = arith.addf %add3A_1548, %add3A_1556 : vector<2x16xbf16>
        %add3A_1608 = arith.addf %add3A_1564, %add3A_1572 : vector<2x16xbf16>
        %add3A_1609 = arith.addf %add3A_1605, %add3A_1606 : vector<2x16xbf16>
        %add3A_1610 = arith.addf %add3A_1607, %add3A_1608 : vector<2x16xbf16>
        %add3A_1611 = arith.addf %add3A_1609, %add3A_1610 : vector<2x16xbf16>
        %mul3A_1612 = arith.constant 2 : i32
        %mul3A_1613 = arith.muli %mul3A_1612, %scan3A_787 : i32
        %swap3A = arith.index_cast %mul3A_1613 : i32 to index
        %swap3A_1614 = arith.constant 0 : index
        %swap3A_1615 = tpu.vector_load %arg7[%swap3A, %swap3A_1614] {strides = array<i32>} : memref<32x16xbf16, #tpu.memory_space<vmem>>, vector<2x16xbf16>,
        tpu.vector_store %arg7[%swap3A, %swap3A_1614], %add3A_1611 {strides = array<i32>} : memref<32x16xbf16, #tpu.memory_space<vmem>>, vector<2x16xbf16>,
        %scan3A_1616 = arith.constant 0 : i32
        scf.yield %scan3A_1616 : i32
      }
      %scan3A_745 = arith.constant 16 : i32
      %mul3A_746 = arith.constant 512 : i32
      %mul3A_747 = arith.muli %add3A, %mul3A_746 : i32
      %mul3A_748 = arith.constant 16 : i32
      %mul3A_749 = arith.muli %mul3A_365, %mul3A_748 : i32
      %add3A_750 = arith.addi %mul3A_747, %mul3A_749 : i32
      %mul3A_751 = arith.constant 2 : i32
      %mul3A_752 = arith.muli %mul3A_751, %add3A_750 : i32
      "tpu.region"() ({
        %run_scoped3A_787 = tpu.sem_alloc : memref<!tpu.dma_semaphore, #tpu.memory_space<semaphore_mem>>
        %dma_start3A_788 = arith.constant 0 : i32
        %dma_start3A_789 = tpu.memref_slice %arg4[%mul3A_752, %dma_start3A_788] : memref<32768x16xbf16, #tpu.memory_space<hbm>> -> memref<32x16xbf16, #tpu.memory_space<hbm>>
        %dma_start3A_790 = arith.constant 0 : i32
        %dma_start3A_791 = tpu.memref_slice %arg4[%mul3A_752, %dma_start3A_790] : memref<32768x16xbf16, #tpu.memory_space<hbm>> -> memref<32x16xbf16, #tpu.memory_space<hbm>>
        tpu.enqueue_dma source(%arg7 : memref<32x16xbf16, #tpu.memory_space<vmem>>) target(%dma_start3A_791 : memref<32x16xbf16, #tpu.memory_space<hbm>>) target_semaphore(%run_scoped3A_787 : memref<!tpu.dma_semaphore, #tpu.memory_space<semaphore_mem>>)
        %dma_wait3A_792 = arith.constant 0 : i32
        %dma_wait3A_793 = tpu.memref_slice %arg4[%mul3A_752, %dma_wait3A_792] : memref<32768x16xbf16, #tpu.memory_space<hbm>> -> memref<32x16xbf16, #tpu.memory_space<hbm>>
        %dma_wait3A_794 = arith.constant 0 : i32
        %dma_wait3A_795 = tpu.memref_slice %arg4[%mul3A_752, %dma_wait3A_794] : memref<32768x16xbf16, #tpu.memory_space<hbm>> -> memref<32x16xbf16, #tpu.memory_space<hbm>>
        tpu.wait_dma2 semaphore(%run_scoped3A_787 : memref<!tpu.dma_semaphore, #tpu.memory_space<semaphore_mem>>) src(%arg7 : memref<32x16xbf16, #tpu.memory_space<vmem>>) dst(%dma_wait3A_795 : memref<32x16xbf16, #tpu.memory_space<hbm>>)
        tpu.yield
      }) : () -> ()
      %ne3A = arith.constant 15 : i32
      %ne3A_753 = arith.cmpi ne, %scan3A_362, %ne3A : i32
      %convert_element_type3A = arith.extui %ne3A_753 : i1 to i32
      %cond3A = arith.constant 0 : i32
      %cond3A_754 = arith.cmpi ne, %convert_element_type3A, %cond3A : i32
      scf.if %cond3A_754 {
        %add3A_787 = arith.constant 2 : i32
        %add3A_788 = arith.addi %mul3A_365, %add3A_787 : i32
        %rem3A_789 = arith.constant 8 : i32
        %rem3A_790 = arith.remsi %add3A_788, %rem3A_789 : i32
        %mul3A_791 = arith.constant 25 : i32
        %mul3A_792 = arith.muli %add3A_788, %mul3A_791 : i32
        %add3A_793 = arith.addi %mul3A_2, %mul3A_792 : i32
        %sub3A_794 = arith.subi %add3A_793, %rem3A_790 : i32
        %run_scoped3A_795 = arith.constant 0 : i32
        "tpu.region"() ({
          %run_scoped3A_1146 = tpu.sem_alloc : memref<!tpu.dma_semaphore, #tpu.memory_space<semaphore_mem>>
          %dma_start3A_1147 = arith.constant 0 : i32
          %dma_start3A_1148 = arith.constant 0 : i32
          %dma_start3A_1149 = tpu.memref_slice %arg5[%run_scoped3A_795, %dma_start3A_1147, %dma_start3A_1148] : memref<2x32x128xi32, #tpu.memory_space<vmem>> -> memref<1x32x128xi32, #tpu.memory_space<vmem>>
          %dma_start3A_1150 = tpu.memref_squeeze %dma_start3A_1149 : memref<1x32x128xi32, #tpu.memory_space<vmem>> -> memref<32x128xi32, #tpu.memory_space<vmem>>
          %dma_start3A_1151 = arith.constant 0 : i32
          %dma_start3A_1152 = tpu.memref_slice %arg2[%sub3A_794, %dma_start3A_1151] : memref<25600x128xi32, #tpu.memory_space<hbm>> -> memref<32x128xi32, #tpu.memory_space<hbm>>
          %dma_start3A_1153 = arith.constant 0 : i32
          %dma_start3A_1154 = arith.constant 0 : i32
          %dma_start3A_1155 = tpu.memref_slice %arg5[%run_scoped3A_795, %dma_start3A_1153, %dma_start3A_1154] : memref<2x32x128xi32, #tpu.memory_space<vmem>> -> memref<1x32x128xi32, #tpu.memory_space<vmem>>
          %dma_start3A_1156 = tpu.memref_squeeze %dma_start3A_1155 : memref<1x32x128xi32, #tpu.memory_space<vmem>> -> memref<32x128xi32, #tpu.memory_space<vmem>>
          %dma_start3A_1157 = arith.constant 0 : i32
          %dma_start3A_1158 = tpu.memref_slice %arg2[%sub3A_794, %dma_start3A_1157] : memref<25600x128xi32, #tpu.memory_space<hbm>> -> memref<32x128xi32, #tpu.memory_space<hbm>>
          tpu.enqueue_dma source(%dma_start3A_1158 : memref<32x128xi32, #tpu.memory_space<hbm>>) target(%dma_start3A_1156 : memref<32x128xi32, #tpu.memory_space<vmem>>) target_semaphore(%run_scoped3A_1146 : memref<!tpu.dma_semaphore, #tpu.memory_space<semaphore_mem>>)
          %dma_wait3A_1159 = arith.constant 0 : i32
          %dma_wait3A_1160 = arith.constant 0 : i32
          %dma_wait3A_1161 = tpu.memref_slice %arg5[%run_scoped3A_795, %dma_wait3A_1159, %dma_wait3A_1160] : memref<2x32x128xi32, #tpu.memory_space<vmem>> -> memref<1x32x128xi32, #tpu.memory_space<vmem>>
          %dma_wait3A_1162 = tpu.memref_squeeze %dma_wait3A_1161 : memref<1x32x128xi32, #tpu.memory_space<vmem>> -> memref<32x128xi32, #tpu.memory_space<vmem>>
          %dma_wait3A_1163 = arith.constant 0 : i32
          %dma_wait3A_1164 = tpu.memref_slice %arg2[%sub3A_794, %dma_wait3A_1163] : memref<25600x128xi32, #tpu.memory_space<hbm>> -> memref<32x128xi32, #tpu.memory_space<hbm>>
          %dma_wait3A_1165 = arith.constant 0 : i32
          %dma_wait3A_1166 = arith.constant 0 : i32
          %dma_wait3A_1167 = tpu.memref_slice %arg5[%run_scoped3A_795, %dma_wait3A_1165, %dma_wait3A_1166] : memref<2x32x128xi32, #tpu.memory_space<vmem>> -> memref<1x32x128xi32, #tpu.memory_space<vmem>>
          %dma_wait3A_1168 = tpu.memref_squeeze %dma_wait3A_1167 : memref<1x32x128xi32, #tpu.memory_space<vmem>> -> memref<32x128xi32, #tpu.memory_space<vmem>>
          %dma_wait3A_1169 = arith.constant 0 : i32
          %dma_wait3A_1170 = tpu.memref_slice %arg2[%sub3A_794, %dma_wait3A_1169] : memref<25600x128xi32, #tpu.memory_space<hbm>> -> memref<32x128xi32, #tpu.memory_space<hbm>>
          tpu.wait_dma2 semaphore(%run_scoped3A_1146 : memref<!tpu.dma_semaphore, #tpu.memory_space<semaphore_mem>>) src(%dma_wait3A_1170 : memref<32x128xi32, #tpu.memory_space<hbm>>) dst(%dma_wait3A_1168 : memref<32x128xi32, #tpu.memory_space<vmem>>)
          tpu.yield
        }) : () -> ()
        %add3A_796 = arith.constant 0 : i32
        %add3A_797 = arith.addi %rem3A_790, %add3A_796 : i32
        %dma_start3A_798 = arith.constant 0 : i32
        %dma_start3A_799 = arith.constant 0 : i32
        %dma_start3A_800 = arith.constant 0 : i32
        %dma_start3A_801 = arith.constant 0 : i32
        %dma_start3A_802 = tpu.memref_slice %arg6[%dma_start3A_799, %dma_start3A_800, %dma_start3A_801] : memref<2x3200x16xbf16, #tpu.memory_space<vmem>> -> memref<1x128x16xbf16, #tpu.memory_space<vmem>>
        %dma_start3A_803 = tpu.memref_squeeze %dma_start3A_802 : memref<1x128x16xbf16, #tpu.memory_space<vmem>> -> memref<128x16xbf16, #tpu.memory_space<vmem>>
        %dma_start3A_804 = arith.constant 0 : i32
        %dma_start3A_805 = tpu.memref_slice %arg5[%dma_start3A_798, %add3A_797, %dma_start3A_804] : memref<2x32x128xi32, #tpu.memory_space<vmem>> -> memref<1x1x128xi32, #tpu.memory_space<vmem>>
        %dma_start3A_806 = tpu.memref_squeeze %dma_start3A_805 : memref<1x1x128xi32, #tpu.memory_space<vmem>> -> memref<128xi32, #tpu.memory_space<vmem>>
        %dma_start3A_807 = arith.constant 0 : i32
        %dma_start3A_808 = arith.constant 0 : i32
        %dma_start3A_809 = tpu.memref_slice %arg3[%dma_start3A_807, %dma_start3A_808] : memref<100000x16xbf16, #tpu.memory_space<hbm>> -> memref<100000x16xbf16, #tpu.memory_space<hbm>>
        tpu.enqueue_indirect_dma source(%dma_start3A_809 : memref<100000x16xbf16, #tpu.memory_space<hbm>>) target(%dma_start3A_803 : memref<128x16xbf16, #tpu.memory_space<vmem>>) offsets(%dma_start3A_806 : memref<128xi32, #tpu.memory_space<vmem>>) semaphore(%arg8 : memref<!tpu.dma_semaphore, #tpu.memory_space<semaphore_mem>>)
        %add3A_810 = arith.constant 1 : i32
        %add3A_811 = arith.addi %rem3A_790, %add3A_810 : i32
        %dma_start3A_812 = arith.constant 0 : i32
        %dma_start3A_813 = arith.constant 0 : i32
        %dma_start3A_814 = arith.constant 128 : i32
        %dma_start3A_815 = arith.constant 0 : i32
        %dma_start3A_816 = tpu.memref_slice %arg6[%dma_start3A_813, %dma_start3A_814, %dma_start3A_815] : memref<2x3200x16xbf16, #tpu.memory_space<vmem>> -> memref<1x128x16xbf16, #tpu.memory_space<vmem>>
        %dma_start3A_817 = tpu.memref_squeeze %dma_start3A_816 : memref<1x128x16xbf16, #tpu.memory_space<vmem>> -> memref<128x16xbf16, #tpu.memory_space<vmem>>
        %dma_start3A_818 = arith.constant 0 : i32
        %dma_start3A_819 = tpu.memref_slice %arg5[%dma_start3A_812, %add3A_811, %dma_start3A_818] : memref<2x32x128xi32, #tpu.memory_space<vmem>> -> memref<1x1x128xi32, #tpu.memory_space<vmem>>
        %dma_start3A_820 = tpu.memref_squeeze %dma_start3A_819 : memref<1x1x128xi32, #tpu.memory_space<vmem>> -> memref<128xi32, #tpu.memory_space<vmem>>
        %dma_start3A_821 = arith.constant 0 : i32
        %dma_start3A_822 = arith.constant 0 : i32
        %dma_start3A_823 = tpu.memref_slice %arg3[%dma_start3A_821, %dma_start3A_822] : memref<100000x16xbf16, #tpu.memory_space<hbm>> -> memref<100000x16xbf16, #tpu.memory_space<hbm>>
        tpu.enqueue_indirect_dma source(%dma_start3A_823 : memref<100000x16xbf16, #tpu.memory_space<hbm>>) target(%dma_start3A_817 : memref<128x16xbf16, #tpu.memory_space<vmem>>) offsets(%dma_start3A_820 : memref<128xi32, #tpu.memory_space<vmem>>) semaphore(%arg8 : memref<!tpu.dma_semaphore, #tpu.memory_space<semaphore_mem>>)
        %add3A_824 = arith.constant 2 : i32
        %add3A_825 = arith.addi %rem3A_790, %add3A_824 : i32
        %dma_start3A_826 = arith.constant 0 : i32
        %dma_start3A_827 = arith.constant 0 : i32
        %dma_start3A_828 = arith.constant 256 : i32
        %dma_start3A_829 = arith.constant 0 : i32
        %dma_start3A_830 = tpu.memref_slice %arg6[%dma_start3A_827, %dma_start3A_828, %dma_start3A_829] : memref<2x3200x16xbf16, #tpu.memory_space<vmem>> -> memref<1x128x16xbf16, #tpu.memory_space<vmem>>
        %dma_start3A_831 = tpu.memref_squeeze %dma_start3A_830 : memref<1x128x16xbf16, #tpu.memory_space<vmem>> -> memref<128x16xbf16, #tpu.memory_space<vmem>>
        %dma_start3A_832 = arith.constant 0 : i32
        %dma_start3A_833 = tpu.memref_slice %arg5[%dma_start3A_826, %add3A_825, %dma_start3A_832] : memref<2x32x128xi32, #tpu.memory_space<vmem>> -> memref<1x1x128xi32, #tpu.memory_space<vmem>>
        %dma_start3A_834 = tpu.memref_squeeze %dma_start3A_833 : memref<1x1x128xi32, #tpu.memory_space<vmem>> -> memref<128xi32, #tpu.memory_space<vmem>>
        %dma_start3A_835 = arith.constant 0 : i32
        %dma_start3A_836 = arith.constant 0 : i32
        %dma_start3A_837 = tpu.memref_slice %arg3[%dma_start3A_835, %dma_start3A_836] : memref<100000x16xbf16, #tpu.memory_space<hbm>> -> memref<100000x16xbf16, #tpu.memory_space<hbm>>
        tpu.enqueue_indirect_dma source(%dma_start3A_837 : memref<100000x16xbf16, #tpu.memory_space<hbm>>) target(%dma_start3A_831 : memref<128x16xbf16, #tpu.memory_space<vmem>>) offsets(%dma_start3A_834 : memref<128xi32, #tpu.memory_space<vmem>>) semaphore(%arg8 : memref<!tpu.dma_semaphore, #tpu.memory_space<semaphore_mem>>)
        %add3A_838 = arith.constant 3 : i32
        %add3A_839 = arith.addi %rem3A_790, %add3A_838 : i32
        %dma_start3A_840 = arith.constant 0 : i32
        %dma_start3A_841 = arith.constant 0 : i32
        %dma_start3A_842 = arith.constant 384 : i32
        %dma_start3A_843 = arith.constant 0 : i32
        %dma_start3A_844 = tpu.memref_slice %arg6[%dma_start3A_841, %dma_start3A_842, %dma_start3A_843] : memref<2x3200x16xbf16, #tpu.memory_space<vmem>> -> memref<1x128x16xbf16, #tpu.memory_space<vmem>>
        %dma_start3A_845 = tpu.memref_squeeze %dma_start3A_844 : memref<1x128x16xbf16, #tpu.memory_space<vmem>> -> memref<128x16xbf16, #tpu.memory_space<vmem>>
        %dma_start3A_846 = arith.constant 0 : i32
        %dma_start3A_847 = tpu.memref_slice %arg5[%dma_start3A_840, %add3A_839, %dma_start3A_846] : memref<2x32x128xi32, #tpu.memory_space<vmem>> -> memref<1x1x128xi32, #tpu.memory_space<vmem>>
        %dma_start3A_848 = tpu.memref_squeeze %dma_start3A_847 : memref<1x1x128xi32, #tpu.memory_space<vmem>> -> memref<128xi32, #tpu.memory_space<vmem>>
        %dma_start3A_849 = arith.constant 0 : i32
        %dma_start3A_850 = arith.constant 0 : i32
        %dma_start3A_851 = tpu.memref_slice %arg3[%dma_start3A_849, %dma_start3A_850] : memref<100000x16xbf16, #tpu.memory_space<hbm>> -> memref<100000x16xbf16, #tpu.memory_space<hbm>>
        tpu.enqueue_indirect_dma source(%dma_start3A_851 : memref<100000x16xbf16, #tpu.memory_space<hbm>>) target(%dma_start3A_845 : memref<128x16xbf16, #tpu.memory_space<vmem>>) offsets(%dma_start3A_848 : memref<128xi32, #tpu.memory_space<vmem>>) semaphore(%arg8 : memref<!tpu.dma_semaphore, #tpu.memory_space<semaphore_mem>>)
        %add3A_852 = arith.constant 4 : i32
        %add3A_853 = arith.addi %rem3A_790, %add3A_852 : i32
        %dma_start3A_854 = arith.constant 0 : i32
        %dma_start3A_855 = arith.constant 0 : i32
        %dma_start3A_856 = arith.constant 512 : i32
        %dma_start3A_857 = arith.constant 0 : i32
        %dma_start3A_858 = tpu.memref_slice %arg6[%dma_start3A_855, %dma_start3A_856, %dma_start3A_857] : memref<2x3200x16xbf16, #tpu.memory_space<vmem>> -> memref<1x128x16xbf16, #tpu.memory_space<vmem>>
        %dma_start3A_859 = tpu.memref_squeeze %dma_start3A_858 : memref<1x128x16xbf16, #tpu.memory_space<vmem>> -> memref<128x16xbf16, #tpu.memory_space<vmem>>
        %dma_start3A_860 = arith.constant 0 : i32
        %dma_start3A_861 = tpu.memref_slice %arg5[%dma_start3A_854, %add3A_853, %dma_start3A_860] : memref<2x32x128xi32, #tpu.memory_space<vmem>> -> memref<1x1x128xi32, #tpu.memory_space<vmem>>
        %dma_start3A_862 = tpu.memref_squeeze %dma_start3A_861 : memref<1x1x128xi32, #tpu.memory_space<vmem>> -> memref<128xi32, #tpu.memory_space<vmem>>
        %dma_start3A_863 = arith.constant 0 : i32
        %dma_start3A_864 = arith.constant 0 : i32
        %dma_start3A_865 = tpu.memref_slice %arg3[%dma_start3A_863, %dma_start3A_864] : memref<100000x16xbf16, #tpu.memory_space<hbm>> -> memref<100000x16xbf16, #tpu.memory_space<hbm>>
        tpu.enqueue_indirect_dma source(%dma_start3A_865 : memref<100000x16xbf16, #tpu.memory_space<hbm>>) target(%dma_start3A_859 : memref<128x16xbf16, #tpu.memory_space<vmem>>) offsets(%dma_start3A_862 : memref<128xi32, #tpu.memory_space<vmem>>) semaphore(%arg8 : memref<!tpu.dma_semaphore, #tpu.memory_space<semaphore_mem>>)
        %add3A_866 = arith.constant 5 : i32
        %add3A_867 = arith.addi %rem3A_790, %add3A_866 : i32
        %dma_start3A_868 = arith.constant 0 : i32
        %dma_start3A_869 = arith.constant 0 : i32
        %dma_start3A_870 = arith.constant 640 : i32
        %dma_start3A_871 = arith.constant 0 : i32
        %dma_start3A_872 = tpu.memref_slice %arg6[%dma_start3A_869, %dma_start3A_870, %dma_start3A_871] : memref<2x3200x16xbf16, #tpu.memory_space<vmem>> -> memref<1x128x16xbf16, #tpu.memory_space<vmem>>
        %dma_start3A_873 = tpu.memref_squeeze %dma_start3A_872 : memref<1x128x16xbf16, #tpu.memory_space<vmem>> -> memref<128x16xbf16, #tpu.memory_space<vmem>>
        %dma_start3A_874 = arith.constant 0 : i32
        %dma_start3A_875 = tpu.memref_slice %arg5[%dma_start3A_868, %add3A_867, %dma_start3A_874] : memref<2x32x128xi32, #tpu.memory_space<vmem>> -> memref<1x1x128xi32, #tpu.memory_space<vmem>>
        %dma_start3A_876 = tpu.memref_squeeze %dma_start3A_875 : memref<1x1x128xi32, #tpu.memory_space<vmem>> -> memref<128xi32, #tpu.memory_space<vmem>>
        %dma_start3A_877 = arith.constant 0 : i32
        %dma_start3A_878 = arith.constant 0 : i32
        %dma_start3A_879 = tpu.memref_slice %arg3[%dma_start3A_877, %dma_start3A_878] : memref<100000x16xbf16, #tpu.memory_space<hbm>> -> memref<100000x16xbf16, #tpu.memory_space<hbm>>
        tpu.enqueue_indirect_dma source(%dma_start3A_879 : memref<100000x16xbf16, #tpu.memory_space<hbm>>) target(%dma_start3A_873 : memref<128x16xbf16, #tpu.memory_space<vmem>>) offsets(%dma_start3A_876 : memref<128xi32, #tpu.memory_space<vmem>>) semaphore(%arg8 : memref<!tpu.dma_semaphore, #tpu.memory_space<semaphore_mem>>)
        %add3A_880 = arith.constant 6 : i32
        %add3A_881 = arith.addi %rem3A_790, %add3A_880 : i32
        %dma_start3A_882 = arith.constant 0 : i32
        %dma_start3A_883 = arith.constant 0 : i32
        %dma_start3A_884 = arith.constant 768 : i32
        %dma_start3A_885 = arith.constant 0 : i32
        %dma_start3A_886 = tpu.memref_slice %arg6[%dma_start3A_883, %dma_start3A_884, %dma_start3A_885] : memref<2x3200x16xbf16, #tpu.memory_space<vmem>> -> memref<1x128x16xbf16, #tpu.memory_space<vmem>>
        %dma_start3A_887 = tpu.memref_squeeze %dma_start3A_886 : memref<1x128x16xbf16, #tpu.memory_space<vmem>> -> memref<128x16xbf16, #tpu.memory_space<vmem>>
        %dma_start3A_888 = arith.constant 0 : i32
        %dma_start3A_889 = tpu.memref_slice %arg5[%dma_start3A_882, %add3A_881, %dma_start3A_888] : memref<2x32x128xi32, #tpu.memory_space<vmem>> -> memref<1x1x128xi32, #tpu.memory_space<vmem>>
        %dma_start3A_890 = tpu.memref_squeeze %dma_start3A_889 : memref<1x1x128xi32, #tpu.memory_space<vmem>> -> memref<128xi32, #tpu.memory_space<vmem>>
        %dma_start3A_891 = arith.constant 0 : i32
        %dma_start3A_892 = arith.constant 0 : i32
        %dma_start3A_893 = tpu.memref_slice %arg3[%dma_start3A_891, %dma_start3A_892] : memref<100000x16xbf16, #tpu.memory_space<hbm>> -> memref<100000x16xbf16, #tpu.memory_space<hbm>>
        tpu.enqueue_indirect_dma source(%dma_start3A_893 : memref<100000x16xbf16, #tpu.memory_space<hbm>>) target(%dma_start3A_887 : memref<128x16xbf16, #tpu.memory_space<vmem>>) offsets(%dma_start3A_890 : memref<128xi32, #tpu.memory_space<vmem>>) semaphore(%arg8 : memref<!tpu.dma_semaphore, #tpu.memory_space<semaphore_mem>>)
        %add3A_894 = arith.constant 7 : i32
        %add3A_895 = arith.addi %rem3A_790, %add3A_894 : i32
        %dma_start3A_896 = arith.constant 0 : i32
        %dma_start3A_897 = arith.constant 0 : i32
        %dma_start3A_898 = arith.constant 896 : i32
        %dma_start3A_899 = arith.constant 0 : i32
        %dma_start3A_900 = tpu.memref_slice %arg6[%dma_start3A_897, %dma_start3A_898, %dma_start3A_899] : memref<2x3200x16xbf16, #tpu.memory_space<vmem>> -> memref<1x128x16xbf16, #tpu.memory_space<vmem>>
        %dma_start3A_901 = tpu.memref_squeeze %dma_start3A_900 : memref<1x128x16xbf16, #tpu.memory_space<vmem>> -> memref<128x16xbf16, #tpu.memory_space<vmem>>
        %dma_start3A_902 = arith.constant 0 : i32
        %dma_start3A_903 = tpu.memref_slice %arg5[%dma_start3A_896, %add3A_895, %dma_start3A_902] : memref<2x32x128xi32, #tpu.memory_space<vmem>> -> memref<1x1x128xi32, #tpu.memory_space<vmem>>
        %dma_start3A_904 = tpu.memref_squeeze %dma_start3A_903 : memref<1x1x128xi32, #tpu.memory_space<vmem>> -> memref<128xi32, #tpu.memory_space<vmem>>
        %dma_start3A_905 = arith.constant 0 : i32
        %dma_start3A_906 = arith.constant 0 : i32
        %dma_start3A_907 = tpu.memref_slice %arg3[%dma_start3A_905, %dma_start3A_906] : memref<100000x16xbf16, #tpu.memory_space<hbm>> -> memref<100000x16xbf16, #tpu.memory_space<hbm>>
        tpu.enqueue_indirect_dma source(%dma_start3A_907 : memref<100000x16xbf16, #tpu.memory_space<hbm>>) target(%dma_start3A_901 : memref<128x16xbf16, #tpu.memory_space<vmem>>) offsets(%dma_start3A_904 : memref<128xi32, #tpu.memory_space<vmem>>) semaphore(%arg8 : memref<!tpu.dma_semaphore, #tpu.memory_space<semaphore_mem>>)
        %add3A_908 = arith.constant 8 : i32
        %add3A_909 = arith.addi %rem3A_790, %add3A_908 : i32
        %dma_start3A_910 = arith.constant 0 : i32
        %dma_start3A_911 = arith.constant 0 : i32
        %dma_start3A_912 = arith.constant 1024 : i32
        %dma_start3A_913 = arith.constant 0 : i32
        %dma_start3A_914 = tpu.memref_slice %arg6[%dma_start3A_911, %dma_start3A_912, %dma_start3A_913] : memref<2x3200x16xbf16, #tpu.memory_space<vmem>> -> memref<1x128x16xbf16, #tpu.memory_space<vmem>>
        %dma_start3A_915 = tpu.memref_squeeze %dma_start3A_914 : memref<1x128x16xbf16, #tpu.memory_space<vmem>> -> memref<128x16xbf16, #tpu.memory_space<vmem>>
        %dma_start3A_916 = arith.constant 0 : i32
        %dma_start3A_917 = tpu.memref_slice %arg5[%dma_start3A_910, %add3A_909, %dma_start3A_916] : memref<2x32x128xi32, #tpu.memory_space<vmem>> -> memref<1x1x128xi32, #tpu.memory_space<vmem>>
        %dma_start3A_918 = tpu.memref_squeeze %dma_start3A_917 : memref<1x1x128xi32, #tpu.memory_space<vmem>> -> memref<128xi32, #tpu.memory_space<vmem>>
        %dma_start3A_919 = arith.constant 0 : i32
        %dma_start3A_920 = arith.constant 0 : i32
        %dma_start3A_921 = tpu.memref_slice %arg3[%dma_start3A_919, %dma_start3A_920] : memref<100000x16xbf16, #tpu.memory_space<hbm>> -> memref<100000x16xbf16, #tpu.memory_space<hbm>>
        tpu.enqueue_indirect_dma source(%dma_start3A_921 : memref<100000x16xbf16, #tpu.memory_space<hbm>>) target(%dma_start3A_915 : memref<128x16xbf16, #tpu.memory_space<vmem>>) offsets(%dma_start3A_918 : memref<128xi32, #tpu.memory_space<vmem>>) semaphore(%arg8 : memref<!tpu.dma_semaphore, #tpu.memory_space<semaphore_mem>>)
        %add3A_922 = arith.constant 9 : i32
        %add3A_923 = arith.addi %rem3A_790, %add3A_922 : i32
        %dma_start3A_924 = arith.constant 0 : i32
        %dma_start3A_925 = arith.constant 0 : i32
        %dma_start3A_926 = arith.constant 1152 : i32
        %dma_start3A_927 = arith.constant 0 : i32
        %dma_start3A_928 = tpu.memref_slice %arg6[%dma_start3A_925, %dma_start3A_926, %dma_start3A_927] : memref<2x3200x16xbf16, #tpu.memory_space<vmem>> -> memref<1x128x16xbf16, #tpu.memory_space<vmem>>
        %dma_start3A_929 = tpu.memref_squeeze %dma_start3A_928 : memref<1x128x16xbf16, #tpu.memory_space<vmem>> -> memref<128x16xbf16, #tpu.memory_space<vmem>>
        %dma_start3A_930 = arith.constant 0 : i32
        %dma_start3A_931 = tpu.memref_slice %arg5[%dma_start3A_924, %add3A_923, %dma_start3A_930] : memref<2x32x128xi32, #tpu.memory_space<vmem>> -> memref<1x1x128xi32, #tpu.memory_space<vmem>>
        %dma_start3A_932 = tpu.memref_squeeze %dma_start3A_931 : memref<1x1x128xi32, #tpu.memory_space<vmem>> -> memref<128xi32, #tpu.memory_space<vmem>>
        %dma_start3A_933 = arith.constant 0 : i32
        %dma_start3A_934 = arith.constant 0 : i32
        %dma_start3A_935 = tpu.memref_slice %arg3[%dma_start3A_933, %dma_start3A_934] : memref<100000x16xbf16, #tpu.memory_space<hbm>> -> memref<100000x16xbf16, #tpu.memory_space<hbm>>
        tpu.enqueue_indirect_dma source(%dma_start3A_935 : memref<100000x16xbf16, #tpu.memory_space<hbm>>) target(%dma_start3A_929 : memref<128x16xbf16, #tpu.memory_space<vmem>>) offsets(%dma_start3A_932 : memref<128xi32, #tpu.memory_space<vmem>>) semaphore(%arg8 : memref<!tpu.dma_semaphore, #tpu.memory_space<semaphore_mem>>)
        %add3A_936 = arith.constant 10 : i32
        %add3A_937 = arith.addi %rem3A_790, %add3A_936 : i32
        %dma_start3A_938 = arith.constant 0 : i32
        %dma_start3A_939 = arith.constant 0 : i32
        %dma_start3A_940 = arith.constant 1280 : i32
        %dma_start3A_941 = arith.constant 0 : i32
        %dma_start3A_942 = tpu.memref_slice %arg6[%dma_start3A_939, %dma_start3A_940, %dma_start3A_941] : memref<2x3200x16xbf16, #tpu.memory_space<vmem>> -> memref<1x128x16xbf16, #tpu.memory_space<vmem>>
        %dma_start3A_943 = tpu.memref_squeeze %dma_start3A_942 : memref<1x128x16xbf16, #tpu.memory_space<vmem>> -> memref<128x16xbf16, #tpu.memory_space<vmem>>
        %dma_start3A_944 = arith.constant 0 : i32
        %dma_start3A_945 = tpu.memref_slice %arg5[%dma_start3A_938, %add3A_937, %dma_start3A_944] : memref<2x32x128xi32, #tpu.memory_space<vmem>> -> memref<1x1x128xi32, #tpu.memory_space<vmem>>
        %dma_start3A_946 = tpu.memref_squeeze %dma_start3A_945 : memref<1x1x128xi32, #tpu.memory_space<vmem>> -> memref<128xi32, #tpu.memory_space<vmem>>
        %dma_start3A_947 = arith.constant 0 : i32
        %dma_start3A_948 = arith.constant 0 : i32
        %dma_start3A_949 = tpu.memref_slice %arg3[%dma_start3A_947, %dma_start3A_948] : memref<100000x16xbf16, #tpu.memory_space<hbm>> -> memref<100000x16xbf16, #tpu.memory_space<hbm>>
        tpu.enqueue_indirect_dma source(%dma_start3A_949 : memref<100000x16xbf16, #tpu.memory_space<hbm>>) target(%dma_start3A_943 : memref<128x16xbf16, #tpu.memory_space<vmem>>) offsets(%dma_start3A_946 : memref<128xi32, #tpu.memory_space<vmem>>) semaphore(%arg8 : memref<!tpu.dma_semaphore, #tpu.memory_space<semaphore_mem>>)
        %add3A_950 = arith.constant 11 : i32
        %add3A_951 = arith.addi %rem3A_790, %add3A_950 : i32
        %dma_start3A_952 = arith.constant 0 : i32
        %dma_start3A_953 = arith.constant 0 : i32
        %dma_start3A_954 = arith.constant 1408 : i32
        %dma_start3A_955 = arith.constant 0 : i32
        %dma_start3A_956 = tpu.memref_slice %arg6[%dma_start3A_953, %dma_start3A_954, %dma_start3A_955] : memref<2x3200x16xbf16, #tpu.memory_space<vmem>> -> memref<1x128x16xbf16, #tpu.memory_space<vmem>>
        %dma_start3A_957 = tpu.memref_squeeze %dma_start3A_956 : memref<1x128x16xbf16, #tpu.memory_space<vmem>> -> memref<128x16xbf16, #tpu.memory_space<vmem>>
        %dma_start3A_958 = arith.constant 0 : i32
        %dma_start3A_959 = tpu.memref_slice %arg5[%dma_start3A_952, %add3A_951, %dma_start3A_958] : memref<2x32x128xi32, #tpu.memory_space<vmem>> -> memref<1x1x128xi32, #tpu.memory_space<vmem>>
        %dma_start3A_960 = tpu.memref_squeeze %dma_start3A_959 : memref<1x1x128xi32, #tpu.memory_space<vmem>> -> memref<128xi32, #tpu.memory_space<vmem>>
        %dma_start3A_961 = arith.constant 0 : i32
        %dma_start3A_962 = arith.constant 0 : i32
        %dma_start3A_963 = tpu.memref_slice %arg3[%dma_start3A_961, %dma_start3A_962] : memref<100000x16xbf16, #tpu.memory_space<hbm>> -> memref<100000x16xbf16, #tpu.memory_space<hbm>>
        tpu.enqueue_indirect_dma source(%dma_start3A_963 : memref<100000x16xbf16, #tpu.memory_space<hbm>>) target(%dma_start3A_957 : memref<128x16xbf16, #tpu.memory_space<vmem>>) offsets(%dma_start3A_960 : memref<128xi32, #tpu.memory_space<vmem>>) semaphore(%arg8 : memref<!tpu.dma_semaphore, #tpu.memory_space<semaphore_mem>>)
        %add3A_964 = arith.constant 12 : i32
        %add3A_965 = arith.addi %rem3A_790, %add3A_964 : i32
        %dma_start3A_966 = arith.constant 0 : i32
        %dma_start3A_967 = arith.constant 0 : i32
        %dma_start3A_968 = arith.constant 1536 : i32
        %dma_start3A_969 = arith.constant 0 : i32
        %dma_start3A_970 = tpu.memref_slice %arg6[%dma_start3A_967, %dma_start3A_968, %dma_start3A_969] : memref<2x3200x16xbf16, #tpu.memory_space<vmem>> -> memref<1x128x16xbf16, #tpu.memory_space<vmem>>
        %dma_start3A_971 = tpu.memref_squeeze %dma_start3A_970 : memref<1x128x16xbf16, #tpu.memory_space<vmem>> -> memref<128x16xbf16, #tpu.memory_space<vmem>>
        %dma_start3A_972 = arith.constant 0 : i32
        %dma_start3A_973 = tpu.memref_slice %arg5[%dma_start3A_966, %add3A_965, %dma_start3A_972] : memref<2x32x128xi32, #tpu.memory_space<vmem>> -> memref<1x1x128xi32, #tpu.memory_space<vmem>>
        %dma_start3A_974 = tpu.memref_squeeze %dma_start3A_973 : memref<1x1x128xi32, #tpu.memory_space<vmem>> -> memref<128xi32, #tpu.memory_space<vmem>>
        %dma_start3A_975 = arith.constant 0 : i32
        %dma_start3A_976 = arith.constant 0 : i32
        %dma_start3A_977 = tpu.memref_slice %arg3[%dma_start3A_975, %dma_start3A_976] : memref<100000x16xbf16, #tpu.memory_space<hbm>> -> memref<100000x16xbf16, #tpu.memory_space<hbm>>
        tpu.enqueue_indirect_dma source(%dma_start3A_977 : memref<100000x16xbf16, #tpu.memory_space<hbm>>) target(%dma_start3A_971 : memref<128x16xbf16, #tpu.memory_space<vmem>>) offsets(%dma_start3A_974 : memref<128xi32, #tpu.memory_space<vmem>>) semaphore(%arg8 : memref<!tpu.dma_semaphore, #tpu.memory_space<semaphore_mem>>)
        %add3A_978 = arith.constant 13 : i32
        %add3A_979 = arith.addi %rem3A_790, %add3A_978 : i32
        %dma_start3A_980 = arith.constant 0 : i32
        %dma_start3A_981 = arith.constant 0 : i32
        %dma_start3A_982 = arith.constant 1664 : i32
        %dma_start3A_983 = arith.constant 0 : i32
        %dma_start3A_984 = tpu.memref_slice %arg6[%dma_start3A_981, %dma_start3A_982, %dma_start3A_983] : memref<2x3200x16xbf16, #tpu.memory_space<vmem>> -> memref<1x128x16xbf16, #tpu.memory_space<vmem>>
        %dma_start3A_985 = tpu.memref_squeeze %dma_start3A_984 : memref<1x128x16xbf16, #tpu.memory_space<vmem>> -> memref<128x16xbf16, #tpu.memory_space<vmem>>
        %dma_start3A_986 = arith.constant 0 : i32
        %dma_start3A_987 = tpu.memref_slice %arg5[%dma_start3A_980, %add3A_979, %dma_start3A_986] : memref<2x32x128xi32, #tpu.memory_space<vmem>> -> memref<1x1x128xi32, #tpu.memory_space<vmem>>
        %dma_start3A_988 = tpu.memref_squeeze %dma_start3A_987 : memref<1x1x128xi32, #tpu.memory_space<vmem>> -> memref<128xi32, #tpu.memory_space<vmem>>
        %dma_start3A_989 = arith.constant 0 : i32
        %dma_start3A_990 = arith.constant 0 : i32
        %dma_start3A_991 = tpu.memref_slice %arg3[%dma_start3A_989, %dma_start3A_990] : memref<100000x16xbf16, #tpu.memory_space<hbm>> -> memref<100000x16xbf16, #tpu.memory_space<hbm>>
        tpu.enqueue_indirect_dma source(%dma_start3A_991 : memref<100000x16xbf16, #tpu.memory_space<hbm>>) target(%dma_start3A_985 : memref<128x16xbf16, #tpu.memory_space<vmem>>) offsets(%dma_start3A_988 : memref<128xi32, #tpu.memory_space<vmem>>) semaphore(%arg8 : memref<!tpu.dma_semaphore, #tpu.memory_space<semaphore_mem>>)
        %add3A_992 = arith.constant 14 : i32
        %add3A_993 = arith.addi %rem3A_790, %add3A_992 : i32
        %dma_start3A_994 = arith.constant 0 : i32
        %dma_start3A_995 = arith.constant 0 : i32
        %dma_start3A_996 = arith.constant 1792 : i32
        %dma_start3A_997 = arith.constant 0 : i32
        %dma_start3A_998 = tpu.memref_slice %arg6[%dma_start3A_995, %dma_start3A_996, %dma_start3A_997] : memref<2x3200x16xbf16, #tpu.memory_space<vmem>> -> memref<1x128x16xbf16, #tpu.memory_space<vmem>>
        %dma_start3A_999 = tpu.memref_squeeze %dma_start3A_998 : memref<1x128x16xbf16, #tpu.memory_space<vmem>> -> memref<128x16xbf16, #tpu.memory_space<vmem>>
        %dma_start3A_1000 = arith.constant 0 : i32
        %dma_start3A_1001 = tpu.memref_slice %arg5[%dma_start3A_994, %add3A_993, %dma_start3A_1000] : memref<2x32x128xi32, #tpu.memory_space<vmem>> -> memref<1x1x128xi32, #tpu.memory_space<vmem>>
        %dma_start3A_1002 = tpu.memref_squeeze %dma_start3A_1001 : memref<1x1x128xi32, #tpu.memory_space<vmem>> -> memref<128xi32, #tpu.memory_space<vmem>>
        %dma_start3A_1003 = arith.constant 0 : i32
        %dma_start3A_1004 = arith.constant 0 : i32
        %dma_start3A_1005 = tpu.memref_slice %arg3[%dma_start3A_1003, %dma_start3A_1004] : memref<100000x16xbf16, #tpu.memory_space<hbm>> -> memref<100000x16xbf16, #tpu.memory_space<hbm>>
        tpu.enqueue_indirect_dma source(%dma_start3A_1005 : memref<100000x16xbf16, #tpu.memory_space<hbm>>) target(%dma_start3A_999 : memref<128x16xbf16, #tpu.memory_space<vmem>>) offsets(%dma_start3A_1002 : memref<128xi32, #tpu.memory_space<vmem>>) semaphore(%arg8 : memref<!tpu.dma_semaphore, #tpu.memory_space<semaphore_mem>>)
        %add3A_1006 = arith.constant 15 : i32
        %add3A_1007 = arith.addi %rem3A_790, %add3A_1006 : i32
        %dma_start3A_1008 = arith.constant 0 : i32
        %dma_start3A_1009 = arith.constant 0 : i32
        %dma_start3A_1010 = arith.constant 1920 : i32
        %dma_start3A_1011 = arith.constant 0 : i32
        %dma_start3A_1012 = tpu.memref_slice %arg6[%dma_start3A_1009, %dma_start3A_1010, %dma_start3A_1011] : memref<2x3200x16xbf16, #tpu.memory_space<vmem>> -> memref<1x128x16xbf16, #tpu.memory_space<vmem>>
        %dma_start3A_1013 = tpu.memref_squeeze %dma_start3A_1012 : memref<1x128x16xbf16, #tpu.memory_space<vmem>> -> memref<128x16xbf16, #tpu.memory_space<vmem>>
        %dma_start3A_1014 = arith.constant 0 : i32
        %dma_start3A_1015 = tpu.memref_slice %arg5[%dma_start3A_1008, %add3A_1007, %dma_start3A_1014] : memref<2x32x128xi32, #tpu.memory_space<vmem>> -> memref<1x1x128xi32, #tpu.memory_space<vmem>>
        %dma_start3A_1016 = tpu.memref_squeeze %dma_start3A_1015 : memref<1x1x128xi32, #tpu.memory_space<vmem>> -> memref<128xi32, #tpu.memory_space<vmem>>
        %dma_start3A_1017 = arith.constant 0 : i32
        %dma_start3A_1018 = arith.constant 0 : i32
        %dma_start3A_1019 = tpu.memref_slice %arg3[%dma_start3A_1017, %dma_start3A_1018] : memref<100000x16xbf16, #tpu.memory_space<hbm>> -> memref<100000x16xbf16, #tpu.memory_space<hbm>>
        tpu.enqueue_indirect_dma source(%dma_start3A_1019 : memref<100000x16xbf16, #tpu.memory_space<hbm>>) target(%dma_start3A_1013 : memref<128x16xbf16, #tpu.memory_space<vmem>>) offsets(%dma_start3A_1016 : memref<128xi32, #tpu.memory_space<vmem>>) semaphore(%arg8 : memref<!tpu.dma_semaphore, #tpu.memory_space<semaphore_mem>>)
        %add3A_1020 = arith.constant 16 : i32
        %add3A_1021 = arith.addi %rem3A_790, %add3A_1020 : i32
        %dma_start3A_1022 = arith.constant 0 : i32
        %dma_start3A_1023 = arith.constant 0 : i32
        %dma_start3A_1024 = arith.constant 2048 : i32
        %dma_start3A_1025 = arith.constant 0 : i32
        %dma_start3A_1026 = tpu.memref_slice %arg6[%dma_start3A_1023, %dma_start3A_1024, %dma_start3A_1025] : memref<2x3200x16xbf16, #tpu.memory_space<vmem>> -> memref<1x128x16xbf16, #tpu.memory_space<vmem>>
        %dma_start3A_1027 = tpu.memref_squeeze %dma_start3A_1026 : memref<1x128x16xbf16, #tpu.memory_space<vmem>> -> memref<128x16xbf16, #tpu.memory_space<vmem>>
        %dma_start3A_1028 = arith.constant 0 : i32
        %dma_start3A_1029 = tpu.memref_slice %arg5[%dma_start3A_1022, %add3A_1021, %dma_start3A_1028] : memref<2x32x128xi32, #tpu.memory_space<vmem>> -> memref<1x1x128xi32, #tpu.memory_space<vmem>>
        %dma_start3A_1030 = tpu.memref_squeeze %dma_start3A_1029 : memref<1x1x128xi32, #tpu.memory_space<vmem>> -> memref<128xi32, #tpu.memory_space<vmem>>
        %dma_start3A_1031 = arith.constant 0 : i32
        %dma_start3A_1032 = arith.constant 0 : i32
        %dma_start3A_1033 = tpu.memref_slice %arg3[%dma_start3A_1031, %dma_start3A_1032] : memref<100000x16xbf16, #tpu.memory_space<hbm>> -> memref<100000x16xbf16, #tpu.memory_space<hbm>>
        tpu.enqueue_indirect_dma source(%dma_start3A_1033 : memref<100000x16xbf16, #tpu.memory_space<hbm>>) target(%dma_start3A_1027 : memref<128x16xbf16, #tpu.memory_space<vmem>>) offsets(%dma_start3A_1030 : memref<128xi32, #tpu.memory_space<vmem>>) semaphore(%arg8 : memref<!tpu.dma_semaphore, #tpu.memory_space<semaphore_mem>>)
        %add3A_1034 = arith.constant 17 : i32
        %add3A_1035 = arith.addi %rem3A_790, %add3A_1034 : i32
        %dma_start3A_1036 = arith.constant 0 : i32
        %dma_start3A_1037 = arith.constant 0 : i32
        %dma_start3A_1038 = arith.constant 2176 : i32
        %dma_start3A_1039 = arith.constant 0 : i32
        %dma_start3A_1040 = tpu.memref_slice %arg6[%dma_start3A_1037, %dma_start3A_1038, %dma_start3A_1039] : memref<2x3200x16xbf16, #tpu.memory_space<vmem>> -> memref<1x128x16xbf16, #tpu.memory_space<vmem>>
        %dma_start3A_1041 = tpu.memref_squeeze %dma_start3A_1040 : memref<1x128x16xbf16, #tpu.memory_space<vmem>> -> memref<128x16xbf16, #tpu.memory_space<vmem>>
        %dma_start3A_1042 = arith.constant 0 : i32
        %dma_start3A_1043 = tpu.memref_slice %arg5[%dma_start3A_1036, %add3A_1035, %dma_start3A_1042] : memref<2x32x128xi32, #tpu.memory_space<vmem>> -> memref<1x1x128xi32, #tpu.memory_space<vmem>>
        %dma_start3A_1044 = tpu.memref_squeeze %dma_start3A_1043 : memref<1x1x128xi32, #tpu.memory_space<vmem>> -> memref<128xi32, #tpu.memory_space<vmem>>
        %dma_start3A_1045 = arith.constant 0 : i32
        %dma_start3A_1046 = arith.constant 0 : i32
        %dma_start3A_1047 = tpu.memref_slice %arg3[%dma_start3A_1045, %dma_start3A_1046] : memref<100000x16xbf16, #tpu.memory_space<hbm>> -> memref<100000x16xbf16, #tpu.memory_space<hbm>>
        tpu.enqueue_indirect_dma source(%dma_start3A_1047 : memref<100000x16xbf16, #tpu.memory_space<hbm>>) target(%dma_start3A_1041 : memref<128x16xbf16, #tpu.memory_space<vmem>>) offsets(%dma_start3A_1044 : memref<128xi32, #tpu.memory_space<vmem>>) semaphore(%arg8 : memref<!tpu.dma_semaphore, #tpu.memory_space<semaphore_mem>>)
        %add3A_1048 = arith.constant 18 : i32
        %add3A_1049 = arith.addi %rem3A_790, %add3A_1048 : i32
        %dma_start3A_1050 = arith.constant 0 : i32
        %dma_start3A_1051 = arith.constant 0 : i32
        %dma_start3A_1052 = arith.constant 2304 : i32
        %dma_start3A_1053 = arith.constant 0 : i32
        %dma_start3A_1054 = tpu.memref_slice %arg6[%dma_start3A_1051, %dma_start3A_1052, %dma_start3A_1053] : memref<2x3200x16xbf16, #tpu.memory_space<vmem>> -> memref<1x128x16xbf16, #tpu.memory_space<vmem>>
        %dma_start3A_1055 = tpu.memref_squeeze %dma_start3A_1054 : memref<1x128x16xbf16, #tpu.memory_space<vmem>> -> memref<128x16xbf16, #tpu.memory_space<vmem>>
        %dma_start3A_1056 = arith.constant 0 : i32
        %dma_start3A_1057 = tpu.memref_slice %arg5[%dma_start3A_1050, %add3A_1049, %dma_start3A_1056] : memref<2x32x128xi32, #tpu.memory_space<vmem>> -> memref<1x1x128xi32, #tpu.memory_space<vmem>>
        %dma_start3A_1058 = tpu.memref_squeeze %dma_start3A_1057 : memref<1x1x128xi32, #tpu.memory_space<vmem>> -> memref<128xi32, #tpu.memory_space<vmem>>
        %dma_start3A_1059 = arith.constant 0 : i32
        %dma_start3A_1060 = arith.constant 0 : i32
        %dma_start3A_1061 = tpu.memref_slice %arg3[%dma_start3A_1059, %dma_start3A_1060] : memref<100000x16xbf16, #tpu.memory_space<hbm>> -> memref<100000x16xbf16, #tpu.memory_space<hbm>>
        tpu.enqueue_indirect_dma source(%dma_start3A_1061 : memref<100000x16xbf16, #tpu.memory_space<hbm>>) target(%dma_start3A_1055 : memref<128x16xbf16, #tpu.memory_space<vmem>>) offsets(%dma_start3A_1058 : memref<128xi32, #tpu.memory_space<vmem>>) semaphore(%arg8 : memref<!tpu.dma_semaphore, #tpu.memory_space<semaphore_mem>>)
        %add3A_1062 = arith.constant 19 : i32
        %add3A_1063 = arith.addi %rem3A_790, %add3A_1062 : i32
        %dma_start3A_1064 = arith.constant 0 : i32
        %dma_start3A_1065 = arith.constant 0 : i32
        %dma_start3A_1066 = arith.constant 2432 : i32
        %dma_start3A_1067 = arith.constant 0 : i32
        %dma_start3A_1068 = tpu.memref_slice %arg6[%dma_start3A_1065, %dma_start3A_1066, %dma_start3A_1067] : memref<2x3200x16xbf16, #tpu.memory_space<vmem>> -> memref<1x128x16xbf16, #tpu.memory_space<vmem>>
        %dma_start3A_1069 = tpu.memref_squeeze %dma_start3A_1068 : memref<1x128x16xbf16, #tpu.memory_space<vmem>> -> memref<128x16xbf16, #tpu.memory_space<vmem>>
        %dma_start3A_1070 = arith.constant 0 : i32
        %dma_start3A_1071 = tpu.memref_slice %arg5[%dma_start3A_1064, %add3A_1063, %dma_start3A_1070] : memref<2x32x128xi32, #tpu.memory_space<vmem>> -> memref<1x1x128xi32, #tpu.memory_space<vmem>>
        %dma_start3A_1072 = tpu.memref_squeeze %dma_start3A_1071 : memref<1x1x128xi32, #tpu.memory_space<vmem>> -> memref<128xi32, #tpu.memory_space<vmem>>
        %dma_start3A_1073 = arith.constant 0 : i32
        %dma_start3A_1074 = arith.constant 0 : i32
        %dma_start3A_1075 = tpu.memref_slice %arg3[%dma_start3A_1073, %dma_start3A_1074] : memref<100000x16xbf16, #tpu.memory_space<hbm>> -> memref<100000x16xbf16, #tpu.memory_space<hbm>>
        tpu.enqueue_indirect_dma source(%dma_start3A_1075 : memref<100000x16xbf16, #tpu.memory_space<hbm>>) target(%dma_start3A_1069 : memref<128x16xbf16, #tpu.memory_space<vmem>>) offsets(%dma_start3A_1072 : memref<128xi32, #tpu.memory_space<vmem>>) semaphore(%arg8 : memref<!tpu.dma_semaphore, #tpu.memory_space<semaphore_mem>>)
        %add3A_1076 = arith.constant 20 : i32
        %add3A_1077 = arith.addi %rem3A_790, %add3A_1076 : i32
        %dma_start3A_1078 = arith.constant 0 : i32
        %dma_start3A_1079 = arith.constant 0 : i32
        %dma_start3A_1080 = arith.constant 2560 : i32
        %dma_start3A_1081 = arith.constant 0 : i32
        %dma_start3A_1082 = tpu.memref_slice %arg6[%dma_start3A_1079, %dma_start3A_1080, %dma_start3A_1081] : memref<2x3200x16xbf16, #tpu.memory_space<vmem>> -> memref<1x128x16xbf16, #tpu.memory_space<vmem>>
        %dma_start3A_1083 = tpu.memref_squeeze %dma_start3A_1082 : memref<1x128x16xbf16, #tpu.memory_space<vmem>> -> memref<128x16xbf16, #tpu.memory_space<vmem>>
        %dma_start3A_1084 = arith.constant 0 : i32
        %dma_start3A_1085 = tpu.memref_slice %arg5[%dma_start3A_1078, %add3A_1077, %dma_start3A_1084] : memref<2x32x128xi32, #tpu.memory_space<vmem>> -> memref<1x1x128xi32, #tpu.memory_space<vmem>>
        %dma_start3A_1086 = tpu.memref_squeeze %dma_start3A_1085 : memref<1x1x128xi32, #tpu.memory_space<vmem>> -> memref<128xi32, #tpu.memory_space<vmem>>
        %dma_start3A_1087 = arith.constant 0 : i32
        %dma_start3A_1088 = arith.constant 0 : i32
        %dma_start3A_1089 = tpu.memref_slice %arg3[%dma_start3A_1087, %dma_start3A_1088] : memref<100000x16xbf16, #tpu.memory_space<hbm>> -> memref<100000x16xbf16, #tpu.memory_space<hbm>>
        tpu.enqueue_indirect_dma source(%dma_start3A_1089 : memref<100000x16xbf16, #tpu.memory_space<hbm>>) target(%dma_start3A_1083 : memref<128x16xbf16, #tpu.memory_space<vmem>>) offsets(%dma_start3A_1086 : memref<128xi32, #tpu.memory_space<vmem>>) semaphore(%arg8 : memref<!tpu.dma_semaphore, #tpu.memory_space<semaphore_mem>>)
        %add3A_1090 = arith.constant 21 : i32
        %add3A_1091 = arith.addi %rem3A_790, %add3A_1090 : i32
        %dma_start3A_1092 = arith.constant 0 : i32
        %dma_start3A_1093 = arith.constant 0 : i32
        %dma_start3A_1094 = arith.constant 2688 : i32
        %dma_start3A_1095 = arith.constant 0 : i32
        %dma_start3A_1096 = tpu.memref_slice %arg6[%dma_start3A_1093, %dma_start3A_1094, %dma_start3A_1095] : memref<2x3200x16xbf16, #tpu.memory_space<vmem>> -> memref<1x128x16xbf16, #tpu.memory_space<vmem>>
        %dma_start3A_1097 = tpu.memref_squeeze %dma_start3A_1096 : memref<1x128x16xbf16, #tpu.memory_space<vmem>> -> memref<128x16xbf16, #tpu.memory_space<vmem>>
        %dma_start3A_1098 = arith.constant 0 : i32
        %dma_start3A_1099 = tpu.memref_slice %arg5[%dma_start3A_1092, %add3A_1091, %dma_start3A_1098] : memref<2x32x128xi32, #tpu.memory_space<vmem>> -> memref<1x1x128xi32, #tpu.memory_space<vmem>>
        %dma_start3A_1100 = tpu.memref_squeeze %dma_start3A_1099 : memref<1x1x128xi32, #tpu.memory_space<vmem>> -> memref<128xi32, #tpu.memory_space<vmem>>
        %dma_start3A_1101 = arith.constant 0 : i32
        %dma_start3A_1102 = arith.constant 0 : i32
        %dma_start3A_1103 = tpu.memref_slice %arg3[%dma_start3A_1101, %dma_start3A_1102] : memref<100000x16xbf16, #tpu.memory_space<hbm>> -> memref<100000x16xbf16, #tpu.memory_space<hbm>>
        tpu.enqueue_indirect_dma source(%dma_start3A_1103 : memref<100000x16xbf16, #tpu.memory_space<hbm>>) target(%dma_start3A_1097 : memref<128x16xbf16, #tpu.memory_space<vmem>>) offsets(%dma_start3A_1100 : memref<128xi32, #tpu.memory_space<vmem>>) semaphore(%arg8 : memref<!tpu.dma_semaphore, #tpu.memory_space<semaphore_mem>>)
        %add3A_1104 = arith.constant 22 : i32
        %add3A_1105 = arith.addi %rem3A_790, %add3A_1104 : i32
        %dma_start3A_1106 = arith.constant 0 : i32
        %dma_start3A_1107 = arith.constant 0 : i32
        %dma_start3A_1108 = arith.constant 2816 : i32
        %dma_start3A_1109 = arith.constant 0 : i32
        %dma_start3A_1110 = tpu.memref_slice %arg6[%dma_start3A_1107, %dma_start3A_1108, %dma_start3A_1109] : memref<2x3200x16xbf16, #tpu.memory_space<vmem>> -> memref<1x128x16xbf16, #tpu.memory_space<vmem>>
        %dma_start3A_1111 = tpu.memref_squeeze %dma_start3A_1110 : memref<1x128x16xbf16, #tpu.memory_space<vmem>> -> memref<128x16xbf16, #tpu.memory_space<vmem>>
        %dma_start3A_1112 = arith.constant 0 : i32
        %dma_start3A_1113 = tpu.memref_slice %arg5[%dma_start3A_1106, %add3A_1105, %dma_start3A_1112] : memref<2x32x128xi32, #tpu.memory_space<vmem>> -> memref<1x1x128xi32, #tpu.memory_space<vmem>>
        %dma_start3A_1114 = tpu.memref_squeeze %dma_start3A_1113 : memref<1x1x128xi32, #tpu.memory_space<vmem>> -> memref<128xi32, #tpu.memory_space<vmem>>
        %dma_start3A_1115 = arith.constant 0 : i32
        %dma_start3A_1116 = arith.constant 0 : i32
        %dma_start3A_1117 = tpu.memref_slice %arg3[%dma_start3A_1115, %dma_start3A_1116] : memref<100000x16xbf16, #tpu.memory_space<hbm>> -> memref<100000x16xbf16, #tpu.memory_space<hbm>>
        tpu.enqueue_indirect_dma source(%dma_start3A_1117 : memref<100000x16xbf16, #tpu.memory_space<hbm>>) target(%dma_start3A_1111 : memref<128x16xbf16, #tpu.memory_space<vmem>>) offsets(%dma_start3A_1114 : memref<128xi32, #tpu.memory_space<vmem>>) semaphore(%arg8 : memref<!tpu.dma_semaphore, #tpu.memory_space<semaphore_mem>>)
        %add3A_1118 = arith.constant 23 : i32
        %add3A_1119 = arith.addi %rem3A_790, %add3A_1118 : i32
        %dma_start3A_1120 = arith.constant 0 : i32
        %dma_start3A_1121 = arith.constant 0 : i32
        %dma_start3A_1122 = arith.constant 2944 : i32
        %dma_start3A_1123 = arith.constant 0 : i32
        %dma_start3A_1124 = tpu.memref_slice %arg6[%dma_start3A_1121, %dma_start3A_1122, %dma_start3A_1123] : memref<2x3200x16xbf16, #tpu.memory_space<vmem>> -> memref<1x128x16xbf16, #tpu.memory_space<vmem>>
        %dma_start3A_1125 = tpu.memref_squeeze %dma_start3A_1124 : memref<1x128x16xbf16, #tpu.memory_space<vmem>> -> memref<128x16xbf16, #tpu.memory_space<vmem>>
        %dma_start3A_1126 = arith.constant 0 : i32
        %dma_start3A_1127 = tpu.memref_slice %arg5[%dma_start3A_1120, %add3A_1119, %dma_start3A_1126] : memref<2x32x128xi32, #tpu.memory_space<vmem>> -> memref<1x1x128xi32, #tpu.memory_space<vmem>>
        %dma_start3A_1128 = tpu.memref_squeeze %dma_start3A_1127 : memref<1x1x128xi32, #tpu.memory_space<vmem>> -> memref<128xi32, #tpu.memory_space<vmem>>
        %dma_start3A_1129 = arith.constant 0 : i32
        %dma_start3A_1130 = arith.constant 0 : i32
        %dma_start3A_1131 = tpu.memref_slice %arg3[%dma_start3A_1129, %dma_start3A_1130] : memref<100000x16xbf16, #tpu.memory_space<hbm>> -> memref<100000x16xbf16, #tpu.memory_space<hbm>>
        tpu.enqueue_indirect_dma source(%dma_start3A_1131 : memref<100000x16xbf16, #tpu.memory_space<hbm>>) target(%dma_start3A_1125 : memref<128x16xbf16, #tpu.memory_space<vmem>>) offsets(%dma_start3A_1128 : memref<128xi32, #tpu.memory_space<vmem>>) semaphore(%arg8 : memref<!tpu.dma_semaphore, #tpu.memory_space<semaphore_mem>>)
        %add3A_1132 = arith.constant 24 : i32
        %add3A_1133 = arith.addi %rem3A_790, %add3A_1132 : i32
        %dma_start3A_1134 = arith.constant 0 : i32
        %dma_start3A_1135 = arith.constant 0 : i32
        %dma_start3A_1136 = arith.constant 3072 : i32
        %dma_start3A_1137 = arith.constant 0 : i32
        %dma_start3A_1138 = tpu.memref_slice %arg6[%dma_start3A_1135, %dma_start3A_1136, %dma_start3A_1137] : memref<2x3200x16xbf16, #tpu.memory_space<vmem>> -> memref<1x128x16xbf16, #tpu.memory_space<vmem>>
        %dma_start3A_1139 = tpu.memref_squeeze %dma_start3A_1138 : memref<1x128x16xbf16, #tpu.memory_space<vmem>> -> memref<128x16xbf16, #tpu.memory_space<vmem>>
        %dma_start3A_1140 = arith.constant 0 : i32
        %dma_start3A_1141 = tpu.memref_slice %arg5[%dma_start3A_1134, %add3A_1133, %dma_start3A_1140] : memref<2x32x128xi32, #tpu.memory_space<vmem>> -> memref<1x1x128xi32, #tpu.memory_space<vmem>>
        %dma_start3A_1142 = tpu.memref_squeeze %dma_start3A_1141 : memref<1x1x128xi32, #tpu.memory_space<vmem>> -> memref<128xi32, #tpu.memory_space<vmem>>
        %dma_start3A_1143 = arith.constant 0 : i32
        %dma_start3A_1144 = arith.constant 0 : i32
        %dma_start3A_1145 = tpu.memref_slice %arg3[%dma_start3A_1143, %dma_start3A_1144] : memref<100000x16xbf16, #tpu.memory_space<hbm>> -> memref<100000x16xbf16, #tpu.memory_space<hbm>>
        tpu.enqueue_indirect_dma source(%dma_start3A_1145 : memref<100000x16xbf16, #tpu.memory_space<hbm>>) target(%dma_start3A_1139 : memref<128x16xbf16, #tpu.memory_space<vmem>>) offsets(%dma_start3A_1142 : memref<128xi32, #tpu.memory_space<vmem>>) semaphore(%arg8 : memref<!tpu.dma_semaphore, #tpu.memory_space<semaphore_mem>>)
      } else {
      }
      %dma_wait3A_755 = arith.constant 1 : i32
      %dma_wait3A_756 = arith.constant 0 : i32
      %dma_wait3A_757 = arith.constant 0 : i32
      %dma_wait3A_758 = tpu.memref_slice %arg6[%dma_wait3A_755, %dma_wait3A_756, %dma_wait3A_757] : memref<2x3200x16xbf16, #tpu.memory_space<vmem>> -> memref<1x3200x16xbf16, #tpu.memory_space<vmem>>
      %dma_wait3A_759 = tpu.memref_squeeze %dma_wait3A_758 : memref<1x3200x16xbf16, #tpu.memory_space<vmem>> -> memref<3200x16xbf16, #tpu.memory_space<vmem>>
      %dma_wait3A_760 = arith.constant 0 : i32
      %dma_wait3A_761 = arith.constant 0 : i32
      %dma_wait3A_762 = tpu.memref_slice %arg3[%dma_wait3A_760, %dma_wait3A_761] : memref<100000x16xbf16, #tpu.memory_space<hbm>> -> memref<3200x16xbf16, #tpu.memory_space<hbm>>
      %dma_wait3A_763 = arith.constant 0 : i32
      %dma_wait3A_764 = arith.constant 0 : i32
      %dma_wait3A_765 = tpu.memref_slice %arg6[%dma_wait3A_755, %dma_wait3A_763, %dma_wait3A_764] : memref<2x3200x16xbf16, #tpu.memory_space<vmem>> -> memref<1x3200x16xbf16, #tpu.memory_space<vmem>>
      %dma_wait3A_766 = tpu.memref_squeeze %dma_wait3A_765 : memref<1x3200x16xbf16, #tpu.memory_space<vmem>> -> memref<3200x16xbf16, #tpu.memory_space<vmem>>
      %dma_wait3A_767 = arith.constant 0 : i32
      %dma_wait3A_768 = arith.constant 0 : i32
      %dma_wait3A_769 = tpu.memref_slice %arg3[%dma_wait3A_767, %dma_wait3A_768] : memref<100000x16xbf16, #tpu.memory_space<hbm>> -> memref<3200x16xbf16, #tpu.memory_space<hbm>>
      tpu.wait_dma2 semaphore(%arg9 : memref<!tpu.dma_semaphore, #tpu.memory_space<semaphore_mem>>) src(%dma_wait3A_769 : memref<3200x16xbf16, #tpu.memory_space<hbm>>) dst(%dma_wait3A_766 : memref<3200x16xbf16, #tpu.memory_space<vmem>>)
      %add3A_770 = arith.constant 1 : i32
      %add3A_771 = arith.addi %mul3A_365, %add3A_770 : i32
      %scan3A_772 = arith.constant 0 : i32
      %scan3A_773 = arith.constant 0 : i32
      %scan3A_774 = arith.constant 16 : i32
      %scan3A_775 = arith.addi %scan3A_773, %scan3A_774 : i32
      %scan3A_776 = arith.constant 1 : i32
      %scan3A_777 = scf.for %scan3A_787 = %scan3A_773 to %scan3A_775 step %scan3A_776 iter_args(%scan3A_788 = %scan3A_772) -> (i32)  : i32 {
        %mul3A_789 = arith.constant 200 : i32
        %mul3A_790 = arith.muli %scan3A_787, %mul3A_789 : i32
        %broadcast_in_dim3A = arith.constant 0.000000e+00 : bf16
        %broadcast_in_dim3A_791 = vector.broadcast %broadcast_in_dim3A : bf16 to vector<2x16xbf16>
        %broadcast_in_dim3A_792 = arith.constant 0.000000e+00 : bf16
        %broadcast_in_dim3A_793 = vector.broadcast %broadcast_in_dim3A_792 : bf16 to vector<2x16xbf16>
        %broadcast_in_dim3A_794 = arith.constant 0.000000e+00 : bf16
        %broadcast_in_dim3A_795 = vector.broadcast %broadcast_in_dim3A_794 : bf16 to vector<2x16xbf16>
        %broadcast_in_dim3A_796 = arith.constant 0.000000e+00 : bf16
        %broadcast_in_dim3A_797 = vector.broadcast %broadcast_in_dim3A_796 : bf16 to vector<2x16xbf16>
        %broadcast_in_dim3A_798 = arith.constant 0.000000e+00 : bf16
        %broadcast_in_dim3A_799 = vector.broadcast %broadcast_in_dim3A_798 : bf16 to vector<2x16xbf16>
        %broadcast_in_dim3A_800 = arith.constant 0.000000e+00 : bf16
        %broadcast_in_dim3A_801 = vector.broadcast %broadcast_in_dim3A_800 : bf16 to vector<2x16xbf16>
        %broadcast_in_dim3A_802 = arith.constant 0.000000e+00 : bf16
        %broadcast_in_dim3A_803 = vector.broadcast %broadcast_in_dim3A_802 : bf16 to vector<2x16xbf16>
        %broadcast_in_dim3A_804 = arith.constant 0.000000e+00 : bf16
        %broadcast_in_dim3A_805 = vector.broadcast %broadcast_in_dim3A_804 : bf16 to vector<2x16xbf16>
        %add3A_806 = arith.constant 0 : i32
        %add3A_807 = arith.addi %mul3A_790, %add3A_806 : i32
        %get3A = arith.constant 1 : i32
        %get3A_808 = arith.index_cast %get3A : i32 to index
        %get3A_809 = arith.index_cast %add3A_807 : i32 to index
        %get3A_810 = arith.constant 0 : index
        %get3A_811 = tpu.vector_load %arg6[%get3A_808, %get3A_809, %get3A_810] {strides = array<i32>} : memref<2x3200x16xbf16, #tpu.memory_space<vmem>>, vector<2x16xbf16>,
        %add3A_812 = arith.addf %broadcast_in_dim3A_791, %get3A_811 : vector<2x16xbf16>
        %add3A_813 = arith.constant 2 : i32
        %add3A_814 = arith.addi %mul3A_790, %add3A_813 : i32
        %get3A_815 = arith.constant 1 : i32
        %get3A_816 = arith.index_cast %get3A_815 : i32 to index
        %get3A_817 = arith.index_cast %add3A_814 : i32 to index
        %get3A_818 = arith.constant 0 : index
        %get3A_819 = tpu.vector_load %arg6[%get3A_816, %get3A_817, %get3A_818] {strides = array<i32>} : memref<2x3200x16xbf16, #tpu.memory_space<vmem>>, vector<2x16xbf16>,
        %add3A_820 = arith.addf %broadcast_in_dim3A_793, %get3A_819 : vector<2x16xbf16>
        %add3A_821 = arith.constant 4 : i32
        %add3A_822 = arith.addi %mul3A_790, %add3A_821 : i32
        %get3A_823 = arith.constant 1 : i32
        %get3A_824 = arith.index_cast %get3A_823 : i32 to index
        %get3A_825 = arith.index_cast %add3A_822 : i32 to index
        %get3A_826 = arith.constant 0 : index
        %get3A_827 = tpu.vector_load %arg6[%get3A_824, %get3A_825, %get3A_826] {strides = array<i32>} : memref<2x3200x16xbf16, #tpu.memory_space<vmem>>, vector<2x16xbf16>,
        %add3A_828 = arith.addf %broadcast_in_dim3A_795, %get3A_827 : vector<2x16xbf16>
        %add3A_829 = arith.constant 6 : i32
        %add3A_830 = arith.addi %mul3A_790, %add3A_829 : i32
        %get3A_831 = arith.constant 1 : i32
        %get3A_832 = arith.index_cast %get3A_831 : i32 to index
        %get3A_833 = arith.index_cast %add3A_830 : i32 to index
        %get3A_834 = arith.constant 0 : index
        %get3A_835 = tpu.vector_load %arg6[%get3A_832, %get3A_833, %get3A_834] {strides = array<i32>} : memref<2x3200x16xbf16, #tpu.memory_space<vmem>>, vector<2x16xbf16>,
        %add3A_836 = arith.addf %broadcast_in_dim3A_797, %get3A_835 : vector<2x16xbf16>
        %add3A_837 = arith.constant 8 : i32
        %add3A_838 = arith.addi %mul3A_790, %add3A_837 : i32
        %get3A_839 = arith.constant 1 : i32
        %get3A_840 = arith.index_cast %get3A_839 : i32 to index
        %get3A_841 = arith.index_cast %add3A_838 : i32 to index
        %get3A_842 = arith.constant 0 : index
        %get3A_843 = tpu.vector_load %arg6[%get3A_840, %get3A_841, %get3A_842] {strides = array<i32>} : memref<2x3200x16xbf16, #tpu.memory_space<vmem>>, vector<2x16xbf16>,
        %add3A_844 = arith.addf %broadcast_in_dim3A_799, %get3A_843 : vector<2x16xbf16>
        %add3A_845 = arith.constant 10 : i32
        %add3A_846 = arith.addi %mul3A_790, %add3A_845 : i32
        %get3A_847 = arith.constant 1 : i32
        %get3A_848 = arith.index_cast %get3A_847 : i32 to index
        %get3A_849 = arith.index_cast %add3A_846 : i32 to index
        %get3A_850 = arith.constant 0 : index
        %get3A_851 = tpu.vector_load %arg6[%get3A_848, %get3A_849, %get3A_850] {strides = array<i32>} : memref<2x3200x16xbf16, #tpu.memory_space<vmem>>, vector<2x16xbf16>,
        %add3A_852 = arith.addf %broadcast_in_dim3A_801, %get3A_851 : vector<2x16xbf16>
        %add3A_853 = arith.constant 12 : i32
        %add3A_854 = arith.addi %mul3A_790, %add3A_853 : i32
        %get3A_855 = arith.constant 1 : i32
        %get3A_856 = arith.index_cast %get3A_855 : i32 to index
        %get3A_857 = arith.index_cast %add3A_854 : i32 to index
        %get3A_858 = arith.constant 0 : index
        %get3A_859 = tpu.vector_load %arg6[%get3A_856, %get3A_857, %get3A_858] {strides = array<i32>} : memref<2x3200x16xbf16, #tpu.memory_space<vmem>>, vector<2x16xbf16>,
        %add3A_860 = arith.addf %broadcast_in_dim3A_803, %get3A_859 : vector<2x16xbf16>
        %add3A_861 = arith.constant 14 : i32
        %add3A_862 = arith.addi %mul3A_790, %add3A_861 : i32
        %get3A_863 = arith.constant 1 : i32
        %get3A_864 = arith.index_cast %get3A_863 : i32 to index
        %get3A_865 = arith.index_cast %add3A_862 : i32 to index
        %get3A_866 = arith.constant 0 : index
        %get3A_867 = tpu.vector_load %arg6[%get3A_864, %get3A_865, %get3A_866] {strides = array<i32>} : memref<2x3200x16xbf16, #tpu.memory_space<vmem>>, vector<2x16xbf16>,
        %add3A_868 = arith.addf %broadcast_in_dim3A_805, %get3A_867 : vector<2x16xbf16>
        %add3A_869 = arith.constant 16 : i32
        %add3A_870 = arith.addi %mul3A_790, %add3A_869 : i32
        %get3A_871 = arith.constant 1 : i32
        %get3A_872 = arith.index_cast %get3A_871 : i32 to index
        %get3A_873 = arith.index_cast %add3A_870 : i32 to index
        %get3A_874 = arith.constant 0 : index
        %get3A_875 = tpu.vector_load %arg6[%get3A_872, %get3A_873, %get3A_874] {strides = array<i32>} : memref<2x3200x16xbf16, #tpu.memory_space<vmem>>, vector<2x16xbf16>,
        %add3A_876 = arith.addf %add3A_812, %get3A_875 : vector<2x16xbf16>
        %add3A_877 = arith.constant 18 : i32
        %add3A_878 = arith.addi %mul3A_790, %add3A_877 : i32
        %get3A_879 = arith.constant 1 : i32
        %get3A_880 = arith.index_cast %get3A_879 : i32 to index
        %get3A_881 = arith.index_cast %add3A_878 : i32 to index
        %get3A_882 = arith.constant 0 : index
        %get3A_883 = tpu.vector_load %arg6[%get3A_880, %get3A_881, %get3A_882] {strides = array<i32>} : memref<2x3200x16xbf16, #tpu.memory_space<vmem>>, vector<2x16xbf16>,
        %add3A_884 = arith.addf %add3A_820, %get3A_883 : vector<2x16xbf16>
        %add3A_885 = arith.constant 20 : i32
        %add3A_886 = arith.addi %mul3A_790, %add3A_885 : i32
        %get3A_887 = arith.constant 1 : i32
        %get3A_888 = arith.index_cast %get3A_887 : i32 to index
        %get3A_889 = arith.index_cast %add3A_886 : i32 to index
        %get3A_890 = arith.constant 0 : index
        %get3A_891 = tpu.vector_load %arg6[%get3A_888, %get3A_889, %get3A_890] {strides = array<i32>} : memref<2x3200x16xbf16, #tpu.memory_space<vmem>>, vector<2x16xbf16>,
        %add3A_892 = arith.addf %add3A_828, %get3A_891 : vector<2x16xbf16>
        %add3A_893 = arith.constant 22 : i32
        %add3A_894 = arith.addi %mul3A_790, %add3A_893 : i32
        %get3A_895 = arith.constant 1 : i32
        %get3A_896 = arith.index_cast %get3A_895 : i32 to index
        %get3A_897 = arith.index_cast %add3A_894 : i32 to index
        %get3A_898 = arith.constant 0 : index
        %get3A_899 = tpu.vector_load %arg6[%get3A_896, %get3A_897, %get3A_898] {strides = array<i32>} : memref<2x3200x16xbf16, #tpu.memory_space<vmem>>, vector<2x16xbf16>,
        %add3A_900 = arith.addf %add3A_836, %get3A_899 : vector<2x16xbf16>
        %add3A_901 = arith.constant 24 : i32
        %add3A_902 = arith.addi %mul3A_790, %add3A_901 : i32
        %get3A_903 = arith.constant 1 : i32
        %get3A_904 = arith.index_cast %get3A_903 : i32 to index
        %get3A_905 = arith.index_cast %add3A_902 : i32 to index
        %get3A_906 = arith.constant 0 : index
        %get3A_907 = tpu.vector_load %arg6[%get3A_904, %get3A_905, %get3A_906] {strides = array<i32>} : memref<2x3200x16xbf16, #tpu.memory_space<vmem>>, vector<2x16xbf16>,
        %add3A_908 = arith.addf %add3A_844, %get3A_907 : vector<2x16xbf16>
        %add3A_909 = arith.constant 26 : i32
        %add3A_910 = arith.addi %mul3A_790, %add3A_909 : i32
        %get3A_911 = arith.constant 1 : i32
        %get3A_912 = arith.index_cast %get3A_911 : i32 to index
        %get3A_913 = arith.index_cast %add3A_910 : i32 to index
        %get3A_914 = arith.constant 0 : index
        %get3A_915 = tpu.vector_load %arg6[%get3A_912, %get3A_913, %get3A_914] {strides = array<i32>} : memref<2x3200x16xbf16, #tpu.memory_space<vmem>>, vector<2x16xbf16>,
        %add3A_916 = arith.addf %add3A_852, %get3A_915 : vector<2x16xbf16>
        %add3A_917 = arith.constant 28 : i32
        %add3A_918 = arith.addi %mul3A_790, %add3A_917 : i32
        %get3A_919 = arith.constant 1 : i32
        %get3A_920 = arith.index_cast %get3A_919 : i32 to index
        %get3A_921 = arith.index_cast %add3A_918 : i32 to index
        %get3A_922 = arith.constant 0 : index
        %get3A_923 = tpu.vector_load %arg6[%get3A_920, %get3A_921, %get3A_922] {strides = array<i32>} : memref<2x3200x16xbf16, #tpu.memory_space<vmem>>, vector<2x16xbf16>,
        %add3A_924 = arith.addf %add3A_860, %get3A_923 : vector<2x16xbf16>
        %add3A_925 = arith.constant 30 : i32
        %add3A_926 = arith.addi %mul3A_790, %add3A_925 : i32
        %get3A_927 = arith.constant 1 : i32
        %get3A_928 = arith.index_cast %get3A_927 : i32 to index
        %get3A_929 = arith.index_cast %add3A_926 : i32 to index
        %get3A_930 = arith.constant 0 : index
        %get3A_931 = tpu.vector_load %arg6[%get3A_928, %get3A_929, %get3A_930] {strides = array<i32>} : memref<2x3200x16xbf16, #tpu.memory_space<vmem>>, vector<2x16xbf16>,
        %add3A_932 = arith.addf %add3A_868, %get3A_931 : vector<2x16xbf16>
        %add3A_933 = arith.constant 32 : i32
        %add3A_934 = arith.addi %mul3A_790, %add3A_933 : i32
        %get3A_935 = arith.constant 1 : i32
        %get3A_936 = arith.index_cast %get3A_935 : i32 to index
        %get3A_937 = arith.index_cast %add3A_934 : i32 to index
        %get3A_938 = arith.constant 0 : index
        %get3A_939 = tpu.vector_load %arg6[%get3A_936, %get3A_937, %get3A_938] {strides = array<i32>} : memref<2x3200x16xbf16, #tpu.memory_space<vmem>>, vector<2x16xbf16>,
        %add3A_940 = arith.addf %add3A_876, %get3A_939 : vector<2x16xbf16>
        %add3A_941 = arith.constant 34 : i32
        %add3A_942 = arith.addi %mul3A_790, %add3A_941 : i32
        %get3A_943 = arith.constant 1 : i32
        %get3A_944 = arith.index_cast %get3A_943 : i32 to index
        %get3A_945 = arith.index_cast %add3A_942 : i32 to index
        %get3A_946 = arith.constant 0 : index
        %get3A_947 = tpu.vector_load %arg6[%get3A_944, %get3A_945, %get3A_946] {strides = array<i32>} : memref<2x3200x16xbf16, #tpu.memory_space<vmem>>, vector<2x16xbf16>,
        %add3A_948 = arith.addf %add3A_884, %get3A_947 : vector<2x16xbf16>
        %add3A_949 = arith.constant 36 : i32
        %add3A_950 = arith.addi %mul3A_790, %add3A_949 : i32
        %get3A_951 = arith.constant 1 : i32
        %get3A_952 = arith.index_cast %get3A_951 : i32 to index
        %get3A_953 = arith.index_cast %add3A_950 : i32 to index
        %get3A_954 = arith.constant 0 : index
        %get3A_955 = tpu.vector_load %arg6[%get3A_952, %get3A_953, %get3A_954] {strides = array<i32>} : memref<2x3200x16xbf16, #tpu.memory_space<vmem>>, vector<2x16xbf16>,
        %add3A_956 = arith.addf %add3A_892, %get3A_955 : vector<2x16xbf16>
        %add3A_957 = arith.constant 38 : i32
        %add3A_958 = arith.addi %mul3A_790, %add3A_957 : i32
        %get3A_959 = arith.constant 1 : i32
        %get3A_960 = arith.index_cast %get3A_959 : i32 to index
        %get3A_961 = arith.index_cast %add3A_958 : i32 to index
        %get3A_962 = arith.constant 0 : index
        %get3A_963 = tpu.vector_load %arg6[%get3A_960, %get3A_961, %get3A_962] {strides = array<i32>} : memref<2x3200x16xbf16, #tpu.memory_space<vmem>>, vector<2x16xbf16>,
        %add3A_964 = arith.addf %add3A_900, %get3A_963 : vector<2x16xbf16>
        %add3A_965 = arith.constant 40 : i32
        %add3A_966 = arith.addi %mul3A_790, %add3A_965 : i32
        %get3A_967 = arith.constant 1 : i32
        %get3A_968 = arith.index_cast %get3A_967 : i32 to index
        %get3A_969 = arith.index_cast %add3A_966 : i32 to index
        %get3A_970 = arith.constant 0 : index
        %get3A_971 = tpu.vector_load %arg6[%get3A_968, %get3A_969, %get3A_970] {strides = array<i32>} : memref<2x3200x16xbf16, #tpu.memory_space<vmem>>, vector<2x16xbf16>,
        %add3A_972 = arith.addf %add3A_908, %get3A_971 : vector<2x16xbf16>
        %add3A_973 = arith.constant 42 : i32
        %add3A_974 = arith.addi %mul3A_790, %add3A_973 : i32
        %get3A_975 = arith.constant 1 : i32
        %get3A_976 = arith.index_cast %get3A_975 : i32 to index
        %get3A_977 = arith.index_cast %add3A_974 : i32 to index
        %get3A_978 = arith.constant 0 : index
        %get3A_979 = tpu.vector_load %arg6[%get3A_976, %get3A_977, %get3A_978] {strides = array<i32>} : memref<2x3200x16xbf16, #tpu.memory_space<vmem>>, vector<2x16xbf16>,
        %add3A_980 = arith.addf %add3A_916, %get3A_979 : vector<2x16xbf16>
        %add3A_981 = arith.constant 44 : i32
        %add3A_982 = arith.addi %mul3A_790, %add3A_981 : i32
        %get3A_983 = arith.constant 1 : i32
        %get3A_984 = arith.index_cast %get3A_983 : i32 to index
        %get3A_985 = arith.index_cast %add3A_982 : i32 to index
        %get3A_986 = arith.constant 0 : index
        %get3A_987 = tpu.vector_load %arg6[%get3A_984, %get3A_985, %get3A_986] {strides = array<i32>} : memref<2x3200x16xbf16, #tpu.memory_space<vmem>>, vector<2x16xbf16>,
        %add3A_988 = arith.addf %add3A_924, %get3A_987 : vector<2x16xbf16>
        %add3A_989 = arith.constant 46 : i32
        %add3A_990 = arith.addi %mul3A_790, %add3A_989 : i32
        %get3A_991 = arith.constant 1 : i32
        %get3A_992 = arith.index_cast %get3A_991 : i32 to index
        %get3A_993 = arith.index_cast %add3A_990 : i32 to index
        %get3A_994 = arith.constant 0 : index
        %get3A_995 = tpu.vector_load %arg6[%get3A_992, %get3A_993, %get3A_994] {strides = array<i32>} : memref<2x3200x16xbf16, #tpu.memory_space<vmem>>, vector<2x16xbf16>,
        %add3A_996 = arith.addf %add3A_932, %get3A_995 : vector<2x16xbf16>
        %add3A_997 = arith.constant 48 : i32
        %add3A_998 = arith.addi %mul3A_790, %add3A_997 : i32
        %get3A_999 = arith.constant 1 : i32
        %get3A_1000 = arith.index_cast %get3A_999 : i32 to index
        %get3A_1001 = arith.index_cast %add3A_998 : i32 to index
        %get3A_1002 = arith.constant 0 : index
        %get3A_1003 = tpu.vector_load %arg6[%get3A_1000, %get3A_1001, %get3A_1002] {strides = array<i32>} : memref<2x3200x16xbf16, #tpu.memory_space<vmem>>, vector<2x16xbf16>,
        %add3A_1004 = arith.addf %add3A_940, %get3A_1003 : vector<2x16xbf16>
        %add3A_1005 = arith.constant 50 : i32
        %add3A_1006 = arith.addi %mul3A_790, %add3A_1005 : i32
        %get3A_1007 = arith.constant 1 : i32
        %get3A_1008 = arith.index_cast %get3A_1007 : i32 to index
        %get3A_1009 = arith.index_cast %add3A_1006 : i32 to index
        %get3A_1010 = arith.constant 0 : index
        %get3A_1011 = tpu.vector_load %arg6[%get3A_1008, %get3A_1009, %get3A_1010] {strides = array<i32>} : memref<2x3200x16xbf16, #tpu.memory_space<vmem>>, vector<2x16xbf16>,
        %add3A_1012 = arith.addf %add3A_948, %get3A_1011 : vector<2x16xbf16>
        %add3A_1013 = arith.constant 52 : i32
        %add3A_1014 = arith.addi %mul3A_790, %add3A_1013 : i32
        %get3A_1015 = arith.constant 1 : i32
        %get3A_1016 = arith.index_cast %get3A_1015 : i32 to index
        %get3A_1017 = arith.index_cast %add3A_1014 : i32 to index
        %get3A_1018 = arith.constant 0 : index
        %get3A_1019 = tpu.vector_load %arg6[%get3A_1016, %get3A_1017, %get3A_1018] {strides = array<i32>} : memref<2x3200x16xbf16, #tpu.memory_space<vmem>>, vector<2x16xbf16>,
        %add3A_1020 = arith.addf %add3A_956, %get3A_1019 : vector<2x16xbf16>
        %add3A_1021 = arith.constant 54 : i32
        %add3A_1022 = arith.addi %mul3A_790, %add3A_1021 : i32
        %get3A_1023 = arith.constant 1 : i32
        %get3A_1024 = arith.index_cast %get3A_1023 : i32 to index
        %get3A_1025 = arith.index_cast %add3A_1022 : i32 to index
        %get3A_1026 = arith.constant 0 : index
        %get3A_1027 = tpu.vector_load %arg6[%get3A_1024, %get3A_1025, %get3A_1026] {strides = array<i32>} : memref<2x3200x16xbf16, #tpu.memory_space<vmem>>, vector<2x16xbf16>,
        %add3A_1028 = arith.addf %add3A_964, %get3A_1027 : vector<2x16xbf16>
        %add3A_1029 = arith.constant 56 : i32
        %add3A_1030 = arith.addi %mul3A_790, %add3A_1029 : i32
        %get3A_1031 = arith.constant 1 : i32
        %get3A_1032 = arith.index_cast %get3A_1031 : i32 to index
        %get3A_1033 = arith.index_cast %add3A_1030 : i32 to index
        %get3A_1034 = arith.constant 0 : index
        %get3A_1035 = tpu.vector_load %arg6[%get3A_1032, %get3A_1033, %get3A_1034] {strides = array<i32>} : memref<2x3200x16xbf16, #tpu.memory_space<vmem>>, vector<2x16xbf16>,
        %add3A_1036 = arith.addf %add3A_972, %get3A_1035 : vector<2x16xbf16>
        %add3A_1037 = arith.constant 58 : i32
        %add3A_1038 = arith.addi %mul3A_790, %add3A_1037 : i32
        %get3A_1039 = arith.constant 1 : i32
        %get3A_1040 = arith.index_cast %get3A_1039 : i32 to index
        %get3A_1041 = arith.index_cast %add3A_1038 : i32 to index
        %get3A_1042 = arith.constant 0 : index
        %get3A_1043 = tpu.vector_load %arg6[%get3A_1040, %get3A_1041, %get3A_1042] {strides = array<i32>} : memref<2x3200x16xbf16, #tpu.memory_space<vmem>>, vector<2x16xbf16>,
        %add3A_1044 = arith.addf %add3A_980, %get3A_1043 : vector<2x16xbf16>
        %add3A_1045 = arith.constant 60 : i32
        %add3A_1046 = arith.addi %mul3A_790, %add3A_1045 : i32
        %get3A_1047 = arith.constant 1 : i32
        %get3A_1048 = arith.index_cast %get3A_1047 : i32 to index
        %get3A_1049 = arith.index_cast %add3A_1046 : i32 to index
        %get3A_1050 = arith.constant 0 : index
        %get3A_1051 = tpu.vector_load %arg6[%get3A_1048, %get3A_1049, %get3A_1050] {strides = array<i32>} : memref<2x3200x16xbf16, #tpu.memory_space<vmem>>, vector<2x16xbf16>,
        %add3A_1052 = arith.addf %add3A_988, %get3A_1051 : vector<2x16xbf16>
        %add3A_1053 = arith.constant 62 : i32
        %add3A_1054 = arith.addi %mul3A_790, %add3A_1053 : i32
        %get3A_1055 = arith.constant 1 : i32
        %get3A_1056 = arith.index_cast %get3A_1055 : i32 to index
        %get3A_1057 = arith.index_cast %add3A_1054 : i32 to index
        %get3A_1058 = arith.constant 0 : index
        %get3A_1059 = tpu.vector_load %arg6[%get3A_1056, %get3A_1057, %get3A_1058] {strides = array<i32>} : memref<2x3200x16xbf16, #tpu.memory_space<vmem>>, vector<2x16xbf16>,
        %add3A_1060 = arith.addf %add3A_996, %get3A_1059 : vector<2x16xbf16>
        %add3A_1061 = arith.constant 64 : i32
        %add3A_1062 = arith.addi %mul3A_790, %add3A_1061 : i32
        %get3A_1063 = arith.constant 1 : i32
        %get3A_1064 = arith.index_cast %get3A_1063 : i32 to index
        %get3A_1065 = arith.index_cast %add3A_1062 : i32 to index
        %get3A_1066 = arith.constant 0 : index
        %get3A_1067 = tpu.vector_load %arg6[%get3A_1064, %get3A_1065, %get3A_1066] {strides = array<i32>} : memref<2x3200x16xbf16, #tpu.memory_space<vmem>>, vector<2x16xbf16>,
        %add3A_1068 = arith.addf %add3A_1004, %get3A_1067 : vector<2x16xbf16>
        %add3A_1069 = arith.constant 66 : i32
        %add3A_1070 = arith.addi %mul3A_790, %add3A_1069 : i32
        %get3A_1071 = arith.constant 1 : i32
        %get3A_1072 = arith.index_cast %get3A_1071 : i32 to index
        %get3A_1073 = arith.index_cast %add3A_1070 : i32 to index
        %get3A_1074 = arith.constant 0 : index
        %get3A_1075 = tpu.vector_load %arg6[%get3A_1072, %get3A_1073, %get3A_1074] {strides = array<i32>} : memref<2x3200x16xbf16, #tpu.memory_space<vmem>>, vector<2x16xbf16>,
        %add3A_1076 = arith.addf %add3A_1012, %get3A_1075 : vector<2x16xbf16>
        %add3A_1077 = arith.constant 68 : i32
        %add3A_1078 = arith.addi %mul3A_790, %add3A_1077 : i32
        %get3A_1079 = arith.constant 1 : i32
        %get3A_1080 = arith.index_cast %get3A_1079 : i32 to index
        %get3A_1081 = arith.index_cast %add3A_1078 : i32 to index
        %get3A_1082 = arith.constant 0 : index
        %get3A_1083 = tpu.vector_load %arg6[%get3A_1080, %get3A_1081, %get3A_1082] {strides = array<i32>} : memref<2x3200x16xbf16, #tpu.memory_space<vmem>>, vector<2x16xbf16>,
        %add3A_1084 = arith.addf %add3A_1020, %get3A_1083 : vector<2x16xbf16>
        %add3A_1085 = arith.constant 70 : i32
        %add3A_1086 = arith.addi %mul3A_790, %add3A_1085 : i32
        %get3A_1087 = arith.constant 1 : i32
        %get3A_1088 = arith.index_cast %get3A_1087 : i32 to index
        %get3A_1089 = arith.index_cast %add3A_1086 : i32 to index
        %get3A_1090 = arith.constant 0 : index
        %get3A_1091 = tpu.vector_load %arg6[%get3A_1088, %get3A_1089, %get3A_1090] {strides = array<i32>} : memref<2x3200x16xbf16, #tpu.memory_space<vmem>>, vector<2x16xbf16>,
        %add3A_1092 = arith.addf %add3A_1028, %get3A_1091 : vector<2x16xbf16>
        %add3A_1093 = arith.constant 72 : i32
        %add3A_1094 = arith.addi %mul3A_790, %add3A_1093 : i32
        %get3A_1095 = arith.constant 1 : i32
        %get3A_1096 = arith.index_cast %get3A_1095 : i32 to index
        %get3A_1097 = arith.index_cast %add3A_1094 : i32 to index
        %get3A_1098 = arith.constant 0 : index
        %get3A_1099 = tpu.vector_load %arg6[%get3A_1096, %get3A_1097, %get3A_1098] {strides = array<i32>} : memref<2x3200x16xbf16, #tpu.memory_space<vmem>>, vector<2x16xbf16>,
        %add3A_1100 = arith.addf %add3A_1036, %get3A_1099 : vector<2x16xbf16>
        %add3A_1101 = arith.constant 74 : i32
        %add3A_1102 = arith.addi %mul3A_790, %add3A_1101 : i32
        %get3A_1103 = arith.constant 1 : i32
        %get3A_1104 = arith.index_cast %get3A_1103 : i32 to index
        %get3A_1105 = arith.index_cast %add3A_1102 : i32 to index
        %get3A_1106 = arith.constant 0 : index
        %get3A_1107 = tpu.vector_load %arg6[%get3A_1104, %get3A_1105, %get3A_1106] {strides = array<i32>} : memref<2x3200x16xbf16, #tpu.memory_space<vmem>>, vector<2x16xbf16>,
        %add3A_1108 = arith.addf %add3A_1044, %get3A_1107 : vector<2x16xbf16>
        %add3A_1109 = arith.constant 76 : i32
        %add3A_1110 = arith.addi %mul3A_790, %add3A_1109 : i32
        %get3A_1111 = arith.constant 1 : i32
        %get3A_1112 = arith.index_cast %get3A_1111 : i32 to index
        %get3A_1113 = arith.index_cast %add3A_1110 : i32 to index
        %get3A_1114 = arith.constant 0 : index
        %get3A_1115 = tpu.vector_load %arg6[%get3A_1112, %get3A_1113, %get3A_1114] {strides = array<i32>} : memref<2x3200x16xbf16, #tpu.memory_space<vmem>>, vector<2x16xbf16>,
        %add3A_1116 = arith.addf %add3A_1052, %get3A_1115 : vector<2x16xbf16>
        %add3A_1117 = arith.constant 78 : i32
        %add3A_1118 = arith.addi %mul3A_790, %add3A_1117 : i32
        %get3A_1119 = arith.constant 1 : i32
        %get3A_1120 = arith.index_cast %get3A_1119 : i32 to index
        %get3A_1121 = arith.index_cast %add3A_1118 : i32 to index
        %get3A_1122 = arith.constant 0 : index
        %get3A_1123 = tpu.vector_load %arg6[%get3A_1120, %get3A_1121, %get3A_1122] {strides = array<i32>} : memref<2x3200x16xbf16, #tpu.memory_space<vmem>>, vector<2x16xbf16>,
        %add3A_1124 = arith.addf %add3A_1060, %get3A_1123 : vector<2x16xbf16>
        %add3A_1125 = arith.constant 80 : i32
        %add3A_1126 = arith.addi %mul3A_790, %add3A_1125 : i32
        %get3A_1127 = arith.constant 1 : i32
        %get3A_1128 = arith.index_cast %get3A_1127 : i32 to index
        %get3A_1129 = arith.index_cast %add3A_1126 : i32 to index
        %get3A_1130 = arith.constant 0 : index
        %get3A_1131 = tpu.vector_load %arg6[%get3A_1128, %get3A_1129, %get3A_1130] {strides = array<i32>} : memref<2x3200x16xbf16, #tpu.memory_space<vmem>>, vector<2x16xbf16>,
        %add3A_1132 = arith.addf %add3A_1068, %get3A_1131 : vector<2x16xbf16>
        %add3A_1133 = arith.constant 82 : i32
        %add3A_1134 = arith.addi %mul3A_790, %add3A_1133 : i32
        %get3A_1135 = arith.constant 1 : i32
        %get3A_1136 = arith.index_cast %get3A_1135 : i32 to index
        %get3A_1137 = arith.index_cast %add3A_1134 : i32 to index
        %get3A_1138 = arith.constant 0 : index
        %get3A_1139 = tpu.vector_load %arg6[%get3A_1136, %get3A_1137, %get3A_1138] {strides = array<i32>} : memref<2x3200x16xbf16, #tpu.memory_space<vmem>>, vector<2x16xbf16>,
        %add3A_1140 = arith.addf %add3A_1076, %get3A_1139 : vector<2x16xbf16>
        %add3A_1141 = arith.constant 84 : i32
        %add3A_1142 = arith.addi %mul3A_790, %add3A_1141 : i32
        %get3A_1143 = arith.constant 1 : i32
        %get3A_1144 = arith.index_cast %get3A_1143 : i32 to index
        %get3A_1145 = arith.index_cast %add3A_1142 : i32 to index
        %get3A_1146 = arith.constant 0 : index
        %get3A_1147 = tpu.vector_load %arg6[%get3A_1144, %get3A_1145, %get3A_1146] {strides = array<i32>} : memref<2x3200x16xbf16, #tpu.memory_space<vmem>>, vector<2x16xbf16>,
        %add3A_1148 = arith.addf %add3A_1084, %get3A_1147 : vector<2x16xbf16>
        %add3A_1149 = arith.constant 86 : i32
        %add3A_1150 = arith.addi %mul3A_790, %add3A_1149 : i32
        %get3A_1151 = arith.constant 1 : i32
        %get3A_1152 = arith.index_cast %get3A_1151 : i32 to index
        %get3A_1153 = arith.index_cast %add3A_1150 : i32 to index
        %get3A_1154 = arith.constant 0 : index
        %get3A_1155 = tpu.vector_load %arg6[%get3A_1152, %get3A_1153, %get3A_1154] {strides = array<i32>} : memref<2x3200x16xbf16, #tpu.memory_space<vmem>>, vector<2x16xbf16>,
        %add3A_1156 = arith.addf %add3A_1092, %get3A_1155 : vector<2x16xbf16>
        %add3A_1157 = arith.constant 88 : i32
        %add3A_1158 = arith.addi %mul3A_790, %add3A_1157 : i32
        %get3A_1159 = arith.constant 1 : i32
        %get3A_1160 = arith.index_cast %get3A_1159 : i32 to index
        %get3A_1161 = arith.index_cast %add3A_1158 : i32 to index
        %get3A_1162 = arith.constant 0 : index
        %get3A_1163 = tpu.vector_load %arg6[%get3A_1160, %get3A_1161, %get3A_1162] {strides = array<i32>} : memref<2x3200x16xbf16, #tpu.memory_space<vmem>>, vector<2x16xbf16>,
        %add3A_1164 = arith.addf %add3A_1100, %get3A_1163 : vector<2x16xbf16>
        %add3A_1165 = arith.constant 90 : i32
        %add3A_1166 = arith.addi %mul3A_790, %add3A_1165 : i32
        %get3A_1167 = arith.constant 1 : i32
        %get3A_1168 = arith.index_cast %get3A_1167 : i32 to index
        %get3A_1169 = arith.index_cast %add3A_1166 : i32 to index
        %get3A_1170 = arith.constant 0 : index
        %get3A_1171 = tpu.vector_load %arg6[%get3A_1168, %get3A_1169, %get3A_1170] {strides = array<i32>} : memref<2x3200x16xbf16, #tpu.memory_space<vmem>>, vector<2x16xbf16>,
        %add3A_1172 = arith.addf %add3A_1108, %get3A_1171 : vector<2x16xbf16>
        %add3A_1173 = arith.constant 92 : i32
        %add3A_1174 = arith.addi %mul3A_790, %add3A_1173 : i32
        %get3A_1175 = arith.constant 1 : i32
        %get3A_1176 = arith.index_cast %get3A_1175 : i32 to index
        %get3A_1177 = arith.index_cast %add3A_1174 : i32 to index
        %get3A_1178 = arith.constant 0 : index
        %get3A_1179 = tpu.vector_load %arg6[%get3A_1176, %get3A_1177, %get3A_1178] {strides = array<i32>} : memref<2x3200x16xbf16, #tpu.memory_space<vmem>>, vector<2x16xbf16>,
        %add3A_1180 = arith.addf %add3A_1116, %get3A_1179 : vector<2x16xbf16>
        %add3A_1181 = arith.constant 94 : i32
        %add3A_1182 = arith.addi %mul3A_790, %add3A_1181 : i32
        %get3A_1183 = arith.constant 1 : i32
        %get3A_1184 = arith.index_cast %get3A_1183 : i32 to index
        %get3A_1185 = arith.index_cast %add3A_1182 : i32 to index
        %get3A_1186 = arith.constant 0 : index
        %get3A_1187 = tpu.vector_load %arg6[%get3A_1184, %get3A_1185, %get3A_1186] {strides = array<i32>} : memref<2x3200x16xbf16, #tpu.memory_space<vmem>>, vector<2x16xbf16>,
        %add3A_1188 = arith.addf %add3A_1124, %get3A_1187 : vector<2x16xbf16>
        %add3A_1189 = arith.constant 96 : i32
        %add3A_1190 = arith.addi %mul3A_790, %add3A_1189 : i32
        %get3A_1191 = arith.constant 1 : i32
        %get3A_1192 = arith.index_cast %get3A_1191 : i32 to index
        %get3A_1193 = arith.index_cast %add3A_1190 : i32 to index
        %get3A_1194 = arith.constant 0 : index
        %get3A_1195 = tpu.vector_load %arg6[%get3A_1192, %get3A_1193, %get3A_1194] {strides = array<i32>} : memref<2x3200x16xbf16, #tpu.memory_space<vmem>>, vector<2x16xbf16>,
        %add3A_1196 = arith.addf %add3A_1132, %get3A_1195 : vector<2x16xbf16>
        %add3A_1197 = arith.constant 98 : i32
        %add3A_1198 = arith.addi %mul3A_790, %add3A_1197 : i32
        %get3A_1199 = arith.constant 1 : i32
        %get3A_1200 = arith.index_cast %get3A_1199 : i32 to index
        %get3A_1201 = arith.index_cast %add3A_1198 : i32 to index
        %get3A_1202 = arith.constant 0 : index
        %get3A_1203 = tpu.vector_load %arg6[%get3A_1200, %get3A_1201, %get3A_1202] {strides = array<i32>} : memref<2x3200x16xbf16, #tpu.memory_space<vmem>>, vector<2x16xbf16>,
        %add3A_1204 = arith.addf %add3A_1140, %get3A_1203 : vector<2x16xbf16>
        %add3A_1205 = arith.constant 100 : i32
        %add3A_1206 = arith.addi %mul3A_790, %add3A_1205 : i32
        %get3A_1207 = arith.constant 1 : i32
        %get3A_1208 = arith.index_cast %get3A_1207 : i32 to index
        %get3A_1209 = arith.index_cast %add3A_1206 : i32 to index
        %get3A_1210 = arith.constant 0 : index
        %get3A_1211 = tpu.vector_load %arg6[%get3A_1208, %get3A_1209, %get3A_1210] {strides = array<i32>} : memref<2x3200x16xbf16, #tpu.memory_space<vmem>>, vector<2x16xbf16>,
        %add3A_1212 = arith.addf %add3A_1148, %get3A_1211 : vector<2x16xbf16>
        %add3A_1213 = arith.constant 102 : i32
        %add3A_1214 = arith.addi %mul3A_790, %add3A_1213 : i32
        %get3A_1215 = arith.constant 1 : i32
        %get3A_1216 = arith.index_cast %get3A_1215 : i32 to index
        %get3A_1217 = arith.index_cast %add3A_1214 : i32 to index
        %get3A_1218 = arith.constant 0 : index
        %get3A_1219 = tpu.vector_load %arg6[%get3A_1216, %get3A_1217, %get3A_1218] {strides = array<i32>} : memref<2x3200x16xbf16, #tpu.memory_space<vmem>>, vector<2x16xbf16>,
        %add3A_1220 = arith.addf %add3A_1156, %get3A_1219 : vector<2x16xbf16>
        %add3A_1221 = arith.constant 104 : i32
        %add3A_1222 = arith.addi %mul3A_790, %add3A_1221 : i32
        %get3A_1223 = arith.constant 1 : i32
        %get3A_1224 = arith.index_cast %get3A_1223 : i32 to index
        %get3A_1225 = arith.index_cast %add3A_1222 : i32 to index
        %get3A_1226 = arith.constant 0 : index
        %get3A_1227 = tpu.vector_load %arg6[%get3A_1224, %get3A_1225, %get3A_1226] {strides = array<i32>} : memref<2x3200x16xbf16, #tpu.memory_space<vmem>>, vector<2x16xbf16>,
        %add3A_1228 = arith.addf %add3A_1164, %get3A_1227 : vector<2x16xbf16>
        %add3A_1229 = arith.constant 106 : i32
        %add3A_1230 = arith.addi %mul3A_790, %add3A_1229 : i32
        %get3A_1231 = arith.constant 1 : i32
        %get3A_1232 = arith.index_cast %get3A_1231 : i32 to index
        %get3A_1233 = arith.index_cast %add3A_1230 : i32 to index
        %get3A_1234 = arith.constant 0 : index
        %get3A_1235 = tpu.vector_load %arg6[%get3A_1232, %get3A_1233, %get3A_1234] {strides = array<i32>} : memref<2x3200x16xbf16, #tpu.memory_space<vmem>>, vector<2x16xbf16>,
        %add3A_1236 = arith.addf %add3A_1172, %get3A_1235 : vector<2x16xbf16>
        %add3A_1237 = arith.constant 108 : i32
        %add3A_1238 = arith.addi %mul3A_790, %add3A_1237 : i32
        %get3A_1239 = arith.constant 1 : i32
        %get3A_1240 = arith.index_cast %get3A_1239 : i32 to index
        %get3A_1241 = arith.index_cast %add3A_1238 : i32 to index
        %get3A_1242 = arith.constant 0 : index
        %get3A_1243 = tpu.vector_load %arg6[%get3A_1240, %get3A_1241, %get3A_1242] {strides = array<i32>} : memref<2x3200x16xbf16, #tpu.memory_space<vmem>>, vector<2x16xbf16>,
        %add3A_1244 = arith.addf %add3A_1180, %get3A_1243 : vector<2x16xbf16>
        %add3A_1245 = arith.constant 110 : i32
        %add3A_1246 = arith.addi %mul3A_790, %add3A_1245 : i32
        %get3A_1247 = arith.constant 1 : i32
        %get3A_1248 = arith.index_cast %get3A_1247 : i32 to index
        %get3A_1249 = arith.index_cast %add3A_1246 : i32 to index
        %get3A_1250 = arith.constant 0 : index
        %get3A_1251 = tpu.vector_load %arg6[%get3A_1248, %get3A_1249, %get3A_1250] {strides = array<i32>} : memref<2x3200x16xbf16, #tpu.memory_space<vmem>>, vector<2x16xbf16>,
        %add3A_1252 = arith.addf %add3A_1188, %get3A_1251 : vector<2x16xbf16>
        %add3A_1253 = arith.constant 112 : i32
        %add3A_1254 = arith.addi %mul3A_790, %add3A_1253 : i32
        %get3A_1255 = arith.constant 1 : i32
        %get3A_1256 = arith.index_cast %get3A_1255 : i32 to index
        %get3A_1257 = arith.index_cast %add3A_1254 : i32 to index
        %get3A_1258 = arith.constant 0 : index
        %get3A_1259 = tpu.vector_load %arg6[%get3A_1256, %get3A_1257, %get3A_1258] {strides = array<i32>} : memref<2x3200x16xbf16, #tpu.memory_space<vmem>>, vector<2x16xbf16>,
        %add3A_1260 = arith.addf %add3A_1196, %get3A_1259 : vector<2x16xbf16>
        %add3A_1261 = arith.constant 114 : i32
        %add3A_1262 = arith.addi %mul3A_790, %add3A_1261 : i32
        %get3A_1263 = arith.constant 1 : i32
        %get3A_1264 = arith.index_cast %get3A_1263 : i32 to index
        %get3A_1265 = arith.index_cast %add3A_1262 : i32 to index
        %get3A_1266 = arith.constant 0 : index
        %get3A_1267 = tpu.vector_load %arg6[%get3A_1264, %get3A_1265, %get3A_1266] {strides = array<i32>} : memref<2x3200x16xbf16, #tpu.memory_space<vmem>>, vector<2x16xbf16>,
        %add3A_1268 = arith.addf %add3A_1204, %get3A_1267 : vector<2x16xbf16>
        %add3A_1269 = arith.constant 116 : i32
        %add3A_1270 = arith.addi %mul3A_790, %add3A_1269 : i32
        %get3A_1271 = arith.constant 1 : i32
        %get3A_1272 = arith.index_cast %get3A_1271 : i32 to index
        %get3A_1273 = arith.index_cast %add3A_1270 : i32 to index
        %get3A_1274 = arith.constant 0 : index
        %get3A_1275 = tpu.vector_load %arg6[%get3A_1272, %get3A_1273, %get3A_1274] {strides = array<i32>} : memref<2x3200x16xbf16, #tpu.memory_space<vmem>>, vector<2x16xbf16>,
        %add3A_1276 = arith.addf %add3A_1212, %get3A_1275 : vector<2x16xbf16>
        %add3A_1277 = arith.constant 118 : i32
        %add3A_1278 = arith.addi %mul3A_790, %add3A_1277 : i32
        %get3A_1279 = arith.constant 1 : i32
        %get3A_1280 = arith.index_cast %get3A_1279 : i32 to index
        %get3A_1281 = arith.index_cast %add3A_1278 : i32 to index
        %get3A_1282 = arith.constant 0 : index
        %get3A_1283 = tpu.vector_load %arg6[%get3A_1280, %get3A_1281, %get3A_1282] {strides = array<i32>} : memref<2x3200x16xbf16, #tpu.memory_space<vmem>>, vector<2x16xbf16>,
        %add3A_1284 = arith.addf %add3A_1220, %get3A_1283 : vector<2x16xbf16>
        %add3A_1285 = arith.constant 120 : i32
        %add3A_1286 = arith.addi %mul3A_790, %add3A_1285 : i32
        %get3A_1287 = arith.constant 1 : i32
        %get3A_1288 = arith.index_cast %get3A_1287 : i32 to index
        %get3A_1289 = arith.index_cast %add3A_1286 : i32 to index
        %get3A_1290 = arith.constant 0 : index
        %get3A_1291 = tpu.vector_load %arg6[%get3A_1288, %get3A_1289, %get3A_1290] {strides = array<i32>} : memref<2x3200x16xbf16, #tpu.memory_space<vmem>>, vector<2x16xbf16>,
        %add3A_1292 = arith.addf %add3A_1228, %get3A_1291 : vector<2x16xbf16>
        %add3A_1293 = arith.constant 122 : i32
        %add3A_1294 = arith.addi %mul3A_790, %add3A_1293 : i32
        %get3A_1295 = arith.constant 1 : i32
        %get3A_1296 = arith.index_cast %get3A_1295 : i32 to index
        %get3A_1297 = arith.index_cast %add3A_1294 : i32 to index
        %get3A_1298 = arith.constant 0 : index
        %get3A_1299 = tpu.vector_load %arg6[%get3A_1296, %get3A_1297, %get3A_1298] {strides = array<i32>} : memref<2x3200x16xbf16, #tpu.memory_space<vmem>>, vector<2x16xbf16>,
        %add3A_1300 = arith.addf %add3A_1236, %get3A_1299 : vector<2x16xbf16>
        %add3A_1301 = arith.constant 124 : i32
        %add3A_1302 = arith.addi %mul3A_790, %add3A_1301 : i32
        %get3A_1303 = arith.constant 1 : i32
        %get3A_1304 = arith.index_cast %get3A_1303 : i32 to index
        %get3A_1305 = arith.index_cast %add3A_1302 : i32 to index
        %get3A_1306 = arith.constant 0 : index
        %get3A_1307 = tpu.vector_load %arg6[%get3A_1304, %get3A_1305, %get3A_1306] {strides = array<i32>} : memref<2x3200x16xbf16, #tpu.memory_space<vmem>>, vector<2x16xbf16>,
        %add3A_1308 = arith.addf %add3A_1244, %get3A_1307 : vector<2x16xbf16>
        %add3A_1309 = arith.constant 126 : i32
        %add3A_1310 = arith.addi %mul3A_790, %add3A_1309 : i32
        %get3A_1311 = arith.constant 1 : i32
        %get3A_1312 = arith.index_cast %get3A_1311 : i32 to index
        %get3A_1313 = arith.index_cast %add3A_1310 : i32 to index
        %get3A_1314 = arith.constant 0 : index
        %get3A_1315 = tpu.vector_load %arg6[%get3A_1312, %get3A_1313, %get3A_1314] {strides = array<i32>} : memref<2x3200x16xbf16, #tpu.memory_space<vmem>>, vector<2x16xbf16>,
        %add3A_1316 = arith.addf %add3A_1252, %get3A_1315 : vector<2x16xbf16>
        %add3A_1317 = arith.constant 128 : i32
        %add3A_1318 = arith.addi %mul3A_790, %add3A_1317 : i32
        %get3A_1319 = arith.constant 1 : i32
        %get3A_1320 = arith.index_cast %get3A_1319 : i32 to index
        %get3A_1321 = arith.index_cast %add3A_1318 : i32 to index
        %get3A_1322 = arith.constant 0 : index
        %get3A_1323 = tpu.vector_load %arg6[%get3A_1320, %get3A_1321, %get3A_1322] {strides = array<i32>} : memref<2x3200x16xbf16, #tpu.memory_space<vmem>>, vector<2x16xbf16>,
        %add3A_1324 = arith.addf %add3A_1260, %get3A_1323 : vector<2x16xbf16>
        %add3A_1325 = arith.constant 130 : i32
        %add3A_1326 = arith.addi %mul3A_790, %add3A_1325 : i32
        %get3A_1327 = arith.constant 1 : i32
        %get3A_1328 = arith.index_cast %get3A_1327 : i32 to index
        %get3A_1329 = arith.index_cast %add3A_1326 : i32 to index
        %get3A_1330 = arith.constant 0 : index
        %get3A_1331 = tpu.vector_load %arg6[%get3A_1328, %get3A_1329, %get3A_1330] {strides = array<i32>} : memref<2x3200x16xbf16, #tpu.memory_space<vmem>>, vector<2x16xbf16>,
        %add3A_1332 = arith.addf %add3A_1268, %get3A_1331 : vector<2x16xbf16>
        %add3A_1333 = arith.constant 132 : i32
        %add3A_1334 = arith.addi %mul3A_790, %add3A_1333 : i32
        %get3A_1335 = arith.constant 1 : i32
        %get3A_1336 = arith.index_cast %get3A_1335 : i32 to index
        %get3A_1337 = arith.index_cast %add3A_1334 : i32 to index
        %get3A_1338 = arith.constant 0 : index
        %get3A_1339 = tpu.vector_load %arg6[%get3A_1336, %get3A_1337, %get3A_1338] {strides = array<i32>} : memref<2x3200x16xbf16, #tpu.memory_space<vmem>>, vector<2x16xbf16>,
        %add3A_1340 = arith.addf %add3A_1276, %get3A_1339 : vector<2x16xbf16>
        %add3A_1341 = arith.constant 134 : i32
        %add3A_1342 = arith.addi %mul3A_790, %add3A_1341 : i32
        %get3A_1343 = arith.constant 1 : i32
        %get3A_1344 = arith.index_cast %get3A_1343 : i32 to index
        %get3A_1345 = arith.index_cast %add3A_1342 : i32 to index
        %get3A_1346 = arith.constant 0 : index
        %get3A_1347 = tpu.vector_load %arg6[%get3A_1344, %get3A_1345, %get3A_1346] {strides = array<i32>} : memref<2x3200x16xbf16, #tpu.memory_space<vmem>>, vector<2x16xbf16>,
        %add3A_1348 = arith.addf %add3A_1284, %get3A_1347 : vector<2x16xbf16>
        %add3A_1349 = arith.constant 136 : i32
        %add3A_1350 = arith.addi %mul3A_790, %add3A_1349 : i32
        %get3A_1351 = arith.constant 1 : i32
        %get3A_1352 = arith.index_cast %get3A_1351 : i32 to index
        %get3A_1353 = arith.index_cast %add3A_1350 : i32 to index
        %get3A_1354 = arith.constant 0 : index
        %get3A_1355 = tpu.vector_load %arg6[%get3A_1352, %get3A_1353, %get3A_1354] {strides = array<i32>} : memref<2x3200x16xbf16, #tpu.memory_space<vmem>>, vector<2x16xbf16>,
        %add3A_1356 = arith.addf %add3A_1292, %get3A_1355 : vector<2x16xbf16>
        %add3A_1357 = arith.constant 138 : i32
        %add3A_1358 = arith.addi %mul3A_790, %add3A_1357 : i32
        %get3A_1359 = arith.constant 1 : i32
        %get3A_1360 = arith.index_cast %get3A_1359 : i32 to index
        %get3A_1361 = arith.index_cast %add3A_1358 : i32 to index
        %get3A_1362 = arith.constant 0 : index
        %get3A_1363 = tpu.vector_load %arg6[%get3A_1360, %get3A_1361, %get3A_1362] {strides = array<i32>} : memref<2x3200x16xbf16, #tpu.memory_space<vmem>>, vector<2x16xbf16>,
        %add3A_1364 = arith.addf %add3A_1300, %get3A_1363 : vector<2x16xbf16>
        %add3A_1365 = arith.constant 140 : i32
        %add3A_1366 = arith.addi %mul3A_790, %add3A_1365 : i32
        %get3A_1367 = arith.constant 1 : i32
        %get3A_1368 = arith.index_cast %get3A_1367 : i32 to index
        %get3A_1369 = arith.index_cast %add3A_1366 : i32 to index
        %get3A_1370 = arith.constant 0 : index
        %get3A_1371 = tpu.vector_load %arg6[%get3A_1368, %get3A_1369, %get3A_1370] {strides = array<i32>} : memref<2x3200x16xbf16, #tpu.memory_space<vmem>>, vector<2x16xbf16>,
        %add3A_1372 = arith.addf %add3A_1308, %get3A_1371 : vector<2x16xbf16>
        %add3A_1373 = arith.constant 142 : i32
        %add3A_1374 = arith.addi %mul3A_790, %add3A_1373 : i32
        %get3A_1375 = arith.constant 1 : i32
        %get3A_1376 = arith.index_cast %get3A_1375 : i32 to index
        %get3A_1377 = arith.index_cast %add3A_1374 : i32 to index
        %get3A_1378 = arith.constant 0 : index
        %get3A_1379 = tpu.vector_load %arg6[%get3A_1376, %get3A_1377, %get3A_1378] {strides = array<i32>} : memref<2x3200x16xbf16, #tpu.memory_space<vmem>>, vector<2x16xbf16>,
        %add3A_1380 = arith.addf %add3A_1316, %get3A_1379 : vector<2x16xbf16>
        %add3A_1381 = arith.constant 144 : i32
        %add3A_1382 = arith.addi %mul3A_790, %add3A_1381 : i32
        %get3A_1383 = arith.constant 1 : i32
        %get3A_1384 = arith.index_cast %get3A_1383 : i32 to index
        %get3A_1385 = arith.index_cast %add3A_1382 : i32 to index
        %get3A_1386 = arith.constant 0 : index
        %get3A_1387 = tpu.vector_load %arg6[%get3A_1384, %get3A_1385, %get3A_1386] {strides = array<i32>} : memref<2x3200x16xbf16, #tpu.memory_space<vmem>>, vector<2x16xbf16>,
        %add3A_1388 = arith.addf %add3A_1324, %get3A_1387 : vector<2x16xbf16>
        %add3A_1389 = arith.constant 146 : i32
        %add3A_1390 = arith.addi %mul3A_790, %add3A_1389 : i32
        %get3A_1391 = arith.constant 1 : i32
        %get3A_1392 = arith.index_cast %get3A_1391 : i32 to index
        %get3A_1393 = arith.index_cast %add3A_1390 : i32 to index
        %get3A_1394 = arith.constant 0 : index
        %get3A_1395 = tpu.vector_load %arg6[%get3A_1392, %get3A_1393, %get3A_1394] {strides = array<i32>} : memref<2x3200x16xbf16, #tpu.memory_space<vmem>>, vector<2x16xbf16>,
        %add3A_1396 = arith.addf %add3A_1332, %get3A_1395 : vector<2x16xbf16>
        %add3A_1397 = arith.constant 148 : i32
        %add3A_1398 = arith.addi %mul3A_790, %add3A_1397 : i32
        %get3A_1399 = arith.constant 1 : i32
        %get3A_1400 = arith.index_cast %get3A_1399 : i32 to index
        %get3A_1401 = arith.index_cast %add3A_1398 : i32 to index
        %get3A_1402 = arith.constant 0 : index
        %get3A_1403 = tpu.vector_load %arg6[%get3A_1400, %get3A_1401, %get3A_1402] {strides = array<i32>} : memref<2x3200x16xbf16, #tpu.memory_space<vmem>>, vector<2x16xbf16>,
        %add3A_1404 = arith.addf %add3A_1340, %get3A_1403 : vector<2x16xbf16>
        %add3A_1405 = arith.constant 150 : i32
        %add3A_1406 = arith.addi %mul3A_790, %add3A_1405 : i32
        %get3A_1407 = arith.constant 1 : i32
        %get3A_1408 = arith.index_cast %get3A_1407 : i32 to index
        %get3A_1409 = arith.index_cast %add3A_1406 : i32 to index
        %get3A_1410 = arith.constant 0 : index
        %get3A_1411 = tpu.vector_load %arg6[%get3A_1408, %get3A_1409, %get3A_1410] {strides = array<i32>} : memref<2x3200x16xbf16, #tpu.memory_space<vmem>>, vector<2x16xbf16>,
        %add3A_1412 = arith.addf %add3A_1348, %get3A_1411 : vector<2x16xbf16>
        %add3A_1413 = arith.constant 152 : i32
        %add3A_1414 = arith.addi %mul3A_790, %add3A_1413 : i32
        %get3A_1415 = arith.constant 1 : i32
        %get3A_1416 = arith.index_cast %get3A_1415 : i32 to index
        %get3A_1417 = arith.index_cast %add3A_1414 : i32 to index
        %get3A_1418 = arith.constant 0 : index
        %get3A_1419 = tpu.vector_load %arg6[%get3A_1416, %get3A_1417, %get3A_1418] {strides = array<i32>} : memref<2x3200x16xbf16, #tpu.memory_space<vmem>>, vector<2x16xbf16>,
        %add3A_1420 = arith.addf %add3A_1356, %get3A_1419 : vector<2x16xbf16>
        %add3A_1421 = arith.constant 154 : i32
        %add3A_1422 = arith.addi %mul3A_790, %add3A_1421 : i32
        %get3A_1423 = arith.constant 1 : i32
        %get3A_1424 = arith.index_cast %get3A_1423 : i32 to index
        %get3A_1425 = arith.index_cast %add3A_1422 : i32 to index
        %get3A_1426 = arith.constant 0 : index
        %get3A_1427 = tpu.vector_load %arg6[%get3A_1424, %get3A_1425, %get3A_1426] {strides = array<i32>} : memref<2x3200x16xbf16, #tpu.memory_space<vmem>>, vector<2x16xbf16>,
        %add3A_1428 = arith.addf %add3A_1364, %get3A_1427 : vector<2x16xbf16>
        %add3A_1429 = arith.constant 156 : i32
        %add3A_1430 = arith.addi %mul3A_790, %add3A_1429 : i32
        %get3A_1431 = arith.constant 1 : i32
        %get3A_1432 = arith.index_cast %get3A_1431 : i32 to index
        %get3A_1433 = arith.index_cast %add3A_1430 : i32 to index
        %get3A_1434 = arith.constant 0 : index
        %get3A_1435 = tpu.vector_load %arg6[%get3A_1432, %get3A_1433, %get3A_1434] {strides = array<i32>} : memref<2x3200x16xbf16, #tpu.memory_space<vmem>>, vector<2x16xbf16>,
        %add3A_1436 = arith.addf %add3A_1372, %get3A_1435 : vector<2x16xbf16>
        %add3A_1437 = arith.constant 158 : i32
        %add3A_1438 = arith.addi %mul3A_790, %add3A_1437 : i32
        %get3A_1439 = arith.constant 1 : i32
        %get3A_1440 = arith.index_cast %get3A_1439 : i32 to index
        %get3A_1441 = arith.index_cast %add3A_1438 : i32 to index
        %get3A_1442 = arith.constant 0 : index
        %get3A_1443 = tpu.vector_load %arg6[%get3A_1440, %get3A_1441, %get3A_1442] {strides = array<i32>} : memref<2x3200x16xbf16, #tpu.memory_space<vmem>>, vector<2x16xbf16>,
        %add3A_1444 = arith.addf %add3A_1380, %get3A_1443 : vector<2x16xbf16>
        %add3A_1445 = arith.constant 160 : i32
        %add3A_1446 = arith.addi %mul3A_790, %add3A_1445 : i32
        %get3A_1447 = arith.constant 1 : i32
        %get3A_1448 = arith.index_cast %get3A_1447 : i32 to index
        %get3A_1449 = arith.index_cast %add3A_1446 : i32 to index
        %get3A_1450 = arith.constant 0 : index
        %get3A_1451 = tpu.vector_load %arg6[%get3A_1448, %get3A_1449, %get3A_1450] {strides = array<i32>} : memref<2x3200x16xbf16, #tpu.memory_space<vmem>>, vector<2x16xbf16>,
        %add3A_1452 = arith.addf %add3A_1388, %get3A_1451 : vector<2x16xbf16>
        %add3A_1453 = arith.constant 162 : i32
        %add3A_1454 = arith.addi %mul3A_790, %add3A_1453 : i32
        %get3A_1455 = arith.constant 1 : i32
        %get3A_1456 = arith.index_cast %get3A_1455 : i32 to index
        %get3A_1457 = arith.index_cast %add3A_1454 : i32 to index
        %get3A_1458 = arith.constant 0 : index
        %get3A_1459 = tpu.vector_load %arg6[%get3A_1456, %get3A_1457, %get3A_1458] {strides = array<i32>} : memref<2x3200x16xbf16, #tpu.memory_space<vmem>>, vector<2x16xbf16>,
        %add3A_1460 = arith.addf %add3A_1396, %get3A_1459 : vector<2x16xbf16>
        %add3A_1461 = arith.constant 164 : i32
        %add3A_1462 = arith.addi %mul3A_790, %add3A_1461 : i32
        %get3A_1463 = arith.constant 1 : i32
        %get3A_1464 = arith.index_cast %get3A_1463 : i32 to index
        %get3A_1465 = arith.index_cast %add3A_1462 : i32 to index
        %get3A_1466 = arith.constant 0 : index
        %get3A_1467 = tpu.vector_load %arg6[%get3A_1464, %get3A_1465, %get3A_1466] {strides = array<i32>} : memref<2x3200x16xbf16, #tpu.memory_space<vmem>>, vector<2x16xbf16>,
        %add3A_1468 = arith.addf %add3A_1404, %get3A_1467 : vector<2x16xbf16>
        %add3A_1469 = arith.constant 166 : i32
        %add3A_1470 = arith.addi %mul3A_790, %add3A_1469 : i32
        %get3A_1471 = arith.constant 1 : i32
        %get3A_1472 = arith.index_cast %get3A_1471 : i32 to index
        %get3A_1473 = arith.index_cast %add3A_1470 : i32 to index
        %get3A_1474 = arith.constant 0 : index
        %get3A_1475 = tpu.vector_load %arg6[%get3A_1472, %get3A_1473, %get3A_1474] {strides = array<i32>} : memref<2x3200x16xbf16, #tpu.memory_space<vmem>>, vector<2x16xbf16>,
        %add3A_1476 = arith.addf %add3A_1412, %get3A_1475 : vector<2x16xbf16>
        %add3A_1477 = arith.constant 168 : i32
        %add3A_1478 = arith.addi %mul3A_790, %add3A_1477 : i32
        %get3A_1479 = arith.constant 1 : i32
        %get3A_1480 = arith.index_cast %get3A_1479 : i32 to index
        %get3A_1481 = arith.index_cast %add3A_1478 : i32 to index
        %get3A_1482 = arith.constant 0 : index
        %get3A_1483 = tpu.vector_load %arg6[%get3A_1480, %get3A_1481, %get3A_1482] {strides = array<i32>} : memref<2x3200x16xbf16, #tpu.memory_space<vmem>>, vector<2x16xbf16>,
        %add3A_1484 = arith.addf %add3A_1420, %get3A_1483 : vector<2x16xbf16>
        %add3A_1485 = arith.constant 170 : i32
        %add3A_1486 = arith.addi %mul3A_790, %add3A_1485 : i32
        %get3A_1487 = arith.constant 1 : i32
        %get3A_1488 = arith.index_cast %get3A_1487 : i32 to index
        %get3A_1489 = arith.index_cast %add3A_1486 : i32 to index
        %get3A_1490 = arith.constant 0 : index
        %get3A_1491 = tpu.vector_load %arg6[%get3A_1488, %get3A_1489, %get3A_1490] {strides = array<i32>} : memref<2x3200x16xbf16, #tpu.memory_space<vmem>>, vector<2x16xbf16>,
        %add3A_1492 = arith.addf %add3A_1428, %get3A_1491 : vector<2x16xbf16>
        %add3A_1493 = arith.constant 172 : i32
        %add3A_1494 = arith.addi %mul3A_790, %add3A_1493 : i32
        %get3A_1495 = arith.constant 1 : i32
        %get3A_1496 = arith.index_cast %get3A_1495 : i32 to index
        %get3A_1497 = arith.index_cast %add3A_1494 : i32 to index
        %get3A_1498 = arith.constant 0 : index
        %get3A_1499 = tpu.vector_load %arg6[%get3A_1496, %get3A_1497, %get3A_1498] {strides = array<i32>} : memref<2x3200x16xbf16, #tpu.memory_space<vmem>>, vector<2x16xbf16>,
        %add3A_1500 = arith.addf %add3A_1436, %get3A_1499 : vector<2x16xbf16>
        %add3A_1501 = arith.constant 174 : i32
        %add3A_1502 = arith.addi %mul3A_790, %add3A_1501 : i32
        %get3A_1503 = arith.constant 1 : i32
        %get3A_1504 = arith.index_cast %get3A_1503 : i32 to index
        %get3A_1505 = arith.index_cast %add3A_1502 : i32 to index
        %get3A_1506 = arith.constant 0 : index
        %get3A_1507 = tpu.vector_load %arg6[%get3A_1504, %get3A_1505, %get3A_1506] {strides = array<i32>} : memref<2x3200x16xbf16, #tpu.memory_space<vmem>>, vector<2x16xbf16>,
        %add3A_1508 = arith.addf %add3A_1444, %get3A_1507 : vector<2x16xbf16>
        %add3A_1509 = arith.constant 176 : i32
        %add3A_1510 = arith.addi %mul3A_790, %add3A_1509 : i32
        %get3A_1511 = arith.constant 1 : i32
        %get3A_1512 = arith.index_cast %get3A_1511 : i32 to index
        %get3A_1513 = arith.index_cast %add3A_1510 : i32 to index
        %get3A_1514 = arith.constant 0 : index
        %get3A_1515 = tpu.vector_load %arg6[%get3A_1512, %get3A_1513, %get3A_1514] {strides = array<i32>} : memref<2x3200x16xbf16, #tpu.memory_space<vmem>>, vector<2x16xbf16>,
        %add3A_1516 = arith.addf %add3A_1452, %get3A_1515 : vector<2x16xbf16>
        %add3A_1517 = arith.constant 178 : i32
        %add3A_1518 = arith.addi %mul3A_790, %add3A_1517 : i32
        %get3A_1519 = arith.constant 1 : i32
        %get3A_1520 = arith.index_cast %get3A_1519 : i32 to index
        %get3A_1521 = arith.index_cast %add3A_1518 : i32 to index
        %get3A_1522 = arith.constant 0 : index
        %get3A_1523 = tpu.vector_load %arg6[%get3A_1520, %get3A_1521, %get3A_1522] {strides = array<i32>} : memref<2x3200x16xbf16, #tpu.memory_space<vmem>>, vector<2x16xbf16>,
        %add3A_1524 = arith.addf %add3A_1460, %get3A_1523 : vector<2x16xbf16>
        %add3A_1525 = arith.constant 180 : i32
        %add3A_1526 = arith.addi %mul3A_790, %add3A_1525 : i32
        %get3A_1527 = arith.constant 1 : i32
        %get3A_1528 = arith.index_cast %get3A_1527 : i32 to index
        %get3A_1529 = arith.index_cast %add3A_1526 : i32 to index
        %get3A_1530 = arith.constant 0 : index
        %get3A_1531 = tpu.vector_load %arg6[%get3A_1528, %get3A_1529, %get3A_1530] {strides = array<i32>} : memref<2x3200x16xbf16, #tpu.memory_space<vmem>>, vector<2x16xbf16>,
        %add3A_1532 = arith.addf %add3A_1468, %get3A_1531 : vector<2x16xbf16>
        %add3A_1533 = arith.constant 182 : i32
        %add3A_1534 = arith.addi %mul3A_790, %add3A_1533 : i32
        %get3A_1535 = arith.constant 1 : i32
        %get3A_1536 = arith.index_cast %get3A_1535 : i32 to index
        %get3A_1537 = arith.index_cast %add3A_1534 : i32 to index
        %get3A_1538 = arith.constant 0 : index
        %get3A_1539 = tpu.vector_load %arg6[%get3A_1536, %get3A_1537, %get3A_1538] {strides = array<i32>} : memref<2x3200x16xbf16, #tpu.memory_space<vmem>>, vector<2x16xbf16>,
        %add3A_1540 = arith.addf %add3A_1476, %get3A_1539 : vector<2x16xbf16>
        %add3A_1541 = arith.constant 184 : i32
        %add3A_1542 = arith.addi %mul3A_790, %add3A_1541 : i32
        %get3A_1543 = arith.constant 1 : i32
        %get3A_1544 = arith.index_cast %get3A_1543 : i32 to index
        %get3A_1545 = arith.index_cast %add3A_1542 : i32 to index
        %get3A_1546 = arith.constant 0 : index
        %get3A_1547 = tpu.vector_load %arg6[%get3A_1544, %get3A_1545, %get3A_1546] {strides = array<i32>} : memref<2x3200x16xbf16, #tpu.memory_space<vmem>>, vector<2x16xbf16>,
        %add3A_1548 = arith.addf %add3A_1484, %get3A_1547 : vector<2x16xbf16>
        %add3A_1549 = arith.constant 186 : i32
        %add3A_1550 = arith.addi %mul3A_790, %add3A_1549 : i32
        %get3A_1551 = arith.constant 1 : i32
        %get3A_1552 = arith.index_cast %get3A_1551 : i32 to index
        %get3A_1553 = arith.index_cast %add3A_1550 : i32 to index
        %get3A_1554 = arith.constant 0 : index
        %get3A_1555 = tpu.vector_load %arg6[%get3A_1552, %get3A_1553, %get3A_1554] {strides = array<i32>} : memref<2x3200x16xbf16, #tpu.memory_space<vmem>>, vector<2x16xbf16>,
        %add3A_1556 = arith.addf %add3A_1492, %get3A_1555 : vector<2x16xbf16>
        %add3A_1557 = arith.constant 188 : i32
        %add3A_1558 = arith.addi %mul3A_790, %add3A_1557 : i32
        %get3A_1559 = arith.constant 1 : i32
        %get3A_1560 = arith.index_cast %get3A_1559 : i32 to index
        %get3A_1561 = arith.index_cast %add3A_1558 : i32 to index
        %get3A_1562 = arith.constant 0 : index
        %get3A_1563 = tpu.vector_load %arg6[%get3A_1560, %get3A_1561, %get3A_1562] {strides = array<i32>} : memref<2x3200x16xbf16, #tpu.memory_space<vmem>>, vector<2x16xbf16>,
        %add3A_1564 = arith.addf %add3A_1500, %get3A_1563 : vector<2x16xbf16>
        %add3A_1565 = arith.constant 190 : i32
        %add3A_1566 = arith.addi %mul3A_790, %add3A_1565 : i32
        %get3A_1567 = arith.constant 1 : i32
        %get3A_1568 = arith.index_cast %get3A_1567 : i32 to index
        %get3A_1569 = arith.index_cast %add3A_1566 : i32 to index
        %get3A_1570 = arith.constant 0 : index
        %get3A_1571 = tpu.vector_load %arg6[%get3A_1568, %get3A_1569, %get3A_1570] {strides = array<i32>} : memref<2x3200x16xbf16, #tpu.memory_space<vmem>>, vector<2x16xbf16>,
        %add3A_1572 = arith.addf %add3A_1508, %get3A_1571 : vector<2x16xbf16>
        %add3A_1573 = arith.constant 192 : i32
        %add3A_1574 = arith.addi %mul3A_790, %add3A_1573 : i32
        %get3A_1575 = arith.constant 1 : i32
        %get3A_1576 = arith.index_cast %get3A_1575 : i32 to index
        %get3A_1577 = arith.index_cast %add3A_1574 : i32 to index
        %get3A_1578 = arith.constant 0 : index
        %get3A_1579 = tpu.vector_load %arg6[%get3A_1576, %get3A_1577, %get3A_1578] {strides = array<i32>} : memref<2x3200x16xbf16, #tpu.memory_space<vmem>>, vector<2x16xbf16>,
        %add3A_1580 = arith.addf %add3A_1516, %get3A_1579 : vector<2x16xbf16>
        %add3A_1581 = arith.constant 194 : i32
        %add3A_1582 = arith.addi %mul3A_790, %add3A_1581 : i32
        %get3A_1583 = arith.constant 1 : i32
        %get3A_1584 = arith.index_cast %get3A_1583 : i32 to index
        %get3A_1585 = arith.index_cast %add3A_1582 : i32 to index
        %get3A_1586 = arith.constant 0 : index
        %get3A_1587 = tpu.vector_load %arg6[%get3A_1584, %get3A_1585, %get3A_1586] {strides = array<i32>} : memref<2x3200x16xbf16, #tpu.memory_space<vmem>>, vector<2x16xbf16>,
        %add3A_1588 = arith.addf %add3A_1524, %get3A_1587 : vector<2x16xbf16>
        %add3A_1589 = arith.constant 196 : i32
        %add3A_1590 = arith.addi %mul3A_790, %add3A_1589 : i32
        %get3A_1591 = arith.constant 1 : i32
        %get3A_1592 = arith.index_cast %get3A_1591 : i32 to index
        %get3A_1593 = arith.index_cast %add3A_1590 : i32 to index
        %get3A_1594 = arith.constant 0 : index
        %get3A_1595 = tpu.vector_load %arg6[%get3A_1592, %get3A_1593, %get3A_1594] {strides = array<i32>} : memref<2x3200x16xbf16, #tpu.memory_space<vmem>>, vector<2x16xbf16>,
        %add3A_1596 = arith.addf %add3A_1532, %get3A_1595 : vector<2x16xbf16>
        %add3A_1597 = arith.constant 198 : i32
        %add3A_1598 = arith.addi %mul3A_790, %add3A_1597 : i32
        %get3A_1599 = arith.constant 1 : i32
        %get3A_1600 = arith.index_cast %get3A_1599 : i32 to index
        %get3A_1601 = arith.index_cast %add3A_1598 : i32 to index
        %get3A_1602 = arith.constant 0 : index
        %get3A_1603 = tpu.vector_load %arg6[%get3A_1600, %get3A_1601, %get3A_1602] {strides = array<i32>} : memref<2x3200x16xbf16, #tpu.memory_space<vmem>>, vector<2x16xbf16>,
        %add3A_1604 = arith.addf %add3A_1540, %get3A_1603 : vector<2x16xbf16>
        %add3A_1605 = arith.addf %add3A_1580, %add3A_1588 : vector<2x16xbf16>
        %add3A_1606 = arith.addf %add3A_1596, %add3A_1604 : vector<2x16xbf16>
        %add3A_1607 = arith.addf %add3A_1548, %add3A_1556 : vector<2x16xbf16>
        %add3A_1608 = arith.addf %add3A_1564, %add3A_1572 : vector<2x16xbf16>
        %add3A_1609 = arith.addf %add3A_1605, %add3A_1606 : vector<2x16xbf16>
        %add3A_1610 = arith.addf %add3A_1607, %add3A_1608 : vector<2x16xbf16>
        %add3A_1611 = arith.addf %add3A_1609, %add3A_1610 : vector<2x16xbf16>
        %mul3A_1612 = arith.constant 2 : i32
        %mul3A_1613 = arith.muli %mul3A_1612, %scan3A_787 : i32
        %swap3A = arith.index_cast %mul3A_1613 : i32 to index
        %swap3A_1614 = arith.constant 0 : index
        %swap3A_1615 = tpu.vector_load %arg7[%swap3A, %swap3A_1614] {strides = array<i32>} : memref<32x16xbf16, #tpu.memory_space<vmem>>, vector<2x16xbf16>,
        tpu.vector_store %arg7[%swap3A, %swap3A_1614], %add3A_1611 {strides = array<i32>} : memref<32x16xbf16, #tpu.memory_space<vmem>>, vector<2x16xbf16>,
        %scan3A_1616 = arith.constant 0 : i32
        scf.yield %scan3A_1616 : i32
      }
      %scan3A_778 = arith.constant 16 : i32
      %mul3A_779 = arith.constant 512 : i32
      %mul3A_780 = arith.muli %add3A, %mul3A_779 : i32
      %mul3A_781 = arith.constant 16 : i32
      %mul3A_782 = arith.muli %add3A_771, %mul3A_781 : i32
      %add3A_783 = arith.addi %mul3A_780, %mul3A_782 : i32
      %mul3A_784 = arith.constant 2 : i32
      %mul3A_785 = arith.muli %mul3A_784, %add3A_783 : i32
      "tpu.region"() ({
        %run_scoped3A_787 = tpu.sem_alloc : memref<!tpu.dma_semaphore, #tpu.memory_space<semaphore_mem>>
        %dma_start3A_788 = arith.constant 0 : i32
        %dma_start3A_789 = tpu.memref_slice %arg4[%mul3A_785, %dma_start3A_788] : memref<32768x16xbf16, #tpu.memory_space<hbm>> -> memref<32x16xbf16, #tpu.memory_space<hbm>>
        %dma_start3A_790 = arith.constant 0 : i32
        %dma_start3A_791 = tpu.memref_slice %arg4[%mul3A_785, %dma_start3A_790] : memref<32768x16xbf16, #tpu.memory_space<hbm>> -> memref<32x16xbf16, #tpu.memory_space<hbm>>
        tpu.enqueue_dma source(%arg7 : memref<32x16xbf16, #tpu.memory_space<vmem>>) target(%dma_start3A_791 : memref<32x16xbf16, #tpu.memory_space<hbm>>) target_semaphore(%run_scoped3A_787 : memref<!tpu.dma_semaphore, #tpu.memory_space<semaphore_mem>>)
        %dma_wait3A_792 = arith.constant 0 : i32
        %dma_wait3A_793 = tpu.memref_slice %arg4[%mul3A_785, %dma_wait3A_792] : memref<32768x16xbf16, #tpu.memory_space<hbm>> -> memref<32x16xbf16, #tpu.memory_space<hbm>>
        %dma_wait3A_794 = arith.constant 0 : i32
        %dma_wait3A_795 = tpu.memref_slice %arg4[%mul3A_785, %dma_wait3A_794] : memref<32768x16xbf16, #tpu.memory_space<hbm>> -> memref<32x16xbf16, #tpu.memory_space<hbm>>
        tpu.wait_dma2 semaphore(%run_scoped3A_787 : memref<!tpu.dma_semaphore, #tpu.memory_space<semaphore_mem>>) src(%arg7 : memref<32x16xbf16, #tpu.memory_space<vmem>>) dst(%dma_wait3A_795 : memref<32x16xbf16, #tpu.memory_space<hbm>>)
        tpu.yield
      }) : () -> ()
      %scan3A_786 = arith.constant 0 : i32
      scf.yield %scan3A_786 : i32
    }
    %scan3A_361 = arith.constant 16 : i32
    return
  }
}

module attributes {stable_mosaic.version = 14 : i64} {
  func.func @_tc_body(%arg0: i32, %arg1: memref<4096x16xbf16, #tpu.memory_space<vmem>>, %arg2: memref<8x16xf32, #tpu.memory_space<vmem>>, %arg3: memref<2048x16xf32, #tpu.memory_space<vmem>>) attributes {dimension_semantics = [#tpu.dimension_semantics<arbitrary>], iteration_bounds = array<i64: 8>, scalar_prefetch = 0 : i64, scratch_operands = 0 : i64, tpu.core_type = #tpu.core_type<tc>, window_params = [{transform_indices = @transform_0, window_bounds = array<i64: 4096, 16>}, {pipeline_mode = #tpu.pipeline_mode<synchronous>, transform_indices = @transform_1, window_bounds = array<i64: 8, 16>}, {transform_indices = @transform_2, window_bounds = array<i64: 2048, 16>}]} {
    %get3A = arith.constant 0 : index
    %get3A_0 = arith.constant 0 : index
    %get3A_1 = vector.load %arg1[%get3A, %get3A_0] : memref<4096x16xbf16, #tpu.memory_space<vmem>>, vector<4096x16xbf16>
    %convert_element_type3A = arith.extf %get3A_1 : vector<4096x16xbf16> to vector<4096x16xf32>
    %reshape3A = vector.shape_cast %convert_element_type3A : vector<4096x16xf32> to vector<2048x2x16xf32>
    %slice3A = vector.extract_strided_slice %reshape3A {offsets = [0, 0, 0], sizes = [2048, 1, 16], strides = [1, 1, 1]} : vector<2048x2x16xf32> to vector<2048x1x16xf32>
    %squeeze3A = vector.shape_cast %slice3A : vector<2048x1x16xf32> to vector<2048x16xf32>
    %slice3A_2 = vector.extract_strided_slice %reshape3A {offsets = [0, 1, 0], sizes = [2048, 1, 16], strides = [1, 1, 1]} : vector<2048x2x16xf32> to vector<2048x1x16xf32>
    %squeeze3A_3 = vector.shape_cast %slice3A_2 : vector<2048x1x16xf32> to vector<2048x16xf32>
    %add3A = arith.addf %squeeze3A, %squeeze3A_3 : vector<2048x16xf32>
    %get3A_4 = arith.constant 0 : index
    %get3A_5 = arith.constant 0 : index
    %get3A_6 = vector.load %arg2[%get3A_4, %get3A_5] : memref<8x16xf32, #tpu.memory_space<vmem>>, vector<1x16xf32>
    %add3A_7 = vector.broadcast %get3A_6 : vector<1x16xf32> to vector<2048x16xf32>
    %add3A_8 = arith.addf %add3A, %add3A_7 : vector<2048x16xf32>
    %reduce_max3A = arith.constant dense<0xFF800000> : vector<2048xf32>
    %reduce_max3A_9 = vector.multi_reduction <maximumf>, %add3A_8, %reduce_max3A [1] : vector<2048x16xf32> to vector<2048xf32>
    %broadcast_in_dim3A = vector.shape_cast %reduce_max3A_9 : vector<2048xf32> to vector<2048x1xf32>
    %sub3A = vector.broadcast %broadcast_in_dim3A : vector<2048x1xf32> to vector<2048x16xf32>
    %sub3A_10 = arith.subf %add3A_8, %sub3A : vector<2048x16xf32>
    %exp3A = math.exp %sub3A_10 : vector<2048x16xf32>
    %reduce_sum3A = arith.constant dense<0.000000e+00> : vector<2048xf32>
    %reduce_sum3A_11 = vector.multi_reduction <add>, %exp3A, %reduce_sum3A [1] : vector<2048x16xf32> to vector<2048xf32>
    %broadcast_in_dim3A_12 = vector.shape_cast %reduce_sum3A_11 : vector<2048xf32> to vector<2048x1xf32>
    %log3A = math.log %broadcast_in_dim3A_12 : vector<2048x1xf32>
    %sub3A_13 = vector.broadcast %broadcast_in_dim3A : vector<2048x1xf32> to vector<2048x16xf32>
    %sub3A_14 = arith.subf %add3A_8, %sub3A_13 : vector<2048x16xf32>
    %sub3A_15 = vector.broadcast %log3A : vector<2048x1xf32> to vector<2048x16xf32>
    %sub3A_16 = arith.subf %sub3A_14, %sub3A_15 : vector<2048x16xf32>
    %swap3A = arith.constant 0 : index
    %swap3A_17 = arith.constant 0 : index
    %swap3A_18 = vector.load %arg3[%swap3A, %swap3A_17] : memref<2048x16xf32, #tpu.memory_space<vmem>>, vector<2048x16xf32>
    tpu.vector_store %arg3[%swap3A, %swap3A_17], %sub3A_16 {strides = array<i32>} : memref<2048x16xf32, #tpu.memory_space<vmem>>, vector<2048x16xf32>,
    return
  }
  func.func @transform_0(%arg0: i32) -> (i32, i32) {
    %c0_i32 = arith.constant 0 : i32
    %c0_i32_0 = arith.constant 0 : i32
    return %arg0, %c0_i32 : i32, i32
  }
  func.func @transform_1(%arg0: i32) -> (i32, i32) {
    %c0_i32 = arith.constant 0 : i32
    %c0_i32_0 = arith.constant 0 : i32
    %c0_i32_1 = arith.constant 0 : i32
    return %c0_i32, %c0_i32_0 : i32, i32
  }
  func.func @transform_2(%arg0: i32) -> (i32, i32) {
    %c0_i32 = arith.constant 0 : i32
    %c0_i32_0 = arith.constant 0 : i32
    return %arg0, %c0_i32 : i32, i32
  }
}

</mosaic_0001>

<sc_bundles>
// kernel: kernel.4.cloned.1.call-start
scs
__scs_entry_jumppad:
0x0: {  	(pc) =	sbr.rel $0x88, $3  }
0x1: {  	(tag) =	ssettag $0x0;
	lr =	simm.s32 $0x1  }
0x2: {  	[smem:$0x3F9E] =	sst lr;
	_ =	strace $0xD0000000  }
0x3: {  	_ = 	snop  }
0x4: {  	_ = 	snop  }
0x5: {  	_ = 	snop  }
0x6: {  	_ = 	snop  }
0x7: {  	_ = 	snop  }
__scs_overlays_trampoline_lowered:
0x8: {  	[smem:$0x3FAD] =	sst s0  }
0x9: {  	[smem:$0x3FAE] =	sst s1  }
0xa: {  	[smem:$0x3FAF] =	sst s2  }
0xb: {  	[smem:$0x3FB0] =	sst s3  }
0xc: {  	[smem:$0x3FB1] =	sst s4  }
0xd: {  	[smem:$0x3FB2] =	sst s5  }
0xe: {  	[smem:$0x3FB3] =	sst s6  }
0xf: {  	[smem:$0x3FB4] =	sst s7  }
0x10: {  	[smem:$0x3FB5] =	sst s8  }
0x11: {  	[smem:$0x3FB6] =	sst s9;
	s0 =	simm.s32 @!p0 $0x0  }
0x12: {  	s1 =	sld [smem:$0x3F9C];
	s0 =	simm.s32 @p0 $0x1  }
0x13: {  	[smem:$0x3FB7] =	sst s0;
	s0 =	simm.s32 @!p1 $0x0  }
0x14: {  	s2 =	sld [smem:$0x3F9B];
	s0 =	simm.s32 @p1 $0x1  }
0x15: {  	[smem:$0x3FB8] =	sst s0;
	s0 =	simm.s32 @!p2 $0x0  }
0x16: {  	s3 =	sld [smem:$0x3FDB];
	s0 =	simm.s32 @p2 $0x1  }
0x17: {  	s4 =	simm.s32 $0x1BF5;
	[smem:$0x3FBA] =	sst s0  }
0x18: {  	s0 =	sld [smem:$0x3F9D];
	_ =	swait.ge [sflag:s4], $0x0  }
0x19: {  	s7 =	sld [smem:$0x3F9E]  }
0x1a: {  	s8 =	sadd.s32 $0xFFFFE003, lr  }
0x1b: {  	s9 =	sadd.s32 $0xFFFFFEF7, lr;
	s5 =	simm.s32 $0xFFFFFFFF;
	p2 =	slt.u32 s8, $0xFFFFF086  }
0x1c: {  	p1 =	slt.u32 s9, $0xF7A;
	s5 =	simm.s32 @!p2 $0x0  }
0x1d: {  	s5 =	simm.s32 @p1 $0x1;
	p0 =	seq.s32 s7, s2  }
0x1e: {  	s7 =	smul.u32 @!p0 $0xF7A, s2;
	p2 =	seq.s32 @!p0 s5, $0x0  }
0x1f: {  	s9 =	smul.u32 $0xF7A, s1;
	s8 =	simm.s32 @!p0 $0x1BF5;
	p2 =	por !p2, p0  }
0x20: {  	[sflag:s8] =	ssyncset.s32 @!p0 $0xFFFFF086;
	s6 =	sadd.s32 @!p0 s3, s7;
	s7 =	simm.s32 @!p0 $0x108  }
0x21: {  	s3 =	sadd.s32 s3, s9;
	s6 =	sadd.s32 @!p0 $0x88, s6;
	s7 =	simm.s32 @p2 $0x1082  }
0x22: {  	[simem:s7], [sflag:s8] =	dma.local @!p0 [hbm:s6], $0xF7A  }
0x23: {  	s9 =	sor.u32 $0xD0000000, s2;
	s6 =	simm.s32 $0x108;
	_ =	swait.ge @!p0 [sflag:s8], $0x0  }
0x24: {  	s3 =	sadd.s32 $0x88, s3;
	s6 =	simm.s32 @!p1 $0x1082;
	[sflag:s4] =	ssyncset.s32 $0xFFFFF086  }
0x25: {  	[simem:s6], [sflag:s4] =	dma.local [hbm:s3], $0xF7A  }
0x26: {  	[smem:$0x3F9E] =	sst s1;
	(tag) =	ssettag s2;
	_ =	strace s9  }
0x27: {  	s1 =	sld [smem:$0x3FAE]  }
0x28: {  	s2 =	sld [smem:$0x3FAF]  }
0x29: {  	s4 =	sld [smem:$0x3FB1]  }
0x2a: {  	p0 =	seq.s32 s5, $0x0;
	s5 =	sld [smem:$0x3FB2]  }
0x2b: {  	s6 =	sld [smem:$0x3FB3]  }
0x2c: {  	s7 =	sld [smem:$0x3FB4]  }
0x2d: {  	s3 =	simm.s32 $0x108;
	s8 =	sld [smem:$0x3FB5]  }
0x2e: {  	s3 =	simm.s32 @!p0 $0x1082;
	s9 =	sld [smem:$0x3FB6]  }
0x2f: {  	lr =	sadd.s32 s0, s3;
	s0 =	sld [smem:$0x3FAD]  }
0x30: {  	s3 =	sld [smem:$0x3FB0]  }
0x31: {  	[smem:$0x3FB9] =	sst s10  }
0x32: {  	s10 =	sld [smem:$0x3FB7];
	_ =	sdelay $0x3  }
0x33: {  	p0 =	seq.s32 s10, $0x1;
	s10 =	sld [smem:$0x3FB9];
	_ =	sdelay $0x3  }
0x34: {  	[smem:$0x3FB9] =	sst s10  }
0x35: {  	s10 =	sld [smem:$0x3FB8];
	_ =	sdelay $0x3  }
0x36: {  	p1 =	seq.s32 s10, $0x1;
	s10 =	sld [smem:$0x3FB9];
	_ =	sdelay $0x3  }
0x37: {  	[smem:$0x3FB9] =	sst s10  }
0x38: {  	s10 =	sld [smem:$0x3FBA]  }
0x39: {  	_ = 	snop;
	(pc) =	sbr.ind lr, $3  }
0x3a: {  	_ = 	snop  }
0x3b: {  	_ = 	snop  }
0x3c: {  	p2 =	seq.s32 s10, $0x1;
	s10 =	sld [smem:$0x3FB9]  }
0x3d: {  	_ =	shalt  }
0x3e: {  	_ =	shalt  }
0x3f: {  	_ =	shalt  }
0x40: {  	_ =	shalt  }
0x41: {  	_ =	shalt  }
0x42: {  	_ =	shalt  }
0x43: {  	_ =	shalt  }
0x44: {  	_ =	shalt  }
0x45: {  	_ =	shalt  }
0x46: {  	_ =	shalt  }
0x47: {  	_ =	shalt  }
0x48: {  	_ =	shalt  }
0x49: {  	_ =	shalt  }
0x4a: {  	_ =	shalt  }
0x4b: {  	_ =	shalt  }
0x4c: {  	_ =	shalt  }
0x4d: {  	_ =	shalt  }
0x4e: {  	_ =	shalt  }
0x4f: {  	_ =	shalt  }
0x50: {  	_ =	shalt  }
0x51: {  	_ =	shalt  }
0x52: {  	_ =	shalt  }
0x53: {  	_ =	shalt  }
0x54: {  	_ =	shalt  }
0x55: {  	_ =	shalt  }
0x56: {  	_ =	shalt  }
0x57: {  	_ =	shalt  }
0x58: {  	_ =	shalt  }
0x59: {  	_ =	shalt  }
0x5a: {  	_ =	shalt  }
0x5b: {  	_ =	shalt  }
0x5c: {  	_ =	shalt  }
0x5d: {  	_ =	shalt  }
0x5e: {  	_ =	shalt  }
0x5f: {  	_ =	shalt  }
0x60: {  	_ =	shalt  }
0x61: {  	_ =	shalt  }
0x62: {  	_ =	shalt  }
0x63: {  	_ =	shalt  }
0x64: {  	_ =	shalt  }
0x65: {  	_ =	shalt  }
0x66: {  	_ =	shalt  }
0x67: {  	_ =	shalt  }
0x68: {  	_ =	shalt  }
0x69: {  	_ =	shalt  }
0x6a: {  	_ =	shalt  }
0x6b: {  	_ =	shalt  }
0x6c: {  	_ =	shalt  }
0x6d: {  	_ =	shalt  }
0x6e: {  	_ =	shalt  }
0x6f: {  	_ =	shalt  }
0x70: {  	_ =	shalt  }
0x71: {  	_ =	shalt  }
0x72: {  	_ =	shalt  }
0x73: {  	_ =	shalt  }
0x74: {  	_ =	shalt  }
0x75: {  	_ =	shalt  }
0x76: {  	_ =	shalt  }
0x77: {  	_ =	shalt  }
0x78: {  	_ =	shalt  }
0x79: {  	_ =	shalt  }
0x7a: {  	_ =	shalt  }
0x7b: {  	_ =	shalt  }
0x7c: {  	_ =	shalt  }
0x7d: {  	_ =	shalt  }
0x7e: {  	_ =	shalt  }
0x7f: {  	_ =	shalt  }
0x80: {  	_ =	shalt  }
0x81: {  	_ =	shalt  }
0x82: {  	_ =	shalt  }
0x83: {  	_ =	shalt  }
0x84: {  	_ =	shalt  }
0x85: {  	_ =	shalt  }
0x86: {  	_ =	shalt  }
0x87: {  	_ =	shalt  }
.Lfunc_end0:
.L_simem_size_0:
called_computation_lowered:
.L_overlay_start_0:
0x88: {  	s2 =	sld [smem:$0x3FD9]  }
0x89: {  	s3 =	sld [smem:$0x3FFE];
	_ =	sdelay $0x1  }
0x8a: {  	s1 =	srdreg.scid  }
0x8b: {  	s0 =	sand.u32 $0x1, s1  }
0x8c: {  	s17 =	sshll.u32 s0, $0xA;
	s2 =	sadd.s32 s3, s2  }
0x8d: {  	s2 =	sadd.s32 s2, s17  }
0x8e: {  	[smem:$0x3FC5] =	sst s2  }
0x8f: {  	_ = 	snop  }
0x90: {  	s2 =	sld [smem:$0x3FD0];
	(tm) =	ssettm $0x1  }
0x91: {  	s18 =	sld [smem:$0x3FFB];
	_ =	sdelay $0x3  }
0x92: {  	_ =	strace s18  }
0x93: {  	s3 =	sld [smem:$0x3FFC];
	_ =	sdelay $0x3  }
0x94: {  	_ =	strace s3  }
0x95: {  	s3 =	sld [smem:$0x3FFD];
	_ =	sdelay $0x3  }
0x96: {  	_ =	strace s3  }
0x97: {  	_ =	strace $0x8FFFFFFF  }
0x98: {  	s19 =	sld [smem:$0x3FDB];
	_ =	sdelay $0x1  }
0x99: {  	s4 =	simm.s32 $_scs_section_size  }
0x9a: {  	s5 =	simm.s32 $_size__tile_overlayer_lowered;
	s6 =	simm.s32 $_tile_overlayer_lowered  }
0x9b: {  	s22 =	simm.s32 $0x1BFF;
	s21 =	sshll.u32 s6, $0x1;
	s3 =	sadd.s32 s4, s19  }
0x9c: {  	s7 =	simm.s32 $0x0;
	s20 =	sshll.u32 s5, $0x1;
	s5 =	sadd.s32 s21, s3  }
0x9d: {  	[timem:s7], [sflag:s22] =	dma.local [hbm:s5], s20  }
0x9e: {  	_ =	swait.ge [sflag:s22], s20  }
0x9f: {  	s4 =	ssub.s32 $0x0, s20;
	[sflag:s22] =	ssyncset.done $0x0  }
0xa0: {  	[sflag:s22] =	ssyncadd.s32 s4;
	_ =	sdelay $0x1  }
0xa1: {  	s23 =	simm.s32 $0x1B8B  }
0xa2: {  	_ =	swait.ge [sflag:s23], $0x1  }
0xa3: {  	[sflag:s23] =	ssyncset.done $0x0  }
0xa4: {  	s25 =	simm.s32 $0x1B8E;
	s24 =	sld [smem:$0x3FFE];
	[sflag:s23] =	ssyncadd.s32 $0xFFFFFFFF  }
0xa5: {  	s26 =	simm.s32 $execute0_lowered;
	[smem:$0x3FD2] =	sst s25  }
0xa6: {  	s5 =	sshll.u32 s26, $0x1;
	_ =	strace $0x80000046;
	[dreg:$0x1] =	wrdreg $0xFFFFFFFF  }
0xa7: {  	s28 =	simm.s32 $_size_execute0_lowered;
	s3 =	sadd.s32 s3, s5;
	[dreg:$0x0] =	wrdreg $0x0  }
0xa8: {  	s5 =	sshll.u32 s28, $0x1;
	[dreg:$0x2] =	wrdreg s3  }
0xa9: {  	[dreg:$0x3] =	wrdreg s5  }
0xaa: {  	[dreg:$0x4] =	wrdreg $0xC0  }
0xab: {  	_ =	task [dreg:s7], $0x5FFFF  }
0xac: {  	[dreg:$0x1] =	wrdreg $0xFFFFFFFF  }
0xad: {  	[dreg:$0x0] =	wrdreg $0x60  }
0xae: {  	[dreg:$0x2] =	wrdreg s24  }
0xaf: {  	[dreg:$0x3] =	wrdreg s2  }
0xb0: {  	[dreg:$0x4] =	wrdreg $0x9  }
0xb1: {  	_ =	task.clear_ibuf [dreg:s7], $0x5FFFF;
	_ =	strace $0x90000046  }
0xb2: {  	s29 =	simm.s32 $0x9;
	_ =	strace $0x80000048  }
0xb3: {  	_ =	swait.ge [sflag:s29], $0x1  }
0xb4: {  	[sflag:s29] =	ssyncadd.s32 $0xFFFFFFFF  }
0xb5: {  	_ =	strace $0x90000048  }
0xb6: {  	_ =	sfence  }
0xb7: {  	s30 =	sld [smem:$0x0];
	_ =	sdelay $0x2  }
0xb8: {  	s31 =	sshll.u32 s1, $0xD;
	s1 =	sshrl.u32 s1, $0x2  }
0xb9: {  	s3 =	sand.u32 $0x4000, s31;
	s1 =	sadd.s32 s1, s30  }
0xba: {  	s0 =	sor.u32 s3, s0;
	s1 =	sshll.u32 s1, $0x11  }
0xbb: {  	s0 =	sor.u32 s1, s0  }
0xbc: {  	s0 =	sadd.s32 $0x8F2B, s0  }
0xbd: {  	[sflag:s0] =	ssyncadd.remote.s32 $0x1  }
0xbe: {  	_ =	sfence.sel $0xFFFF  }
0xbf: {  	[dreg:$0x0] =	wrdreg $0xFFFFFFFF;
	(pc) =	sbr.abs _section_cstart, $3  }
0xc0: {  	[dreg:$0x1] =	wrdreg $0xFFFFFFFF  }
0xc1: {  	_ =	task.clear_ibuf [dreg:s7], $0x2FFFF;
	_ =	strace $0x9FFFFFFF  }
0xc2: {  	(tm) =	ssettm $0x7FFFFFFF  }
0xc3: {  	_ =	shalt  }
tec
execute0_lowered:
.L_overlay_start_1:
0x0: {  	(tag) =	ssettag $0x1  }
0x1: {  	s0 =	rddreg [dreg:$0x0]  }
0x2: {  	s1 =	rddreg [dreg:$0x1];
	s2 =	simm.s32 $0x0;
	s3 =	srdreg.scid  }
0x3: {  	s4 =	stileid.u32;
	s9 =	simm.s32 $0x3;
	s10 =	simm.s32 $0x80  }
0x4: {  	s19 =	simm.s32 $0xB000;
	s23 =	simm.s32 $0xB400;
	s28 =	simm.s32 $0xB800  }
0x5: {  	s17 =	simm.s32 $0xC000;
	s25 =	simm.s32 $0xC400;
	s13 =	simm.s32 $0xC800  }
0x6: {  	s30 =	simm.s32 $0xCC00;
	s21 =	simm.s32 $0xD000;
	s11 =	simm.s32 $0xDC00  }
0x7: {  	s12 =	simm.s32 $0xE000;
	s14 =	simm.s32 $0xE400;
	s16 =	simm.s32 $0x1  }
0x8: {  	s18 =	simm.s32 $0xE800;
	s20 =	simm.s32 $0x2;
	s15 =	simm.s32 $0x0  }
0x9: {  	[smem:$0x7FF] =	sst s2;
	s3 =	sand.u32 $0x1, s3;
	s4 =	sshll.u32 s4, $0x1  }
0xa: {  	_ =	strace $0x80000047;
	s5 =	ssub.s32 $0x2, s3;
	s6 =	sor.u32 s3, s4  }
0xb: {  	s3 =	sadd.s32 $0x18E00, s0;
	s7 =	sshrl.u32 s5, $0x1;
	s8 =	smul.u32 $0x3200, s6  }
0xc: {  	s4 =	sadd.s32 $0x600, s0;
	s29 =	sshll.u32 s6, $0xA;
	s26 =	ssub.s32 s5, s7  }
0xd: {  	s5 =	smul.u32 $0x320, s6;
	s7 =	sadd.s32 s1, s29;
	s31 =	sadd.s32 s3, s8  }
0xe: {  	s6 =	simm.s32 $0xD400;
	s0 =	smax.u32 s26, $0x1;
	[dreg:$0x3] =	wrdreg s31  }
0xf: {  	v0 =	vimm.bf16 $0.0e+00;
	s8 =	simm.s32 $0xD800;
	[dreg:$0x4] =	wrdreg s0;
	s0 =	simm.s32 $0xBC00  }
.LBB2_1:
0x10: {  	[dreg:$0x5] =	wrdreg s15  }
0x11: {  	s1 =	rddreg [dreg:$0x3]  }
0x12: {  	[tilespmem:s2], [sflag:$0x3] =	stream.linear.gather [hbm4b:s1+s2], $0x1000, $0x38;
	[tilespmem:$0xE900] =	vst v63  }
0x13: {  	_ =	swait.ge [sflag:s9], $0x1000  }
0x14: {  	[sflag:s9] =	ssyncset.done $0x0  }
0x15: {  	s15 =	simm.s32 $0x2000;
	[sflag:s9] =	ssyncadd.s32 $0xFFFFF000  }
0x16: {  	[tilespmem:s15], [sflag:$0x1] =	stream.indirect.gather [hbm4b:s4+s10], $0x8, s2, s10, $0xb8;
	[tilespmem:$0xE900] =	vst v63  }
0x17: {  	s22 =	simm.s32 $0x2400  }
0x18: {  	[tilespmem:s22], [sflag:$0x1] =	stream.indirect.gather [hbm4b:s4+s10], $0x8, s10, s10, $0xb8;
	[tilespmem:$0xE900] =	vst v63  }
0x19: {  	s24 =	simm.s32 $0x100;
	s26 =	simm.s32 $0x2800  }
0x1a: {  	[tilespmem:s26], [sflag:$0x1] =	stream.indirect.gather [hbm4b:s4+s10], $0x8, s24, s10, $0xb8;
	[tilespmem:$0xE900] =	vst v63  }
0x1b: {  	s29 =	simm.s32 $0x180;
	s31 =	simm.s32 $0x2C00  }
0x1c: {  	[tilespmem:s31], [sflag:$0x1] =	stream.indirect.gather [hbm4b:s4+s10], $0x8, s29, s10, $0xb8;
	[tilespmem:$0xE900] =	vst v63  }
0x1d: {  	s15 =	simm.s32 $0x200;
	s22 =	simm.s32 $0x3000  }
0x1e: {  	[tilespmem:s22], [sflag:$0x1] =	stream.indirect.gather [hbm4b:s4+s10], $0x8, s15, s10, $0xb8;
	[tilespmem:$0xE900] =	vst v63  }
0x1f: {  	s24 =	simm.s32 $0x280;
	s26 =	simm.s32 $0x3400  }
0x20: {  	[tilespmem:s26], [sflag:$0x1] =	stream.indirect.gather [hbm4b:s4+s10], $0x8, s24, s10, $0xb8;
	[tilespmem:$0xE900] =	vst v63  }
0x21: {  	s29 =	simm.s32 $0x300;
	s31 =	simm.s32 $0x3800  }
0x22: {  	[tilespmem:s31], [sflag:$0x1] =	stream.indirect.gather [hbm4b:s4+s10], $0x8, s29, s10, $0xb8;
	[tilespmem:$0xE900] =	vst v63  }
0x23: {  	s15 =	simm.s32 $0x380;
	s22 =	simm.s32 $0x3C00  }
0x24: {  	[tilespmem:s22], [sflag:$0x1] =	stream.indirect.gather [hbm4b:s4+s10], $0x8, s15, s10, $0xb8;
	[tilespmem:$0xE900] =	vst v63  }
0x25: {  	s24 =	simm.s32 $0x400;
	s26 =	simm.s32 $0x4000  }
0x26: {  	[tilespmem:s26], [sflag:$0x1] =	stream.indirect.gather [hbm4b:s4+s10], $0x8, s24, s10, $0xb8;
	[tilespmem:$0xE900] =	vst v63  }
0x27: {  	s29 =	simm.s32 $0x480;
	s31 =	simm.s32 $0x4400  }
0x28: {  	[tilespmem:s31], [sflag:$0x1] =	stream.indirect.gather [hbm4b:s4+s10], $0x8, s29, s10, $0xb8;
	[tilespmem:$0xE900] =	vst v63  }
0x29: {  	s15 =	simm.s32 $0x500;
	s22 =	simm.s32 $0x4800  }
0x2a: {  	[tilespmem:s22], [sflag:$0x1] =	stream.indirect.gather [hbm4b:s4+s10], $0x8, s15, s10, $0xb8;
	[tilespmem:$0xE900] =	vst v63  }
0x2b: {  	s24 =	simm.s32 $0x580;
	s26 =	simm.s32 $0x4C00  }
0x2c: {  	[tilespmem:s26], [sflag:$0x1] =	stream.indirect.gather [hbm4b:s4+s10], $0x8, s24, s10, $0xb8;
	[tilespmem:$0xE900] =	vst v63  }
0x2d: {  	s29 =	simm.s32 $0x600;
	s31 =	simm.s32 $0x5000  }
0x2e: {  	[tilespmem:s31], [sflag:$0x1] =	stream.indirect.gather [hbm4b:s4+s10], $0x8, s29, s10, $0xb8;
	[tilespmem:$0xE900] =	vst v63  }
0x2f: {  	s15 =	simm.s32 $0x680;
	s22 =	simm.s32 $0x5400  }
0x30: {  	[tilespmem:s22], [sflag:$0x1] =	stream.indirect.gather [hbm4b:s4+s10], $0x8, s15, s10, $0xb8;
	[tilespmem:$0xE900] =	vst v63  }
0x31: {  	s24 =	simm.s32 $0x700;
	s26 =	simm.s32 $0x5800  }
0x32: {  	[tilespmem:s26], [sflag:$0x1] =	stream.indirect.gather [hbm4b:s4+s10], $0x8, s24, s10, $0xb8;
	[tilespmem:$0xE900] =	vst v63  }
0x33: {  	s29 =	simm.s32 $0x780;
	s31 =	simm.s32 $0x5C00  }
0x34: {  	[tilespmem:s31], [sflag:$0x1] =	stream.indirect.gather [hbm4b:s4+s10], $0x8, s29, s10, $0xb8;
	[tilespmem:$0xE900] =	vst v63  }
0x35: {  	s15 =	simm.s32 $0x800;
	s22 =	simm.s32 $0x6000  }
0x36: {  	[tilespmem:s22], [sflag:$0x1] =	stream.indirect.gather [hbm4b:s4+s10], $0x8, s15, s10, $0xb8;
	[tilespmem:$0xE900] =	vst v63  }
0x37: {  	s24 =	simm.s32 $0x880;
	s26 =	simm.s32 $0x6400  }
0x38: {  	[tilespmem:s26], [sflag:$0x1] =	stream.indirect.gather [hbm4b:s4+s10], $0x8, s24, s10, $0xb8;
	[tilespmem:$0xE900] =	vst v63  }
0x39: {  	s29 =	simm.s32 $0x900;
	s31 =	simm.s32 $0x6800  }
0x3a: {  	[tilespmem:s31], [sflag:$0x1] =	stream.indirect.gather [hbm4b:s4+s10], $0x8, s29, s10, $0xb8;
	[tilespmem:$0xE900] =	vst v63  }
0x3b: {  	s15 =	simm.s32 $0x980;
	s22 =	simm.s32 $0x6C00  }
0x3c: {  	[tilespmem:s22], [sflag:$0x1] =	stream.indirect.gather [hbm4b:s4+s10], $0x8, s15, s10, $0xb8;
	[tilespmem:$0xE900] =	vst v63  }
0x3d: {  	s24 =	simm.s32 $0xA00;
	s26 =	simm.s32 $0x7000  }
0x3e: {  	[tilespmem:s26], [sflag:$0x1] =	stream.indirect.gather [hbm4b:s4+s10], $0x8, s24, s10, $0xb8;
	[tilespmem:$0xE900] =	vst v63  }
0x3f: {  	s29 =	simm.s32 $0xA80;
	s31 =	simm.s32 $0x7400  }
0x40: {  	[tilespmem:s31], [sflag:$0x1] =	stream.indirect.gather [hbm4b:s4+s10], $0x8, s29, s10, $0xb8;
	[tilespmem:$0xE900] =	vst v63  }
0x41: {  	s15 =	simm.s32 $0xB00;
	s22 =	simm.s32 $0x7800  }
0x42: {  	[tilespmem:s22], [sflag:$0x1] =	stream.indirect.gather [hbm4b:s4+s10], $0x8, s15, s10, $0xb8;
	[tilespmem:$0xE900] =	vst v63  }
0x43: {  	s24 =	simm.s32 $0xB80;
	s26 =	simm.s32 $0x7C00  }
0x44: {  	[tilespmem:s26], [sflag:$0x1] =	stream.indirect.gather [hbm4b:s4+s10], $0x8, s24, s10, $0xb8;
	[tilespmem:$0xE900] =	vst v63  }
0x45: {  	s29 =	simm.s32 $0xC00;
	s31 =	simm.s32 $0x8000;
	s22 =	simm.s32 $0x0  }
0x46: {  	[tilespmem:s31], [sflag:$0x1] =	stream.indirect.gather [hbm4b:s4+s10], $0x8, s29, s10, $0xb8;
	[tilespmem:$0xE900] =	vst v63  }
.LBB2_2:
0x47: {  	s24 =	sshllo.u32 s22, $0x1  }
0x48: {  	s1 =	smul.u32 $0x19, s24;
	_ =	sdelay $0x1  }
0x49: {  	s29 =	sand.u32 $0x7, s24;
	s1 =	sadd.s32 s5, s1  }
0x4a: {  	s1 =	ssub.s32 s1, s29  }
0x4b: {  	s1 =	sshll.u32 s1, $0x4  }
0x4c: {  	s1 =	sand.u32 $0x1FFFFFE0, s1  }
0x4d: {  	s26 =	simm.s32 $0x0;
	s15 =	simm.s32 $0x1000;
	s1 =	sadd.s32 s3, s1  }
0x4e: {  	[tilespmem:s15], [sflag:$0x3] =	stream.linear.gather [hbm4b:s1+s26], $0x1000, $0x38;
	[tilespmem:$0xE900] =	vst v63  }
0x4f: {  	_ =	swait.ge [sflag:s9], $0x1000  }
0x50: {  	s1 =	sshll.u32 s29, $0x7;
	[sflag:s9] =	ssyncset.done $0x0  }
0x51: {  	s15 =	simm.s32 $0x8400;
	s29 =	sor.u32 $0x1000, s1;
	[sflag:s9] =	ssyncadd.s32 $0xFFFFF000  }
0x52: {  	[tilespmem:s15], [sflag:$0x2] =	stream.indirect.gather [hbm4b:s4+s10], $0x8, s29, s10, $0xb8;
	[tilespmem:$0xE900] =	vst v63  }
0x53: {  	s29 =	sadd.s32 $0x1080, s1;
	s15 =	simm.s32 $0x8800  }
0x54: {  	[tilespmem:s15], [sflag:$0x2] =	stream.indirect.gather [hbm4b:s4+s10], $0x8, s29, s10, $0xb8;
	[tilespmem:$0xE900] =	vst v63  }
0x55: {  	s29 =	sadd.s32 $0x1100, s1;
	s15 =	simm.s32 $0x8C00  }
0x56: {  	[tilespmem:s15], [sflag:$0x2] =	stream.indirect.gather [hbm4b:s4+s10], $0x8, s29, s10, $0xb8;
	[tilespmem:$0xE900] =	vst v63  }
0x57: {  	s29 =	sadd.s32 $0x1180, s1;
	s15 =	simm.s32 $0x9000  }
0x58: {  	[tilespmem:s15], [sflag:$0x2] =	stream.indirect.gather [hbm4b:s4+s10], $0x8, s29, s10, $0xb8;
	[tilespmem:$0xE900] =	vst v63  }
0x59: {  	s29 =	sadd.s32 $0x1200, s1;
	s15 =	simm.s32 $0x9400  }
0x5a: {  	[tilespmem:s15], [sflag:$0x2] =	stream.indirect.gather [hbm4b:s4+s10], $0x8, s29, s10, $0xb8;
	[tilespmem:$0xE900] =	vst v63  }
0x5b: {  	s29 =	sadd.s32 $0x1280, s1;
	s15 =	simm.s32 $0x9800  }
0x5c: {  	[tilespmem:s15], [sflag:$0x2] =	stream.indirect.gather [hbm4b:s4+s10], $0x8, s29, s10, $0xb8;
	[tilespmem:$0xE900] =	vst v63  }
0x5d: {  	s29 =	sadd.s32 $0x1300, s1;
	s15 =	simm.s32 $0x9C00  }
0x5e: {  	[tilespmem:s15], [sflag:$0x2] =	stream.indirect.gather [hbm4b:s4+s10], $0x8, s29, s10, $0xb8;
	[tilespmem:$0xE900] =	vst v63  }
0x5f: {  	s29 =	sadd.s32 $0x1380, s1;
	s15 =	simm.s32 $0xA000  }
0x60: {  	[tilespmem:s15], [sflag:$0x2] =	stream.indirect.gather [hbm4b:s4+s10], $0x8, s29, s10, $0xb8;
	[tilespmem:$0xE900] =	vst v63  }
0x61: {  	s29 =	sor.u32 $0x1400, s1;
	s15 =	simm.s32 $0xA400  }
0x62: {  	[tilespmem:s15], [sflag:$0x2] =	stream.indirect.gather [hbm4b:s4+s10], $0x8, s29, s10, $0xb8;
	[tilespmem:$0xE900] =	vst v63  }
0x63: {  	s29 =	sadd.s32 $0x1480, s1;
	s15 =	simm.s32 $0xA800  }
0x64: {  	[tilespmem:s15], [sflag:$0x2] =	stream.indirect.gather [hbm4b:s4+s10], $0x8, s29, s10, $0xb8;
	[tilespmem:$0xE900] =	vst v63  }
0x65: {  	s29 =	sadd.s32 $0x1500, s1;
	s15 =	simm.s32 $0xAC00  }
0x66: {  	[tilespmem:s15], [sflag:$0x2] =	stream.indirect.gather [hbm4b:s4+s10], $0x8, s29, s10, $0xb8;
	[tilespmem:$0xE900] =	vst v63  }
0x67: {  	s29 =	sadd.s32 $0x1580, s1  }
0x68: {  	[tilespmem:s19], [sflag:$0x2] =	stream.indirect.gather [hbm4b:s4+s10], $0x8, s29, s10, $0xb8;
	[tilespmem:$0xE900] =	vst v63  }
0x69: {  	s29 =	sadd.s32 $0x1600, s1  }
0x6a: {  	[tilespmem:s23], [sflag:$0x2] =	stream.indirect.gather [hbm4b:s4+s10], $0x8, s29, s10, $0xb8;
	[tilespmem:$0xE900] =	vst v63  }
0x6b: {  	s29 =	sadd.s32 $0x1680, s1  }
0x6c: {  	[tilespmem:s28], [sflag:$0x2] =	stream.indirect.gather [hbm4b:s4+s10], $0x8, s29, s10, $0xb8;
	[tilespmem:$0xE900] =	vst v63  }
0x6d: {  	s29 =	sadd.s32 $0x1700, s1  }
0x6e: {  	[tilespmem:s0], [sflag:$0x2] =	stream.indirect.gather [hbm4b:s4+s10], $0x8, s29, s10, $0xb8;
	[tilespmem:$0xE900] =	vst v63  }
0x6f: {  	s29 =	sadd.s32 $0x1780, s1  }
0x70: {  	[tilespmem:s17], [sflag:$0x2] =	stream.indirect.gather [hbm4b:s4+s10], $0x8, s29, s10, $0xb8;
	[tilespmem:$0xE900] =	vst v63  }
0x71: {  	s29 =	sor.u32 $0x1800, s1  }
0x72: {  	[tilespmem:s25], [sflag:$0x2] =	stream.indirect.gather [hbm4b:s4+s10], $0x8, s29, s10, $0xb8;
	[tilespmem:$0xE900] =	vst v63  }
0x73: {  	s29 =	sadd.s32 $0x1880, s1  }
0x74: {  	[tilespmem:s13], [sflag:$0x2] =	stream.indirect.gather [hbm4b:s4+s10], $0x8, s29, s10, $0xb8;
	[tilespmem:$0xE900] =	vst v63  }
0x75: {  	s29 =	sadd.s32 $0x1900, s1  }
0x76: {  	[tilespmem:s30], [sflag:$0x2] =	stream.indirect.gather [hbm4b:s4+s10], $0x8, s29, s10, $0xb8;
	[tilespmem:$0xE900] =	vst v63  }
0x77: {  	s29 =	sadd.s32 $0x1980, s1  }
0x78: {  	[tilespmem:s21], [sflag:$0x2] =	stream.indirect.gather [hbm4b:s4+s10], $0x8, s29, s10, $0xb8;
	[tilespmem:$0xE900] =	vst v63  }
0x79: {  	s29 =	sadd.s32 $0x1A00, s1  }
0x7a: {  	[tilespmem:s6], [sflag:$0x2] =	stream.indirect.gather [hbm4b:s4+s10], $0x8, s29, s10, $0xb8;
	[tilespmem:$0xE900] =	vst v63  }
0x7b: {  	s29 =	sadd.s32 $0x1A80, s1  }
0x7c: {  	[tilespmem:s8], [sflag:$0x2] =	stream.indirect.gather [hbm4b:s4+s10], $0x8, s29, s10, $0xb8;
	[tilespmem:$0xE900] =	vst v63  }
0x7d: {  	s29 =	sadd.s32 $0x1B00, s1  }
0x7e: {  	[tilespmem:s11], [sflag:$0x2] =	stream.indirect.gather [hbm4b:s4+s10], $0x8, s29, s10, $0xb8;
	[tilespmem:$0xE900] =	vst v63  }
0x7f: {  	s29 =	sadd.s32 $0x1B80, s1  }
0x80: {  	[tilespmem:s12], [sflag:$0x2] =	stream.indirect.gather [hbm4b:s4+s10], $0x8, s29, s10, $0xb8;
	[tilespmem:$0xE900] =	vst v63  }
0x81: {  	s1 =	sor.u32 $0x1C00, s1  }
0x82: {  	[tilespmem:s14], [sflag:$0x2] =	stream.indirect.gather [hbm4b:s4+s10], $0x8, s1, s10, $0xb8;
	[tilespmem:$0xE900] =	vst v63  }
0x83: {  	_ =	swait.ge [sflag:s16], $0x6400  }
0x84: {  	[sflag:s16] =	ssyncset.done $0x0  }
0x85: {  	s29 =	simm.s32 $0x2320;
	[sflag:s16] =	ssyncadd.s32 $0xFFFF9C00  }
0x86: {  	v1 =	vld [tilespmem:s29+$0x2E0]  }
0x87: {  	v2 =	vld [tilespmem:s29+$0x2F0]  }
0x88: {  	v14 =	vld [tilespmem:s29+$0x2A0]  }
0x89: {  	v16 =	vld [tilespmem:s29+$0x2B0]  }
0x8a: {  	v13 =	vld [tilespmem:s29+$0x2C0]  }
0x8b: {  	v15 =	vld [tilespmem:s29+$0x2D0]  }
0x8c: {  	v3 =	vld [tilespmem:s29+$0x260]  }
0x8d: {  	v4 =	vld [tilespmem:s29+$0x270]  }
0x8e: {  	v23 =	vld [tilespmem:s29+$0x220]  }
0x8f: {  	v24 =	vld [tilespmem:s29+$0x230]  }
0x90: {  	v19 =	vld [tilespmem:s29+$0x240]  }
0x91: {  	v20 =	vld [tilespmem:s29+$0x250]  }
0x92: {  	v5 =	vld [tilespmem:s29+$0x1E0]  }
0x93: {  	v6 =	vld [tilespmem:s29+$0x1F0]  }
0x94: {  	v27 =	vld [tilespmem:s29+$0x1A0]  }
0x95: {  	v28 =	vld [tilespmem:s29+$0x1B0]  }
0x96: {  	v29 =	vld [tilespmem:s29+$0x1C0]  }
0x97: {  	v30 =	vld [tilespmem:s29+$0x1D0]  }
0x98: {  	v7 =	vld [tilespmem:s29+$0x160]  }
0x99: {  	v8 =	vld [tilespmem:s29+$0x170]  }
0x9a: {  	v33 =	vld [tilespmem:s29+$0x120]  }
0x9b: {  	v34 =	vld [tilespmem:s29+$0x130]  }
0x9c: {  	v35 =	vld [tilespmem:s29+$0x140]  }
0x9d: {  	v36 =	vld [tilespmem:s29+$0x150]  }
0x9e: {  	v9 =	vld [tilespmem:s29+$0xE0]  }
0x9f: {  	v10 =	vld [tilespmem:s29+$0xF0]  }
0xa0: {  	v39 =	vld [tilespmem:s29+$0xA0]  }
0xa1: {  	v40 =	vld [tilespmem:s29+$0xB0]  }
0xa2: {  	v41 =	vld [tilespmem:s29+$0xC0]  }
0xa3: {  	v42 =	vld [tilespmem:s29+$0xD0]  }
0xa4: {  	v11 =	vld [tilespmem:s29+$0x60]  }
0xa5: {  	v12 =	vld [tilespmem:s29+$0x70]  }
0xa6: {  	v37 =	vld [tilespmem:s29+$0x20]  }
0xa7: {  	v38 =	vld [tilespmem:s29+$0x30]  }
0xa8: {  	v43 =	vld [tilespmem:s29+$0x40]  }
0xa9: {  	v44 =	vld [tilespmem:s29+$0x50]  }
0xaa: {  	v17 =	vld [tilespmem:s29+$0xFFFFFFE0]  }
0xab: {  	v18 =	vld [tilespmem:s29+$0xFFFFFFF0]  }
0xac: {  	v31 =	vld [tilespmem:s29+$0xFFFFFFA0]  }
0xad: {  	v32 =	vld [tilespmem:s29+$0xFFFFFFB0]  }
0xae: {  	v22 =	vld [tilespmem:s29+$0xFFFFFF20]  }
0xaf: {  	v25 =	vld [tilespmem:s29+$0xFFFFFF30]  }
0xb0: {  	v21 =	vld [tilespmem:s29+$0xFFFFFEA0]  }
0xb1: {  	v26 =	vld [tilespmem:s29+$0xFFFFFEB0]  }
0xb2: {  	v45 =	vld [tilespmem:s29+$0xFFFFFE20]  }
0xb3: {  	v46 =	vld [tilespmem:s29+$0xFFFFFE30]  }
0xb4: {  	v47 =	vld [tilespmem:s29+$0xFFFFFDA0]  }
0xb5: {  	v48 =	vld [tilespmem:s29+$0xFFFFFDB0]  }
0xb6: {  	v49 =	vld [tilespmem:s29+$0xFFFFFD20]  }
0xb7: {  	v50 =	vld [tilespmem:s29+$0xFFFFFD30]  }
0xb8: {  	v51 =	vld [tilespmem:s29+$0xFFFFFD40]  }
0xb9: {  	v52 =	vld [tilespmem:s29+$0xFFFFFD50]  }
0xba: {  	v53 =	vld [tilespmem:s29+$0xFFFFFDC0]  }
0xbb: {  	v54 =	vld [tilespmem:s29+$0xFFFFFDD0]  }
0xbc: {  	v55 =	vld [tilespmem:s29+$0xFFFFFE40]  }
0xbd: {  	v56 =	vld [tilespmem:s29+$0xFFFFFE50];
	v49 =	vadd.bf16 v0, v49;
	v50 =	vadd.bf16 v0, v50  }
0xbe: {  	v57 =	vld [tilespmem:s29+$0xFFFFFEC0];
	v51 =	vadd.bf16 v0, v51;
	v52 =	vadd.bf16 v0, v52  }
0xbf: {  	v47 =	vadd.bf16 v47, v49;
	v48 =	vadd.bf16 v48, v50;
	v49 =	vld [tilespmem:s29+$0xFFFFFED0]  }
0xc0: {  	v60 =	vld [tilespmem:s29+$0xFFFFFF40];
	v58 =	vadd.bf16 v53, v51;
	v59 =	vadd.bf16 v54, v52  }
0xc1: {  	v61 =	vld [tilespmem:s29+$0xFFFFFF50];
	v45 =	vadd.bf16 v45, v47;
	v46 =	vadd.bf16 v46, v48  }
0xc2: {  	v54 =	vld [tilespmem:s29+$0xFFFFFFC0];
	v62 =	vadd.bf16 v55, v58;
	v63 =	vadd.bf16 v56, v59  }
0xc3: {  	v55 =	vld [tilespmem:s29+$0xFFFFFFD0];
	v45 =	vadd.bf16 v21, v45;
	v26 =	vadd.bf16 v26, v46  }
0xc4: {  	v48 =	vadd.bf16 v57, v62;
	v21 =	vld [tilespmem:s29+$0xFFFFFF60];
	v49 =	vadd.bf16 v49, v63  }
0xc5: {  	v45 =	vadd.bf16 v22, v45;
	v56 =	vadd.bf16 v25, v26;
	v22 =	vld [tilespmem:s29+$0xFFFFFF70]  }
0xc6: {  	v25 =	vld [tilespmem:s29+$0xFFFFFEE0];
	v48 =	vadd.bf16 v60, v48;
	v47 =	vadd.bf16 v61, v49  }
0xc7: {  	v26 =	vld [tilespmem:s29+$0xFFFFFEF0];
	v45 =	vadd.bf16 v31, v45;
	v57 =	vadd.bf16 v32, v56  }
0xc8: {  	v31 =	vld [tilespmem:s29+$0xFFFFFE60];
	v48 =	vadd.bf16 v54, v48;
	v46 =	vadd.bf16 v55, v47  }
0xc9: {  	v32 =	vld [tilespmem:s29+$0xFFFFFE70];
	v45 =	vadd.bf16 v37, v45;
	v58 =	vadd.bf16 v38, v57  }
0xca: {  	v37 =	vld [tilespmem:s29+$0xFFFFFDE0];
	v43 =	vadd.bf16 v43, v48;
	v44 =	vadd.bf16 v44, v46  }
0xcb: {  	v38 =	vld [tilespmem:s29+$0xFFFFFDF0];
	v45 =	vadd.bf16 v39, v45;
	v59 =	vadd.bf16 v40, v58  }
0xcc: {  	v39 =	vld [tilespmem:s29+$0xFFFFFD60];
	v41 =	vadd.bf16 v41, v43;
	v42 =	vadd.bf16 v42, v44  }
0xcd: {  	v40 =	vld [tilespmem:s29+$0xFFFFFD70];
	v60 =	vadd.bf16 v33, v45;
	v61 =	vadd.bf16 v34, v59  }
0xce: {  	v33 =	vld [tilespmem:s29+$0xFFFFFCE0];
	v35 =	vadd.bf16 v35, v41;
	v36 =	vadd.bf16 v36, v42  }
0xcf: {  	v34 =	vld [tilespmem:s29+$0xFFFFFCF0];
	v62 =	vadd.bf16 v27, v60;
	v63 =	vadd.bf16 v28, v61  }
0xd0: {  	v27 =	vld [tilespmem:s29+$0xFFFFFD00];
	v29 =	vadd.bf16 v29, v35;
	v30 =	vadd.bf16 v30, v36  }
0xd1: {  	s31 =	sshll.u32 s22, $0x1;
	s1 =	simm.s32 $0x40;
	v28 =	vld [tilespmem:s29+$0xFFFFFD10];
	v23 =	vadd.bf16 v23, v62;
	v24 =	vadd.bf16 v24, v63  }
.LBB2_3:
0xd2: {  	p0 =	sne.s32 s1, $0x3C0;
	v35 =	vld [tilespmem:s29+$0xFFFFFD80];
	v19 =	vadd.bf16 v19, v29;
	v20 =	vadd.bf16 v20, v30  }
0xd3: {  	v29 =	vld [tilespmem:s29+$0xFFFFFD90];
	v14 =	vadd.bf16 v14, v23;
	v16 =	vadd.bf16 v16, v24  }
0xd4: {  	v23 =	vld [tilespmem:s29+$0xFFFFFE00];
	v13 =	vadd.bf16 v13, v19;
	v15 =	vadd.bf16 v15, v20  }
0xd5: {  	v19 =	vadd.bf16 v0, v33;
	v20 =	vadd.bf16 v0, v34;
	v24 =	vld [tilespmem:s29+$0xFFFFFE10]  }
0xd6: {  	v27 =	vadd.bf16 v0, v27;
	v28 =	vadd.bf16 v0, v28;
	v30 =	vld [tilespmem:s29+$0xFFFFFE80]  }
0xd7: {  	v19 =	vadd.bf16 v39, v19;
	v20 =	vadd.bf16 v40, v20;
	v33 =	vld [tilespmem:s29+$0xFFFFFE90]  }
0xd8: {  	v27 =	vadd.bf16 v35, v27;
	v28 =	vadd.bf16 v29, v28;
	v29 =	vld [tilespmem:s29+$0xFFFFFF00]  }
0xd9: {  	v19 =	vadd.bf16 v37, v19;
	v20 =	vadd.bf16 v38, v20;
	v34 =	vld [tilespmem:s29+$0xFFFFFF10]  }
0xda: {  	v23 =	vadd.bf16 v23, v27;
	v24 =	vadd.bf16 v24, v28;
	v27 =	vld [tilespmem:s29+$0xFFFFFF80]  }
0xdb: {  	v19 =	vadd.bf16 v31, v19;
	v20 =	vadd.bf16 v32, v20;
	v28 =	vld [tilespmem:s29+$0xFFFFFF90]  }
0xdc: {  	v23 =	vadd.bf16 v30, v23;
	v24 =	vadd.bf16 v33, v24;
	v30 =	vld [tilespmem:s29+$0x0]  }
0xdd: {  	v19 =	vadd.bf16 v25, v19;
	v20 =	vadd.bf16 v26, v20;
	v25 =	vld [tilespmem:s29+$0x10]  }
0xde: {  	v23 =	vadd.bf16 v29, v23;
	v24 =	vadd.bf16 v34, v24;
	v26 =	vld [tilespmem:s29+$0x80]  }
0xdf: {  	v19 =	vadd.bf16 v21, v19;
	v20 =	vadd.bf16 v22, v20;
	v21 =	vld [tilespmem:s29+$0x90]  }
0xe0: {  	v22 =	vadd.bf16 v27, v23;
	v23 =	vadd.bf16 v28, v24;
	v24 =	vld [tilespmem:s29+$0x100]  }
0xe1: {  	v17 =	vadd.bf16 v17, v19;
	v18 =	vadd.bf16 v18, v20;
	v19 =	vld [tilespmem:s29+$0x110]  }
0xe2: {  	v20 =	vadd.bf16 v30, v22;
	v22 =	vadd.bf16 v25, v23;
	v23 =	vld [tilespmem:s29+$0x180]  }
0xe3: {  	v11 =	vadd.bf16 v11, v17;
	v12 =	vadd.bf16 v12, v18;
	v17 =	vld [tilespmem:s29+$0x190]  }
0xe4: {  	v18 =	vadd.bf16 v26, v20;
	v20 =	vadd.bf16 v21, v22;
	v21 =	vld [tilespmem:s29+$0x200]  }
0xe5: {  	v9 =	vadd.bf16 v9, v11;
	v10 =	vadd.bf16 v10, v12;
	v11 =	vld [tilespmem:s29+$0x210]  }
0xe6: {  	v12 =	vadd.bf16 v24, v18;
	v18 =	vadd.bf16 v19, v20;
	v19 =	vld [tilespmem:s29+$0x280]  }
0xe7: {  	v7 =	vadd.bf16 v7, v9;
	v8 =	vadd.bf16 v8, v10;
	v9 =	vld [tilespmem:s29+$0x290]  }
0xe8: {  	v10 =	vadd.bf16 v23, v12;
	v12 =	vadd.bf16 v17, v18;
	v17 =	vld [tilespmem:s29+$0x300]  }
0xe9: {  	v5 =	vadd.bf16 v5, v7;
	v6 =	vadd.bf16 v6, v8;
	v7 =	vld [tilespmem:s29+$0x310]  }
0xea: {  	v8 =	vadd.bf16 v21, v10;
	v10 =	vadd.bf16 v11, v12  }
0xeb: {  	v3 =	vadd.bf16 v3, v5;
	v4 =	vadd.bf16 v4, v6  }
0xec: {  	v5 =	vadd.bf16 v19, v8;
	v6 =	vadd.bf16 v9, v10  }
0xed: {  	v1 =	vadd.bf16 v1, v3;
	v2 =	vadd.bf16 v2, v4  }
0xee: {  	v3 =	vadd.bf16 v17, v5;
	v4 =	vadd.bf16 v7, v6  }
0xef: {  	v5 =	vadd.bf16 v16, v14;
	v6 =	vadd.bf16 v15, v13  }
0xf0: {  	v1 =	vadd.bf16 v2, v1;
	v2 =	vadd.bf16 v4, v3;
	_ =	sdelay $0x1  }
0xf1: {  	v1 =	vadd.bf16 v2, v1;
	v2 =	vadd.bf16 v6, v5;
	_ =	sdelay $0x1  }
0xf2: {  	v1 =	vadd.bf16 v1, v2  }
0xf3: {  	s15 =	sshra.s32 s26, $0x2;
	s26 =	smov.u32 s1  }
0xf4: {  	s29 =	sadd.s32 $0x640, s29;
	[tilespmem:s15+$0xE800] =	vst v1  }
0xf5: {  	v1 =	vld [tilespmem:s29+$0x2E0]  }
0xf6: {  	v2 =	vld [tilespmem:s29+$0x2F0]  }
0xf7: {  	v14 =	vld [tilespmem:s29+$0x2A0]  }
0xf8: {  	v16 =	vld [tilespmem:s29+$0x2B0]  }
0xf9: {  	v13 =	vld [tilespmem:s29+$0x2C0]  }
0xfa: {  	v15 =	vld [tilespmem:s29+$0x2D0]  }
0xfb: {  	v3 =	vld [tilespmem:s29+$0x260]  }
0xfc: {  	v4 =	vld [tilespmem:s29+$0x270]  }
0xfd: {  	v23 =	vld [tilespmem:s29+$0x220]  }
0xfe: {  	v24 =	vld [tilespmem:s29+$0x230]  }
0xff: {  	v19 =	vld [tilespmem:s29+$0x240]  }
0x100: {  	v20 =	vld [tilespmem:s29+$0x250]  }
0x101: {  	v5 =	vld [tilespmem:s29+$0x1E0]  }
0x102: {  	v6 =	vld [tilespmem:s29+$0x1F0]  }
0x103: {  	v27 =	vld [tilespmem:s29+$0x1A0]  }
0x104: {  	v29 =	vld [tilespmem:s29+$0x1B0]  }
0x105: {  	v28 =	vld [tilespmem:s29+$0x1C0]  }
0x106: {  	v30 =	vld [tilespmem:s29+$0x1D0]  }
0x107: {  	v7 =	vld [tilespmem:s29+$0x160]  }
0x108: {  	v8 =	vld [tilespmem:s29+$0x170]  }
0x109: {  	v33 =	vld [tilespmem:s29+$0x120]  }
0x10a: {  	v35 =	vld [tilespmem:s29+$0x130]  }
0x10b: {  	v34 =	vld [tilespmem:s29+$0x140]  }
0x10c: {  	v36 =	vld [tilespmem:s29+$0x150]  }
0x10d: {  	v9 =	vld [tilespmem:s29+$0xE0]  }
0x10e: {  	v10 =	vld [tilespmem:s29+$0xF0]  }
0x10f: {  	v39 =	vld [tilespmem:s29+$0xA0]  }
0x110: {  	v40 =	vld [tilespmem:s29+$0xB0]  }
0x111: {  	v41 =	vld [tilespmem:s29+$0xC0]  }
0x112: {  	v42 =	vld [tilespmem:s29+$0xD0]  }
0x113: {  	v11 =	vld [tilespmem:s29+$0x60]  }
0x114: {  	v12 =	vld [tilespmem:s29+$0x70]  }
0x115: {  	v37 =	vld [tilespmem:s29+$0x20]  }
0x116: {  	v38 =	vld [tilespmem:s29+$0x30]  }
0x117: {  	v43 =	vld [tilespmem:s29+$0x40]  }
0x118: {  	v44 =	vld [tilespmem:s29+$0x50]  }
0x119: {  	v17 =	vld [tilespmem:s29+$0xFFFFFFE0]  }
0x11a: {  	v18 =	vld [tilespmem:s29+$0xFFFFFFF0]  }
0x11b: {  	v31 =	vld [tilespmem:s29+$0xFFFFFFA0]  }
0x11c: {  	v32 =	vld [tilespmem:s29+$0xFFFFFFB0]  }
0x11d: {  	v22 =	vld [tilespmem:s29+$0xFFFFFF20]  }
0x11e: {  	v25 =	vld [tilespmem:s29+$0xFFFFFF30]  }
0x11f: {  	v21 =	vld [tilespmem:s29+$0xFFFFFEA0]  }
0x120: {  	v26 =	vld [tilespmem:s29+$0xFFFFFEB0]  }
0x121: {  	v45 =	vld [tilespmem:s29+$0xFFFFFE20]  }
0x122: {  	v46 =	vld [tilespmem:s29+$0xFFFFFE30]  }
0x123: {  	v47 =	vld [tilespmem:s29+$0xFFFFFDA0]  }
0x124: {  	v48 =	vld [tilespmem:s29+$0xFFFFFDB0]  }
0x125: {  	v49 =	vld [tilespmem:s29+$0xFFFFFD20]  }
0x126: {  	v50 =	vld [tilespmem:s29+$0xFFFFFD30]  }
0x127: {  	v51 =	vld [tilespmem:s29+$0xFFFFFD40]  }
0x128: {  	v52 =	vld [tilespmem:s29+$0xFFFFFD50]  }
0x129: {  	v53 =	vld [tilespmem:s29+$0xFFFFFDC0]  }
0x12a: {  	v54 =	vld [tilespmem:s29+$0xFFFFFDD0]  }
0x12b: {  	v55 =	vld [tilespmem:s29+$0xFFFFFE40]  }
0x12c: {  	v49 =	vadd.bf16 v0, v49;
	v50 =	vadd.bf16 v0, v50;
	v56 =	vld [tilespmem:s29+$0xFFFFFE50]  }
0x12d: {  	v51 =	vadd.bf16 v0, v51;
	v52 =	vadd.bf16 v0, v52;
	v57 =	vld [tilespmem:s29+$0xFFFFFEC0]  }
0x12e: {  	v47 =	vadd.bf16 v47, v49;
	v48 =	vadd.bf16 v48, v50;
	v49 =	vld [tilespmem:s29+$0xFFFFFED0]  }
0x12f: {  	v50 =	vadd.bf16 v53, v51;
	v51 =	vadd.bf16 v54, v52;
	v52 =	vld [tilespmem:s29+$0xFFFFFF40]  }
0x130: {  	v45 =	vadd.bf16 v45, v47;
	v46 =	vadd.bf16 v46, v48;
	v47 =	vld [tilespmem:s29+$0xFFFFFF50]  }
0x131: {  	v48 =	vadd.bf16 v55, v50;
	v50 =	vadd.bf16 v56, v51;
	v51 =	vld [tilespmem:s29+$0xFFFFFFC0]  }
0x132: {  	v45 =	vadd.bf16 v21, v45;
	v26 =	vadd.bf16 v26, v46;
	v46 =	vld [tilespmem:s29+$0xFFFFFFD0]  }
0x133: {  	v48 =	vadd.bf16 v57, v48;
	v49 =	vadd.bf16 v49, v50;
	v21 =	vld [tilespmem:s29+$0xFFFFFF60]  }
0x134: {  	v45 =	vadd.bf16 v22, v45;
	v50 =	vadd.bf16 v25, v26;
	v22 =	vld [tilespmem:s29+$0xFFFFFF70]  }
0x135: {  	v48 =	vadd.bf16 v52, v48;
	v25 =	vld [tilespmem:s29+$0xFFFFFEE0];
	v47 =	vadd.bf16 v47, v49  }
0x136: {  	v45 =	vadd.bf16 v31, v45;
	v49 =	vadd.bf16 v32, v50;
	v26 =	vld [tilespmem:s29+$0xFFFFFEF0]  }
0x137: {  	v48 =	vadd.bf16 v51, v48;
	v31 =	vld [tilespmem:s29+$0xFFFFFE60];
	v46 =	vadd.bf16 v46, v47  }
0x138: {  	v45 =	vadd.bf16 v37, v45;
	v47 =	vadd.bf16 v38, v49;
	v32 =	vld [tilespmem:s29+$0xFFFFFE70]  }
0x139: {  	v43 =	vadd.bf16 v43, v48;
	v37 =	vld [tilespmem:s29+$0xFFFFFDE0];
	v44 =	vadd.bf16 v44, v46  }
0x13a: {  	v45 =	vadd.bf16 v39, v45;
	v46 =	vadd.bf16 v40, v47;
	v38 =	vld [tilespmem:s29+$0xFFFFFDF0]  }
0x13b: {  	v41 =	vadd.bf16 v41, v43;
	v39 =	vld [tilespmem:s29+$0xFFFFFD60];
	v42 =	vadd.bf16 v42, v44  }
.Ltmp0:
0x13c: {  	v43 =	vadd.bf16 v33, v45;
	v35 =	vadd.bf16 v35, v46;
	v40 =	vld [tilespmem:s29+$0xFFFFFD70];
	(pc) =	sbr.rel @p0 .LBB2_3-.Ltmp0, $4  }
0x13d: {  	v41 =	vadd.bf16 v34, v41;
	v33 =	vld [tilespmem:s29+$0xFFFFFCE0];
	v36 =	vadd.bf16 v36, v42  }
0x13e: {  	v42 =	vadd.bf16 v27, v43;
	v35 =	vadd.bf16 v29, v35;
	v34 =	vld [tilespmem:s29+$0xFFFFFCF0]  }
0x13f: {  	v29 =	vadd.bf16 v28, v41;
	v27 =	vld [tilespmem:s29+$0xFFFFFD00];
	v30 =	vadd.bf16 v30, v36  }
0x140: {  	s1 =	sadd.s32 $0x40, s1;
	v23 =	vadd.bf16 v23, v42;
	v24 =	vadd.bf16 v24, v35;
	v28 =	vld [tilespmem:s29+$0xFFFFFD10]  }
0x141: {  	v35 =	vld [tilespmem:s29+$0xFFFFFD80];
	v19 =	vadd.bf16 v19, v29;
	v20 =	vadd.bf16 v20, v30  }
0x142: {  	v52 =	vld [tilespmem:s29+$0xFFFFFD90];
	v14 =	vadd.bf16 v14, v23;
	v16 =	vadd.bf16 v16, v24  }
0x143: {  	v53 =	vld [tilespmem:s29+$0xFFFFFE00];
	v54 =	vadd.bf16 v0, v33;
	v13 =	vadd.bf16 v13, v19  }
0x144: {  	v56 =	vld [tilespmem:s29+$0xFFFFFE10];
	v15 =	vadd.bf16 v15, v20;
	v55 =	vadd.bf16 v0, v34  }
0x145: {  	v57 =	vld [tilespmem:s29+$0xFFFFFE80];
	v27 =	vadd.bf16 v0, v27;
	v28 =	vadd.bf16 v0, v28  }
0x146: {  	v58 =	vld [tilespmem:s29+$0xFFFFFE90];
	v19 =	vadd.bf16 v39, v54;
	v20 =	vadd.bf16 v40, v55  }
0x147: {  	v59 =	vld [tilespmem:s29+$0xFFFFFF00];
	v27 =	vadd.bf16 v35, v27;
	v28 =	vadd.bf16 v52, v28  }
0x148: {  	v60 =	vld [tilespmem:s29+$0xFFFFFF10];
	v19 =	vadd.bf16 v37, v19;
	v20 =	vadd.bf16 v38, v20  }
0x149: {  	v61 =	vld [tilespmem:s29+$0xFFFFFF80];
	v23 =	vadd.bf16 v53, v27;
	v24 =	vadd.bf16 v56, v28  }
0x14a: {  	v62 =	vld [tilespmem:s29+$0xFFFFFF90];
	v19 =	vadd.bf16 v31, v19;
	v20 =	vadd.bf16 v32, v20  }
0x14b: {  	v63 =	vld [tilespmem:s29+$0x0];
	v23 =	vadd.bf16 v57, v23;
	v24 =	vadd.bf16 v58, v24  }
0x14c: {  	v33 =	vld [tilespmem:s29+$0x10];
	v19 =	vadd.bf16 v25, v19;
	v20 =	vadd.bf16 v26, v20  }
0x14d: {  	v36 =	vld [tilespmem:s29+$0x90];
	v23 =	vadd.bf16 v59, v23;
	v24 =	vadd.bf16 v60, v24  }
0x14e: {  	v35 =	vld [tilespmem:s29+$0x80];
	v19 =	vadd.bf16 v21, v19;
	v20 =	vadd.bf16 v22, v20  }
0x14f: {  	v39 =	vld [tilespmem:s29+$0x100];
	v37 =	vadd.bf16 v61, v23;
	v38 =	vadd.bf16 v62, v24  }
0x150: {  	v40 =	vld [tilespmem:s29+$0x110];
	v17 =	vadd.bf16 v17, v19;
	v18 =	vadd.bf16 v18, v20  }
0x151: {  	v43 =	vld [tilespmem:s29+$0x180];
	v41 =	vadd.bf16 v63, v37;
	v42 =	vadd.bf16 v33, v38  }
0x152: {  	v44 =	vld [tilespmem:s29+$0x190];
	v11 =	vadd.bf16 v11, v17;
	v12 =	vadd.bf16 v12, v18  }
0x153: {  	v47 =	vld [tilespmem:s29+$0x200];
	v45 =	vadd.bf16 v35, v41;
	v46 =	vadd.bf16 v36, v42  }
0x154: {  	v48 =	vld [tilespmem:s29+$0x210];
	v9 =	vadd.bf16 v9, v11;
	v10 =	vadd.bf16 v10, v12  }
0x155: {  	v51 =	vld [tilespmem:s29+$0x280];
	v49 =	vadd.bf16 v39, v45;
	v50 =	vadd.bf16 v40, v46  }
0x156: {  	v52 =	vld [tilespmem:s29+$0x290];
	v7 =	vadd.bf16 v7, v9;
	v8 =	vadd.bf16 v8, v10  }
0x157: {  	v55 =	vld [tilespmem:s29+$0x300];
	v53 =	vadd.bf16 v43, v49;
	v54 =	vadd.bf16 v44, v50  }
0x158: {  	v56 =	vld [tilespmem:s29+$0x310];
	v5 =	vadd.bf16 v5, v7;
	v6 =	vadd.bf16 v6, v8  }
0x159: {  	v57 =	vadd.bf16 v47, v53;
	v58 =	vadd.bf16 v48, v54  }
0x15a: {  	v3 =	vadd.bf16 v3, v5;
	v4 =	vadd.bf16 v4, v6  }
0x15b: {  	v59 =	vadd.bf16 v51, v57;
	v60 =	vadd.bf16 v52, v58  }
0x15c: {  	v1 =	vadd.bf16 v1, v3;
	v2 =	vadd.bf16 v2, v4  }
0x15d: {  	v3 =	vadd.bf16 v55, v59;
	v61 =	vadd.bf16 v56, v60  }
0x15e: {  	v62 =	vadd.bf16 v16, v14;
	v63 =	vadd.bf16 v15, v13  }
0x15f: {  	v1 =	vadd.bf16 v2, v1;
	v2 =	vadd.bf16 v61, v3;
	_ =	sdelay $0x1  }
0x160: {  	v1 =	vadd.bf16 v2, v1;
	v2 =	vadd.bf16 v63, v62;
	_ =	sdelay $0x1  }
0x161: {  	v1 =	vadd.bf16 v1, v2  }
0x162: {  	s1 =	sshra.s32 s26, $0x2;
	s15 =	sshll.u32 s22, $0x6;
	p0 =	seq.s32 s22, $0xF  }
.Ltmp1:
0x163: {  	s29 =	sadd.s32 s15, s7;
	[tilespmem:s1+$0xE800] =	vst v1;
	(pc) =	sbr.rel @p0 .LBB2_6-.Ltmp1, $4  }
0x164: {  	[hbm4b:s29+s2] =	stream.linear.scatter [tilespmem:s18], [sflag:$0x3], $0x100, $0x38;
	[tilespmem:$0xE900] =	vst v63  }
0x165: {  	_ =	swait.ge [sflag:s9], $0x100  }
0x166: {  	[sflag:s9] =	ssyncset.done $0x0  }
0x167: {  	[sflag:s9] =	ssyncadd.s32 $0xFFFFFF00  }
0x168: {  	s1 =	sadd.s32 $0x2, s31  }
0x169: {  	s15 =	smul.u32 $0x19, s1;
	_ =	sdelay $0x1  }
0x16a: {  	s1 =	sand.u32 $0x6, s1;
	s15 =	sadd.s32 s5, s15  }
0x16b: {  	s15 =	ssub.s32 s15, s1  }
0x16c: {  	s15 =	sshll.u32 s15, $0x4  }
0x16d: {  	s15 =	sand.u32 $0x1FFFFFF0, s15  }
0x16e: {  	s15 =	sadd.s32 s3, s15  }
0x16f: {  	[tilespmem:s2], [sflag:$0x3] =	stream.linear.gather [hbm4b:s15+s2], $0x1000, $0x38;
	[tilespmem:$0xE900] =	vst v63  }
0x170: {  	_ =	swait.ge [sflag:s9], $0x1000  }
0x171: {  	[sflag:s9] =	ssyncset.done $0x0  }
0x172: {  	s29 =	simm.s32 $0x2000;
	s1 =	sshll.u32 s1, $0x7;
	[sflag:s9] =	ssyncadd.s32 $0xFFFFF000  }
0x173: {  	[tilespmem:s29], [sflag:$0x1] =	stream.indirect.gather [hbm4b:s4+s10], $0x8, s1, s10, $0xb8;
	[tilespmem:$0xE900] =	vst v63  }
0x174: {  	s26 =	simm.s32 $0x2400;
	s31 =	sor.u32 $0x80, s1  }
0x175: {  	[tilespmem:s26], [sflag:$0x1] =	stream.indirect.gather [hbm4b:s4+s10], $0x8, s31, s10, $0xb8;
	[tilespmem:$0xE900] =	vst v63  }
0x176: {  	s29 =	sadd.s32 $0x100, s1;
	s31 =	simm.s32 $0x2800  }
0x177: {  	[tilespmem:s31], [sflag:$0x1] =	stream.indirect.gather [hbm4b:s4+s10], $0x8, s29, s10, $0xb8;
	[tilespmem:$0xE900] =	vst v63  }
0x178: {  	s29 =	sadd.s32 $0x180, s1;
	s31 =	simm.s32 $0x2C00  }
0x179: {  	[tilespmem:s31], [sflag:$0x1] =	stream.indirect.gather [hbm4b:s4+s10], $0x8, s29, s10, $0xb8;
	[tilespmem:$0xE900] =	vst v63  }
0x17a: {  	s29 =	sadd.s32 $0x200, s1;
	s31 =	simm.s32 $0x3000  }
0x17b: {  	[tilespmem:s31], [sflag:$0x1] =	stream.indirect.gather [hbm4b:s4+s10], $0x8, s29, s10, $0xb8;
	[tilespmem:$0xE900] =	vst v63  }
0x17c: {  	s29 =	sadd.s32 $0x280, s1;
	s31 =	simm.s32 $0x3400  }
0x17d: {  	[tilespmem:s31], [sflag:$0x1] =	stream.indirect.gather [hbm4b:s4+s10], $0x8, s29, s10, $0xb8;
	[tilespmem:$0xE900] =	vst v63  }
0x17e: {  	s29 =	sadd.s32 $0x300, s1;
	s31 =	simm.s32 $0x3800  }
0x17f: {  	[tilespmem:s31], [sflag:$0x1] =	stream.indirect.gather [hbm4b:s4+s10], $0x8, s29, s10, $0xb8;
	[tilespmem:$0xE900] =	vst v63  }
0x180: {  	s29 =	sadd.s32 $0x380, s1;
	s31 =	simm.s32 $0x3C00  }
0x181: {  	[tilespmem:s31], [sflag:$0x1] =	stream.indirect.gather [hbm4b:s4+s10], $0x8, s29, s10, $0xb8;
	[tilespmem:$0xE900] =	vst v63  }
0x182: {  	s29 =	sor.u32 $0x400, s1;
	s31 =	simm.s32 $0x4000  }
0x183: {  	[tilespmem:s31], [sflag:$0x1] =	stream.indirect.gather [hbm4b:s4+s10], $0x8, s29, s10, $0xb8;
	[tilespmem:$0xE900] =	vst v63  }
0x184: {  	s29 =	sor.u32 $0x480, s1;
	s31 =	simm.s32 $0x4400  }
0x185: {  	[tilespmem:s31], [sflag:$0x1] =	stream.indirect.gather [hbm4b:s4+s10], $0x8, s29, s10, $0xb8;
	[tilespmem:$0xE900] =	vst v63  }
0x186: {  	s29 =	sadd.s32 $0x500, s1;
	s31 =	simm.s32 $0x4800  }
0x187: {  	[tilespmem:s31], [sflag:$0x1] =	stream.indirect.gather [hbm4b:s4+s10], $0x8, s29, s10, $0xb8;
	[tilespmem:$0xE900] =	vst v63  }
0x188: {  	s29 =	sadd.s32 $0x580, s1;
	s31 =	simm.s32 $0x4C00  }
0x189: {  	[tilespmem:s31], [sflag:$0x1] =	stream.indirect.gather [hbm4b:s4+s10], $0x8, s29, s10, $0xb8;
	[tilespmem:$0xE900] =	vst v63  }
0x18a: {  	s29 =	sadd.s32 $0x600, s1;
	s31 =	simm.s32 $0x5000  }
0x18b: {  	[tilespmem:s31], [sflag:$0x1] =	stream.indirect.gather [hbm4b:s4+s10], $0x8, s29, s10, $0xb8;
	[tilespmem:$0xE900] =	vst v63  }
0x18c: {  	s29 =	sadd.s32 $0x680, s1;
	s31 =	simm.s32 $0x5400  }
0x18d: {  	[tilespmem:s31], [sflag:$0x1] =	stream.indirect.gather [hbm4b:s4+s10], $0x8, s29, s10, $0xb8;
	[tilespmem:$0xE900] =	vst v63  }
0x18e: {  	s29 =	sadd.s32 $0x700, s1;
	s31 =	simm.s32 $0x5800  }
0x18f: {  	[tilespmem:s31], [sflag:$0x1] =	stream.indirect.gather [hbm4b:s4+s10], $0x8, s29, s10, $0xb8;
	[tilespmem:$0xE900] =	vst v63  }
0x190: {  	s29 =	sadd.s32 $0x780, s1;
	s31 =	simm.s32 $0x5C00  }
0x191: {  	[tilespmem:s31], [sflag:$0x1] =	stream.indirect.gather [hbm4b:s4+s10], $0x8, s29, s10, $0xb8;
	[tilespmem:$0xE900] =	vst v63  }
0x192: {  	s29 =	sor.u32 $0x800, s1;
	s31 =	simm.s32 $0x6000  }
0x193: {  	[tilespmem:s31], [sflag:$0x1] =	stream.indirect.gather [hbm4b:s4+s10], $0x8, s29, s10, $0xb8;
	[tilespmem:$0xE900] =	vst v63  }
0x194: {  	s29 =	sor.u32 $0x880, s1;
	s31 =	simm.s32 $0x6400  }
0x195: {  	[tilespmem:s31], [sflag:$0x1] =	stream.indirect.gather [hbm4b:s4+s10], $0x8, s29, s10, $0xb8;
	[tilespmem:$0xE900] =	vst v63  }
0x196: {  	s29 =	sadd.s32 $0x900, s1;
	s31 =	simm.s32 $0x6800  }
0x197: {  	[tilespmem:s31], [sflag:$0x1] =	stream.indirect.gather [hbm4b:s4+s10], $0x8, s29, s10, $0xb8;
	[tilespmem:$0xE900] =	vst v63  }
0x198: {  	s29 =	sadd.s32 $0x980, s1;
	s31 =	simm.s32 $0x6C00  }
0x199: {  	[tilespmem:s31], [sflag:$0x1] =	stream.indirect.gather [hbm4b:s4+s10], $0x8, s29, s10, $0xb8;
	[tilespmem:$0xE900] =	vst v63  }
0x19a: {  	s29 =	sadd.s32 $0xA00, s1;
	s31 =	simm.s32 $0x7000  }
0x19b: {  	[tilespmem:s31], [sflag:$0x1] =	stream.indirect.gather [hbm4b:s4+s10], $0x8, s29, s10, $0xb8;
	[tilespmem:$0xE900] =	vst v63  }
0x19c: {  	s29 =	sadd.s32 $0xA80, s1;
	s31 =	simm.s32 $0x7400  }
0x19d: {  	[tilespmem:s31], [sflag:$0x1] =	stream.indirect.gather [hbm4b:s4+s10], $0x8, s29, s10, $0xb8;
	[tilespmem:$0xE900] =	vst v63  }
0x19e: {  	s29 =	sadd.s32 $0xB00, s1;
	s31 =	simm.s32 $0x7800  }
0x19f: {  	[tilespmem:s31], [sflag:$0x1] =	stream.indirect.gather [hbm4b:s4+s10], $0x8, s29, s10, $0xb8;
	[tilespmem:$0xE900] =	vst v63  }
0x1a0: {  	s26 =	sadd.s32 $0xB80, s1;
	s29 =	simm.s32 $0x7C00  }
0x1a1: {  	[tilespmem:s29], [sflag:$0x1] =	stream.indirect.gather [hbm4b:s4+s10], $0x8, s26, s10, $0xb8;
	[tilespmem:$0xE900] =	vst v63  }
0x1a2: {  	s1 =	sor.u32 $0xC00, s1;
	s31 =	simm.s32 $0x8000  }
0x1a3: {  	[tilespmem:s31], [sflag:$0x1] =	stream.indirect.gather [hbm4b:s4+s10], $0x8, s1, s10, $0xb8;
	[tilespmem:$0xE900] =	vst v63  }
.LBB2_6:
0x1a4: {  	_ =	swait.ge [sflag:s20], $0x6400  }
0x1a5: {  	[sflag:s20] =	ssyncset.done $0x0  }
0x1a6: {  	s1 =	simm.s32 $0x0;
	[sflag:s20] =	ssyncadd.s32 $0xFFFF9C00  }
0x1a7: {  	v1 =	vld [tilespmem:s1+$0x8A00]  }
0x1a8: {  	v2 =	vld [tilespmem:s1+$0x8A10]  }
0x1a9: {  	v13 =	vld [tilespmem:s1+$0x89C0]  }
0x1aa: {  	v14 =	vld [tilespmem:s1+$0x89D0]  }
0x1ab: {  	v15 =	vld [tilespmem:s1+$0x89E0]  }
0x1ac: {  	v16 =	vld [tilespmem:s1+$0x89F0]  }
0x1ad: {  	v3 =	vld [tilespmem:s1+$0x8980]  }
0x1ae: {  	v4 =	vld [tilespmem:s1+$0x8990]  }
0x1af: {  	v17 =	vld [tilespmem:s1+$0x8940]  }
0x1b0: {  	v18 =	vld [tilespmem:s1+$0x8950]  }
0x1b1: {  	v19 =	vld [tilespmem:s1+$0x8960]  }
0x1b2: {  	v20 =	vld [tilespmem:s1+$0x8970]  }
0x1b3: {  	v5 =	vld [tilespmem:s1+$0x8900]  }
0x1b4: {  	v6 =	vld [tilespmem:s1+$0x8910]  }
0x1b5: {  	v21 =	vld [tilespmem:s1+$0x88C0]  }
0x1b6: {  	v22 =	vld [tilespmem:s1+$0x88D0]  }
0x1b7: {  	v23 =	vld [tilespmem:s1+$0x88E0]  }
0x1b8: {  	v24 =	vld [tilespmem:s1+$0x88F0]  }
0x1b9: {  	v7 =	vld [tilespmem:s1+$0x8880]  }
0x1ba: {  	v8 =	vld [tilespmem:s1+$0x8890]  }
0x1bb: {  	v25 =	vld [tilespmem:s1+$0x8840]  }
0x1bc: {  	v26 =	vld [tilespmem:s1+$0x8850]  }
0x1bd: {  	v27 =	vld [tilespmem:s1+$0x8860]  }
0x1be: {  	v28 =	vld [tilespmem:s1+$0x8870]  }
0x1bf: {  	v9 =	vld [tilespmem:s1+$0x8800]  }
0x1c0: {  	v10 =	vld [tilespmem:s1+$0x8810]  }
0x1c1: {  	v29 =	vld [tilespmem:s1+$0x87C0]  }
0x1c2: {  	v30 =	vld [tilespmem:s1+$0x87D0]  }
0x1c3: {  	v31 =	vld [tilespmem:s1+$0x87E0]  }
0x1c4: {  	v32 =	vld [tilespmem:s1+$0x87F0]  }
0x1c5: {  	v11 =	vld [tilespmem:s1+$0x8780]  }
0x1c6: {  	v12 =	vld [tilespmem:s1+$0x8790]  }
0x1c7: {  	v33 =	vld [tilespmem:s1+$0x8740]  }
0x1c8: {  	v34 =	vld [tilespmem:s1+$0x8750]  }
0x1c9: {  	v35 =	vld [tilespmem:s1+$0x8760]  }
0x1ca: {  	v36 =	vld [tilespmem:s1+$0x8770]  }
0x1cb: {  	v37 =	vld [tilespmem:s1+$0x8700]  }
0x1cc: {  	v38 =	vld [tilespmem:s1+$0x8710]  }
0x1cd: {  	v39 =	vld [tilespmem:s1+$0x86C0]  }
0x1ce: {  	v40 =	vld [tilespmem:s1+$0x86D0]  }
0x1cf: {  	v41 =	vld [tilespmem:s1+$0x8640]  }
0x1d0: {  	v42 =	vld [tilespmem:s1+$0x8650]  }
0x1d1: {  	v43 =	vld [tilespmem:s1+$0x85C0]  }
0x1d2: {  	v44 =	vld [tilespmem:s1+$0x85D0]  }
0x1d3: {  	v45 =	vld [tilespmem:s1+$0x8540]  }
0x1d4: {  	v46 =	vld [tilespmem:s1+$0x8550]  }
0x1d5: {  	v47 =	vld [tilespmem:s1+$0x84C0]  }
0x1d6: {  	v48 =	vld [tilespmem:s1+$0x84D0]  }
0x1d7: {  	v49 =	vld [tilespmem:s1+$0x8440]  }
0x1d8: {  	v50 =	vld [tilespmem:s1+$0x8450]  }
0x1d9: {  	v51 =	vld [tilespmem:s1+$0x8460]  }
0x1da: {  	v52 =	vld [tilespmem:s1+$0x8470]  }
0x1db: {  	v53 =	vld [tilespmem:s1+$0x84E0]  }
0x1dc: {  	v54 =	vld [tilespmem:s1+$0x84F0]  }
0x1dd: {  	v55 =	vld [tilespmem:s1+$0x8560]  }
0x1de: {  	v56 =	vld [tilespmem:s1+$0x8570];
	v49 =	vadd.bf16 v0, v49;
	v50 =	vadd.bf16 v0, v50  }
0x1df: {  	v57 =	vld [tilespmem:s1+$0x85E0];
	v51 =	vadd.bf16 v0, v51;
	v52 =	vadd.bf16 v0, v52  }
0x1e0: {  	v60 =	vld [tilespmem:s1+$0x85F0];
	v47 =	vadd.bf16 v47, v49;
	v48 =	vadd.bf16 v48, v50  }
0x1e1: {  	v61 =	vadd.bf16 v53, v51;
	v62 =	vadd.bf16 v54, v52;
	v52 =	vld [tilespmem:s1+$0x8660]  }
0x1e2: {  	v45 =	vadd.bf16 v45, v47;
	v46 =	vadd.bf16 v46, v48;
	v47 =	vld [tilespmem:s1+$0x8670]  }
0x1e3: {  	v63 =	vadd.bf16 v55, v61;
	v54 =	vadd.bf16 v56, v62;
	v55 =	vld [tilespmem:s1+$0x86E0]  }
0x1e4: {  	v56 =	vld [tilespmem:s1+$0x86F0];
	v43 =	vadd.bf16 v43, v45;
	v44 =	vadd.bf16 v44, v46  }
0x1e5: {  	v50 =	vld [tilespmem:s1+$0x8580];
	v58 =	vadd.bf16 v57, v63;
	v59 =	vadd.bf16 v60, v54  }
0x1e6: {  	v53 =	vld [tilespmem:s1+$0x8590];
	v41 =	vadd.bf16 v41, v43;
	v42 =	vadd.bf16 v42, v44  }
0x1e7: {  	v61 =	vld [tilespmem:s1+$0x8690];
	v46 =	vadd.bf16 v52, v58;
	v47 =	vadd.bf16 v47, v59  }
0x1e8: {  	v62 =	vld [tilespmem:s1+$0x8600];
	v39 =	vadd.bf16 v39, v41;
	v40 =	vadd.bf16 v40, v42  }
0x1e9: {  	v60 =	vld [tilespmem:s1+$0x8680];
	v52 =	vadd.bf16 v55, v46;
	v45 =	vadd.bf16 v56, v47  }
0x1ea: {  	v63 =	vld [tilespmem:s1+$0x8610];
	v33 =	vadd.bf16 v33, v39;
	v34 =	vadd.bf16 v34, v40  }
0x1eb: {  	v54 =	vld [tilespmem:s1+$0x8500];
	v35 =	vadd.bf16 v35, v52;
	v36 =	vadd.bf16 v36, v45  }
0x1ec: {  	v57 =	vld [tilespmem:s1+$0x8490];
	v29 =	vadd.bf16 v29, v33;
	v30 =	vadd.bf16 v30, v34  }
0x1ed: {  	v55 =	vld [tilespmem:s1+$0x8510];
	v31 =	vadd.bf16 v31, v35;
	v32 =	vadd.bf16 v32, v36  }
0x1ee: {  	v56 =	vld [tilespmem:s1+$0x8480];
	v25 =	vadd.bf16 v25, v29;
	v26 =	vadd.bf16 v26, v30  }
0x1ef: {  	v29 =	vld [tilespmem:s1+$0x8400];
	v27 =	vadd.bf16 v27, v31;
	v28 =	vadd.bf16 v28, v32  }
0x1f0: {  	v30 =	vld [tilespmem:s1+$0x8410];
	v21 =	vadd.bf16 v21, v25;
	v22 =	vadd.bf16 v22, v26  }
0x1f1: {  	v25 =	vld [tilespmem:s1+$0x8420];
	v23 =	vadd.bf16 v23, v27;
	v24 =	vadd.bf16 v24, v28  }
0x1f2: {  	v26 =	vld [tilespmem:s1+$0x8430];
	v17 =	vadd.bf16 v17, v21;
	v18 =	vadd.bf16 v18, v22  }
0x1f3: {  	v21 =	vld [tilespmem:s1+$0x84A0];
	v19 =	vadd.bf16 v19, v23;
	v20 =	vadd.bf16 v20, v24  }
0x1f4: {  	v22 =	vld [tilespmem:s1+$0x84B0];
	v13 =	vadd.bf16 v13, v17;
	v14 =	vadd.bf16 v14, v18  }
0x1f5: {  	v17 =	vld [tilespmem:s1+$0x8520];
	v15 =	vadd.bf16 v15, v19;
	v18 =	vadd.bf16 v0, v29  }
0x1f6: {  	v19 =	vadd.bf16 v0, v30;
	v16 =	vadd.bf16 v16, v20;
	v20 =	vld [tilespmem:s1+$0x8530]  }
0x1f7: {  	v23 =	vadd.bf16 v0, v25;
	v24 =	vadd.bf16 v0, v26;
	v25 =	vld [tilespmem:s1+$0x85A0]  }
0x1f8: {  	v26 =	vld [tilespmem:s1+$0x85B0];
	v18 =	vadd.bf16 v56, v18;
	v19 =	vadd.bf16 v57, v19  }
0x1f9: {  	v21 =	vadd.bf16 v21, v23;
	v22 =	vadd.bf16 v22, v24;
	v23 =	vld [tilespmem:s1+$0x8620]  }
0x1fa: {  	v24 =	vld [tilespmem:s1+$0x8630];
	v18 =	vadd.bf16 v54, v18;
	v19 =	vadd.bf16 v55, v19  }
0x1fb: {  	v17 =	vadd.bf16 v17, v21;
	v21 =	vld [tilespmem:s1+$0x86A0];
	v20 =	vadd.bf16 v20, v22  }
0x1fc: {  	v18 =	vadd.bf16 v50, v18;
	v19 =	vadd.bf16 v53, v19;
	v22 =	vld [tilespmem:s1+$0x86B0]  }
0x1fd: {  	v17 =	vadd.bf16 v25, v17;
	v25 =	vld [tilespmem:s1+$0x8720];
	v20 =	vadd.bf16 v26, v20  }
0x1fe: {  	v18 =	vadd.bf16 v62, v18;
	v19 =	vadd.bf16 v63, v19;
	v26 =	vld [tilespmem:s1+$0x8730]  }
0x1ff: {  	v17 =	vadd.bf16 v23, v17;
	v23 =	vld [tilespmem:s1+$0x87A0];
	v20 =	vadd.bf16 v24, v20  }
0x200: {  	v18 =	vadd.bf16 v60, v18;
	v19 =	vadd.bf16 v61, v19;
	v24 =	vld [tilespmem:s1+$0x87B0]  }
0x201: {  	v17 =	vadd.bf16 v21, v17;
	v21 =	vld [tilespmem:s1+$0x8820];
	v20 =	vadd.bf16 v22, v20  }
0x202: {  	v18 =	vadd.bf16 v37, v18;
	v19 =	vadd.bf16 v38, v19;
	v22 =	vld [tilespmem:s1+$0x8830]  }
0x203: {  	v17 =	vadd.bf16 v25, v17;
	v25 =	vld [tilespmem:s1+$0x88A0];
	v20 =	vadd.bf16 v26, v20  }
0x204: {  	v11 =	vadd.bf16 v11, v18;
	v12 =	vadd.bf16 v12, v19;
	v18 =	vld [tilespmem:s1+$0x88B0]  }
0x205: {  	v17 =	vadd.bf16 v23, v17;
	v19 =	vadd.bf16 v24, v20;
	v20 =	vld [tilespmem:s1+$0x8920]  }
0x206: {  	v9 =	vadd.bf16 v9, v11;
	v10 =	vadd.bf16 v10, v12;
	v11 =	vld [tilespmem:s1+$0x8930]  }
0x207: {  	v12 =	vadd.bf16 v21, v17;
	v17 =	vadd.bf16 v22, v19;
	v19 =	vld [tilespmem:s1+$0x89A0]  }
0x208: {  	v7 =	vadd.bf16 v7, v9;
	v8 =	vadd.bf16 v8, v10;
	v9 =	vld [tilespmem:s1+$0x89B0]  }
0x209: {  	v10 =	vadd.bf16 v25, v12;
	v12 =	vadd.bf16 v18, v17;
	v17 =	vld [tilespmem:s1+$0x8A20]  }
0x20a: {  	v5 =	vadd.bf16 v5, v7;
	v6 =	vadd.bf16 v6, v8;
	v7 =	vld [tilespmem:s1+$0x8A30]  }
0x20b: {  	v8 =	vadd.bf16 v20, v10;
	v10 =	vadd.bf16 v11, v12  }
0x20c: {  	v3 =	vadd.bf16 v3, v5;
	v4 =	vadd.bf16 v4, v6  }
0x20d: {  	v5 =	vadd.bf16 v19, v8;
	v6 =	vadd.bf16 v9, v10  }
0x20e: {  	v1 =	vadd.bf16 v1, v3;
	v2 =	vadd.bf16 v2, v4  }
0x20f: {  	v3 =	vadd.bf16 v17, v5;
	v4 =	vadd.bf16 v7, v6  }
0x210: {  	v5 =	vadd.bf16 v14, v13;
	v6 =	vadd.bf16 v16, v15  }
0x211: {  	v1 =	vadd.bf16 v2, v1;
	v2 =	vadd.bf16 v4, v3;
	_ =	sdelay $0x1  }
0x212: {  	v1 =	vadd.bf16 v2, v1;
	v2 =	vadd.bf16 v6, v5;
	_ =	sdelay $0x1  }
0x213: {  	v1 =	vadd.bf16 v1, v2  }
0x214: {  	s26 =	simm.s32 $0xE800  }
0x215: {  	s29 =	simm.s32 $0x640;
	[tilespmem:s26+$0x0] =	vst v1  }
0x216: {  	v1 =	vld [tilespmem:s29+$0x8A00]  }
0x217: {  	v2 =	vld [tilespmem:s29+$0x8A10]  }
0x218: {  	v14 =	vld [tilespmem:s29+$0x89C0]  }
0x219: {  	v16 =	vld [tilespmem:s29+$0x89D0]  }
0x21a: {  	v13 =	vld [tilespmem:s29+$0x89E0]  }
0x21b: {  	v15 =	vld [tilespmem:s29+$0x89F0]  }
0x21c: {  	v3 =	vld [tilespmem:s29+$0x8980]  }
0x21d: {  	v4 =	vld [tilespmem:s29+$0x8990]  }
0x21e: {  	v20 =	vld [tilespmem:s29+$0x8940]  }
0x21f: {  	v22 =	vld [tilespmem:s29+$0x8950]  }
0x220: {  	v19 =	vld [tilespmem:s29+$0x8960]  }
0x221: {  	v21 =	vld [tilespmem:s29+$0x8970]  }
0x222: {  	v5 =	vld [tilespmem:s29+$0x8900]  }
0x223: {  	v6 =	vld [tilespmem:s29+$0x8910]  }
0x224: {  	v27 =	vld [tilespmem:s29+$0x88C0]  }
0x225: {  	v28 =	vld [tilespmem:s29+$0x88D0]  }
0x226: {  	v30 =	vld [tilespmem:s29+$0x88E0]  }
0x227: {  	v36 =	vld [tilespmem:s29+$0x88F0]  }
0x228: {  	v7 =	vld [tilespmem:s29+$0x8880]  }
0x229: {  	v8 =	vld [tilespmem:s29+$0x8890]  }
0x22a: {  	v29 =	vld [tilespmem:s29+$0x8840]  }
0x22b: {  	v32 =	vld [tilespmem:s29+$0x8850]  }
0x22c: {  	v33 =	vld [tilespmem:s29+$0x8860]  }
0x22d: {  	v35 =	vld [tilespmem:s29+$0x8870]  }
0x22e: {  	v9 =	vld [tilespmem:s29+$0x8800]  }
0x22f: {  	v10 =	vld [tilespmem:s29+$0x8810]  }
0x230: {  	v39 =	vld [tilespmem:s29+$0x87C0]  }
0x231: {  	v40 =	vld [tilespmem:s29+$0x87D0]  }
0x232: {  	v41 =	vld [tilespmem:s29+$0x87E0]  }
0x233: {  	v42 =	vld [tilespmem:s29+$0x87F0]  }
0x234: {  	v11 =	vld [tilespmem:s29+$0x8780]  }
0x235: {  	v12 =	vld [tilespmem:s29+$0x8790]  }
0x236: {  	v37 =	vld [tilespmem:s29+$0x8740]  }
0x237: {  	v38 =	vld [tilespmem:s29+$0x8750]  }
0x238: {  	v43 =	vld [tilespmem:s29+$0x8760]  }
0x239: {  	v44 =	vld [tilespmem:s29+$0x8770]  }
0x23a: {  	v17 =	vld [tilespmem:s29+$0x8700]  }
0x23b: {  	v18 =	vld [tilespmem:s29+$0x8710]  }
0x23c: {  	v31 =	vld [tilespmem:s29+$0x86C0]  }
0x23d: {  	v34 =	vld [tilespmem:s29+$0x86D0]  }
0x23e: {  	v24 =	vld [tilespmem:s29+$0x8640]  }
0x23f: {  	v25 =	vld [tilespmem:s29+$0x8650]  }
0x240: {  	v23 =	vld [tilespmem:s29+$0x85C0]  }
0x241: {  	v26 =	vld [tilespmem:s29+$0x85D0]  }
0x242: {  	v45 =	vld [tilespmem:s29+$0x8540]  }
0x243: {  	v46 =	vld [tilespmem:s29+$0x8550]  }
0x244: {  	v47 =	vld [tilespmem:s29+$0x84C0]  }
0x245: {  	v48 =	vld [tilespmem:s29+$0x84D0]  }
0x246: {  	v58 =	vld [tilespmem:s29+$0x8440]  }
0x247: {  	v59 =	vld [tilespmem:s29+$0x8450]  }
0x248: {  	v60 =	vld [tilespmem:s29+$0x8460]  }
0x249: {  	v61 =	vld [tilespmem:s29+$0x8470]  }
0x24a: {  	v62 =	vld [tilespmem:s29+$0x84E0]  }
0x24b: {  	v63 =	vld [tilespmem:s29+$0x84F0]  }
0x24c: {  	v55 =	vld [tilespmem:s29+$0x8560]  }
0x24d: {  	v56 =	vld [tilespmem:s29+$0x8570];
	v49 =	vadd.bf16 v0, v58;
	v50 =	vadd.bf16 v0, v59  }
0x24e: {  	v57 =	vld [tilespmem:s29+$0x85E0];
	v51 =	vadd.bf16 v0, v60;
	v52 =	vadd.bf16 v0, v61  }
0x24f: {  	v59 =	vld [tilespmem:s29+$0x85F0];
	v47 =	vadd.bf16 v47, v49;
	v48 =	vadd.bf16 v48, v50  }
0x250: {  	v60 =	vadd.bf16 v62, v51;
	v61 =	vadd.bf16 v63, v52;
	v62 =	vld [tilespmem:s29+$0x8660]  }
0x251: {  	v63 =	vld [tilespmem:s29+$0x8670];
	v45 =	vadd.bf16 v45, v47;
	v46 =	vadd.bf16 v46, v48  }
0x252: {  	v58 =	vld [tilespmem:s29+$0x86F0];
	v54 =	vadd.bf16 v55, v60;
	v55 =	vadd.bf16 v56, v61  }
0x253: {  	v56 =	vld [tilespmem:s29+$0x86E0];
	v45 =	vadd.bf16 v23, v45;
	v26 =	vadd.bf16 v26, v46  }
0x254: {  	v48 =	vadd.bf16 v57, v54;
	v49 =	vadd.bf16 v59, v55;
	v23 =	vld [tilespmem:s29+$0x8680]  }
0x255: {  	v45 =	vadd.bf16 v24, v45;
	v59 =	vadd.bf16 v25, v26;
	v24 =	vld [tilespmem:s29+$0x8690]  }
0x256: {  	v25 =	vld [tilespmem:s29+$0x8600];
	v48 =	vadd.bf16 v62, v48;
	v47 =	vadd.bf16 v63, v49  }
0x257: {  	v26 =	vld [tilespmem:s29+$0x8610];
	v45 =	vadd.bf16 v31, v45;
	v60 =	vadd.bf16 v34, v59  }
0x258: {  	v31 =	vld [tilespmem:s29+$0x8580];
	v48 =	vadd.bf16 v56, v48;
	v46 =	vadd.bf16 v58, v47  }
0x259: {  	v34 =	vld [tilespmem:s29+$0x8590];
	v45 =	vadd.bf16 v37, v45;
	v61 =	vadd.bf16 v38, v60  }
0x25a: {  	v37 =	vld [tilespmem:s29+$0x8500];
	v43 =	vadd.bf16 v43, v48;
	v44 =	vadd.bf16 v44, v46  }
0x25b: {  	v38 =	vld [tilespmem:s29+$0x8510];
	v45 =	vadd.bf16 v39, v45;
	v62 =	vadd.bf16 v40, v61  }
0x25c: {  	v39 =	vld [tilespmem:s29+$0x8480];
	v41 =	vadd.bf16 v41, v43;
	v42 =	vadd.bf16 v42, v44  }
0x25d: {  	v40 =	vld [tilespmem:s29+$0x8490];
	v29 =	vadd.bf16 v29, v45;
	v63 =	vadd.bf16 v32, v62  }
0x25e: {  	v32 =	vld [tilespmem:s29+$0x8400];
	v41 =	vadd.bf16 v33, v41;
	v42 =	vadd.bf16 v35, v42  }
0x25f: {  	v33 =	vld [tilespmem:s29+$0x8410];
	v35 =	vadd.bf16 v27, v29;
	v29 =	vadd.bf16 v28, v63  }
0x260: {  	s1 =	simm.s32 $0x3200;
	v27 =	vld [tilespmem:s29+$0x8420];
	v28 =	vadd.bf16 v30, v41;
	v30 =	vadd.bf16 v36, v42  }
.LBB2_7:
0x261: {  	p0 =	sne.s32 s1, $0x17700;
	v36 =	vld [tilespmem:s29+$0x8430];
	v20 =	vadd.bf16 v20, v35;
	v22 =	vadd.bf16 v22, v29  }
0x262: {  	v29 =	vld [tilespmem:s29+$0x84A0];
	v19 =	vadd.bf16 v19, v28;
	v21 =	vadd.bf16 v21, v30  }
0x263: {  	v28 =	vld [tilespmem:s29+$0x84B0];
	v14 =	vadd.bf16 v14, v20;
	v16 =	vadd.bf16 v16, v22  }
0x264: {  	v20 =	vld [tilespmem:s29+$0x8520];
	v13 =	vadd.bf16 v13, v19;
	v15 =	vadd.bf16 v15, v21  }
0x265: {  	v19 =	vadd.bf16 v0, v32;
	v21 =	vadd.bf16 v0, v33;
	v22 =	vld [tilespmem:s29+$0x8530]  }
0x266: {  	v27 =	vadd.bf16 v0, v27;
	v30 =	vadd.bf16 v0, v36;
	v32 =	vld [tilespmem:s29+$0x85A0]  }
0x267: {  	v19 =	vadd.bf16 v39, v19;
	v21 =	vadd.bf16 v40, v21;
	v33 =	vld [tilespmem:s29+$0x85B0]  }
0x268: {  	v27 =	vadd.bf16 v29, v27;
	v28 =	vadd.bf16 v28, v30;
	v29 =	vld [tilespmem:s29+$0x8620]  }
0x269: {  	v19 =	vadd.bf16 v37, v19;
	v21 =	vadd.bf16 v38, v21;
	v30 =	vld [tilespmem:s29+$0x8630]  }
0x26a: {  	v20 =	vadd.bf16 v20, v27;
	v22 =	vadd.bf16 v22, v28;
	v27 =	vld [tilespmem:s29+$0x86A0]  }
0x26b: {  	v19 =	vadd.bf16 v31, v19;
	v21 =	vadd.bf16 v34, v21;
	v28 =	vld [tilespmem:s29+$0x86B0]  }
0x26c: {  	v20 =	vadd.bf16 v32, v20;
	v22 =	vadd.bf16 v33, v22;
	v31 =	vld [tilespmem:s29+$0x8720]  }
0x26d: {  	v19 =	vadd.bf16 v25, v19;
	v21 =	vadd.bf16 v26, v21;
	v25 =	vld [tilespmem:s29+$0x8730]  }
0x26e: {  	v20 =	vadd.bf16 v29, v20;
	v22 =	vadd.bf16 v30, v22;
	v26 =	vld [tilespmem:s29+$0x87A0]  }
0x26f: {  	v19 =	vadd.bf16 v23, v19;
	v21 =	vadd.bf16 v24, v21;
	v23 =	vld [tilespmem:s29+$0x87B0]  }
0x270: {  	v20 =	vadd.bf16 v27, v20;
	v22 =	vadd.bf16 v28, v22;
	v24 =	vld [tilespmem:s29+$0x8820]  }
0x271: {  	v17 =	vadd.bf16 v17, v19;
	v18 =	vadd.bf16 v18, v21;
	v19 =	vld [tilespmem:s29+$0x8830]  }
0x272: {  	v20 =	vadd.bf16 v31, v20;
	v21 =	vadd.bf16 v25, v22;
	v22 =	vld [tilespmem:s29+$0x88A0]  }
0x273: {  	v11 =	vadd.bf16 v11, v17;
	v12 =	vadd.bf16 v12, v18;
	v17 =	vld [tilespmem:s29+$0x88B0]  }
0x274: {  	v18 =	vadd.bf16 v26, v20;
	v20 =	vadd.bf16 v23, v21;
	v21 =	vld [tilespmem:s29+$0x8920]  }
0x275: {  	v9 =	vadd.bf16 v9, v11;
	v10 =	vadd.bf16 v10, v12;
	v11 =	vld [tilespmem:s29+$0x8930]  }
0x276: {  	v12 =	vadd.bf16 v24, v18;
	v18 =	vadd.bf16 v19, v20;
	v19 =	vld [tilespmem:s29+$0x89A0]  }
0x277: {  	v7 =	vadd.bf16 v7, v9;
	v8 =	vadd.bf16 v8, v10;
	v9 =	vld [tilespmem:s29+$0x89B0]  }
0x278: {  	v10 =	vadd.bf16 v22, v12;
	v12 =	vadd.bf16 v17, v18;
	v17 =	vld [tilespmem:s29+$0x8A20]  }
0x279: {  	v5 =	vadd.bf16 v5, v7;
	v6 =	vadd.bf16 v6, v8;
	v7 =	vld [tilespmem:s29+$0x8A30]  }
0x27a: {  	v8 =	vadd.bf16 v21, v10;
	v10 =	vadd.bf16 v11, v12  }
0x27b: {  	v3 =	vadd.bf16 v3, v5;
	v4 =	vadd.bf16 v4, v6  }
0x27c: {  	v5 =	vadd.bf16 v19, v8;
	v6 =	vadd.bf16 v9, v10  }
0x27d: {  	v1 =	vadd.bf16 v1, v3;
	v2 =	vadd.bf16 v2, v4  }
0x27e: {  	v3 =	vadd.bf16 v17, v5;
	v4 =	vadd.bf16 v7, v6  }
0x27f: {  	v5 =	vadd.bf16 v16, v14;
	v6 =	vadd.bf16 v15, v13  }
0x280: {  	v1 =	vadd.bf16 v2, v1;
	v2 =	vadd.bf16 v4, v3;
	_ =	sdelay $0x1  }
0x281: {  	v1 =	vadd.bf16 v2, v1;
	v2 =	vadd.bf16 v6, v5;
	_ =	sdelay $0x1  }
0x282: {  	v1 =	vadd.bf16 v1, v2  }
0x283: {  	s26 =	sadd.s32 $0x10, s26  }
0x284: {  	s29 =	sshra.s32 s1, $0x2;
	[tilespmem:s26+$0x0] =	vst v1  }
0x285: {  	v1 =	vld [tilespmem:s29+$0x8A00]  }
0x286: {  	v2 =	vld [tilespmem:s29+$0x8A10]  }
0x287: {  	v14 =	vld [tilespmem:s29+$0x89C0]  }
0x288: {  	v16 =	vld [tilespmem:s29+$0x89D0]  }
0x289: {  	v13 =	vld [tilespmem:s29+$0x89E0]  }
0x28a: {  	v15 =	vld [tilespmem:s29+$0x89F0]  }
0x28b: {  	v3 =	vld [tilespmem:s29+$0x8980]  }
0x28c: {  	v4 =	vld [tilespmem:s29+$0x8990]  }
0x28d: {  	v20 =	vld [tilespmem:s29+$0x8940]  }
0x28e: {  	v22 =	vld [tilespmem:s29+$0x8950]  }
0x28f: {  	v19 =	vld [tilespmem:s29+$0x8960]  }
0x290: {  	v21 =	vld [tilespmem:s29+$0x8970]  }
0x291: {  	v5 =	vld [tilespmem:s29+$0x8900]  }
0x292: {  	v6 =	vld [tilespmem:s29+$0x8910]  }
0x293: {  	v27 =	vld [tilespmem:s29+$0x88C0]  }
0x294: {  	v29 =	vld [tilespmem:s29+$0x88D0]  }
0x295: {  	v28 =	vld [tilespmem:s29+$0x88E0]  }
0x296: {  	v30 =	vld [tilespmem:s29+$0x88F0]  }
0x297: {  	v7 =	vld [tilespmem:s29+$0x8880]  }
0x298: {  	v8 =	vld [tilespmem:s29+$0x8890]  }
0x299: {  	v32 =	vld [tilespmem:s29+$0x8840]  }
0x29a: {  	v35 =	vld [tilespmem:s29+$0x8850]  }
0x29b: {  	v33 =	vld [tilespmem:s29+$0x8860]  }
0x29c: {  	v36 =	vld [tilespmem:s29+$0x8870]  }
0x29d: {  	v9 =	vld [tilespmem:s29+$0x8800]  }
0x29e: {  	v10 =	vld [tilespmem:s29+$0x8810]  }
0x29f: {  	v39 =	vld [tilespmem:s29+$0x87C0]  }
0x2a0: {  	v40 =	vld [tilespmem:s29+$0x87D0]  }
0x2a1: {  	v41 =	vld [tilespmem:s29+$0x87E0]  }
0x2a2: {  	v42 =	vld [tilespmem:s29+$0x87F0]  }
0x2a3: {  	v11 =	vld [tilespmem:s29+$0x8780]  }
0x2a4: {  	v12 =	vld [tilespmem:s29+$0x8790]  }
0x2a5: {  	v37 =	vld [tilespmem:s29+$0x8740]  }
0x2a6: {  	v38 =	vld [tilespmem:s29+$0x8750]  }
0x2a7: {  	v43 =	vld [tilespmem:s29+$0x8760]  }
0x2a8: {  	v44 =	vld [tilespmem:s29+$0x8770]  }
0x2a9: {  	v17 =	vld [tilespmem:s29+$0x8700]  }
0x2aa: {  	v18 =	vld [tilespmem:s29+$0x8710]  }
0x2ab: {  	v31 =	vld [tilespmem:s29+$0x86C0]  }
0x2ac: {  	v34 =	vld [tilespmem:s29+$0x86D0]  }
0x2ad: {  	v24 =	vld [tilespmem:s29+$0x8640]  }
0x2ae: {  	v25 =	vld [tilespmem:s29+$0x8650]  }
0x2af: {  	v23 =	vld [tilespmem:s29+$0x85C0]  }
0x2b0: {  	v26 =	vld [tilespmem:s29+$0x85D0]  }
0x2b1: {  	v45 =	vld [tilespmem:s29+$0x8540]  }
0x2b2: {  	v46 =	vld [tilespmem:s29+$0x8550]  }
0x2b3: {  	v47 =	vld [tilespmem:s29+$0x84C0]  }
0x2b4: {  	v48 =	vld [tilespmem:s29+$0x84D0]  }
0x2b5: {  	v49 =	vld [tilespmem:s29+$0x8440]  }
0x2b6: {  	v50 =	vld [tilespmem:s29+$0x8450]  }
0x2b7: {  	v51 =	vld [tilespmem:s29+$0x8460]  }
0x2b8: {  	v52 =	vld [tilespmem:s29+$0x8470]  }
0x2b9: {  	v53 =	vld [tilespmem:s29+$0x84E0]  }
0x2ba: {  	v54 =	vld [tilespmem:s29+$0x84F0]  }
0x2bb: {  	v55 =	vld [tilespmem:s29+$0x8560]  }
0x2bc: {  	v49 =	vadd.bf16 v0, v49;
	v50 =	vadd.bf16 v0, v50;
	v56 =	vld [tilespmem:s29+$0x8570]  }
0x2bd: {  	v51 =	vadd.bf16 v0, v51;
	v52 =	vadd.bf16 v0, v52;
	v57 =	vld [tilespmem:s29+$0x85E0]  }
0x2be: {  	v47 =	vadd.bf16 v47, v49;
	v48 =	vadd.bf16 v48, v50;
	v49 =	vld [tilespmem:s29+$0x85F0]  }
0x2bf: {  	v50 =	vadd.bf16 v53, v51;
	v51 =	vadd.bf16 v54, v52;
	v52 =	vld [tilespmem:s29+$0x8660]  }
0x2c0: {  	v45 =	vadd.bf16 v45, v47;
	v46 =	vadd.bf16 v46, v48;
	v47 =	vld [tilespmem:s29+$0x8670]  }
0x2c1: {  	v48 =	vadd.bf16 v55, v50;
	v50 =	vadd.bf16 v56, v51;
	v51 =	vld [tilespmem:s29+$0x86E0]  }
0x2c2: {  	v45 =	vadd.bf16 v23, v45;
	v26 =	vadd.bf16 v26, v46;
	v46 =	vld [tilespmem:s29+$0x86F0]  }
0x2c3: {  	v48 =	vadd.bf16 v57, v48;
	v49 =	vadd.bf16 v49, v50;
	v23 =	vld [tilespmem:s29+$0x8680]  }
0x2c4: {  	v45 =	vadd.bf16 v24, v45;
	v50 =	vadd.bf16 v25, v26;
	v24 =	vld [tilespmem:s29+$0x8690]  }
0x2c5: {  	v48 =	vadd.bf16 v52, v48;
	v25 =	vld [tilespmem:s29+$0x8600];
	v47 =	vadd.bf16 v47, v49  }
0x2c6: {  	v45 =	vadd.bf16 v31, v45;
	v49 =	vadd.bf16 v34, v50;
	v26 =	vld [tilespmem:s29+$0x8610]  }
0x2c7: {  	v48 =	vadd.bf16 v51, v48;
	v31 =	vld [tilespmem:s29+$0x8580];
	v46 =	vadd.bf16 v46, v47  }
0x2c8: {  	v45 =	vadd.bf16 v37, v45;
	v47 =	vadd.bf16 v38, v49;
	v34 =	vld [tilespmem:s29+$0x8590]  }
0x2c9: {  	v43 =	vadd.bf16 v43, v48;
	v37 =	vld [tilespmem:s29+$0x8500];
	v44 =	vadd.bf16 v44, v46  }
0x2ca: {  	v45 =	vadd.bf16 v39, v45;
	v46 =	vadd.bf16 v40, v47;
	v38 =	vld [tilespmem:s29+$0x8510]  }
.Ltmp2:
0x2cb: {  	v41 =	vadd.bf16 v41, v43;
	v39 =	vld [tilespmem:s29+$0x8480];
	v42 =	vadd.bf16 v42, v44;
	(pc) =	sbr.rel @p0 .LBB2_7-.Ltmp2, $4  }
0x2cc: {  	v43 =	vadd.bf16 v32, v45;
	v44 =	vadd.bf16 v35, v46;
	v40 =	vld [tilespmem:s29+$0x8490]  }
0x2cd: {  	v41 =	vadd.bf16 v33, v41;
	v32 =	vld [tilespmem:s29+$0x8400];
	v36 =	vadd.bf16 v36, v42  }
0x2ce: {  	v35 =	vadd.bf16 v27, v43;
	v29 =	vadd.bf16 v29, v44;
	v33 =	vld [tilespmem:s29+$0x8410]  }
0x2cf: {  	s1 =	sadd.s32 $0x1900, s1;
	v28 =	vadd.bf16 v28, v41;
	v27 =	vld [tilespmem:s29+$0x8420];
	v30 =	vadd.bf16 v30, v36  }
0x2d0: {  	v36 =	vld [tilespmem:s29+$0x8430];
	v20 =	vadd.bf16 v20, v35;
	v22 =	vadd.bf16 v22, v29  }
0x2d1: {  	v52 =	vld [tilespmem:s29+$0x84A0];
	v19 =	vadd.bf16 v19, v28;
	v21 =	vadd.bf16 v21, v30  }
0x2d2: {  	v53 =	vld [tilespmem:s29+$0x84B0];
	v14 =	vadd.bf16 v14, v20;
	v16 =	vadd.bf16 v16, v22  }
0x2d3: {  	v54 =	vld [tilespmem:s29+$0x8520];
	v55 =	vadd.bf16 v0, v32;
	v13 =	vadd.bf16 v13, v19  }
0x2d4: {  	v57 =	vld [tilespmem:s29+$0x8530];
	v15 =	vadd.bf16 v15, v21;
	v56 =	vadd.bf16 v0, v33  }
0x2d5: {  	v59 =	vld [tilespmem:s29+$0x85A0];
	v27 =	vadd.bf16 v0, v27;
	v58 =	vadd.bf16 v0, v36  }
0x2d6: {  	v60 =	vld [tilespmem:s29+$0x85B0];
	v19 =	vadd.bf16 v39, v55;
	v21 =	vadd.bf16 v40, v56  }
0x2d7: {  	v61 =	vld [tilespmem:s29+$0x8620];
	v27 =	vadd.bf16 v52, v27;
	v28 =	vadd.bf16 v53, v58  }
0x2d8: {  	v62 =	vld [tilespmem:s29+$0x8630];
	v19 =	vadd.bf16 v37, v19;
	v21 =	vadd.bf16 v38, v21  }
0x2d9: {  	v63 =	vld [tilespmem:s29+$0x86A0];
	v20 =	vadd.bf16 v54, v27;
	v22 =	vadd.bf16 v57, v28  }
0x2da: {  	v35 =	vld [tilespmem:s29+$0x86B0];
	v19 =	vadd.bf16 v31, v19;
	v21 =	vadd.bf16 v34, v21  }
0x2db: {  	v36 =	vld [tilespmem:s29+$0x8720];
	v20 =	vadd.bf16 v59, v20;
	v22 =	vadd.bf16 v60, v22  }
0x2dc: {  	v37 =	vld [tilespmem:s29+$0x8730];
	v19 =	vadd.bf16 v25, v19;
	v21 =	vadd.bf16 v26, v21  }
0x2dd: {  	v39 =	vld [tilespmem:s29+$0x87B0];
	v20 =	vadd.bf16 v61, v20;
	v22 =	vadd.bf16 v62, v22  }
0x2de: {  	v38 =	vld [tilespmem:s29+$0x87A0];
	v19 =	vadd.bf16 v23, v19;
	v21 =	vadd.bf16 v24, v21  }
0x2df: {  	v41 =	vld [tilespmem:s29+$0x8830];
	v20 =	vadd.bf16 v63, v20;
	v22 =	vadd.bf16 v35, v22  }
0x2e0: {  	v40 =	vld [tilespmem:s29+$0x8820];
	v17 =	vadd.bf16 v17, v19;
	v18 =	vadd.bf16 v18, v21  }
0x2e1: {  	v43 =	vld [tilespmem:s29+$0x88A0];
	v20 =	vadd.bf16 v36, v20;
	v42 =	vadd.bf16 v37, v22  }
0x2e2: {  	v44 =	vld [tilespmem:s29+$0x88B0];
	v11 =	vadd.bf16 v11, v17;
	v12 =	vadd.bf16 v12, v18  }
0x2e3: {  	v47 =	vld [tilespmem:s29+$0x8920];
	v45 =	vadd.bf16 v38, v20;
	v46 =	vadd.bf16 v39, v42  }
0x2e4: {  	v48 =	vld [tilespmem:s29+$0x8930];
	v9 =	vadd.bf16 v9, v11;
	v10 =	vadd.bf16 v10, v12  }
0x2e5: {  	v51 =	vld [tilespmem:s29+$0x89A0];
	v49 =	vadd.bf16 v40, v45;
	v50 =	vadd.bf16 v41, v46  }
0x2e6: {  	v52 =	vld [tilespmem:s29+$0x89B0];
	v7 =	vadd.bf16 v7, v9;
	v8 =	vadd.bf16 v8, v10  }
0x2e7: {  	v55 =	vld [tilespmem:s29+$0x8A20];
	v53 =	vadd.bf16 v43, v49;
	v54 =	vadd.bf16 v44, v50  }
0x2e8: {  	v56 =	vld [tilespmem:s29+$0x8A30];
	v5 =	vadd.bf16 v5, v7;
	v6 =	vadd.bf16 v6, v8  }
0x2e9: {  	v57 =	vadd.bf16 v47, v53;
	v58 =	vadd.bf16 v48, v54  }
0x2ea: {  	v3 =	vadd.bf16 v3, v5;
	v4 =	vadd.bf16 v4, v6  }
0x2eb: {  	v59 =	vadd.bf16 v51, v57;
	v60 =	vadd.bf16 v52, v58  }
0x2ec: {  	v1 =	vadd.bf16 v1, v3;
	v2 =	vadd.bf16 v2, v4  }
0x2ed: {  	v3 =	vadd.bf16 v55, v59;
	v61 =	vadd.bf16 v56, v60  }
0x2ee: {  	v62 =	vadd.bf16 v16, v14;
	v63 =	vadd.bf16 v15, v13  }
0x2ef: {  	v1 =	vadd.bf16 v2, v1;
	v2 =	vadd.bf16 v61, v3;
	_ =	sdelay $0x1  }
0x2f0: {  	v1 =	vadd.bf16 v2, v1;
	v2 =	vadd.bf16 v63, v62;
	_ =	sdelay $0x1  }
0x2f1: {  	s22 =	sadd.s32 $0x1, s22;
	v1 =	vadd.bf16 v1, v2  }
0x2f2: {  	s1 =	sadd.s32 $0x10, s26;
	s15 =	sshll.u32 s24, $0x5;
	p0 =	sne.s32 s22, $0x10  }
.Ltmp3:
0x2f3: {  	s31 =	sadd.s32 s15, s7;
	[tilespmem:s1+$0x0] =	vst v1;
	(pc) =	sbr.rel @p0 .LBB2_2-.Ltmp3, $4  }
0x2f4: {  	[hbm4b:s31+s2] =	stream.linear.scatter [tilespmem:s18], [sflag:$0x3], $0x100, $0x38;
	[tilespmem:$0xE900] =	vst v63  }
0x2f5: {  	_ =	swait.ge [sflag:s9], $0x100  }
0x2f6: {  	[sflag:s9] =	ssyncset.done $0x0  }
0x2f7: {  	[sflag:s9] =	ssyncadd.s32 $0xFFFFFF00  }
0x2f8: {  	s15 =	rddreg [dreg:$0x5]  }
0x2f9: {  	s1 =	rddreg [dreg:$0x4];
	s15 =	sadd.s32 $0x1, s15  }
0x2fa: {  	p0 =	sne.s32 s15, s1  }
.Ltmp4:
0x2fb: {  	_ = 	snop;
	(pc) =	sbr.rel @p0 .LBB2_1-.Ltmp4, $1  }
0x2fc: {  	_ =	sdelay $0x3  }
0x2fd: {  	_ =	sfence.sel $0x180000  }
0x2fe: {  	[bflag:$0x0] =	sbarrier.arrive $0xFFFF  }
0x2ff: {  	_ =	strace $0x90000047  }
0x300: {  	s0 =	stileid.u32;
	[bflag:$0x2] =	sbarrier.arrive $0xFFFF  }
0x301: {  	p0 =	sne.s32 s0, $0x0;
	s0 =	rddreg [dreg:$0x2]  }
0x302: {  	s0 =	sadd.s32 @!p0 $0x100000, s0  }
0x303: {  	[sflag:s0] =	ssyncadd.tile.s32 @!p0 $0x1;
	_ =	shalt  }
.Lfunc_end2:
_tile_overlayer_lowered:
.L_overlay_start_2:
0x304: {  	(tag) =	ssettag $0x2  }
0x305: {  	s0 =	rddreg [dreg:$0x0];
	s2 =	stileid.u32  }
0x306: {  	s1 =	rddreg [dreg:$0x1];
	p0 =	sne.s32 s2, $0x0  }
0x307: {  	s3 =	rddreg [dreg:$0x2];
	[bflag:$0x3] =	sbarrier.arrive $0xFFFF;
	s2 =	simm.s32 @!p0 $0x1C03  }
0x308: {  	[timem:s3], [sflag:s2] =	dma.local @!p0 [hbm:s0], s1  }
0x309: {  	s0 =	simm.s32 @!p0 $0x3  }
0x30a: {  	_ =	swait.ge @!p0 [sflag:s0], s1  }
0x30b: {  	s1 =	ssub.s32 @!p0 $0x0, s1;
	[sflag:s0] =	ssyncset.done @!p0 $0x0  }
0x30c: {  	[sflag:s0] =	ssyncadd.s32 @!p0 s1  }
0x30d: {  	[bflag:$0x3] =	sbarrier.arrive $0xFFFF  }
0x30e: {  	_ =	shalt  }

</sc_bundles>
